<compile_context>
chip_gen: v7x
topology: tpu7x:2x2x1
jax: 0.10.2.dev20260603
libtpu: 0.0.44.dev20260713+nightly
codegen_flags: <defaults>
</compile_context>

<pallas_src>
import functools

import jax
import jax.numpy as jnp
from jax import lax
from jax.experimental import pallas as pl
from jax.experimental.pallas import tpu as pltpu
from jax.experimental.pallas import tpu_sc as plsc

_NM, _NT, _NF = 400000, 10000, 100000
_N = _NM + _NT + _NF
_NBY = 512
_NBINS = 512 * 512
_TD = 0.9
_BLK = 128
_NW = 32
_LPT = _NBINS // 16


def _sc_body(pos_hbm, nsx_hbm, nsy_hbm, out_hbm,
             xb0, yb0, sxb0, syb0, xb1, yb1, sxb1, syb1,
             idx0, val0, idx1, val1, zb, wdrain, map_sh,
             insem0, insem1, scsem0, scsem1):
    cid = lax.axis_index("c")
    sid = lax.axis_index("s")
    wid = sid * 2 + cid
    inbufs = ((xb0, yb0, sxb0, syb0), (xb1, yb1, sxb1, syb1))
    stag = ((idx0, val0), (idx1, val1))
    insems = (insem0, insem1)
    scsems = (scsem0, scsem1)

    def zero_body(i, carry):
        zb[pl.ds(i * 16, 16)] = jnp.zeros((16,), jnp.float32)
        return carry

    lax.fori_loop(0, _LPT // 16, zero_body, 0)

    pltpu.sync_copy(zb, map_sh.at[pl.ds(sid * _LPT, _LPT)])
    plsc.subcore_barrier()

    def do_range(start, count, K, scale, split_taps=False):
        nblocks = (count + _BLK - 1) // _BLK
        range_end = start + count
        clamp_off = range_end - _BLK
        nrows = K if split_taps else K * K
        nunits = nblocks * K if split_taps else nblocks
        max_nu = (nunits + _NW - 1) // _NW

        def unit_block(u):
            return u // K if split_taps else u

        def block_off(b):
            return jnp.minimum(start + b * _BLK, clamp_off)

        def input_start(par, off):
            xb, yb, sxb, syb = inbufs[par]
            sem = insems[par]
            pltpu.async_copy(pos_hbm.at[pl.ds(off, _BLK)], xb, sem)
            pltpu.async_copy(pos_hbm.at[pl.ds(_N + off, _BLK)], yb, sem)
            pltpu.async_copy(nsx_hbm.at[pl.ds(off, _BLK)], sxb, sem)
            pltpu.async_copy(nsy_hbm.at[pl.ds(off, _BLK)], syb, sem)

        def input_wait(par, off):
            sem = insems[par]
            pltpu.make_async_copy(
                pos_hbm.at[pl.ds(0, 4 * _BLK)], wdrain, sem).wait()

        def drain_scatters(par):
            idxb, valb = stag[par]
            sem = scsems[par]
            for t in range(nrows):
                pltpu.make_async_copy(
                    valb.at[t], map_sh.at[idxb.at[t]], sem).wait()

        def fire_scatters(par):
            idxb, valb = stag[par]
            sem = scsems[par]
            for t in range(nrows):
                pltpu.async_copy(
                    valb.at[t], map_sh.at[idxb.at[t]], sem, add=True)

        def stage_vreg(par, off, off_orig, i_tap, v):
            xb, yb, sxb, syb = inbufs[par]
            idxb, valb = stag[par]
            sl = pl.ds(v * 16, 16)
            x = xb[sl]
            y = yb[sl]
            xe = x + sxb[sl]
            ye = y + syb[sl]
            bx0 = (x * 0.5).astype(jnp.int32)
            by0 = (y * 0.5).astype(jnp.int32)
            blx = bx0.astype(jnp.float32) * 2.0
            bly = by0.astype(jnp.float32) * 2.0
            ibase = bx0 * _NBY + by0
            if count % _BLK == 0:
                mask = None
            else:
                lane = lax.iota(jnp.int32, 16)
                gid = off + v * 16 + lane
                mask = jnp.logical_and(gid >= off_orig, gid < range_end)
                dummy = v * 16 + lane
            oy = []
            for j in range(K):
                ly = bly + (2.0 * j)
                oy.append(jnp.maximum(
                    jnp.minimum(ye, ly + 2.0) - jnp.maximum(y, ly), 0.0))
            if split_taps:
                fi = i_tap.astype(jnp.float32)
                lx = blx + 2.0 * fi
                oxi = jnp.maximum(
                    jnp.minimum(xe, lx + 2.0) - jnp.maximum(x, lx), 0.0)
                if mask is not None:
                    oxi = jnp.where(mask, oxi, 0.0)
                if mask is not None:
                    ibase = jnp.where(mask, ibase, dummy)
                ibase = ibase + i_tap * _NBY
                oxs = oxi if scale == 1.0 else oxi * scale
                for j in range(K):
                    idxb[j, sl] = ibase + j
                    valb[j, sl] = oxs * oy[j]
            else:
                ox = []
                for i in range(K):
                    lx = blx + (2.0 * i)
                    oxi = jnp.maximum(
                        jnp.minimum(xe, lx + 2.0) - jnp.maximum(x, lx), 0.0)
                    if mask is not None:
                        oxi = jnp.where(mask, oxi, 0.0)
                    ox.append(oxi)
                if mask is not None:
                    ibase = jnp.where(mask, ibase, dummy)
                for i in range(K):
                    oxs = ox[i] if scale == 1.0 else ox[i] * scale
                    for j in range(K):
                        t = i * K + j
                        idxb[t, sl] = ibase + (i * _NBY + j)
                        valb[t, sl] = oxs * oy[j]

        def process_unit(par, u):
            b = unit_block(u)
            i_tap = (u - b * K) if split_taps else 0
            off = block_off(b)
            off_orig = start + b * _BLK
            input_wait(par, off)

            def vbody(v, carry):
                stage_vreg(par, off, off_orig, i_tap, v)
                return carry

            lax.fori_loop(0, _BLK // 16, vbody, 0)

            @pl.when(u + 2 * _NW < nunits)
            def _():
                input_start(par, block_off(unit_block(u + 2 * _NW)))

            fire_scatters(par)

        for par in range(2):
            uu = wid + par * _NW

            @pl.when(uu < nunits)
            def _():
                input_start(par, block_off(unit_block(uu)))

        def body(k2, carry):
            for par in range(2):
                k = 2 * k2 + par
                u = wid + k * _NW

                @pl.when(jnp.logical_and(u >= 2 * _NW, u < nunits + 2 * _NW))
                def _():
                    drain_scatters(par)

                @pl.when(u < nunits)
                def _():
                    process_unit(par, u)
            return carry

        lax.fori_loop(0, (max_nu + 2 + 1) // 2, body, 0)

    do_range(0, _NM, 3, 1.0)
    do_range(_NM, _NT, 9, _TD, split_taps=True)
    do_range(_NM + _NT, _NF, 2, 1.0)

    plsc.subcore_barrier()
    pltpu.sync_copy(map_sh.at[pl.ds(sid * _LPT, _LPT)], zb)
    pltpu.sync_copy(zb, out_hbm.at[cid, pl.ds(sid * _LPT, _LPT)])


_scatter_maps = functools.partial(
    pl.kernel,
    out_type=jax.ShapeDtypeStruct((2, _NBINS), jnp.float32),
    mesh=plsc.VectorSubcoreMesh(core_axis_name="c", subcore_axis_name="s"),
    scratch_types=[
        pltpu.VMEM((_BLK,), jnp.float32),
        pltpu.VMEM((_BLK,), jnp.float32),
        pltpu.VMEM((_BLK,), jnp.float32),
        pltpu.VMEM((_BLK,), jnp.float32),
        pltpu.VMEM((_BLK,), jnp.float32),
        pltpu.VMEM((_BLK,), jnp.float32),
        pltpu.VMEM((_BLK,), jnp.float32),
        pltpu.VMEM((_BLK,), jnp.float32),
        pltpu.VMEM((9, _BLK), jnp.int32),
        pltpu.VMEM((9, _BLK), jnp.float32),
        pltpu.VMEM((9, _BLK), jnp.int32),
        pltpu.VMEM((9, _BLK), jnp.float32),
        pltpu.VMEM((_LPT,), jnp.float32),
        pltpu.VMEM((4 * _BLK,), jnp.float32),
        pltpu.VMEM_SHARED((_NBINS,), jnp.float32),
        pltpu.SemaphoreType.DMA,
        pltpu.SemaphoreType.DMA,
        pltpu.SemaphoreType.DMA,
        pltpu.SemaphoreType.DMA,
    ],
)(_sc_body)


def _reduce_body(maps_ref, cost_ref, md_ref):
    m = maps_ref[0] + maps_ref[1]
    ov = jnp.maximum(m - _TD * 4.0, 0.0)
    cost_ref[0, 0] = jnp.sum(ov)
    md_ref[0, 0] = jnp.max(m) * 0.25


def kernel(pos, node_size_x, node_size_y, bin_center_x, bin_center_y):
    maps = _scatter_maps(pos, node_size_x, node_size_y)
    maps = maps.reshape(2, 512, 512)
    cost, md = pl.pallas_call(
        _reduce_body,
        out_shape=(jax.ShapeDtypeStruct((1, 1), jnp.float32),
                   jax.ShapeDtypeStruct((1, 1), jnp.float32)),
        in_specs=[pl.BlockSpec(memory_space=pltpu.VMEM)],
        out_specs=(pl.BlockSpec(memory_space=pltpu.SMEM),
                   pl.BlockSpec(memory_space=pltpu.SMEM)),
    )(maps)
    return cost[0, 0], md[0, 0]

# --- scband reference (transcript-rebuilt; emitter-appended) ---
"""Pipeline reference for scband-electric-overflow-40157944217661 (READ-ONLY COPY).

The authoritative reference and input builder live on the scoring server;
editing this copy changes nothing except your own understanding.
"""

import jax, jax.numpy as jnp
import numpy as np

NM = 400000   # movable nodes
NT = 10000    # terminals (fixed)
NF = 100000   # filler nodes
N = NM + NT + NF
XL, YL, XH, YH = 0.0, 0.0, 1024.0, 1024.0
BSX, BSY = 2.0, 2.0
NBX, NBY = 512, 512
TARGET_DENSITY = 0.9
K_MOV = 3   # max impacted bins per dim for movable/filler (max size 4 / bin 2 -> 3)
K_FIX = 9   # max impacted bins per dim for terminals (max size 16 / bin 2 -> 9)


def _exact_density_map(x, y, sx, sy, K):
    """Exact rectangle-bin overlap density map (computeExactDensityMap)."""
    bx0 = jnp.floor((x - XL) / BSX).astype(jnp.int32)
    by0 = jnp.floor((y - YL) / BSY).astype(jnp.int32)
    dm = jnp.zeros(NBX * NBY, dtype=jnp.float32)
    for i in range(K):
        for j in range(K):
            bx = bx0 + i
            by = by0 + j
            blx = XL + bx.astype(jnp.float32) * BSX
            bly = YL + by.astype(jnp.float32) * BSY
            ox = jnp.clip(jnp.minimum(x + sx, blx + BSX) - jnp.maximum(x, blx), 0.0, None)
            oy = jnp.clip(jnp.minimum(y + sy, bly + BSY) - jnp.maximum(y, bly), 0.0, None)
            valid = (bx >= 0) & (bx < NBX) & (by >= 0) & (by < NBY)
            idx = jnp.clip(bx, 0, NBX - 1) * NBY + jnp.clip(by, 0, NBY - 1)
            dm = dm.at[idx].add(jnp.where(valid, ox * oy, 0.0))
    return dm.reshape(NBX, NBY)


def setup_inputs(seed: int = 0) -> dict:
    key = jax.random.key(seed)
    k1, k2, k3, k4, k5, k6 = jax.random.split(key, 6)
    pos_x = jax.random.uniform(k1, (N,), dtype=jnp.float32, minval=XL, maxval=XH - 16.0)
    pos_y = jax.random.uniform(k2, (N,), dtype=jnp.float32, minval=YL, maxval=YH - 16.0)
    pos = jnp.concatenate([pos_x, pos_y])
    # movable: width/height in [1, 4); terminals: [4, 16); fillers: fixed 2.0
    msx = jax.random.uniform(k3, (NM,), dtype=jnp.float32, minval=1.0, maxval=4.0)
    msy = jax.random.uniform(k4, (NM,), dtype=jnp.float32, minval=1.0, maxval=4.0)
    tsx = jax.random.uniform(k5, (NT,), dtype=jnp.float32, minval=4.0, maxval=16.0)
    tsy = jax.random.uniform(k6, (NT,), dtype=jnp.float32, minval=4.0, maxval=16.0)
    fsx = jnp.full((NF,), 2.0, dtype=jnp.float32)
    fsy = jnp.full((NF,), 2.0, dtype=jnp.float32)
    node_size_x = jnp.concatenate([msx, tsx, fsx])
    node_size_y = jnp.concatenate([msy, tsy, fsy])
    bin_center_x = XL + (jnp.arange(NBX, dtype=jnp.float32) + 0.5) * BSX
    bin_center_y = YL + (jnp.arange(NBY, dtype=jnp.float32) + 0.5) * BSY
    return {"pos": pos, "node_size_x": node_size_x, "node_size_y": node_size_y,
            "bin_center_x": bin_center_x, "bin_center_y": bin_center_y}


def reference(pos, node_size_x, node_size_y, bin_center_x, bin_center_y):
    x = pos[:N]
    y = pos[N:]
    # initial (fixed/terminal) density map, scaled by target_density
    fx = x[NM:NM + NT]
    fy = y[NM:NM + NT]
    fsx = node_size_x[NM:NM + NT]
    fsy = node_size_y[NM:NM + NT]
    initial_density_map = _exact_density_map(fx, fy, fsx, fsy, K_FIX) * TARGET_DENSITY
    # movable + filler density map
    mx = jnp.concatenate([x[:NM], x[NM + NT:]])
    my = jnp.concatenate([y[:NM], y[NM + NT:]])
    msx = jnp.concatenate([node_size_x[:NM], node_size_x[NM + NT:]])
    msy = jnp.concatenate([node_size_y[:NM], node_size_y[NM + NT:]])
    movable_map = _exact_density_map(mx, my, msx, msy, K_MOV)
    density_map = movable_map + initial_density_map
    bin_area = BSX * BSY
    density_cost = jnp.sum(jnp.clip(density_map - TARGET_DENSITY * bin_area, 0.0, None))
    max_density = jnp.max(density_map) / bin_area
    return density_cost, max_density

if __name__ == "__main__":
    import jax
    _d = setup_inputs()
    print(jax.jit(kernel)(*tuple(_d.values())))

</pallas_src>

<mosaic_0001>
#map = affine_map<(d0, d1) -> (0)>
#map1 = affine_map<(d0, d1) -> (0, 0)>
module attributes {stable_mosaic.version = 14 : i64} {
  func.func @_sc_body(%arg0: i32, %arg1: i32, %arg2: memref<1020000xf32, #tpu.memory_space<hbm>>, %arg3: memref<510000xf32, #tpu.memory_space<hbm>>, %arg4: memref<510000xf32, #tpu.memory_space<hbm>>, %arg5: memref<2x262144xf32, #tpu.memory_space<hbm>>, %arg6: memref<128xf32, #tpu.memory_space<vmem>>, %arg7: memref<128xf32, #tpu.memory_space<vmem>>, %arg8: memref<128xf32, #tpu.memory_space<vmem>>, %arg9: memref<128xf32, #tpu.memory_space<vmem>>, %arg10: memref<128xf32, #tpu.memory_space<vmem>>, %arg11: memref<128xf32, #tpu.memory_space<vmem>>, %arg12: memref<128xf32, #tpu.memory_space<vmem>>, %arg13: memref<128xf32, #tpu.memory_space<vmem>>, %arg14: memref<9x128xi32, #tpu.memory_space<vmem>>, %arg15: memref<9x128xf32, #tpu.memory_space<vmem>>, %arg16: memref<9x128xi32, #tpu.memory_space<vmem>>, %arg17: memref<9x128xf32, #tpu.memory_space<vmem>>, %arg18: memref<16384xf32, #tpu.memory_space<vmem>>, %arg19: memref<512xf32, #tpu.memory_space<vmem>>, %arg20: memref<262144xf32, #tpu.memory_space<vmem_shared>>, %arg21: memref<!tpu.dma_semaphore, #tpu.memory_space<semaphore_mem>>, %arg22: memref<!tpu.dma_semaphore, #tpu.memory_space<semaphore_mem>>, %arg23: memref<!tpu.dma_semaphore, #tpu.memory_space<semaphore_mem>>, %arg24: memref<!tpu.dma_semaphore, #tpu.memory_space<semaphore_mem>>) attributes {dimension_semantics = [#tpu.dimension_semantics<core_parallel>, #tpu.dimension_semantics<subcore_parallel>], iteration_bounds = array<i64: 2, 16>, scalar_prefetch = 0 : i64, scratch_operands = 19 : i64, tpu.core_type = #tpu.core_type<sc_vector_subcore>, window_params = [{transform_indices = #map}, {transform_indices = #map}, {transform_indices = #map}, {transform_indices = #map1}]} {
    %mul3A = arith.constant 2 : i32
    %mul3A_0 = arith.muli %arg1, %mul3A : i32
    %add3A = arith.addi %mul3A_0, %arg0 : i32
    %scan3A = arith.constant 0 : i32
    %scan3A_1 = arith.constant 0 : i32
    %scan3A_2 = arith.constant 1024 : i32
    %scan3A_3 = arith.addi %scan3A_1, %scan3A_2 : i32
    %scan3A_4 = arith.constant 1 : i32
    scf.for %scan3A_70 = %scan3A_1 to %scan3A_3 step %scan3A_4  : i32 {
      %broadcast_in_dim3A = arith.constant 0.000000e+00 : f32
      %broadcast_in_dim3A_71 = vector.broadcast %broadcast_in_dim3A : f32 to vector<16xf32>
      %mul3A_72 = arith.constant 16 : i32
      %mul3A_73 = arith.muli %scan3A_70, %mul3A_72 : i32
      %swap3A = arith.index_cast %mul3A_73 : i32 to index
      %swap3A_74 = tpu.vector_load %arg18[%swap3A] {strides = array<i32>} : memref<16384xf32, #tpu.memory_space<vmem>>, vector<16xf32>,
      %swap3A_75 = vector.shape_cast %swap3A_74 : vector<16xf32> to vector<16xf32>
      %swap3A_76 = vector.shape_cast %broadcast_in_dim3A_71 : vector<16xf32> to vector<16xf32>
      tpu.vector_store %arg18[%swap3A], %swap3A_76 {strides = array<i32>} : memref<16384xf32, #tpu.memory_space<vmem>>, vector<16xf32>,
    }
    %scan3A_5 = arith.constant 1024 : i32
    %mul3A_6 = arith.constant 16384 : i32
    %mul3A_7 = arith.muli %arg1, %mul3A_6 : i32
    "tpu.region"() ({
      %run_scoped3A = tpu.sem_alloc : memref<!tpu.dma_semaphore, #tpu.memory_space<semaphore_mem>>
      %dma_start3A = tpu.memref_slice %arg20[%mul3A_7] : memref<262144xf32, #tpu.memory_space<vmem_shared>> -> memref<16384xf32, #tpu.memory_space<vmem_shared>>
      %dma_start3A_70 = tpu.memref_slice %arg20[%mul3A_7] : memref<262144xf32, #tpu.memory_space<vmem_shared>> -> memref<16384xf32, #tpu.memory_space<vmem_shared>>
      tpu.enqueue_dma source(%arg18 : memref<16384xf32, #tpu.memory_space<vmem>>) target(%dma_start3A_70 : memref<16384xf32, #tpu.memory_space<vmem_shared>>) target_semaphore(%run_scoped3A : memref<!tpu.dma_semaphore, #tpu.memory_space<semaphore_mem>>)
      %dma_wait3A = tpu.memref_slice %arg20[%mul3A_7] : memref<262144xf32, #tpu.memory_space<vmem_shared>> -> memref<16384xf32, #tpu.memory_space<vmem_shared>>
      %dma_wait3A_71 = tpu.memref_slice %arg20[%mul3A_7] : memref<262144xf32, #tpu.memory_space<vmem_shared>> -> memref<16384xf32, #tpu.memory_space<vmem_shared>>
      tpu.wait_dma2 semaphore(%run_scoped3A : memref<!tpu.dma_semaphore, #tpu.memory_space<semaphore_mem>>) src(%arg18 : memref<16384xf32, #tpu.memory_space<vmem>>) dst(%dma_wait3A_71 : memref<16384xf32, #tpu.memory_space<vmem_shared>>)
      tpu.yield
    }) : () -> ()
    %barrier3A = arith.constant 0 : index
    tpu.barrier barrier_id(%barrier3A)
    %add3A_8 = arith.constant 0 : i32
    %add3A_9 = arith.addi %add3A, %add3A_8 : i32
    %lt3A = arith.constant 3125 : i32
    %lt3A_10 = arith.cmpi slt, %add3A_9, %lt3A : i32
    %convert_element_type3A = arith.extui %lt3A_10 : i1 to i32
    %cond3A = arith.constant 0 : i32
    %cond3A_11 = arith.cmpi ne, %convert_element_type3A, %cond3A : i32
    scf.if %cond3A_11 {
      %mul3A_70 = arith.constant 128 : i32
      %mul3A_71 = arith.muli %add3A_9, %mul3A_70 : i32
      %add3A_72 = arith.constant 0 : i32
      %add3A_73 = arith.addi %add3A_72, %mul3A_71 : i32
      %min3A = arith.constant 399872 : i32
      %min3A_74 = arith.minsi %add3A_73, %min3A : i32
      %dma_start3A = tpu.memref_slice %arg2[%min3A_74] : memref<1020000xf32, #tpu.memory_space<hbm>> -> memref<128xf32, #tpu.memory_space<hbm>>
      %dma_start3A_75 = tpu.memref_slice %arg2[%min3A_74] : memref<1020000xf32, #tpu.memory_space<hbm>> -> memref<128xf32, #tpu.memory_space<hbm>>
      tpu.enqueue_dma source(%dma_start3A_75 : memref<128xf32, #tpu.memory_space<hbm>>) target(%arg6 : memref<128xf32, #tpu.memory_space<vmem>>) target_semaphore(%arg21 : memref<!tpu.dma_semaphore, #tpu.memory_space<semaphore_mem>>)
      %add3A_76 = arith.constant 510000 : i32
      %add3A_77 = arith.addi %add3A_76, %min3A_74 : i32
      %dma_start3A_78 = tpu.memref_slice %arg2[%add3A_77] : memref<1020000xf32, #tpu.memory_space<hbm>> -> memref<128xf32, #tpu.memory_space<hbm>>
      %dma_start3A_79 = tpu.memref_slice %arg2[%add3A_77] : memref<1020000xf32, #tpu.memory_space<hbm>> -> memref<128xf32, #tpu.memory_space<hbm>>
      tpu.enqueue_dma source(%dma_start3A_79 : memref<128xf32, #tpu.memory_space<hbm>>) target(%arg7 : memref<128xf32, #tpu.memory_space<vmem>>) target_semaphore(%arg21 : memref<!tpu.dma_semaphore, #tpu.memory_space<semaphore_mem>>)
      %dma_start3A_80 = tpu.memref_slice %arg3[%min3A_74] : memref<510000xf32, #tpu.memory_space<hbm>> -> memref<128xf32, #tpu.memory_space<hbm>>
      %dma_start3A_81 = tpu.memref_slice %arg3[%min3A_74] : memref<510000xf32, #tpu.memory_space<hbm>> -> memref<128xf32, #tpu.memory_space<hbm>>
      tpu.enqueue_dma source(%dma_start3A_81 : memref<128xf32, #tpu.memory_space<hbm>>) target(%arg8 : memref<128xf32, #tpu.memory_space<vmem>>) target_semaphore(%arg21 : memref<!tpu.dma_semaphore, #tpu.memory_space<semaphore_mem>>)
      %dma_start3A_82 = tpu.memref_slice %arg4[%min3A_74] : memref<510000xf32, #tpu.memory_space<hbm>> -> memref<128xf32, #tpu.memory_space<hbm>>
      %dma_start3A_83 = tpu.memref_slice %arg4[%min3A_74] : memref<510000xf32, #tpu.memory_space<hbm>> -> memref<128xf32, #tpu.memory_space<hbm>>
      tpu.enqueue_dma source(%dma_start3A_83 : memref<128xf32, #tpu.memory_space<hbm>>) target(%arg9 : memref<128xf32, #tpu.memory_space<vmem>>) target_semaphore(%arg21 : memref<!tpu.dma_semaphore, #tpu.memory_space<semaphore_mem>>)
    } else {
    }
    %add3A_12 = arith.constant 32 : i32
    %add3A_13 = arith.addi %add3A, %add3A_12 : i32
    %lt3A_14 = arith.constant 3125 : i32
    %lt3A_15 = arith.cmpi slt, %add3A_13, %lt3A_14 : i32
    %convert_element_type3A_16 = arith.extui %lt3A_15 : i1 to i32
    %cond3A_17 = arith.constant 0 : i32
    %cond3A_18 = arith.cmpi ne, %convert_element_type3A_16, %cond3A_17 : i32
    scf.if %cond3A_18 {
      %mul3A_70 = arith.constant 128 : i32
      %mul3A_71 = arith.muli %add3A_13, %mul3A_70 : i32
      %add3A_72 = arith.constant 0 : i32
      %add3A_73 = arith.addi %add3A_72, %mul3A_71 : i32
      %min3A = arith.constant 399872 : i32
      %min3A_74 = arith.minsi %add3A_73, %min3A : i32
      %dma_start3A = tpu.memref_slice %arg2[%min3A_74] : memref<1020000xf32, #tpu.memory_space<hbm>> -> memref<128xf32, #tpu.memory_space<hbm>>
      %dma_start3A_75 = tpu.memref_slice %arg2[%min3A_74] : memref<1020000xf32, #tpu.memory_space<hbm>> -> memref<128xf32, #tpu.memory_space<hbm>>
      tpu.enqueue_dma source(%dma_start3A_75 : memref<128xf32, #tpu.memory_space<hbm>>) target(%arg10 : memref<128xf32, #tpu.memory_space<vmem>>) target_semaphore(%arg22 : memref<!tpu.dma_semaphore, #tpu.memory_space<semaphore_mem>>)
      %add3A_76 = arith.constant 510000 : i32
      %add3A_77 = arith.addi %add3A_76, %min3A_74 : i32
      %dma_start3A_78 = tpu.memref_slice %arg2[%add3A_77] : memref<1020000xf32, #tpu.memory_space<hbm>> -> memref<128xf32, #tpu.memory_space<hbm>>
      %dma_start3A_79 = tpu.memref_slice %arg2[%add3A_77] : memref<1020000xf32, #tpu.memory_space<hbm>> -> memref<128xf32, #tpu.memory_space<hbm>>
      tpu.enqueue_dma source(%dma_start3A_79 : memref<128xf32, #tpu.memory_space<hbm>>) target(%arg11 : memref<128xf32, #tpu.memory_space<vmem>>) target_semaphore(%arg22 : memref<!tpu.dma_semaphore, #tpu.memory_space<semaphore_mem>>)
      %dma_start3A_80 = tpu.memref_slice %arg3[%min3A_74] : memref<510000xf32, #tpu.memory_space<hbm>> -> memref<128xf32, #tpu.memory_space<hbm>>
      %dma_start3A_81 = tpu.memref_slice %arg3[%min3A_74] : memref<510000xf32, #tpu.memory_space<hbm>> -> memref<128xf32, #tpu.memory_space<hbm>>
      tpu.enqueue_dma source(%dma_start3A_81 : memref<128xf32, #tpu.memory_space<hbm>>) target(%arg12 : memref<128xf32, #tpu.memory_space<vmem>>) target_semaphore(%arg22 : memref<!tpu.dma_semaphore, #tpu.memory_space<semaphore_mem>>)
      %dma_start3A_82 = tpu.memref_slice %arg4[%min3A_74] : memref<510000xf32, #tpu.memory_space<hbm>> -> memref<128xf32, #tpu.memory_space<hbm>>
      %dma_start3A_83 = tpu.memref_slice %arg4[%min3A_74] : memref<510000xf32, #tpu.memory_space<hbm>> -> memref<128xf32, #tpu.memory_space<hbm>>
      tpu.enqueue_dma source(%dma_start3A_83 : memref<128xf32, #tpu.memory_space<hbm>>) target(%arg13 : memref<128xf32, #tpu.memory_space<vmem>>) target_semaphore(%arg22 : memref<!tpu.dma_semaphore, #tpu.memory_space<semaphore_mem>>)
    } else {
    }
    %scan3A_19 = arith.constant 0 : i32
    %scan3A_20 = arith.constant 0 : i32
    %scan3A_21 = arith.constant 50 : i32
    %scan3A_22 = arith.addi %scan3A_20, %scan3A_21 : i32
    %scan3A_23 = arith.constant 1 : i32
    scf.for %scan3A_70 = %scan3A_20 to %scan3A_22 step %scan3A_23  : i32 {
      %mul3A_71 = arith.constant 2 : i32
      %mul3A_72 = arith.muli %mul3A_71, %scan3A_70 : i32
      %add3A_73 = arith.constant 0 : i32
      %add3A_74 = arith.addi %mul3A_72, %add3A_73 : i32
      %mul3A_75 = arith.constant 32 : i32
      %mul3A_76 = arith.muli %add3A_74, %mul3A_75 : i32
      %add3A_77 = arith.addi %add3A, %mul3A_76 : i32
      %ge3A = arith.constant 64 : i32
      %ge3A_78 = arith.cmpi sge, %add3A_77, %ge3A : i32
      %lt3A_79 = arith.constant 3189 : i32
      %lt3A_80 = arith.cmpi slt, %add3A_77, %lt3A_79 : i32
      %and3A = arith.andi %ge3A_78, %lt3A_80 : i1
      %convert_element_type3A_81 = arith.extui %and3A : i1 to i32
      %cond3A_82 = arith.constant 0 : i32
      %cond3A_83 = arith.cmpi ne, %convert_element_type3A_81, %cond3A_82 : i32
      scf.if %cond3A_83 {
        %dma_wait3A = arith.constant 0 : i32
        %dma_wait3A_109 = arith.constant 0 : i32
        %dma_wait3A_110 = arith.constant 0 : i32
        %dma_wait3A_111 = tpu.memref_slice %arg15[%dma_wait3A, %dma_wait3A_110] : memref<9x128xf32, #tpu.memory_space<vmem>> -> memref<1x128xf32, #tpu.memory_space<vmem>>
        %dma_wait3A_112 = tpu.memref_squeeze %dma_wait3A_111 : memref<1x128xf32, #tpu.memory_space<vmem>> -> memref<128xf32, #tpu.memory_space<vmem>>
        %dma_wait3A_113 = arith.constant 0 : i32
        %dma_wait3A_114 = tpu.memref_slice %arg14[%dma_wait3A_109, %dma_wait3A_113] : memref<9x128xi32, #tpu.memory_space<vmem>> -> memref<1x128xi32, #tpu.memory_space<vmem>>
        %dma_wait3A_115 = tpu.memref_squeeze %dma_wait3A_114 : memref<1x128xi32, #tpu.memory_space<vmem>> -> memref<128xi32, #tpu.memory_space<vmem>>
        %dma_wait3A_116 = arith.constant 0 : i32
        %dma_wait3A_117 = tpu.memref_slice %arg20[%dma_wait3A_116] : memref<262144xf32, #tpu.memory_space<vmem_shared>> -> memref<262144xf32, #tpu.memory_space<vmem_shared>>
        tpu.wait_indirect_dma semaphore(%arg23 : memref<!tpu.dma_semaphore, #tpu.memory_space<semaphore_mem>>) src(%dma_wait3A_112 : memref<128xf32, #tpu.memory_space<vmem>>) dst(%dma_wait3A_117 : memref<262144xf32, #tpu.memory_space<vmem_shared>>)
        %dma_wait3A_118 = arith.constant 1 : i32
        %dma_wait3A_119 = arith.constant 1 : i32
        %dma_wait3A_120 = arith.constant 0 : i32
        %dma_wait3A_121 = tpu.memref_slice %arg15[%dma_wait3A_118, %dma_wait3A_120] : memref<9x128xf32, #tpu.memory_space<vmem>> -> memref<1x128xf32, #tpu.memory_space<vmem>>
        %dma_wait3A_122 = tpu.memref_squeeze %dma_wait3A_121 : memref<1x128xf32, #tpu.memory_space<vmem>> -> memref<128xf32, #tpu.memory_space<vmem>>
        %dma_wait3A_123 = arith.constant 0 : i32
        %dma_wait3A_124 = tpu.memref_slice %arg14[%dma_wait3A_119, %dma_wait3A_123] : memref<9x128xi32, #tpu.memory_space<vmem>> -> memref<1x128xi32, #tpu.memory_space<vmem>>
        %dma_wait3A_125 = tpu.memref_squeeze %dma_wait3A_124 : memref<1x128xi32, #tpu.memory_space<vmem>> -> memref<128xi32, #tpu.memory_space<vmem>>
        %dma_wait3A_126 = arith.constant 0 : i32
        %dma_wait3A_127 = tpu.memref_slice %arg20[%dma_wait3A_126] : memref<262144xf32, #tpu.memory_space<vmem_shared>> -> memref<262144xf32, #tpu.memory_space<vmem_shared>>
        tpu.wait_indirect_dma semaphore(%arg23 : memref<!tpu.dma_semaphore, #tpu.memory_space<semaphore_mem>>) src(%dma_wait3A_122 : memref<128xf32, #tpu.memory_space<vmem>>) dst(%dma_wait3A_127 : memref<262144xf32, #tpu.memory_space<vmem_shared>>)
        %dma_wait3A_128 = arith.constant 2 : i32
        %dma_wait3A_129 = arith.constant 2 : i32
        %dma_wait3A_130 = arith.constant 0 : i32
        %dma_wait3A_131 = tpu.memref_slice %arg15[%dma_wait3A_128, %dma_wait3A_130] : memref<9x128xf32, #tpu.memory_space<vmem>> -> memref<1x128xf32, #tpu.memory_space<vmem>>
        %dma_wait3A_132 = tpu.memref_squeeze %dma_wait3A_131 : memref<1x128xf32, #tpu.memory_space<vmem>> -> memref<128xf32, #tpu.memory_space<vmem>>
        %dma_wait3A_133 = arith.constant 0 : i32
        %dma_wait3A_134 = tpu.memref_slice %arg14[%dma_wait3A_129, %dma_wait3A_133] : memref<9x128xi32, #tpu.memory_space<vmem>> -> memref<1x128xi32, #tpu.memory_space<vmem>>
        %dma_wait3A_135 = tpu.memref_squeeze %dma_wait3A_134 : memref<1x128xi32, #tpu.memory_space<vmem>> -> memref<128xi32, #tpu.memory_space<vmem>>
        %dma_wait3A_136 = arith.constant 0 : i32
        %dma_wait3A_137 = tpu.memref_slice %arg20[%dma_wait3A_136] : memref<262144xf32, #tpu.memory_space<vmem_shared>> -> memref<262144xf32, #tpu.memory_space<vmem_shared>>
        tpu.wait_indirect_dma semaphore(%arg23 : memref<!tpu.dma_semaphore, #tpu.memory_space<semaphore_mem>>) src(%dma_wait3A_132 : memref<128xf32, #tpu.memory_space<vmem>>) dst(%dma_wait3A_137 : memref<262144xf32, #tpu.memory_space<vmem_shared>>)
        %dma_wait3A_138 = arith.constant 3 : i32
        %dma_wait3A_139 = arith.constant 3 : i32
        %dma_wait3A_140 = arith.constant 0 : i32
        %dma_wait3A_141 = tpu.memref_slice %arg15[%dma_wait3A_138, %dma_wait3A_140] : memref<9x128xf32, #tpu.memory_space<vmem>> -> memref<1x128xf32, #tpu.memory_space<vmem>>
        %dma_wait3A_142 = tpu.memref_squeeze %dma_wait3A_141 : memref<1x128xf32, #tpu.memory_space<vmem>> -> memref<128xf32, #tpu.memory_space<vmem>>
        %dma_wait3A_143 = arith.constant 0 : i32
        %dma_wait3A_144 = tpu.memref_slice %arg14[%dma_wait3A_139, %dma_wait3A_143] : memref<9x128xi32, #tpu.memory_space<vmem>> -> memref<1x128xi32, #tpu.memory_space<vmem>>
        %dma_wait3A_145 = tpu.memref_squeeze %dma_wait3A_144 : memref<1x128xi32, #tpu.memory_space<vmem>> -> memref<128xi32, #tpu.memory_space<vmem>>
        %dma_wait3A_146 = arith.constant 0 : i32
        %dma_wait3A_147 = tpu.memref_slice %arg20[%dma_wait3A_146] : memref<262144xf32, #tpu.memory_space<vmem_shared>> -> memref<262144xf32, #tpu.memory_space<vmem_shared>>
        tpu.wait_indirect_dma semaphore(%arg23 : memref<!tpu.dma_semaphore, #tpu.memory_space<semaphore_mem>>) src(%dma_wait3A_142 : memref<128xf32, #tpu.memory_space<vmem>>) dst(%dma_wait3A_147 : memref<262144xf32, #tpu.memory_space<vmem_shared>>)
        %dma_wait3A_148 = arith.constant 4 : i32
        %dma_wait3A_149 = arith.constant 4 : i32
        %dma_wait3A_150 = arith.constant 0 : i32
        %dma_wait3A_151 = tpu.memref_slice %arg15[%dma_wait3A_148, %dma_wait3A_150] : memref<9x128xf32, #tpu.memory_space<vmem>> -> memref<1x128xf32, #tpu.memory_space<vmem>>
        %dma_wait3A_152 = tpu.memref_squeeze %dma_wait3A_151 : memref<1x128xf32, #tpu.memory_space<vmem>> -> memref<128xf32, #tpu.memory_space<vmem>>
        %dma_wait3A_153 = arith.constant 0 : i32
        %dma_wait3A_154 = tpu.memref_slice %arg14[%dma_wait3A_149, %dma_wait3A_153] : memref<9x128xi32, #tpu.memory_space<vmem>> -> memref<1x128xi32, #tpu.memory_space<vmem>>
        %dma_wait3A_155 = tpu.memref_squeeze %dma_wait3A_154 : memref<1x128xi32, #tpu.memory_space<vmem>> -> memref<128xi32, #tpu.memory_space<vmem>>
        %dma_wait3A_156 = arith.constant 0 : i32
        %dma_wait3A_157 = tpu.memref_slice %arg20[%dma_wait3A_156] : memref<262144xf32, #tpu.memory_space<vmem_shared>> -> memref<262144xf32, #tpu.memory_space<vmem_shared>>
        tpu.wait_indirect_dma semaphore(%arg23 : memref<!tpu.dma_semaphore, #tpu.memory_space<semaphore_mem>>) src(%dma_wait3A_152 : memref<128xf32, #tpu.memory_space<vmem>>) dst(%dma_wait3A_157 : memref<262144xf32, #tpu.memory_space<vmem_shared>>)
        %dma_wait3A_158 = arith.constant 5 : i32
        %dma_wait3A_159 = arith.constant 5 : i32
        %dma_wait3A_160 = arith.constant 0 : i32
        %dma_wait3A_161 = tpu.memref_slice %arg15[%dma_wait3A_158, %dma_wait3A_160] : memref<9x128xf32, #tpu.memory_space<vmem>> -> memref<1x128xf32, #tpu.memory_space<vmem>>
        %dma_wait3A_162 = tpu.memref_squeeze %dma_wait3A_161 : memref<1x128xf32, #tpu.memory_space<vmem>> -> memref<128xf32, #tpu.memory_space<vmem>>
        %dma_wait3A_163 = arith.constant 0 : i32
        %dma_wait3A_164 = tpu.memref_slice %arg14[%dma_wait3A_159, %dma_wait3A_163] : memref<9x128xi32, #tpu.memory_space<vmem>> -> memref<1x128xi32, #tpu.memory_space<vmem>>
        %dma_wait3A_165 = tpu.memref_squeeze %dma_wait3A_164 : memref<1x128xi32, #tpu.memory_space<vmem>> -> memref<128xi32, #tpu.memory_space<vmem>>
        %dma_wait3A_166 = arith.constant 0 : i32
        %dma_wait3A_167 = tpu.memref_slice %arg20[%dma_wait3A_166] : memref<262144xf32, #tpu.memory_space<vmem_shared>> -> memref<262144xf32, #tpu.memory_space<vmem_shared>>
        tpu.wait_indirect_dma semaphore(%arg23 : memref<!tpu.dma_semaphore, #tpu.memory_space<semaphore_mem>>) src(%dma_wait3A_162 : memref<128xf32, #tpu.memory_space<vmem>>) dst(%dma_wait3A_167 : memref<262144xf32, #tpu.memory_space<vmem_shared>>)
        %dma_wait3A_168 = arith.constant 6 : i32
        %dma_wait3A_169 = arith.constant 6 : i32
        %dma_wait3A_170 = arith.constant 0 : i32
        %dma_wait3A_171 = tpu.memref_slice %arg15[%dma_wait3A_168, %dma_wait3A_170] : memref<9x128xf32, #tpu.memory_space<vmem>> -> memref<1x128xf32, #tpu.memory_space<vmem>>
        %dma_wait3A_172 = tpu.memref_squeeze %dma_wait3A_171 : memref<1x128xf32, #tpu.memory_space<vmem>> -> memref<128xf32, #tpu.memory_space<vmem>>
        %dma_wait3A_173 = arith.constant 0 : i32
        %dma_wait3A_174 = tpu.memref_slice %arg14[%dma_wait3A_169, %dma_wait3A_173] : memref<9x128xi32, #tpu.memory_space<vmem>> -> memref<1x128xi32, #tpu.memory_space<vmem>>
        %dma_wait3A_175 = tpu.memref_squeeze %dma_wait3A_174 : memref<1x128xi32, #tpu.memory_space<vmem>> -> memref<128xi32, #tpu.memory_space<vmem>>
        %dma_wait3A_176 = arith.constant 0 : i32
        %dma_wait3A_177 = tpu.memref_slice %arg20[%dma_wait3A_176] : memref<262144xf32, #tpu.memory_space<vmem_shared>> -> memref<262144xf32, #tpu.memory_space<vmem_shared>>
        tpu.wait_indirect_dma semaphore(%arg23 : memref<!tpu.dma_semaphore, #tpu.memory_space<semaphore_mem>>) src(%dma_wait3A_172 : memref<128xf32, #tpu.memory_space<vmem>>) dst(%dma_wait3A_177 : memref<262144xf32, #tpu.memory_space<vmem_shared>>)
        %dma_wait3A_178 = arith.constant 7 : i32
        %dma_wait3A_179 = arith.constant 7 : i32
        %dma_wait3A_180 = arith.constant 0 : i32
        %dma_wait3A_181 = tpu.memref_slice %arg15[%dma_wait3A_178, %dma_wait3A_180] : memref<9x128xf32, #tpu.memory_space<vmem>> -> memref<1x128xf32, #tpu.memory_space<vmem>>
        %dma_wait3A_182 = tpu.memref_squeeze %dma_wait3A_181 : memref<1x128xf32, #tpu.memory_space<vmem>> -> memref<128xf32, #tpu.memory_space<vmem>>
        %dma_wait3A_183 = arith.constant 0 : i32
        %dma_wait3A_184 = tpu.memref_slice %arg14[%dma_wait3A_179, %dma_wait3A_183] : memref<9x128xi32, #tpu.memory_space<vmem>> -> memref<1x128xi32, #tpu.memory_space<vmem>>
        %dma_wait3A_185 = tpu.memref_squeeze %dma_wait3A_184 : memref<1x128xi32, #tpu.memory_space<vmem>> -> memref<128xi32, #tpu.memory_space<vmem>>
        %dma_wait3A_186 = arith.constant 0 : i32
        %dma_wait3A_187 = tpu.memref_slice %arg20[%dma_wait3A_186] : memref<262144xf32, #tpu.memory_space<vmem_shared>> -> memref<262144xf32, #tpu.memory_space<vmem_shared>>
        tpu.wait_indirect_dma semaphore(%arg23 : memref<!tpu.dma_semaphore, #tpu.memory_space<semaphore_mem>>) src(%dma_wait3A_182 : memref<128xf32, #tpu.memory_space<vmem>>) dst(%dma_wait3A_187 : memref<262144xf32, #tpu.memory_space<vmem_shared>>)
        %dma_wait3A_188 = arith.constant 8 : i32
        %dma_wait3A_189 = arith.constant 8 : i32
        %dma_wait3A_190 = arith.constant 0 : i32
        %dma_wait3A_191 = tpu.memref_slice %arg15[%dma_wait3A_188, %dma_wait3A_190] : memref<9x128xf32, #tpu.memory_space<vmem>> -> memref<1x128xf32, #tpu.memory_space<vmem>>
        %dma_wait3A_192 = tpu.memref_squeeze %dma_wait3A_191 : memref<1x128xf32, #tpu.memory_space<vmem>> -> memref<128xf32, #tpu.memory_space<vmem>>
        %dma_wait3A_193 = arith.constant 0 : i32
        %dma_wait3A_194 = tpu.memref_slice %arg14[%dma_wait3A_189, %dma_wait3A_193] : memref<9x128xi32, #tpu.memory_space<vmem>> -> memref<1x128xi32, #tpu.memory_space<vmem>>
        %dma_wait3A_195 = tpu.memref_squeeze %dma_wait3A_194 : memref<1x128xi32, #tpu.memory_space<vmem>> -> memref<128xi32, #tpu.memory_space<vmem>>
        %dma_wait3A_196 = arith.constant 0 : i32
        %dma_wait3A_197 = tpu.memref_slice %arg20[%dma_wait3A_196] : memref<262144xf32, #tpu.memory_space<vmem_shared>> -> memref<262144xf32, #tpu.memory_space<vmem_shared>>
        tpu.wait_indirect_dma semaphore(%arg23 : memref<!tpu.dma_semaphore, #tpu.memory_space<semaphore_mem>>) src(%dma_wait3A_192 : memref<128xf32, #tpu.memory_space<vmem>>) dst(%dma_wait3A_197 : memref<262144xf32, #tpu.memory_space<vmem_shared>>)
      } else {
      }
      %lt3A_84 = arith.constant 3125 : i32
      %lt3A_85 = arith.cmpi slt, %add3A_77, %lt3A_84 : i32
      %convert_element_type3A_86 = arith.extui %lt3A_85 : i1 to i32
      %cond3A_87 = arith.constant 0 : i32
      %cond3A_88 = arith.cmpi ne, %convert_element_type3A_86, %cond3A_87 : i32
      scf.if %cond3A_88 {
        %mul3A_109 = arith.constant 128 : i32
        %mul3A_110 = arith.muli %add3A_77, %mul3A_109 : i32
        %add3A_111 = arith.constant 0 : i32
        %add3A_112 = arith.addi %add3A_111, %mul3A_110 : i32
        %min3A = arith.constant 399872 : i32
        %min3A_113 = arith.minsi %add3A_112, %min3A : i32
        %mul3A_114 = arith.constant 128 : i32
        %mul3A_115 = arith.muli %add3A_77, %mul3A_114 : i32
        %add3A_116 = arith.constant 0 : i32
        %add3A_117 = arith.addi %add3A_116, %mul3A_115 : i32
        %dma_wait3A = arith.constant 0 : i32
        %dma_wait3A_118 = tpu.memref_slice %arg2[%dma_wait3A] : memref<1020000xf32, #tpu.memory_space<hbm>> -> memref<512xf32, #tpu.memory_space<hbm>>
        %dma_wait3A_119 = arith.constant 0 : i32
        %dma_wait3A_120 = tpu.memref_slice %arg2[%dma_wait3A_119] : memref<1020000xf32, #tpu.memory_space<hbm>> -> memref<512xf32, #tpu.memory_space<hbm>>
        tpu.wait_dma2 semaphore(%arg21 : memref<!tpu.dma_semaphore, #tpu.memory_space<semaphore_mem>>) src(%dma_wait3A_120 : memref<512xf32, #tpu.memory_space<hbm>>) dst(%arg19 : memref<512xf32, #tpu.memory_space<vmem>>)
        %scan3A_121 = arith.constant 0 : i32
        %scan3A_122 = arith.constant 0 : i32
        %scan3A_123 = arith.constant 8 : i32
        %scan3A_124 = arith.addi %scan3A_122, %scan3A_123 : i32
        %scan3A_125 = arith.constant 1 : i32
        scf.for %scan3A_223 = %scan3A_122 to %scan3A_124 step %scan3A_125  : i32 {
          %mul3A_224 = arith.constant 16 : i32
          %mul3A_225 = arith.muli %scan3A_223, %mul3A_224 : i32
          %get3A = arith.index_cast %mul3A_225 : i32 to index
          %get3A_226 = tpu.vector_load %arg6[%get3A] {strides = array<i32>} : memref<128xf32, #tpu.memory_space<vmem>>, vector<16xf32>,
          %get3A_227 = vector.shape_cast %get3A_226 : vector<16xf32> to vector<16xf32>
          %get3A_228 = arith.index_cast %mul3A_225 : i32 to index
          %get3A_229 = tpu.vector_load %arg7[%get3A_228] {strides = array<i32>} : memref<128xf32, #tpu.memory_space<vmem>>, vector<16xf32>,
          %get3A_230 = vector.shape_cast %get3A_229 : vector<16xf32> to vector<16xf32>
          %get3A_231 = arith.index_cast %mul3A_225 : i32 to index
          %get3A_232 = tpu.vector_load %arg8[%get3A_231] {strides = array<i32>} : memref<128xf32, #tpu.memory_space<vmem>>, vector<16xf32>,
          %get3A_233 = vector.shape_cast %get3A_232 : vector<16xf32> to vector<16xf32>
          %add3A_234 = arith.addf %get3A_227, %get3A_233 : vector<16xf32>
          %get3A_235 = arith.index_cast %mul3A_225 : i32 to index
          %get3A_236 = tpu.vector_load %arg9[%get3A_235] {strides = array<i32>} : memref<128xf32, #tpu.memory_space<vmem>>, vector<16xf32>,
          %get3A_237 = vector.shape_cast %get3A_236 : vector<16xf32> to vector<16xf32>
          %add3A_238 = arith.addf %get3A_230, %get3A_237 : vector<16xf32>
          %mul3A_239 = arith.constant 5.000000e-01 : f32
          %mul3A_240 = vector.broadcast %mul3A_239 : f32 to vector<16xf32>
          %mul3A_241 = arith.mulf %get3A_227, %mul3A_240 : vector<16xf32>
          %convert_element_type3A_242 = arith.fptosi %mul3A_241 : vector<16xf32> to vector<16xi32>
          %mul3A_243 = arith.constant 5.000000e-01 : f32
          %mul3A_244 = vector.broadcast %mul3A_243 : f32 to vector<16xf32>
          %mul3A_245 = arith.mulf %get3A_230, %mul3A_244 : vector<16xf32>
          %convert_element_type3A_246 = arith.fptosi %mul3A_245 : vector<16xf32> to vector<16xi32>
          %convert_element_type3A_247 = arith.sitofp %convert_element_type3A_242 : vector<16xi32> to vector<16xf32>
          %mul3A_248 = arith.constant 2.000000e+00 : f32
          %mul3A_249 = vector.broadcast %mul3A_248 : f32 to vector<16xf32>
          %mul3A_250 = arith.mulf %convert_element_type3A_247, %mul3A_249 : vector<16xf32>
          %convert_element_type3A_251 = arith.sitofp %convert_element_type3A_246 : vector<16xi32> to vector<16xf32>
          %mul3A_252 = arith.constant 2.000000e+00 : f32
          %mul3A_253 = vector.broadcast %mul3A_252 : f32 to vector<16xf32>
          %mul3A_254 = arith.mulf %convert_element_type3A_251, %mul3A_253 : vector<16xf32>
          %mul3A_255 = arith.constant 512 : i32
          %mul3A_256 = vector.broadcast %mul3A_255 : i32 to vector<16xi32>
          %mul3A_257 = arith.muli %convert_element_type3A_242, %mul3A_256 : vector<16xi32>
          %add3A_258 = arith.addi %mul3A_257, %convert_element_type3A_246 : vector<16xi32>
          %add3A_259 = arith.constant 0.000000e+00 : f32
          %add3A_260 = vector.broadcast %add3A_259 : f32 to vector<16xf32>
          %add3A_261 = arith.addf %mul3A_254, %add3A_260 : vector<16xf32>
          %add3A_262 = arith.constant 2.000000e+00 : f32
          %add3A_263 = vector.broadcast %add3A_262 : f32 to vector<16xf32>
          %add3A_264 = arith.addf %add3A_261, %add3A_263 : vector<16xf32>
          %min3A_265 = arith.minimumf %add3A_238, %add3A_264 : vector<16xf32>
          %max3A = arith.maximumf %get3A_230, %add3A_261 : vector<16xf32>
          %sub3A = arith.subf %min3A_265, %max3A : vector<16xf32>
          %max3A_266 = arith.constant 0.000000e+00 : f32
          %max3A_267 = vector.broadcast %max3A_266 : f32 to vector<16xf32>
          %max3A_268 = arith.maximumf %sub3A, %max3A_267 : vector<16xf32>
          %add3A_269 = arith.constant 2.000000e+00 : f32
          %add3A_270 = vector.broadcast %add3A_269 : f32 to vector<16xf32>
          %add3A_271 = arith.addf %mul3A_254, %add3A_270 : vector<16xf32>
          %add3A_272 = arith.constant 2.000000e+00 : f32
          %add3A_273 = vector.broadcast %add3A_272 : f32 to vector<16xf32>
          %add3A_274 = arith.addf %add3A_271, %add3A_273 : vector<16xf32>
          %min3A_275 = arith.minimumf %add3A_238, %add3A_274 : vector<16xf32>
          %max3A_276 = arith.maximumf %get3A_230, %add3A_271 : vector<16xf32>
          %sub3A_277 = arith.subf %min3A_275, %max3A_276 : vector<16xf32>
          %max3A_278 = arith.constant 0.000000e+00 : f32
          %max3A_279 = vector.broadcast %max3A_278 : f32 to vector<16xf32>
          %max3A_280 = arith.maximumf %sub3A_277, %max3A_279 : vector<16xf32>
          %add3A_281 = arith.constant 4.000000e+00 : f32
          %add3A_282 = vector.broadcast %add3A_281 : f32 to vector<16xf32>
          %add3A_283 = arith.addf %mul3A_254, %add3A_282 : vector<16xf32>
          %add3A_284 = arith.constant 2.000000e+00 : f32
          %add3A_285 = vector.broadcast %add3A_284 : f32 to vector<16xf32>
          %add3A_286 = arith.addf %add3A_283, %add3A_285 : vector<16xf32>
          %min3A_287 = arith.minimumf %add3A_238, %add3A_286 : vector<16xf32>
          %max3A_288 = arith.maximumf %get3A_230, %add3A_283 : vector<16xf32>
          %sub3A_289 = arith.subf %min3A_287, %max3A_288 : vector<16xf32>
          %max3A_290 = arith.constant 0.000000e+00 : f32
          %max3A_291 = vector.broadcast %max3A_290 : f32 to vector<16xf32>
          %max3A_292 = arith.maximumf %sub3A_289, %max3A_291 : vector<16xf32>
          %add3A_293 = arith.constant 0.000000e+00 : f32
          %add3A_294 = vector.broadcast %add3A_293 : f32 to vector<16xf32>
          %add3A_295 = arith.addf %mul3A_250, %add3A_294 : vector<16xf32>
          %add3A_296 = arith.constant 2.000000e+00 : f32
          %add3A_297 = vector.broadcast %add3A_296 : f32 to vector<16xf32>
          %add3A_298 = arith.addf %add3A_295, %add3A_297 : vector<16xf32>
          %min3A_299 = arith.minimumf %add3A_234, %add3A_298 : vector<16xf32>
          %max3A_300 = arith.maximumf %get3A_227, %add3A_295 : vector<16xf32>
          %sub3A_301 = arith.subf %min3A_299, %max3A_300 : vector<16xf32>
          %max3A_302 = arith.constant 0.000000e+00 : f32
          %max3A_303 = vector.broadcast %max3A_302 : f32 to vector<16xf32>
          %max3A_304 = arith.maximumf %sub3A_301, %max3A_303 : vector<16xf32>
          %add3A_305 = arith.constant 2.000000e+00 : f32
          %add3A_306 = vector.broadcast %add3A_305 : f32 to vector<16xf32>
          %add3A_307 = arith.addf %mul3A_250, %add3A_306 : vector<16xf32>
          %add3A_308 = arith.constant 2.000000e+00 : f32
          %add3A_309 = vector.broadcast %add3A_308 : f32 to vector<16xf32>
          %add3A_310 = arith.addf %add3A_307, %add3A_309 : vector<16xf32>
          %min3A_311 = arith.minimumf %add3A_234, %add3A_310 : vector<16xf32>
          %max3A_312 = arith.maximumf %get3A_227, %add3A_307 : vector<16xf32>
          %sub3A_313 = arith.subf %min3A_311, %max3A_312 : vector<16xf32>
          %max3A_314 = arith.constant 0.000000e+00 : f32
          %max3A_315 = vector.broadcast %max3A_314 : f32 to vector<16xf32>
          %max3A_316 = arith.maximumf %sub3A_313, %max3A_315 : vector<16xf32>
          %add3A_317 = arith.constant 4.000000e+00 : f32
          %add3A_318 = vector.broadcast %add3A_317 : f32 to vector<16xf32>
          %add3A_319 = arith.addf %mul3A_250, %add3A_318 : vector<16xf32>
          %add3A_320 = arith.constant 2.000000e+00 : f32
          %add3A_321 = vector.broadcast %add3A_320 : f32 to vector<16xf32>
          %add3A_322 = arith.addf %add3A_319, %add3A_321 : vector<16xf32>
          %min3A_323 = arith.minimumf %add3A_234, %add3A_322 : vector<16xf32>
          %max3A_324 = arith.maximumf %get3A_227, %add3A_319 : vector<16xf32>
          %sub3A_325 = arith.subf %min3A_323, %max3A_324 : vector<16xf32>
          %max3A_326 = arith.constant 0.000000e+00 : f32
          %max3A_327 = vector.broadcast %max3A_326 : f32 to vector<16xf32>
          %max3A_328 = arith.maximumf %sub3A_325, %max3A_327 : vector<16xf32>
          %add3A_329 = arith.constant 0 : i32
          %add3A_330 = vector.broadcast %add3A_329 : i32 to vector<16xi32>
          %add3A_331 = arith.addi %add3A_258, %add3A_330 : vector<16xi32>
          %swap3A = arith.constant 0 : i32
          %swap3A_332 = arith.index_cast %swap3A : i32 to index
          %swap3A_333 = arith.index_cast %mul3A_225 : i32 to index
          %swap3A_334 = tpu.vector_load %arg14[%swap3A_332, %swap3A_333] {strides = array<i32>} : memref<9x128xi32, #tpu.memory_space<vmem>>, vector<1x16xi32>,
          %swap3A_335 = vector.shape_cast %swap3A_334 : vector<1x16xi32> to vector<16xi32>
          %swap3A_336 = vector.shape_cast %add3A_331 : vector<16xi32> to vector<1x16xi32>
          tpu.vector_store %arg14[%swap3A_332, %swap3A_333], %swap3A_336 {strides = array<i32>} : memref<9x128xi32, #tpu.memory_space<vmem>>, vector<1x16xi32>,
          %mul3A_337 = arith.mulf %max3A_304, %max3A_268 : vector<16xf32>
          %swap3A_338 = arith.constant 0 : i32
          %swap3A_339 = arith.index_cast %swap3A_338 : i32 to index
          %swap3A_340 = arith.index_cast %mul3A_225 : i32 to index
          %swap3A_341 = tpu.vector_load %arg15[%swap3A_339, %swap3A_340] {strides = array<i32>} : memref<9x128xf32, #tpu.memory_space<vmem>>, vector<1x16xf32>,
          %swap3A_342 = vector.shape_cast %swap3A_341 : vector<1x16xf32> to vector<16xf32>
          %swap3A_343 = vector.shape_cast %mul3A_337 : vector<16xf32> to vector<1x16xf32>
          tpu.vector_store %arg15[%swap3A_339, %swap3A_340], %swap3A_343 {strides = array<i32>} : memref<9x128xf32, #tpu.memory_space<vmem>>, vector<1x16xf32>,
          %add3A_344 = arith.constant 1 : i32
          %add3A_345 = vector.broadcast %add3A_344 : i32 to vector<16xi32>
          %add3A_346 = arith.addi %add3A_258, %add3A_345 : vector<16xi32>
          %swap3A_347 = arith.constant 1 : i32
          %swap3A_348 = arith.index_cast %swap3A_347 : i32 to index
          %swap3A_349 = arith.index_cast %mul3A_225 : i32 to index
          %swap3A_350 = tpu.vector_load %arg14[%swap3A_348, %swap3A_349] {strides = array<i32>} : memref<9x128xi32, #tpu.memory_space<vmem>>, vector<1x16xi32>,
          %swap3A_351 = vector.shape_cast %swap3A_350 : vector<1x16xi32> to vector<16xi32>
          %swap3A_352 = vector.shape_cast %add3A_346 : vector<16xi32> to vector<1x16xi32>
          tpu.vector_store %arg14[%swap3A_348, %swap3A_349], %swap3A_352 {strides = array<i32>} : memref<9x128xi32, #tpu.memory_space<vmem>>, vector<1x16xi32>,
          %mul3A_353 = arith.mulf %max3A_304, %max3A_280 : vector<16xf32>
          %swap3A_354 = arith.constant 1 : i32
          %swap3A_355 = arith.index_cast %swap3A_354 : i32 to index
          %swap3A_356 = arith.index_cast %mul3A_225 : i32 to index
          %swap3A_357 = tpu.vector_load %arg15[%swap3A_355, %swap3A_356] {strides = array<i32>} : memref<9x128xf32, #tpu.memory_space<vmem>>, vector<1x16xf32>,
          %swap3A_358 = vector.shape_cast %swap3A_357 : vector<1x16xf32> to vector<16xf32>
          %swap3A_359 = vector.shape_cast %mul3A_353 : vector<16xf32> to vector<1x16xf32>
          tpu.vector_store %arg15[%swap3A_355, %swap3A_356], %swap3A_359 {strides = array<i32>} : memref<9x128xf32, #tpu.memory_space<vmem>>, vector<1x16xf32>,
          %add3A_360 = arith.constant 2 : i32
          %add3A_361 = vector.broadcast %add3A_360 : i32 to vector<16xi32>
          %add3A_362 = arith.addi %add3A_258, %add3A_361 : vector<16xi32>
          %swap3A_363 = arith.constant 2 : i32
          %swap3A_364 = arith.index_cast %swap3A_363 : i32 to index
          %swap3A_365 = arith.index_cast %mul3A_225 : i32 to index
          %swap3A_366 = tpu.vector_load %arg14[%swap3A_364, %swap3A_365] {strides = array<i32>} : memref<9x128xi32, #tpu.memory_space<vmem>>, vector<1x16xi32>,
          %swap3A_367 = vector.shape_cast %swap3A_366 : vector<1x16xi32> to vector<16xi32>
          %swap3A_368 = vector.shape_cast %add3A_362 : vector<16xi32> to vector<1x16xi32>
          tpu.vector_store %arg14[%swap3A_364, %swap3A_365], %swap3A_368 {strides = array<i32>} : memref<9x128xi32, #tpu.memory_space<vmem>>, vector<1x16xi32>,
          %mul3A_369 = arith.mulf %max3A_304, %max3A_292 : vector<16xf32>
          %swap3A_370 = arith.constant 2 : i32
          %swap3A_371 = arith.index_cast %swap3A_370 : i32 to index
          %swap3A_372 = arith.index_cast %mul3A_225 : i32 to index
          %swap3A_373 = tpu.vector_load %arg15[%swap3A_371, %swap3A_372] {strides = array<i32>} : memref<9x128xf32, #tpu.memory_space<vmem>>, vector<1x16xf32>,
          %swap3A_374 = vector.shape_cast %swap3A_373 : vector<1x16xf32> to vector<16xf32>
          %swap3A_375 = vector.shape_cast %mul3A_369 : vector<16xf32> to vector<1x16xf32>
          tpu.vector_store %arg15[%swap3A_371, %swap3A_372], %swap3A_375 {strides = array<i32>} : memref<9x128xf32, #tpu.memory_space<vmem>>, vector<1x16xf32>,
          %add3A_376 = arith.constant 512 : i32
          %add3A_377 = vector.broadcast %add3A_376 : i32 to vector<16xi32>
          %add3A_378 = arith.addi %add3A_258, %add3A_377 : vector<16xi32>
          %swap3A_379 = arith.constant 3 : i32
          %swap3A_380 = arith.index_cast %swap3A_379 : i32 to index
          %swap3A_381 = arith.index_cast %mul3A_225 : i32 to index
          %swap3A_382 = tpu.vector_load %arg14[%swap3A_380, %swap3A_381] {strides = array<i32>} : memref<9x128xi32, #tpu.memory_space<vmem>>, vector<1x16xi32>,
          %swap3A_383 = vector.shape_cast %swap3A_382 : vector<1x16xi32> to vector<16xi32>
          %swap3A_384 = vector.shape_cast %add3A_378 : vector<16xi32> to vector<1x16xi32>
          tpu.vector_store %arg14[%swap3A_380, %swap3A_381], %swap3A_384 {strides = array<i32>} : memref<9x128xi32, #tpu.memory_space<vmem>>, vector<1x16xi32>,
          %mul3A_385 = arith.mulf %max3A_316, %max3A_268 : vector<16xf32>
          %swap3A_386 = arith.constant 3 : i32
          %swap3A_387 = arith.index_cast %swap3A_386 : i32 to index
          %swap3A_388 = arith.index_cast %mul3A_225 : i32 to index
          %swap3A_389 = tpu.vector_load %arg15[%swap3A_387, %swap3A_388] {strides = array<i32>} : memref<9x128xf32, #tpu.memory_space<vmem>>, vector<1x16xf32>,
          %swap3A_390 = vector.shape_cast %swap3A_389 : vector<1x16xf32> to vector<16xf32>
          %swap3A_391 = vector.shape_cast %mul3A_385 : vector<16xf32> to vector<1x16xf32>
          tpu.vector_store %arg15[%swap3A_387, %swap3A_388], %swap3A_391 {strides = array<i32>} : memref<9x128xf32, #tpu.memory_space<vmem>>, vector<1x16xf32>,
          %add3A_392 = arith.constant 513 : i32
          %add3A_393 = vector.broadcast %add3A_392 : i32 to vector<16xi32>
          %add3A_394 = arith.addi %add3A_258, %add3A_393 : vector<16xi32>
          %swap3A_395 = arith.constant 4 : i32
          %swap3A_396 = arith.index_cast %swap3A_395 : i32 to index
          %swap3A_397 = arith.index_cast %mul3A_225 : i32 to index
          %swap3A_398 = tpu.vector_load %arg14[%swap3A_396, %swap3A_397] {strides = array<i32>} : memref<9x128xi32, #tpu.memory_space<vmem>>, vector<1x16xi32>,
          %swap3A_399 = vector.shape_cast %swap3A_398 : vector<1x16xi32> to vector<16xi32>
          %swap3A_400 = vector.shape_cast %add3A_394 : vector<16xi32> to vector<1x16xi32>
          tpu.vector_store %arg14[%swap3A_396, %swap3A_397], %swap3A_400 {strides = array<i32>} : memref<9x128xi32, #tpu.memory_space<vmem>>, vector<1x16xi32>,
          %mul3A_401 = arith.mulf %max3A_316, %max3A_280 : vector<16xf32>
          %swap3A_402 = arith.constant 4 : i32
          %swap3A_403 = arith.index_cast %swap3A_402 : i32 to index
          %swap3A_404 = arith.index_cast %mul3A_225 : i32 to index
          %swap3A_405 = tpu.vector_load %arg15[%swap3A_403, %swap3A_404] {strides = array<i32>} : memref<9x128xf32, #tpu.memory_space<vmem>>, vector<1x16xf32>,
          %swap3A_406 = vector.shape_cast %swap3A_405 : vector<1x16xf32> to vector<16xf32>
          %swap3A_407 = vector.shape_cast %mul3A_401 : vector<16xf32> to vector<1x16xf32>
          tpu.vector_store %arg15[%swap3A_403, %swap3A_404], %swap3A_407 {strides = array<i32>} : memref<9x128xf32, #tpu.memory_space<vmem>>, vector<1x16xf32>,
          %add3A_408 = arith.constant 514 : i32
          %add3A_409 = vector.broadcast %add3A_408 : i32 to vector<16xi32>
          %add3A_410 = arith.addi %add3A_258, %add3A_409 : vector<16xi32>
          %swap3A_411 = arith.constant 5 : i32
          %swap3A_412 = arith.index_cast %swap3A_411 : i32 to index
          %swap3A_413 = arith.index_cast %mul3A_225 : i32 to index
          %swap3A_414 = tpu.vector_load %arg14[%swap3A_412, %swap3A_413] {strides = array<i32>} : memref<9x128xi32, #tpu.memory_space<vmem>>, vector<1x16xi32>,
          %swap3A_415 = vector.shape_cast %swap3A_414 : vector<1x16xi32> to vector<16xi32>
          %swap3A_416 = vector.shape_cast %add3A_410 : vector<16xi32> to vector<1x16xi32>
          tpu.vector_store %arg14[%swap3A_412, %swap3A_413], %swap3A_416 {strides = array<i32>} : memref<9x128xi32, #tpu.memory_space<vmem>>, vector<1x16xi32>,
          %mul3A_417 = arith.mulf %max3A_316, %max3A_292 : vector<16xf32>
          %swap3A_418 = arith.constant 5 : i32
          %swap3A_419 = arith.index_cast %swap3A_418 : i32 to index
          %swap3A_420 = arith.index_cast %mul3A_225 : i32 to index
          %swap3A_421 = tpu.vector_load %arg15[%swap3A_419, %swap3A_420] {strides = array<i32>} : memref<9x128xf32, #tpu.memory_space<vmem>>, vector<1x16xf32>,
          %swap3A_422 = vector.shape_cast %swap3A_421 : vector<1x16xf32> to vector<16xf32>
          %swap3A_423 = vector.shape_cast %mul3A_417 : vector<16xf32> to vector<1x16xf32>
          tpu.vector_store %arg15[%swap3A_419, %swap3A_420], %swap3A_423 {strides = array<i32>} : memref<9x128xf32, #tpu.memory_space<vmem>>, vector<1x16xf32>,
          %add3A_424 = arith.constant 1024 : i32
          %add3A_425 = vector.broadcast %add3A_424 : i32 to vector<16xi32>
          %add3A_426 = arith.addi %add3A_258, %add3A_425 : vector<16xi32>
          %swap3A_427 = arith.constant 6 : i32
          %swap3A_428 = arith.index_cast %swap3A_427 : i32 to index
          %swap3A_429 = arith.index_cast %mul3A_225 : i32 to index
          %swap3A_430 = tpu.vector_load %arg14[%swap3A_428, %swap3A_429] {strides = array<i32>} : memref<9x128xi32, #tpu.memory_space<vmem>>, vector<1x16xi32>,
          %swap3A_431 = vector.shape_cast %swap3A_430 : vector<1x16xi32> to vector<16xi32>
          %swap3A_432 = vector.shape_cast %add3A_426 : vector<16xi32> to vector<1x16xi32>
          tpu.vector_store %arg14[%swap3A_428, %swap3A_429], %swap3A_432 {strides = array<i32>} : memref<9x128xi32, #tpu.memory_space<vmem>>, vector<1x16xi32>,
          %mul3A_433 = arith.mulf %max3A_328, %max3A_268 : vector<16xf32>
          %swap3A_434 = arith.constant 6 : i32
          %swap3A_435 = arith.index_cast %swap3A_434 : i32 to index
          %swap3A_436 = arith.index_cast %mul3A_225 : i32 to index
          %swap3A_437 = tpu.vector_load %arg15[%swap3A_435, %swap3A_436] {strides = array<i32>} : memref<9x128xf32, #tpu.memory_space<vmem>>, vector<1x16xf32>,
          %swap3A_438 = vector.shape_cast %swap3A_437 : vector<1x16xf32> to vector<16xf32>
          %swap3A_439 = vector.shape_cast %mul3A_433 : vector<16xf32> to vector<1x16xf32>
          tpu.vector_store %arg15[%swap3A_435, %swap3A_436], %swap3A_439 {strides = array<i32>} : memref<9x128xf32, #tpu.memory_space<vmem>>, vector<1x16xf32>,
          %add3A_440 = arith.constant 1025 : i32
          %add3A_441 = vector.broadcast %add3A_440 : i32 to vector<16xi32>
          %add3A_442 = arith.addi %add3A_258, %add3A_441 : vector<16xi32>
          %swap3A_443 = arith.constant 7 : i32
          %swap3A_444 = arith.index_cast %swap3A_443 : i32 to index
          %swap3A_445 = arith.index_cast %mul3A_225 : i32 to index
          %swap3A_446 = tpu.vector_load %arg14[%swap3A_444, %swap3A_445] {strides = array<i32>} : memref<9x128xi32, #tpu.memory_space<vmem>>, vector<1x16xi32>,
          %swap3A_447 = vector.shape_cast %swap3A_446 : vector<1x16xi32> to vector<16xi32>
          %swap3A_448 = vector.shape_cast %add3A_442 : vector<16xi32> to vector<1x16xi32>
          tpu.vector_store %arg14[%swap3A_444, %swap3A_445], %swap3A_448 {strides = array<i32>} : memref<9x128xi32, #tpu.memory_space<vmem>>, vector<1x16xi32>,
          %mul3A_449 = arith.mulf %max3A_328, %max3A_280 : vector<16xf32>
          %swap3A_450 = arith.constant 7 : i32
          %swap3A_451 = arith.index_cast %swap3A_450 : i32 to index
          %swap3A_452 = arith.index_cast %mul3A_225 : i32 to index
          %swap3A_453 = tpu.vector_load %arg15[%swap3A_451, %swap3A_452] {strides = array<i32>} : memref<9x128xf32, #tpu.memory_space<vmem>>, vector<1x16xf32>,
          %swap3A_454 = vector.shape_cast %swap3A_453 : vector<1x16xf32> to vector<16xf32>
          %swap3A_455 = vector.shape_cast %mul3A_449 : vector<16xf32> to vector<1x16xf32>
          tpu.vector_store %arg15[%swap3A_451, %swap3A_452], %swap3A_455 {strides = array<i32>} : memref<9x128xf32, #tpu.memory_space<vmem>>, vector<1x16xf32>,
          %add3A_456 = arith.constant 1026 : i32
          %add3A_457 = vector.broadcast %add3A_456 : i32 to vector<16xi32>
          %add3A_458 = arith.addi %add3A_258, %add3A_457 : vector<16xi32>
          %swap3A_459 = arith.constant 8 : i32
          %swap3A_460 = arith.index_cast %swap3A_459 : i32 to index
          %swap3A_461 = arith.index_cast %mul3A_225 : i32 to index
          %swap3A_462 = tpu.vector_load %arg14[%swap3A_460, %swap3A_461] {strides = array<i32>} : memref<9x128xi32, #tpu.memory_space<vmem>>, vector<1x16xi32>,
          %swap3A_463 = vector.shape_cast %swap3A_462 : vector<1x16xi32> to vector<16xi32>
          %swap3A_464 = vector.shape_cast %add3A_458 : vector<16xi32> to vector<1x16xi32>
          tpu.vector_store %arg14[%swap3A_460, %swap3A_461], %swap3A_464 {strides = array<i32>} : memref<9x128xi32, #tpu.memory_space<vmem>>, vector<1x16xi32>,
          %mul3A_465 = arith.mulf %max3A_328, %max3A_292 : vector<16xf32>
          %swap3A_466 = arith.constant 8 : i32
          %swap3A_467 = arith.index_cast %swap3A_466 : i32 to index
          %swap3A_468 = arith.index_cast %mul3A_225 : i32 to index
          %swap3A_469 = tpu.vector_load %arg15[%swap3A_467, %swap3A_468] {strides = array<i32>} : memref<9x128xf32, #tpu.memory_space<vmem>>, vector<1x16xf32>,
          %swap3A_470 = vector.shape_cast %swap3A_469 : vector<1x16xf32> to vector<16xf32>
          %swap3A_471 = vector.shape_cast %mul3A_465 : vector<16xf32> to vector<1x16xf32>
          tpu.vector_store %arg15[%swap3A_467, %swap3A_468], %swap3A_471 {strides = array<i32>} : memref<9x128xf32, #tpu.memory_space<vmem>>, vector<1x16xf32>,
        }
        %scan3A_126 = arith.constant 8 : i32
        %add3A_127 = arith.constant 64 : i32
        %add3A_128 = arith.addi %add3A_77, %add3A_127 : i32
        %lt3A_129 = arith.constant 3125 : i32
        %lt3A_130 = arith.cmpi slt, %add3A_128, %lt3A_129 : i32
        %convert_element_type3A_131 = arith.extui %lt3A_130 : i1 to i32
        %cond3A_132 = arith.constant 0 : i32
        %cond3A_133 = arith.cmpi ne, %convert_element_type3A_131, %cond3A_132 : i32
        scf.if %cond3A_133 {
          %add3A_223 = arith.constant 64 : i32
          %add3A_224 = arith.addi %add3A_77, %add3A_223 : i32
          %mul3A_225 = arith.constant 128 : i32
          %mul3A_226 = arith.muli %add3A_224, %mul3A_225 : i32
          %add3A_227 = arith.constant 0 : i32
          %add3A_228 = arith.addi %add3A_227, %mul3A_226 : i32
          %min3A_229 = arith.constant 399872 : i32
          %min3A_230 = arith.minsi %add3A_228, %min3A_229 : i32
          %dma_start3A_231 = tpu.memref_slice %arg2[%min3A_230] : memref<1020000xf32, #tpu.memory_space<hbm>> -> memref<128xf32, #tpu.memory_space<hbm>>
          %dma_start3A_232 = tpu.memref_slice %arg2[%min3A_230] : memref<1020000xf32, #tpu.memory_space<hbm>> -> memref<128xf32, #tpu.memory_space<hbm>>
          tpu.enqueue_dma source(%dma_start3A_232 : memref<128xf32, #tpu.memory_space<hbm>>) target(%arg6 : memref<128xf32, #tpu.memory_space<vmem>>) target_semaphore(%arg21 : memref<!tpu.dma_semaphore, #tpu.memory_space<semaphore_mem>>)
          %add3A_233 = arith.constant 510000 : i32
          %add3A_234 = arith.addi %add3A_233, %min3A_230 : i32
          %dma_start3A_235 = tpu.memref_slice %arg2[%add3A_234] : memref<1020000xf32, #tpu.memory_space<hbm>> -> memref<128xf32, #tpu.memory_space<hbm>>
          %dma_start3A_236 = tpu.memref_slice %arg2[%add3A_234] : memref<1020000xf32, #tpu.memory_space<hbm>> -> memref<128xf32, #tpu.memory_space<hbm>>
          tpu.enqueue_dma source(%dma_start3A_236 : memref<128xf32, #tpu.memory_space<hbm>>) target(%arg7 : memref<128xf32, #tpu.memory_space<vmem>>) target_semaphore(%arg21 : memref<!tpu.dma_semaphore, #tpu.memory_space<semaphore_mem>>)
          %dma_start3A_237 = tpu.memref_slice %arg3[%min3A_230] : memref<510000xf32, #tpu.memory_space<hbm>> -> memref<128xf32, #tpu.memory_space<hbm>>
          %dma_start3A_238 = tpu.memref_slice %arg3[%min3A_230] : memref<510000xf32, #tpu.memory_space<hbm>> -> memref<128xf32, #tpu.memory_space<hbm>>
          tpu.enqueue_dma source(%dma_start3A_238 : memref<128xf32, #tpu.memory_space<hbm>>) target(%arg8 : memref<128xf32, #tpu.memory_space<vmem>>) target_semaphore(%arg21 : memref<!tpu.dma_semaphore, #tpu.memory_space<semaphore_mem>>)
          %dma_start3A_239 = tpu.memref_slice %arg4[%min3A_230] : memref<510000xf32, #tpu.memory_space<hbm>> -> memref<128xf32, #tpu.memory_space<hbm>>
          %dma_start3A_240 = tpu.memref_slice %arg4[%min3A_230] : memref<510000xf32, #tpu.memory_space<hbm>> -> memref<128xf32, #tpu.memory_space<hbm>>
          tpu.enqueue_dma source(%dma_start3A_240 : memref<128xf32, #tpu.memory_space<hbm>>) target(%arg9 : memref<128xf32, #tpu.memory_space<vmem>>) target_semaphore(%arg21 : memref<!tpu.dma_semaphore, #tpu.memory_space<semaphore_mem>>)
        } else {
        }
        %dma_start3A = arith.constant 0 : i32
        %dma_start3A_134 = arith.constant 0 : i32
        %dma_start3A_135 = arith.constant 0 : i32
        %dma_start3A_136 = tpu.memref_slice %arg15[%dma_start3A, %dma_start3A_135] : memref<9x128xf32, #tpu.memory_space<vmem>> -> memref<1x128xf32, #tpu.memory_space<vmem>>
        %dma_start3A_137 = tpu.memref_squeeze %dma_start3A_136 : memref<1x128xf32, #tpu.memory_space<vmem>> -> memref<128xf32, #tpu.memory_space<vmem>>
        %dma_start3A_138 = arith.constant 0 : i32
        %dma_start3A_139 = tpu.memref_slice %arg14[%dma_start3A_134, %dma_start3A_138] : memref<9x128xi32, #tpu.memory_space<vmem>> -> memref<1x128xi32, #tpu.memory_space<vmem>>
        %dma_start3A_140 = tpu.memref_squeeze %dma_start3A_139 : memref<1x128xi32, #tpu.memory_space<vmem>> -> memref<128xi32, #tpu.memory_space<vmem>>
        %dma_start3A_141 = arith.constant 0 : i32
        %dma_start3A_142 = tpu.memref_slice %arg20[%dma_start3A_141] : memref<262144xf32, #tpu.memory_space<vmem_shared>> -> memref<262144xf32, #tpu.memory_space<vmem_shared>>
        tpu.enqueue_indirect_dma source(%dma_start3A_137 : memref<128xf32, #tpu.memory_space<vmem>>) target(%dma_start3A_142 : memref<262144xf32, #tpu.memory_space<vmem_shared>>) offsets(%dma_start3A_140 : memref<128xi32, #tpu.memory_space<vmem>>) semaphore(%arg23 : memref<!tpu.dma_semaphore, #tpu.memory_space<semaphore_mem>>) {add = true}
        %dma_start3A_143 = arith.constant 1 : i32
        %dma_start3A_144 = arith.constant 1 : i32
        %dma_start3A_145 = arith.constant 0 : i32
        %dma_start3A_146 = tpu.memref_slice %arg15[%dma_start3A_143, %dma_start3A_145] : memref<9x128xf32, #tpu.memory_space<vmem>> -> memref<1x128xf32, #tpu.memory_space<vmem>>
        %dma_start3A_147 = tpu.memref_squeeze %dma_start3A_146 : memref<1x128xf32, #tpu.memory_space<vmem>> -> memref<128xf32, #tpu.memory_space<vmem>>
        %dma_start3A_148 = arith.constant 0 : i32
        %dma_start3A_149 = tpu.memref_slice %arg14[%dma_start3A_144, %dma_start3A_148] : memref<9x128xi32, #tpu.memory_space<vmem>> -> memref<1x128xi32, #tpu.memory_space<vmem>>
        %dma_start3A_150 = tpu.memref_squeeze %dma_start3A_149 : memref<1x128xi32, #tpu.memory_space<vmem>> -> memref<128xi32, #tpu.memory_space<vmem>>
        %dma_start3A_151 = arith.constant 0 : i32
        %dma_start3A_152 = tpu.memref_slice %arg20[%dma_start3A_151] : memref<262144xf32, #tpu.memory_space<vmem_shared>> -> memref<262144xf32, #tpu.memory_space<vmem_shared>>
        tpu.enqueue_indirect_dma source(%dma_start3A_147 : memref<128xf32, #tpu.memory_space<vmem>>) target(%dma_start3A_152 : memref<262144xf32, #tpu.memory_space<vmem_shared>>) offsets(%dma_start3A_150 : memref<128xi32, #tpu.memory_space<vmem>>) semaphore(%arg23 : memref<!tpu.dma_semaphore, #tpu.memory_space<semaphore_mem>>) {add = true}
        %dma_start3A_153 = arith.constant 2 : i32
        %dma_start3A_154 = arith.constant 2 : i32
        %dma_start3A_155 = arith.constant 0 : i32
        %dma_start3A_156 = tpu.memref_slice %arg15[%dma_start3A_153, %dma_start3A_155] : memref<9x128xf32, #tpu.memory_space<vmem>> -> memref<1x128xf32, #tpu.memory_space<vmem>>
        %dma_start3A_157 = tpu.memref_squeeze %dma_start3A_156 : memref<1x128xf32, #tpu.memory_space<vmem>> -> memref<128xf32, #tpu.memory_space<vmem>>
        %dma_start3A_158 = arith.constant 0 : i32
        %dma_start3A_159 = tpu.memref_slice %arg14[%dma_start3A_154, %dma_start3A_158] : memref<9x128xi32, #tpu.memory_space<vmem>> -> memref<1x128xi32, #tpu.memory_space<vmem>>
        %dma_start3A_160 = tpu.memref_squeeze %dma_start3A_159 : memref<1x128xi32, #tpu.memory_space<vmem>> -> memref<128xi32, #tpu.memory_space<vmem>>
        %dma_start3A_161 = arith.constant 0 : i32
        %dma_start3A_162 = tpu.memref_slice %arg20[%dma_start3A_161] : memref<262144xf32, #tpu.memory_space<vmem_shared>> -> memref<262144xf32, #tpu.memory_space<vmem_shared>>
        tpu.enqueue_indirect_dma source(%dma_start3A_157 : memref<128xf32, #tpu.memory_space<vmem>>) target(%dma_start3A_162 : memref<262144xf32, #tpu.memory_space<vmem_shared>>) offsets(%dma_start3A_160 : memref<128xi32, #tpu.memory_space<vmem>>) semaphore(%arg23 : memref<!tpu.dma_semaphore, #tpu.memory_space<semaphore_mem>>) {add = true}
        %dma_start3A_163 = arith.constant 3 : i32
        %dma_start3A_164 = arith.constant 3 : i32
        %dma_start3A_165 = arith.constant 0 : i32
        %dma_start3A_166 = tpu.memref_slice %arg15[%dma_start3A_163, %dma_start3A_165] : memref<9x128xf32, #tpu.memory_space<vmem>> -> memref<1x128xf32, #tpu.memory_space<vmem>>
        %dma_start3A_167 = tpu.memref_squeeze %dma_start3A_166 : memref<1x128xf32, #tpu.memory_space<vmem>> -> memref<128xf32, #tpu.memory_space<vmem>>
        %dma_start3A_168 = arith.constant 0 : i32
        %dma_start3A_169 = tpu.memref_slice %arg14[%dma_start3A_164, %dma_start3A_168] : memref<9x128xi32, #tpu.memory_space<vmem>> -> memref<1x128xi32, #tpu.memory_space<vmem>>
        %dma_start3A_170 = tpu.memref_squeeze %dma_start3A_169 : memref<1x128xi32, #tpu.memory_space<vmem>> -> memref<128xi32, #tpu.memory_space<vmem>>
        %dma_start3A_171 = arith.constant 0 : i32
        %dma_start3A_172 = tpu.memref_slice %arg20[%dma_start3A_171] : memref<262144xf32, #tpu.memory_space<vmem_shared>> -> memref<262144xf32, #tpu.memory_space<vmem_shared>>
        tpu.enqueue_indirect_dma source(%dma_start3A_167 : memref<128xf32, #tpu.memory_space<vmem>>) target(%dma_start3A_172 : memref<262144xf32, #tpu.memory_space<vmem_shared>>) offsets(%dma_start3A_170 : memref<128xi32, #tpu.memory_space<vmem>>) semaphore(%arg23 : memref<!tpu.dma_semaphore, #tpu.memory_space<semaphore_mem>>) {add = true}
        %dma_start3A_173 = arith.constant 4 : i32
        %dma_start3A_174 = arith.constant 4 : i32
        %dma_start3A_175 = arith.constant 0 : i32
        %dma_start3A_176 = tpu.memref_slice %arg15[%dma_start3A_173, %dma_start3A_175] : memref<9x128xf32, #tpu.memory_space<vmem>> -> memref<1x128xf32, #tpu.memory_space<vmem>>
        %dma_start3A_177 = tpu.memref_squeeze %dma_start3A_176 : memref<1x128xf32, #tpu.memory_space<vmem>> -> memref<128xf32, #tpu.memory_space<vmem>>
        %dma_start3A_178 = arith.constant 0 : i32
        %dma_start3A_179 = tpu.memref_slice %arg14[%dma_start3A_174, %dma_start3A_178] : memref<9x128xi32, #tpu.memory_space<vmem>> -> memref<1x128xi32, #tpu.memory_space<vmem>>
        %dma_start3A_180 = tpu.memref_squeeze %dma_start3A_179 : memref<1x128xi32, #tpu.memory_space<vmem>> -> memref<128xi32, #tpu.memory_space<vmem>>
        %dma_start3A_181 = arith.constant 0 : i32
        %dma_start3A_182 = tpu.memref_slice %arg20[%dma_start3A_181] : memref<262144xf32, #tpu.memory_space<vmem_shared>> -> memref<262144xf32, #tpu.memory_space<vmem_shared>>
        tpu.enqueue_indirect_dma source(%dma_start3A_177 : memref<128xf32, #tpu.memory_space<vmem>>) target(%dma_start3A_182 : memref<262144xf32, #tpu.memory_space<vmem_shared>>) offsets(%dma_start3A_180 : memref<128xi32, #tpu.memory_space<vmem>>) semaphore(%arg23 : memref<!tpu.dma_semaphore, #tpu.memory_space<semaphore_mem>>) {add = true}
        %dma_start3A_183 = arith.constant 5 : i32
        %dma_start3A_184 = arith.constant 5 : i32
        %dma_start3A_185 = arith.constant 0 : i32
        %dma_start3A_186 = tpu.memref_slice %arg15[%dma_start3A_183, %dma_start3A_185] : memref<9x128xf32, #tpu.memory_space<vmem>> -> memref<1x128xf32, #tpu.memory_space<vmem>>
        %dma_start3A_187 = tpu.memref_squeeze %dma_start3A_186 : memref<1x128xf32, #tpu.memory_space<vmem>> -> memref<128xf32, #tpu.memory_space<vmem>>
        %dma_start3A_188 = arith.constant 0 : i32
        %dma_start3A_189 = tpu.memref_slice %arg14[%dma_start3A_184, %dma_start3A_188] : memref<9x128xi32, #tpu.memory_space<vmem>> -> memref<1x128xi32, #tpu.memory_space<vmem>>
        %dma_start3A_190 = tpu.memref_squeeze %dma_start3A_189 : memref<1x128xi32, #tpu.memory_space<vmem>> -> memref<128xi32, #tpu.memory_space<vmem>>
        %dma_start3A_191 = arith.constant 0 : i32
        %dma_start3A_192 = tpu.memref_slice %arg20[%dma_start3A_191] : memref<262144xf32, #tpu.memory_space<vmem_shared>> -> memref<262144xf32, #tpu.memory_space<vmem_shared>>
        tpu.enqueue_indirect_dma source(%dma_start3A_187 : memref<128xf32, #tpu.memory_space<vmem>>) target(%dma_start3A_192 : memref<262144xf32, #tpu.memory_space<vmem_shared>>) offsets(%dma_start3A_190 : memref<128xi32, #tpu.memory_space<vmem>>) semaphore(%arg23 : memref<!tpu.dma_semaphore, #tpu.memory_space<semaphore_mem>>) {add = true}
        %dma_start3A_193 = arith.constant 6 : i32
        %dma_start3A_194 = arith.constant 6 : i32
        %dma_start3A_195 = arith.constant 0 : i32
        %dma_start3A_196 = tpu.memref_slice %arg15[%dma_start3A_193, %dma_start3A_195] : memref<9x128xf32, #tpu.memory_space<vmem>> -> memref<1x128xf32, #tpu.memory_space<vmem>>
        %dma_start3A_197 = tpu.memref_squeeze %dma_start3A_196 : memref<1x128xf32, #tpu.memory_space<vmem>> -> memref<128xf32, #tpu.memory_space<vmem>>
        %dma_start3A_198 = arith.constant 0 : i32
        %dma_start3A_199 = tpu.memref_slice %arg14[%dma_start3A_194, %dma_start3A_198] : memref<9x128xi32, #tpu.memory_space<vmem>> -> memref<1x128xi32, #tpu.memory_space<vmem>>
        %dma_start3A_200 = tpu.memref_squeeze %dma_start3A_199 : memref<1x128xi32, #tpu.memory_space<vmem>> -> memref<128xi32, #tpu.memory_space<vmem>>
        %dma_start3A_201 = arith.constant 0 : i32
        %dma_start3A_202 = tpu.memref_slice %arg20[%dma_start3A_201] : memref<262144xf32, #tpu.memory_space<vmem_shared>> -> memref<262144xf32, #tpu.memory_space<vmem_shared>>
        tpu.enqueue_indirect_dma source(%dma_start3A_197 : memref<128xf32, #tpu.memory_space<vmem>>) target(%dma_start3A_202 : memref<262144xf32, #tpu.memory_space<vmem_shared>>) offsets(%dma_start3A_200 : memref<128xi32, #tpu.memory_space<vmem>>) semaphore(%arg23 : memref<!tpu.dma_semaphore, #tpu.memory_space<semaphore_mem>>) {add = true}
        %dma_start3A_203 = arith.constant 7 : i32
        %dma_start3A_204 = arith.constant 7 : i32
        %dma_start3A_205 = arith.constant 0 : i32
        %dma_start3A_206 = tpu.memref_slice %arg15[%dma_start3A_203, %dma_start3A_205] : memref<9x128xf32, #tpu.memory_space<vmem>> -> memref<1x128xf32, #tpu.memory_space<vmem>>
        %dma_start3A_207 = tpu.memref_squeeze %dma_start3A_206 : memref<1x128xf32, #tpu.memory_space<vmem>> -> memref<128xf32, #tpu.memory_space<vmem>>
        %dma_start3A_208 = arith.constant 0 : i32
        %dma_start3A_209 = tpu.memref_slice %arg14[%dma_start3A_204, %dma_start3A_208] : memref<9x128xi32, #tpu.memory_space<vmem>> -> memref<1x128xi32, #tpu.memory_space<vmem>>
        %dma_start3A_210 = tpu.memref_squeeze %dma_start3A_209 : memref<1x128xi32, #tpu.memory_space<vmem>> -> memref<128xi32, #tpu.memory_space<vmem>>
        %dma_start3A_211 = arith.constant 0 : i32
        %dma_start3A_212 = tpu.memref_slice %arg20[%dma_start3A_211] : memref<262144xf32, #tpu.memory_space<vmem_shared>> -> memref<262144xf32, #tpu.memory_space<vmem_shared>>
        tpu.enqueue_indirect_dma source(%dma_start3A_207 : memref<128xf32, #tpu.memory_space<vmem>>) target(%dma_start3A_212 : memref<262144xf32, #tpu.memory_space<vmem_shared>>) offsets(%dma_start3A_210 : memref<128xi32, #tpu.memory_space<vmem>>) semaphore(%arg23 : memref<!tpu.dma_semaphore, #tpu.memory_space<semaphore_mem>>) {add = true}
        %dma_start3A_213 = arith.constant 8 : i32
        %dma_start3A_214 = arith.constant 8 : i32
        %dma_start3A_215 = arith.constant 0 : i32
        %dma_start3A_216 = tpu.memref_slice %arg15[%dma_start3A_213, %dma_start3A_215] : memref<9x128xf32, #tpu.memory_space<vmem>> -> memref<1x128xf32, #tpu.memory_space<vmem>>
        %dma_start3A_217 = tpu.memref_squeeze %dma_start3A_216 : memref<1x128xf32, #tpu.memory_space<vmem>> -> memref<128xf32, #tpu.memory_space<vmem>>
        %dma_start3A_218 = arith.constant 0 : i32
        %dma_start3A_219 = tpu.memref_slice %arg14[%dma_start3A_214, %dma_start3A_218] : memref<9x128xi32, #tpu.memory_space<vmem>> -> memref<1x128xi32, #tpu.memory_space<vmem>>
        %dma_start3A_220 = tpu.memref_squeeze %dma_start3A_219 : memref<1x128xi32, #tpu.memory_space<vmem>> -> memref<128xi32, #tpu.memory_space<vmem>>
        %dma_start3A_221 = arith.constant 0 : i32
        %dma_start3A_222 = tpu.memref_slice %arg20[%dma_start3A_221] : memref<262144xf32, #tpu.memory_space<vmem_shared>> -> memref<262144xf32, #tpu.memory_space<vmem_shared>>
        tpu.enqueue_indirect_dma source(%dma_start3A_217 : memref<128xf32, #tpu.memory_space<vmem>>) target(%dma_start3A_222 : memref<262144xf32, #tpu.memory_space<vmem_shared>>) offsets(%dma_start3A_220 : memref<128xi32, #tpu.memory_space<vmem>>) semaphore(%arg23 : memref<!tpu.dma_semaphore, #tpu.memory_space<semaphore_mem>>) {add = true}
      } else {
      }
      %mul3A_89 = arith.constant 2 : i32
      %mul3A_90 = arith.muli %mul3A_89, %scan3A_70 : i32
      %add3A_91 = arith.constant 1 : i32
      %add3A_92 = arith.addi %mul3A_90, %add3A_91 : i32
      %mul3A_93 = arith.constant 32 : i32
      %mul3A_94 = arith.muli %add3A_92, %mul3A_93 : i32
      %add3A_95 = arith.addi %add3A, %mul3A_94 : i32
      %ge3A_96 = arith.constant 64 : i32
      %ge3A_97 = arith.cmpi sge, %add3A_95, %ge3A_96 : i32
      %lt3A_98 = arith.constant 3189 : i32
      %lt3A_99 = arith.cmpi slt, %add3A_95, %lt3A_98 : i32
      %and3A_100 = arith.andi %ge3A_97, %lt3A_99 : i1
      %convert_element_type3A_101 = arith.extui %and3A_100 : i1 to i32
      %cond3A_102 = arith.constant 0 : i32
      %cond3A_103 = arith.cmpi ne, %convert_element_type3A_101, %cond3A_102 : i32
      scf.if %cond3A_103 {
        %dma_wait3A = arith.constant 0 : i32
        %dma_wait3A_109 = arith.constant 0 : i32
        %dma_wait3A_110 = arith.constant 0 : i32
        %dma_wait3A_111 = tpu.memref_slice %arg17[%dma_wait3A, %dma_wait3A_110] : memref<9x128xf32, #tpu.memory_space<vmem>> -> memref<1x128xf32, #tpu.memory_space<vmem>>
        %dma_wait3A_112 = tpu.memref_squeeze %dma_wait3A_111 : memref<1x128xf32, #tpu.memory_space<vmem>> -> memref<128xf32, #tpu.memory_space<vmem>>
        %dma_wait3A_113 = arith.constant 0 : i32
        %dma_wait3A_114 = tpu.memref_slice %arg16[%dma_wait3A_109, %dma_wait3A_113] : memref<9x128xi32, #tpu.memory_space<vmem>> -> memref<1x128xi32, #tpu.memory_space<vmem>>
        %dma_wait3A_115 = tpu.memref_squeeze %dma_wait3A_114 : memref<1x128xi32, #tpu.memory_space<vmem>> -> memref<128xi32, #tpu.memory_space<vmem>>
        %dma_wait3A_116 = arith.constant 0 : i32
        %dma_wait3A_117 = tpu.memref_slice %arg20[%dma_wait3A_116] : memref<262144xf32, #tpu.memory_space<vmem_shared>> -> memref<262144xf32, #tpu.memory_space<vmem_shared>>
        tpu.wait_indirect_dma semaphore(%arg24 : memref<!tpu.dma_semaphore, #tpu.memory_space<semaphore_mem>>) src(%dma_wait3A_112 : memref<128xf32, #tpu.memory_space<vmem>>) dst(%dma_wait3A_117 : memref<262144xf32, #tpu.memory_space<vmem_shared>>)
        %dma_wait3A_118 = arith.constant 1 : i32
        %dma_wait3A_119 = arith.constant 1 : i32
        %dma_wait3A_120 = arith.constant 0 : i32
        %dma_wait3A_121 = tpu.memref_slice %arg17[%dma_wait3A_118, %dma_wait3A_120] : memref<9x128xf32, #tpu.memory_space<vmem>> -> memref<1x128xf32, #tpu.memory_space<vmem>>
        %dma_wait3A_122 = tpu.memref_squeeze %dma_wait3A_121 : memref<1x128xf32, #tpu.memory_space<vmem>> -> memref<128xf32, #tpu.memory_space<vmem>>
        %dma_wait3A_123 = arith.constant 0 : i32
        %dma_wait3A_124 = tpu.memref_slice %arg16[%dma_wait3A_119, %dma_wait3A_123] : memref<9x128xi32, #tpu.memory_space<vmem>> -> memref<1x128xi32, #tpu.memory_space<vmem>>
        %dma_wait3A_125 = tpu.memref_squeeze %dma_wait3A_124 : memref<1x128xi32, #tpu.memory_space<vmem>> -> memref<128xi32, #tpu.memory_space<vmem>>
        %dma_wait3A_126 = arith.constant 0 : i32
        %dma_wait3A_127 = tpu.memref_slice %arg20[%dma_wait3A_126] : memref<262144xf32, #tpu.memory_space<vmem_shared>> -> memref<262144xf32, #tpu.memory_space<vmem_shared>>
        tpu.wait_indirect_dma semaphore(%arg24 : memref<!tpu.dma_semaphore, #tpu.memory_space<semaphore_mem>>) src(%dma_wait3A_122 : memref<128xf32, #tpu.memory_space<vmem>>) dst(%dma_wait3A_127 : memref<262144xf32, #tpu.memory_space<vmem_shared>>)
        %dma_wait3A_128 = arith.constant 2 : i32
        %dma_wait3A_129 = arith.constant 2 : i32
        %dma_wait3A_130 = arith.constant 0 : i32
        %dma_wait3A_131 = tpu.memref_slice %arg17[%dma_wait3A_128, %dma_wait3A_130] : memref<9x128xf32, #tpu.memory_space<vmem>> -> memref<1x128xf32, #tpu.memory_space<vmem>>
        %dma_wait3A_132 = tpu.memref_squeeze %dma_wait3A_131 : memref<1x128xf32, #tpu.memory_space<vmem>> -> memref<128xf32, #tpu.memory_space<vmem>>
        %dma_wait3A_133 = arith.constant 0 : i32
        %dma_wait3A_134 = tpu.memref_slice %arg16[%dma_wait3A_129, %dma_wait3A_133] : memref<9x128xi32, #tpu.memory_space<vmem>> -> memref<1x128xi32, #tpu.memory_space<vmem>>
        %dma_wait3A_135 = tpu.memref_squeeze %dma_wait3A_134 : memref<1x128xi32, #tpu.memory_space<vmem>> -> memref<128xi32, #tpu.memory_space<vmem>>
        %dma_wait3A_136 = arith.constant 0 : i32
        %dma_wait3A_137 = tpu.memref_slice %arg20[%dma_wait3A_136] : memref<262144xf32, #tpu.memory_space<vmem_shared>> -> memref<262144xf32, #tpu.memory_space<vmem_shared>>
        tpu.wait_indirect_dma semaphore(%arg24 : memref<!tpu.dma_semaphore, #tpu.memory_space<semaphore_mem>>) src(%dma_wait3A_132 : memref<128xf32, #tpu.memory_space<vmem>>) dst(%dma_wait3A_137 : memref<262144xf32, #tpu.memory_space<vmem_shared>>)
        %dma_wait3A_138 = arith.constant 3 : i32
        %dma_wait3A_139 = arith.constant 3 : i32
        %dma_wait3A_140 = arith.constant 0 : i32
        %dma_wait3A_141 = tpu.memref_slice %arg17[%dma_wait3A_138, %dma_wait3A_140] : memref<9x128xf32, #tpu.memory_space<vmem>> -> memref<1x128xf32, #tpu.memory_space<vmem>>
        %dma_wait3A_142 = tpu.memref_squeeze %dma_wait3A_141 : memref<1x128xf32, #tpu.memory_space<vmem>> -> memref<128xf32, #tpu.memory_space<vmem>>
        %dma_wait3A_143 = arith.constant 0 : i32
        %dma_wait3A_144 = tpu.memref_slice %arg16[%dma_wait3A_139, %dma_wait3A_143] : memref<9x128xi32, #tpu.memory_space<vmem>> -> memref<1x128xi32, #tpu.memory_space<vmem>>
        %dma_wait3A_145 = tpu.memref_squeeze %dma_wait3A_144 : memref<1x128xi32, #tpu.memory_space<vmem>> -> memref<128xi32, #tpu.memory_space<vmem>>
        %dma_wait3A_146 = arith.constant 0 : i32
        %dma_wait3A_147 = tpu.memref_slice %arg20[%dma_wait3A_146] : memref<262144xf32, #tpu.memory_space<vmem_shared>> -> memref<262144xf32, #tpu.memory_space<vmem_shared>>
        tpu.wait_indirect_dma semaphore(%arg24 : memref<!tpu.dma_semaphore, #tpu.memory_space<semaphore_mem>>) src(%dma_wait3A_142 : memref<128xf32, #tpu.memory_space<vmem>>) dst(%dma_wait3A_147 : memref<262144xf32, #tpu.memory_space<vmem_shared>>)
        %dma_wait3A_148 = arith.constant 4 : i32
        %dma_wait3A_149 = arith.constant 4 : i32
        %dma_wait3A_150 = arith.constant 0 : i32
        %dma_wait3A_151 = tpu.memref_slice %arg17[%dma_wait3A_148, %dma_wait3A_150] : memref<9x128xf32, #tpu.memory_space<vmem>> -> memref<1x128xf32, #tpu.memory_space<vmem>>
        %dma_wait3A_152 = tpu.memref_squeeze %dma_wait3A_151 : memref<1x128xf32, #tpu.memory_space<vmem>> -> memref<128xf32, #tpu.memory_space<vmem>>
        %dma_wait3A_153 = arith.constant 0 : i32
        %dma_wait3A_154 = tpu.memref_slice %arg16[%dma_wait3A_149, %dma_wait3A_153] : memref<9x128xi32, #tpu.memory_space<vmem>> -> memref<1x128xi32, #tpu.memory_space<vmem>>
        %dma_wait3A_155 = tpu.memref_squeeze %dma_wait3A_154 : memref<1x128xi32, #tpu.memory_space<vmem>> -> memref<128xi32, #tpu.memory_space<vmem>>
        %dma_wait3A_156 = arith.constant 0 : i32
        %dma_wait3A_157 = tpu.memref_slice %arg20[%dma_wait3A_156] : memref<262144xf32, #tpu.memory_space<vmem_shared>> -> memref<262144xf32, #tpu.memory_space<vmem_shared>>
        tpu.wait_indirect_dma semaphore(%arg24 : memref<!tpu.dma_semaphore, #tpu.memory_space<semaphore_mem>>) src(%dma_wait3A_152 : memref<128xf32, #tpu.memory_space<vmem>>) dst(%dma_wait3A_157 : memref<262144xf32, #tpu.memory_space<vmem_shared>>)
        %dma_wait3A_158 = arith.constant 5 : i32
        %dma_wait3A_159 = arith.constant 5 : i32
        %dma_wait3A_160 = arith.constant 0 : i32
        %dma_wait3A_161 = tpu.memref_slice %arg17[%dma_wait3A_158, %dma_wait3A_160] : memref<9x128xf32, #tpu.memory_space<vmem>> -> memref<1x128xf32, #tpu.memory_space<vmem>>
        %dma_wait3A_162 = tpu.memref_squeeze %dma_wait3A_161 : memref<1x128xf32, #tpu.memory_space<vmem>> -> memref<128xf32, #tpu.memory_space<vmem>>
        %dma_wait3A_163 = arith.constant 0 : i32
        %dma_wait3A_164 = tpu.memref_slice %arg16[%dma_wait3A_159, %dma_wait3A_163] : memref<9x128xi32, #tpu.memory_space<vmem>> -> memref<1x128xi32, #tpu.memory_space<vmem>>
        %dma_wait3A_165 = tpu.memref_squeeze %dma_wait3A_164 : memref<1x128xi32, #tpu.memory_space<vmem>> -> memref<128xi32, #tpu.memory_space<vmem>>
        %dma_wait3A_166 = arith.constant 0 : i32
        %dma_wait3A_167 = tpu.memref_slice %arg20[%dma_wait3A_166] : memref<262144xf32, #tpu.memory_space<vmem_shared>> -> memref<262144xf32, #tpu.memory_space<vmem_shared>>
        tpu.wait_indirect_dma semaphore(%arg24 : memref<!tpu.dma_semaphore, #tpu.memory_space<semaphore_mem>>) src(%dma_wait3A_162 : memref<128xf32, #tpu.memory_space<vmem>>) dst(%dma_wait3A_167 : memref<262144xf32, #tpu.memory_space<vmem_shared>>)
        %dma_wait3A_168 = arith.constant 6 : i32
        %dma_wait3A_169 = arith.constant 6 : i32
        %dma_wait3A_170 = arith.constant 0 : i32
        %dma_wait3A_171 = tpu.memref_slice %arg17[%dma_wait3A_168, %dma_wait3A_170] : memref<9x128xf32, #tpu.memory_space<vmem>> -> memref<1x128xf32, #tpu.memory_space<vmem>>
        %dma_wait3A_172 = tpu.memref_squeeze %dma_wait3A_171 : memref<1x128xf32, #tpu.memory_space<vmem>> -> memref<128xf32, #tpu.memory_space<vmem>>
        %dma_wait3A_173 = arith.constant 0 : i32
        %dma_wait3A_174 = tpu.memref_slice %arg16[%dma_wait3A_169, %dma_wait3A_173] : memref<9x128xi32, #tpu.memory_space<vmem>> -> memref<1x128xi32, #tpu.memory_space<vmem>>
        %dma_wait3A_175 = tpu.memref_squeeze %dma_wait3A_174 : memref<1x128xi32, #tpu.memory_space<vmem>> -> memref<128xi32, #tpu.memory_space<vmem>>
        %dma_wait3A_176 = arith.constant 0 : i32
        %dma_wait3A_177 = tpu.memref_slice %arg20[%dma_wait3A_176] : memref<262144xf32, #tpu.memory_space<vmem_shared>> -> memref<262144xf32, #tpu.memory_space<vmem_shared>>
        tpu.wait_indirect_dma semaphore(%arg24 : memref<!tpu.dma_semaphore, #tpu.memory_space<semaphore_mem>>) src(%dma_wait3A_172 : memref<128xf32, #tpu.memory_space<vmem>>) dst(%dma_wait3A_177 : memref<262144xf32, #tpu.memory_space<vmem_shared>>)
        %dma_wait3A_178 = arith.constant 7 : i32
        %dma_wait3A_179 = arith.constant 7 : i32
        %dma_wait3A_180 = arith.constant 0 : i32
        %dma_wait3A_181 = tpu.memref_slice %arg17[%dma_wait3A_178, %dma_wait3A_180] : memref<9x128xf32, #tpu.memory_space<vmem>> -> memref<1x128xf32, #tpu.memory_space<vmem>>
        %dma_wait3A_182 = tpu.memref_squeeze %dma_wait3A_181 : memref<1x128xf32, #tpu.memory_space<vmem>> -> memref<128xf32, #tpu.memory_space<vmem>>
        %dma_wait3A_183 = arith.constant 0 : i32
        %dma_wait3A_184 = tpu.memref_slice %arg16[%dma_wait3A_179, %dma_wait3A_183] : memref<9x128xi32, #tpu.memory_space<vmem>> -> memref<1x128xi32, #tpu.memory_space<vmem>>
        %dma_wait3A_185 = tpu.memref_squeeze %dma_wait3A_184 : memref<1x128xi32, #tpu.memory_space<vmem>> -> memref<128xi32, #tpu.memory_space<vmem>>
        %dma_wait3A_186 = arith.constant 0 : i32
        %dma_wait3A_187 = tpu.memref_slice %arg20[%dma_wait3A_186] : memref<262144xf32, #tpu.memory_space<vmem_shared>> -> memref<262144xf32, #tpu.memory_space<vmem_shared>>
        tpu.wait_indirect_dma semaphore(%arg24 : memref<!tpu.dma_semaphore, #tpu.memory_space<semaphore_mem>>) src(%dma_wait3A_182 : memref<128xf32, #tpu.memory_space<vmem>>) dst(%dma_wait3A_187 : memref<262144xf32, #tpu.memory_space<vmem_shared>>)
        %dma_wait3A_188 = arith.constant 8 : i32
        %dma_wait3A_189 = arith.constant 8 : i32
        %dma_wait3A_190 = arith.constant 0 : i32
        %dma_wait3A_191 = tpu.memref_slice %arg17[%dma_wait3A_188, %dma_wait3A_190] : memref<9x128xf32, #tpu.memory_space<vmem>> -> memref<1x128xf32, #tpu.memory_space<vmem>>
        %dma_wait3A_192 = tpu.memref_squeeze %dma_wait3A_191 : memref<1x128xf32, #tpu.memory_space<vmem>> -> memref<128xf32, #tpu.memory_space<vmem>>
        %dma_wait3A_193 = arith.constant 0 : i32
        %dma_wait3A_194 = tpu.memref_slice %arg16[%dma_wait3A_189, %dma_wait3A_193] : memref<9x128xi32, #tpu.memory_space<vmem>> -> memref<1x128xi32, #tpu.memory_space<vmem>>
        %dma_wait3A_195 = tpu.memref_squeeze %dma_wait3A_194 : memref<1x128xi32, #tpu.memory_space<vmem>> -> memref<128xi32, #tpu.memory_space<vmem>>
        %dma_wait3A_196 = arith.constant 0 : i32
        %dma_wait3A_197 = tpu.memref_slice %arg20[%dma_wait3A_196] : memref<262144xf32, #tpu.memory_space<vmem_shared>> -> memref<262144xf32, #tpu.memory_space<vmem_shared>>
        tpu.wait_indirect_dma semaphore(%arg24 : memref<!tpu.dma_semaphore, #tpu.memory_space<semaphore_mem>>) src(%dma_wait3A_192 : memref<128xf32, #tpu.memory_space<vmem>>) dst(%dma_wait3A_197 : memref<262144xf32, #tpu.memory_space<vmem_shared>>)
      } else {
      }
      %lt3A_104 = arith.constant 3125 : i32
      %lt3A_105 = arith.cmpi slt, %add3A_95, %lt3A_104 : i32
      %convert_element_type3A_106 = arith.extui %lt3A_105 : i1 to i32
      %cond3A_107 = arith.constant 0 : i32
      %cond3A_108 = arith.cmpi ne, %convert_element_type3A_106, %cond3A_107 : i32
      scf.if %cond3A_108 {
        %mul3A_109 = arith.constant 128 : i32
        %mul3A_110 = arith.muli %add3A_95, %mul3A_109 : i32
        %add3A_111 = arith.constant 0 : i32
        %add3A_112 = arith.addi %add3A_111, %mul3A_110 : i32
        %min3A = arith.constant 399872 : i32
        %min3A_113 = arith.minsi %add3A_112, %min3A : i32
        %mul3A_114 = arith.constant 128 : i32
        %mul3A_115 = arith.muli %add3A_95, %mul3A_114 : i32
        %add3A_116 = arith.constant 0 : i32
        %add3A_117 = arith.addi %add3A_116, %mul3A_115 : i32
        %dma_wait3A = arith.constant 0 : i32
        %dma_wait3A_118 = tpu.memref_slice %arg2[%dma_wait3A] : memref<1020000xf32, #tpu.memory_space<hbm>> -> memref<512xf32, #tpu.memory_space<hbm>>
        %dma_wait3A_119 = arith.constant 0 : i32
        %dma_wait3A_120 = tpu.memref_slice %arg2[%dma_wait3A_119] : memref<1020000xf32, #tpu.memory_space<hbm>> -> memref<512xf32, #tpu.memory_space<hbm>>
        tpu.wait_dma2 semaphore(%arg22 : memref<!tpu.dma_semaphore, #tpu.memory_space<semaphore_mem>>) src(%dma_wait3A_120 : memref<512xf32, #tpu.memory_space<hbm>>) dst(%arg19 : memref<512xf32, #tpu.memory_space<vmem>>)
        %scan3A_121 = arith.constant 0 : i32
        %scan3A_122 = arith.constant 0 : i32
        %scan3A_123 = arith.constant 8 : i32
        %scan3A_124 = arith.addi %scan3A_122, %scan3A_123 : i32
        %scan3A_125 = arith.constant 1 : i32
        scf.for %scan3A_223 = %scan3A_122 to %scan3A_124 step %scan3A_125  : i32 {
          %mul3A_224 = arith.constant 16 : i32
          %mul3A_225 = arith.muli %scan3A_223, %mul3A_224 : i32
          %get3A = arith.index_cast %mul3A_225 : i32 to index
          %get3A_226 = tpu.vector_load %arg10[%get3A] {strides = array<i32>} : memref<128xf32, #tpu.memory_space<vmem>>, vector<16xf32>,
          %get3A_227 = vector.shape_cast %get3A_226 : vector<16xf32> to vector<16xf32>
          %get3A_228 = arith.index_cast %mul3A_225 : i32 to index
          %get3A_229 = tpu.vector_load %arg11[%get3A_228] {strides = array<i32>} : memref<128xf32, #tpu.memory_space<vmem>>, vector<16xf32>,
          %get3A_230 = vector.shape_cast %get3A_229 : vector<16xf32> to vector<16xf32>
          %get3A_231 = arith.index_cast %mul3A_225 : i32 to index
          %get3A_232 = tpu.vector_load %arg12[%get3A_231] {strides = array<i32>} : memref<128xf32, #tpu.memory_space<vmem>>, vector<16xf32>,
          %get3A_233 = vector.shape_cast %get3A_232 : vector<16xf32> to vector<16xf32>
          %add3A_234 = arith.addf %get3A_227, %get3A_233 : vector<16xf32>
          %get3A_235 = arith.index_cast %mul3A_225 : i32 to index
          %get3A_236 = tpu.vector_load %arg13[%get3A_235] {strides = array<i32>} : memref<128xf32, #tpu.memory_space<vmem>>, vector<16xf32>,
          %get3A_237 = vector.shape_cast %get3A_236 : vector<16xf32> to vector<16xf32>
          %add3A_238 = arith.addf %get3A_230, %get3A_237 : vector<16xf32>
          %mul3A_239 = arith.constant 5.000000e-01 : f32
          %mul3A_240 = vector.broadcast %mul3A_239 : f32 to vector<16xf32>
          %mul3A_241 = arith.mulf %get3A_227, %mul3A_240 : vector<16xf32>
          %convert_element_type3A_242 = arith.fptosi %mul3A_241 : vector<16xf32> to vector<16xi32>
          %mul3A_243 = arith.constant 5.000000e-01 : f32
          %mul3A_244 = vector.broadcast %mul3A_243 : f32 to vector<16xf32>
          %mul3A_245 = arith.mulf %get3A_230, %mul3A_244 : vector<16xf32>
          %convert_element_type3A_246 = arith.fptosi %mul3A_245 : vector<16xf32> to vector<16xi32>
          %convert_element_type3A_247 = arith.sitofp %convert_element_type3A_242 : vector<16xi32> to vector<16xf32>
          %mul3A_248 = arith.constant 2.000000e+00 : f32
          %mul3A_249 = vector.broadcast %mul3A_248 : f32 to vector<16xf32>
          %mul3A_250 = arith.mulf %convert_element_type3A_247, %mul3A_249 : vector<16xf32>
          %convert_element_type3A_251 = arith.sitofp %convert_element_type3A_246 : vector<16xi32> to vector<16xf32>
          %mul3A_252 = arith.constant 2.000000e+00 : f32
          %mul3A_253 = vector.broadcast %mul3A_252 : f32 to vector<16xf32>
          %mul3A_254 = arith.mulf %convert_element_type3A_251, %mul3A_253 : vector<16xf32>
          %mul3A_255 = arith.constant 512 : i32
          %mul3A_256 = vector.broadcast %mul3A_255 : i32 to vector<16xi32>
          %mul3A_257 = arith.muli %convert_element_type3A_242, %mul3A_256 : vector<16xi32>
          %add3A_258 = arith.addi %mul3A_257, %convert_element_type3A_246 : vector<16xi32>
          %add3A_259 = arith.constant 0.000000e+00 : f32
          %add3A_260 = vector.broadcast %add3A_259 : f32 to vector<16xf32>
          %add3A_261 = arith.addf %mul3A_254, %add3A_260 : vector<16xf32>
          %add3A_262 = arith.constant 2.000000e+00 : f32
          %add3A_263 = vector.broadcast %add3A_262 : f32 to vector<16xf32>
          %add3A_264 = arith.addf %add3A_261, %add3A_263 : vector<16xf32>
          %min3A_265 = arith.minimumf %add3A_238, %add3A_264 : vector<16xf32>
          %max3A = arith.maximumf %get3A_230, %add3A_261 : vector<16xf32>
          %sub3A = arith.subf %min3A_265, %max3A : vector<16xf32>
          %max3A_266 = arith.constant 0.000000e+00 : f32
          %max3A_267 = vector.broadcast %max3A_266 : f32 to vector<16xf32>
          %max3A_268 = arith.maximumf %sub3A, %max3A_267 : vector<16xf32>
          %add3A_269 = arith.constant 2.000000e+00 : f32
          %add3A_270 = vector.broadcast %add3A_269 : f32 to vector<16xf32>
          %add3A_271 = arith.addf %mul3A_254, %add3A_270 : vector<16xf32>
          %add3A_272 = arith.constant 2.000000e+00 : f32
          %add3A_273 = vector.broadcast %add3A_272 : f32 to vector<16xf32>
          %add3A_274 = arith.addf %add3A_271, %add3A_273 : vector<16xf32>
          %min3A_275 = arith.minimumf %add3A_238, %add3A_274 : vector<16xf32>
          %max3A_276 = arith.maximumf %get3A_230, %add3A_271 : vector<16xf32>
          %sub3A_277 = arith.subf %min3A_275, %max3A_276 : vector<16xf32>
          %max3A_278 = arith.constant 0.000000e+00 : f32
          %max3A_279 = vector.broadcast %max3A_278 : f32 to vector<16xf32>
          %max3A_280 = arith.maximumf %sub3A_277, %max3A_279 : vector<16xf32>
          %add3A_281 = arith.constant 4.000000e+00 : f32
          %add3A_282 = vector.broadcast %add3A_281 : f32 to vector<16xf32>
          %add3A_283 = arith.addf %mul3A_254, %add3A_282 : vector<16xf32>
          %add3A_284 = arith.constant 2.000000e+00 : f32
          %add3A_285 = vector.broadcast %add3A_284 : f32 to vector<16xf32>
          %add3A_286 = arith.addf %add3A_283, %add3A_285 : vector<16xf32>
          %min3A_287 = arith.minimumf %add3A_238, %add3A_286 : vector<16xf32>
          %max3A_288 = arith.maximumf %get3A_230, %add3A_283 : vector<16xf32>
          %sub3A_289 = arith.subf %min3A_287, %max3A_288 : vector<16xf32>
          %max3A_290 = arith.constant 0.000000e+00 : f32
          %max3A_291 = vector.broadcast %max3A_290 : f32 to vector<16xf32>
          %max3A_292 = arith.maximumf %sub3A_289, %max3A_291 : vector<16xf32>
          %add3A_293 = arith.constant 0.000000e+00 : f32
          %add3A_294 = vector.broadcast %add3A_293 : f32 to vector<16xf32>
          %add3A_295 = arith.addf %mul3A_250, %add3A_294 : vector<16xf32>
          %add3A_296 = arith.constant 2.000000e+00 : f32
          %add3A_297 = vector.broadcast %add3A_296 : f32 to vector<16xf32>
          %add3A_298 = arith.addf %add3A_295, %add3A_297 : vector<16xf32>
          %min3A_299 = arith.minimumf %add3A_234, %add3A_298 : vector<16xf32>
          %max3A_300 = arith.maximumf %get3A_227, %add3A_295 : vector<16xf32>
          %sub3A_301 = arith.subf %min3A_299, %max3A_300 : vector<16xf32>
          %max3A_302 = arith.constant 0.000000e+00 : f32
          %max3A_303 = vector.broadcast %max3A_302 : f32 to vector<16xf32>
          %max3A_304 = arith.maximumf %sub3A_301, %max3A_303 : vector<16xf32>
          %add3A_305 = arith.constant 2.000000e+00 : f32
          %add3A_306 = vector.broadcast %add3A_305 : f32 to vector<16xf32>
          %add3A_307 = arith.addf %mul3A_250, %add3A_306 : vector<16xf32>
          %add3A_308 = arith.constant 2.000000e+00 : f32
          %add3A_309 = vector.broadcast %add3A_308 : f32 to vector<16xf32>
          %add3A_310 = arith.addf %add3A_307, %add3A_309 : vector<16xf32>
          %min3A_311 = arith.minimumf %add3A_234, %add3A_310 : vector<16xf32>
          %max3A_312 = arith.maximumf %get3A_227, %add3A_307 : vector<16xf32>
          %sub3A_313 = arith.subf %min3A_311, %max3A_312 : vector<16xf32>
          %max3A_314 = arith.constant 0.000000e+00 : f32
          %max3A_315 = vector.broadcast %max3A_314 : f32 to vector<16xf32>
          %max3A_316 = arith.maximumf %sub3A_313, %max3A_315 : vector<16xf32>
          %add3A_317 = arith.constant 4.000000e+00 : f32
          %add3A_318 = vector.broadcast %add3A_317 : f32 to vector<16xf32>
          %add3A_319 = arith.addf %mul3A_250, %add3A_318 : vector<16xf32>
          %add3A_320 = arith.constant 2.000000e+00 : f32
          %add3A_321 = vector.broadcast %add3A_320 : f32 to vector<16xf32>
          %add3A_322 = arith.addf %add3A_319, %add3A_321 : vector<16xf32>
          %min3A_323 = arith.minimumf %add3A_234, %add3A_322 : vector<16xf32>
          %max3A_324 = arith.maximumf %get3A_227, %add3A_319 : vector<16xf32>
          %sub3A_325 = arith.subf %min3A_323, %max3A_324 : vector<16xf32>
          %max3A_326 = arith.constant 0.000000e+00 : f32
          %max3A_327 = vector.broadcast %max3A_326 : f32 to vector<16xf32>
          %max3A_328 = arith.maximumf %sub3A_325, %max3A_327 : vector<16xf32>
          %add3A_329 = arith.constant 0 : i32
          %add3A_330 = vector.broadcast %add3A_329 : i32 to vector<16xi32>
          %add3A_331 = arith.addi %add3A_258, %add3A_330 : vector<16xi32>
          %swap3A = arith.constant 0 : i32
          %swap3A_332 = arith.index_cast %swap3A : i32 to index
          %swap3A_333 = arith.index_cast %mul3A_225 : i32 to index
          %swap3A_334 = tpu.vector_load %arg16[%swap3A_332, %swap3A_333] {strides = array<i32>} : memref<9x128xi32, #tpu.memory_space<vmem>>, vector<1x16xi32>,
          %swap3A_335 = vector.shape_cast %swap3A_334 : vector<1x16xi32> to vector<16xi32>
          %swap3A_336 = vector.shape_cast %add3A_331 : vector<16xi32> to vector<1x16xi32>
          tpu.vector_store %arg16[%swap3A_332, %swap3A_333], %swap3A_336 {strides = array<i32>} : memref<9x128xi32, #tpu.memory_space<vmem>>, vector<1x16xi32>,
          %mul3A_337 = arith.mulf %max3A_304, %max3A_268 : vector<16xf32>
          %swap3A_338 = arith.constant 0 : i32
          %swap3A_339 = arith.index_cast %swap3A_338 : i32 to index
          %swap3A_340 = arith.index_cast %mul3A_225 : i32 to index
          %swap3A_341 = tpu.vector_load %arg17[%swap3A_339, %swap3A_340] {strides = array<i32>} : memref<9x128xf32, #tpu.memory_space<vmem>>, vector<1x16xf32>,
          %swap3A_342 = vector.shape_cast %swap3A_341 : vector<1x16xf32> to vector<16xf32>
          %swap3A_343 = vector.shape_cast %mul3A_337 : vector<16xf32> to vector<1x16xf32>
          tpu.vector_store %arg17[%swap3A_339, %swap3A_340], %swap3A_343 {strides = array<i32>} : memref<9x128xf32, #tpu.memory_space<vmem>>, vector<1x16xf32>,
          %add3A_344 = arith.constant 1 : i32
          %add3A_345 = vector.broadcast %add3A_344 : i32 to vector<16xi32>
          %add3A_346 = arith.addi %add3A_258, %add3A_345 : vector<16xi32>
          %swap3A_347 = arith.constant 1 : i32
          %swap3A_348 = arith.index_cast %swap3A_347 : i32 to index
          %swap3A_349 = arith.index_cast %mul3A_225 : i32 to index
          %swap3A_350 = tpu.vector_load %arg16[%swap3A_348, %swap3A_349] {strides = array<i32>} : memref<9x128xi32, #tpu.memory_space<vmem>>, vector<1x16xi32>,
          %swap3A_351 = vector.shape_cast %swap3A_350 : vector<1x16xi32> to vector<16xi32>
          %swap3A_352 = vector.shape_cast %add3A_346 : vector<16xi32> to vector<1x16xi32>
          tpu.vector_store %arg16[%swap3A_348, %swap3A_349], %swap3A_352 {strides = array<i32>} : memref<9x128xi32, #tpu.memory_space<vmem>>, vector<1x16xi32>,
          %mul3A_353 = arith.mulf %max3A_304, %max3A_280 : vector<16xf32>
          %swap3A_354 = arith.constant 1 : i32
          %swap3A_355 = arith.index_cast %swap3A_354 : i32 to index
          %swap3A_356 = arith.index_cast %mul3A_225 : i32 to index
          %swap3A_357 = tpu.vector_load %arg17[%swap3A_355, %swap3A_356] {strides = array<i32>} : memref<9x128xf32, #tpu.memory_space<vmem>>, vector<1x16xf32>,
          %swap3A_358 = vector.shape_cast %swap3A_357 : vector<1x16xf32> to vector<16xf32>
          %swap3A_359 = vector.shape_cast %mul3A_353 : vector<16xf32> to vector<1x16xf32>
          tpu.vector_store %arg17[%swap3A_355, %swap3A_356], %swap3A_359 {strides = array<i32>} : memref<9x128xf32, #tpu.memory_space<vmem>>, vector<1x16xf32>,
          %add3A_360 = arith.constant 2 : i32
          %add3A_361 = vector.broadcast %add3A_360 : i32 to vector<16xi32>
          %add3A_362 = arith.addi %add3A_258, %add3A_361 : vector<16xi32>
          %swap3A_363 = arith.constant 2 : i32
          %swap3A_364 = arith.index_cast %swap3A_363 : i32 to index
          %swap3A_365 = arith.index_cast %mul3A_225 : i32 to index
          %swap3A_366 = tpu.vector_load %arg16[%swap3A_364, %swap3A_365] {strides = array<i32>} : memref<9x128xi32, #tpu.memory_space<vmem>>, vector<1x16xi32>,
          %swap3A_367 = vector.shape_cast %swap3A_366 : vector<1x16xi32> to vector<16xi32>
          %swap3A_368 = vector.shape_cast %add3A_362 : vector<16xi32> to vector<1x16xi32>
          tpu.vector_store %arg16[%swap3A_364, %swap3A_365], %swap3A_368 {strides = array<i32>} : memref<9x128xi32, #tpu.memory_space<vmem>>, vector<1x16xi32>,
          %mul3A_369 = arith.mulf %max3A_304, %max3A_292 : vector<16xf32>
          %swap3A_370 = arith.constant 2 : i32
          %swap3A_371 = arith.index_cast %swap3A_370 : i32 to index
          %swap3A_372 = arith.index_cast %mul3A_225 : i32 to index
          %swap3A_373 = tpu.vector_load %arg17[%swap3A_371, %swap3A_372] {strides = array<i32>} : memref<9x128xf32, #tpu.memory_space<vmem>>, vector<1x16xf32>,
          %swap3A_374 = vector.shape_cast %swap3A_373 : vector<1x16xf32> to vector<16xf32>
          %swap3A_375 = vector.shape_cast %mul3A_369 : vector<16xf32> to vector<1x16xf32>
          tpu.vector_store %arg17[%swap3A_371, %swap3A_372], %swap3A_375 {strides = array<i32>} : memref<9x128xf32, #tpu.memory_space<vmem>>, vector<1x16xf32>,
          %add3A_376 = arith.constant 512 : i32
          %add3A_377 = vector.broadcast %add3A_376 : i32 to vector<16xi32>
          %add3A_378 = arith.addi %add3A_258, %add3A_377 : vector<16xi32>
          %swap3A_379 = arith.constant 3 : i32
          %swap3A_380 = arith.index_cast %swap3A_379 : i32 to index
          %swap3A_381 = arith.index_cast %mul3A_225 : i32 to index
          %swap3A_382 = tpu.vector_load %arg16[%swap3A_380, %swap3A_381] {strides = array<i32>} : memref<9x128xi32, #tpu.memory_space<vmem>>, vector<1x16xi32>,
          %swap3A_383 = vector.shape_cast %swap3A_382 : vector<1x16xi32> to vector<16xi32>
          %swap3A_384 = vector.shape_cast %add3A_378 : vector<16xi32> to vector<1x16xi32>
          tpu.vector_store %arg16[%swap3A_380, %swap3A_381], %swap3A_384 {strides = array<i32>} : memref<9x128xi32, #tpu.memory_space<vmem>>, vector<1x16xi32>,
          %mul3A_385 = arith.mulf %max3A_316, %max3A_268 : vector<16xf32>
          %swap3A_386 = arith.constant 3 : i32
          %swap3A_387 = arith.index_cast %swap3A_386 : i32 to index
          %swap3A_388 = arith.index_cast %mul3A_225 : i32 to index
          %swap3A_389 = tpu.vector_load %arg17[%swap3A_387, %swap3A_388] {strides = array<i32>} : memref<9x128xf32, #tpu.memory_space<vmem>>, vector<1x16xf32>,
          %swap3A_390 = vector.shape_cast %swap3A_389 : vector<1x16xf32> to vector<16xf32>
          %swap3A_391 = vector.shape_cast %mul3A_385 : vector<16xf32> to vector<1x16xf32>
          tpu.vector_store %arg17[%swap3A_387, %swap3A_388], %swap3A_391 {strides = array<i32>} : memref<9x128xf32, #tpu.memory_space<vmem>>, vector<1x16xf32>,
          %add3A_392 = arith.constant 513 : i32
          %add3A_393 = vector.broadcast %add3A_392 : i32 to vector<16xi32>
          %add3A_394 = arith.addi %add3A_258, %add3A_393 : vector<16xi32>
          %swap3A_395 = arith.constant 4 : i32
          %swap3A_396 = arith.index_cast %swap3A_395 : i32 to index
          %swap3A_397 = arith.index_cast %mul3A_225 : i32 to index
          %swap3A_398 = tpu.vector_load %arg16[%swap3A_396, %swap3A_397] {strides = array<i32>} : memref<9x128xi32, #tpu.memory_space<vmem>>, vector<1x16xi32>,
          %swap3A_399 = vector.shape_cast %swap3A_398 : vector<1x16xi32> to vector<16xi32>
          %swap3A_400 = vector.shape_cast %add3A_394 : vector<16xi32> to vector<1x16xi32>
          tpu.vector_store %arg16[%swap3A_396, %swap3A_397], %swap3A_400 {strides = array<i32>} : memref<9x128xi32, #tpu.memory_space<vmem>>, vector<1x16xi32>,
          %mul3A_401 = arith.mulf %max3A_316, %max3A_280 : vector<16xf32>
          %swap3A_402 = arith.constant 4 : i32
          %swap3A_403 = arith.index_cast %swap3A_402 : i32 to index
          %swap3A_404 = arith.index_cast %mul3A_225 : i32 to index
          %swap3A_405 = tpu.vector_load %arg17[%swap3A_403, %swap3A_404] {strides = array<i32>} : memref<9x128xf32, #tpu.memory_space<vmem>>, vector<1x16xf32>,
          %swap3A_406 = vector.shape_cast %swap3A_405 : vector<1x16xf32> to vector<16xf32>
          %swap3A_407 = vector.shape_cast %mul3A_401 : vector<16xf32> to vector<1x16xf32>
          tpu.vector_store %arg17[%swap3A_403, %swap3A_404], %swap3A_407 {strides = array<i32>} : memref<9x128xf32, #tpu.memory_space<vmem>>, vector<1x16xf32>,
          %add3A_408 = arith.constant 514 : i32
          %add3A_409 = vector.broadcast %add3A_408 : i32 to vector<16xi32>
          %add3A_410 = arith.addi %add3A_258, %add3A_409 : vector<16xi32>
          %swap3A_411 = arith.constant 5 : i32
          %swap3A_412 = arith.index_cast %swap3A_411 : i32 to index
          %swap3A_413 = arith.index_cast %mul3A_225 : i32 to index
          %swap3A_414 = tpu.vector_load %arg16[%swap3A_412, %swap3A_413] {strides = array<i32>} : memref<9x128xi32, #tpu.memory_space<vmem>>, vector<1x16xi32>,
          %swap3A_415 = vector.shape_cast %swap3A_414 : vector<1x16xi32> to vector<16xi32>
          %swap3A_416 = vector.shape_cast %add3A_410 : vector<16xi32> to vector<1x16xi32>
          tpu.vector_store %arg16[%swap3A_412, %swap3A_413], %swap3A_416 {strides = array<i32>} : memref<9x128xi32, #tpu.memory_space<vmem>>, vector<1x16xi32>,
          %mul3A_417 = arith.mulf %max3A_316, %max3A_292 : vector<16xf32>
          %swap3A_418 = arith.constant 5 : i32
          %swap3A_419 = arith.index_cast %swap3A_418 : i32 to index
          %swap3A_420 = arith.index_cast %mul3A_225 : i32 to index
          %swap3A_421 = tpu.vector_load %arg17[%swap3A_419, %swap3A_420] {strides = array<i32>} : memref<9x128xf32, #tpu.memory_space<vmem>>, vector<1x16xf32>,
          %swap3A_422 = vector.shape_cast %swap3A_421 : vector<1x16xf32> to vector<16xf32>
          %swap3A_423 = vector.shape_cast %mul3A_417 : vector<16xf32> to vector<1x16xf32>
          tpu.vector_store %arg17[%swap3A_419, %swap3A_420], %swap3A_423 {strides = array<i32>} : memref<9x128xf32, #tpu.memory_space<vmem>>, vector<1x16xf32>,
          %add3A_424 = arith.constant 1024 : i32
          %add3A_425 = vector.broadcast %add3A_424 : i32 to vector<16xi32>
          %add3A_426 = arith.addi %add3A_258, %add3A_425 : vector<16xi32>
          %swap3A_427 = arith.constant 6 : i32
          %swap3A_428 = arith.index_cast %swap3A_427 : i32 to index
          %swap3A_429 = arith.index_cast %mul3A_225 : i32 to index
          %swap3A_430 = tpu.vector_load %arg16[%swap3A_428, %swap3A_429] {strides = array<i32>} : memref<9x128xi32, #tpu.memory_space<vmem>>, vector<1x16xi32>,
          %swap3A_431 = vector.shape_cast %swap3A_430 : vector<1x16xi32> to vector<16xi32>
          %swap3A_432 = vector.shape_cast %add3A_426 : vector<16xi32> to vector<1x16xi32>
          tpu.vector_store %arg16[%swap3A_428, %swap3A_429], %swap3A_432 {strides = array<i32>} : memref<9x128xi32, #tpu.memory_space<vmem>>, vector<1x16xi32>,
          %mul3A_433 = arith.mulf %max3A_328, %max3A_268 : vector<16xf32>
          %swap3A_434 = arith.constant 6 : i32
          %swap3A_435 = arith.index_cast %swap3A_434 : i32 to index
          %swap3A_436 = arith.index_cast %mul3A_225 : i32 to index
          %swap3A_437 = tpu.vector_load %arg17[%swap3A_435, %swap3A_436] {strides = array<i32>} : memref<9x128xf32, #tpu.memory_space<vmem>>, vector<1x16xf32>,
          %swap3A_438 = vector.shape_cast %swap3A_437 : vector<1x16xf32> to vector<16xf32>
          %swap3A_439 = vector.shape_cast %mul3A_433 : vector<16xf32> to vector<1x16xf32>
          tpu.vector_store %arg17[%swap3A_435, %swap3A_436], %swap3A_439 {strides = array<i32>} : memref<9x128xf32, #tpu.memory_space<vmem>>, vector<1x16xf32>,
          %add3A_440 = arith.constant 1025 : i32
          %add3A_441 = vector.broadcast %add3A_440 : i32 to vector<16xi32>
          %add3A_442 = arith.addi %add3A_258, %add3A_441 : vector<16xi32>
          %swap3A_443 = arith.constant 7 : i32
          %swap3A_444 = arith.index_cast %swap3A_443 : i32 to index
          %swap3A_445 = arith.index_cast %mul3A_225 : i32 to index
          %swap3A_446 = tpu.vector_load %arg16[%swap3A_444, %swap3A_445] {strides = array<i32>} : memref<9x128xi32, #tpu.memory_space<vmem>>, vector<1x16xi32>,
          %swap3A_447 = vector.shape_cast %swap3A_446 : vector<1x16xi32> to vector<16xi32>
          %swap3A_448 = vector.shape_cast %add3A_442 : vector<16xi32> to vector<1x16xi32>
          tpu.vector_store %arg16[%swap3A_444, %swap3A_445], %swap3A_448 {strides = array<i32>} : memref<9x128xi32, #tpu.memory_space<vmem>>, vector<1x16xi32>,
          %mul3A_449 = arith.mulf %max3A_328, %max3A_280 : vector<16xf32>
          %swap3A_450 = arith.constant 7 : i32
          %swap3A_451 = arith.index_cast %swap3A_450 : i32 to index
          %swap3A_452 = arith.index_cast %mul3A_225 : i32 to index
          %swap3A_453 = tpu.vector_load %arg17[%swap3A_451, %swap3A_452] {strides = array<i32>} : memref<9x128xf32, #tpu.memory_space<vmem>>, vector<1x16xf32>,
          %swap3A_454 = vector.shape_cast %swap3A_453 : vector<1x16xf32> to vector<16xf32>
          %swap3A_455 = vector.shape_cast %mul3A_449 : vector<16xf32> to vector<1x16xf32>
          tpu.vector_store %arg17[%swap3A_451, %swap3A_452], %swap3A_455 {strides = array<i32>} : memref<9x128xf32, #tpu.memory_space<vmem>>, vector<1x16xf32>,
          %add3A_456 = arith.constant 1026 : i32
          %add3A_457 = vector.broadcast %add3A_456 : i32 to vector<16xi32>
          %add3A_458 = arith.addi %add3A_258, %add3A_457 : vector<16xi32>
          %swap3A_459 = arith.constant 8 : i32
          %swap3A_460 = arith.index_cast %swap3A_459 : i32 to index
          %swap3A_461 = arith.index_cast %mul3A_225 : i32 to index
          %swap3A_462 = tpu.vector_load %arg16[%swap3A_460, %swap3A_461] {strides = array<i32>} : memref<9x128xi32, #tpu.memory_space<vmem>>, vector<1x16xi32>,
          %swap3A_463 = vector.shape_cast %swap3A_462 : vector<1x16xi32> to vector<16xi32>
          %swap3A_464 = vector.shape_cast %add3A_458 : vector<16xi32> to vector<1x16xi32>
          tpu.vector_store %arg16[%swap3A_460, %swap3A_461], %swap3A_464 {strides = array<i32>} : memref<9x128xi32, #tpu.memory_space<vmem>>, vector<1x16xi32>,
          %mul3A_465 = arith.mulf %max3A_328, %max3A_292 : vector<16xf32>
          %swap3A_466 = arith.constant 8 : i32
          %swap3A_467 = arith.index_cast %swap3A_466 : i32 to index
          %swap3A_468 = arith.index_cast %mul3A_225 : i32 to index
          %swap3A_469 = tpu.vector_load %arg17[%swap3A_467, %swap3A_468] {strides = array<i32>} : memref<9x128xf32, #tpu.memory_space<vmem>>, vector<1x16xf32>,
          %swap3A_470 = vector.shape_cast %swap3A_469 : vector<1x16xf32> to vector<16xf32>
          %swap3A_471 = vector.shape_cast %mul3A_465 : vector<16xf32> to vector<1x16xf32>
          tpu.vector_store %arg17[%swap3A_467, %swap3A_468], %swap3A_471 {strides = array<i32>} : memref<9x128xf32, #tpu.memory_space<vmem>>, vector<1x16xf32>,
        }
        %scan3A_126 = arith.constant 8 : i32
        %add3A_127 = arith.constant 64 : i32
        %add3A_128 = arith.addi %add3A_95, %add3A_127 : i32
        %lt3A_129 = arith.constant 3125 : i32
        %lt3A_130 = arith.cmpi slt, %add3A_128, %lt3A_129 : i32
        %convert_element_type3A_131 = arith.extui %lt3A_130 : i1 to i32
        %cond3A_132 = arith.constant 0 : i32
        %cond3A_133 = arith.cmpi ne, %convert_element_type3A_131, %cond3A_132 : i32
        scf.if %cond3A_133 {
          %add3A_223 = arith.constant 64 : i32
          %add3A_224 = arith.addi %add3A_95, %add3A_223 : i32
          %mul3A_225 = arith.constant 128 : i32
          %mul3A_226 = arith.muli %add3A_224, %mul3A_225 : i32
          %add3A_227 = arith.constant 0 : i32
          %add3A_228 = arith.addi %add3A_227, %mul3A_226 : i32
          %min3A_229 = arith.constant 399872 : i32
          %min3A_230 = arith.minsi %add3A_228, %min3A_229 : i32
          %dma_start3A_231 = tpu.memref_slice %arg2[%min3A_230] : memref<1020000xf32, #tpu.memory_space<hbm>> -> memref<128xf32, #tpu.memory_space<hbm>>
          %dma_start3A_232 = tpu.memref_slice %arg2[%min3A_230] : memref<1020000xf32, #tpu.memory_space<hbm>> -> memref<128xf32, #tpu.memory_space<hbm>>
          tpu.enqueue_dma source(%dma_start3A_232 : memref<128xf32, #tpu.memory_space<hbm>>) target(%arg10 : memref<128xf32, #tpu.memory_space<vmem>>) target_semaphore(%arg22 : memref<!tpu.dma_semaphore, #tpu.memory_space<semaphore_mem>>)
          %add3A_233 = arith.constant 510000 : i32
          %add3A_234 = arith.addi %add3A_233, %min3A_230 : i32
          %dma_start3A_235 = tpu.memref_slice %arg2[%add3A_234] : memref<1020000xf32, #tpu.memory_space<hbm>> -> memref<128xf32, #tpu.memory_space<hbm>>
          %dma_start3A_236 = tpu.memref_slice %arg2[%add3A_234] : memref<1020000xf32, #tpu.memory_space<hbm>> -> memref<128xf32, #tpu.memory_space<hbm>>
          tpu.enqueue_dma source(%dma_start3A_236 : memref<128xf32, #tpu.memory_space<hbm>>) target(%arg11 : memref<128xf32, #tpu.memory_space<vmem>>) target_semaphore(%arg22 : memref<!tpu.dma_semaphore, #tpu.memory_space<semaphore_mem>>)
          %dma_start3A_237 = tpu.memref_slice %arg3[%min3A_230] : memref<510000xf32, #tpu.memory_space<hbm>> -> memref<128xf32, #tpu.memory_space<hbm>>
          %dma_start3A_238 = tpu.memref_slice %arg3[%min3A_230] : memref<510000xf32, #tpu.memory_space<hbm>> -> memref<128xf32, #tpu.memory_space<hbm>>
          tpu.enqueue_dma source(%dma_start3A_238 : memref<128xf32, #tpu.memory_space<hbm>>) target(%arg12 : memref<128xf32, #tpu.memory_space<vmem>>) target_semaphore(%arg22 : memref<!tpu.dma_semaphore, #tpu.memory_space<semaphore_mem>>)
          %dma_start3A_239 = tpu.memref_slice %arg4[%min3A_230] : memref<510000xf32, #tpu.memory_space<hbm>> -> memref<128xf32, #tpu.memory_space<hbm>>
          %dma_start3A_240 = tpu.memref_slice %arg4[%min3A_230] : memref<510000xf32, #tpu.memory_space<hbm>> -> memref<128xf32, #tpu.memory_space<hbm>>
          tpu.enqueue_dma source(%dma_start3A_240 : memref<128xf32, #tpu.memory_space<hbm>>) target(%arg13 : memref<128xf32, #tpu.memory_space<vmem>>) target_semaphore(%arg22 : memref<!tpu.dma_semaphore, #tpu.memory_space<semaphore_mem>>)
        } else {
        }
        %dma_start3A = arith.constant 0 : i32
        %dma_start3A_134 = arith.constant 0 : i32
        %dma_start3A_135 = arith.constant 0 : i32
        %dma_start3A_136 = tpu.memref_slice %arg17[%dma_start3A, %dma_start3A_135] : memref<9x128xf32, #tpu.memory_space<vmem>> -> memref<1x128xf32, #tpu.memory_space<vmem>>
        %dma_start3A_137 = tpu.memref_squeeze %dma_start3A_136 : memref<1x128xf32, #tpu.memory_space<vmem>> -> memref<128xf32, #tpu.memory_space<vmem>>
        %dma_start3A_138 = arith.constant 0 : i32
        %dma_start3A_139 = tpu.memref_slice %arg16[%dma_start3A_134, %dma_start3A_138] : memref<9x128xi32, #tpu.memory_space<vmem>> -> memref<1x128xi32, #tpu.memory_space<vmem>>
        %dma_start3A_140 = tpu.memref_squeeze %dma_start3A_139 : memref<1x128xi32, #tpu.memory_space<vmem>> -> memref<128xi32, #tpu.memory_space<vmem>>
        %dma_start3A_141 = arith.constant 0 : i32
        %dma_start3A_142 = tpu.memref_slice %arg20[%dma_start3A_141] : memref<262144xf32, #tpu.memory_space<vmem_shared>> -> memref<262144xf32, #tpu.memory_space<vmem_shared>>
        tpu.enqueue_indirect_dma source(%dma_start3A_137 : memref<128xf32, #tpu.memory_space<vmem>>) target(%dma_start3A_142 : memref<262144xf32, #tpu.memory_space<vmem_shared>>) offsets(%dma_start3A_140 : memref<128xi32, #tpu.memory_space<vmem>>) semaphore(%arg24 : memref<!tpu.dma_semaphore, #tpu.memory_space<semaphore_mem>>) {add = true}
        %dma_start3A_143 = arith.constant 1 : i32
        %dma_start3A_144 = arith.constant 1 : i32
        %dma_start3A_145 = arith.constant 0 : i32
        %dma_start3A_146 = tpu.memref_slice %arg17[%dma_start3A_143, %dma_start3A_145] : memref<9x128xf32, #tpu.memory_space<vmem>> -> memref<1x128xf32, #tpu.memory_space<vmem>>
        %dma_start3A_147 = tpu.memref_squeeze %dma_start3A_146 : memref<1x128xf32, #tpu.memory_space<vmem>> -> memref<128xf32, #tpu.memory_space<vmem>>
        %dma_start3A_148 = arith.constant 0 : i32
        %dma_start3A_149 = tpu.memref_slice %arg16[%dma_start3A_144, %dma_start3A_148] : memref<9x128xi32, #tpu.memory_space<vmem>> -> memref<1x128xi32, #tpu.memory_space<vmem>>
        %dma_start3A_150 = tpu.memref_squeeze %dma_start3A_149 : memref<1x128xi32, #tpu.memory_space<vmem>> -> memref<128xi32, #tpu.memory_space<vmem>>
        %dma_start3A_151 = arith.constant 0 : i32
        %dma_start3A_152 = tpu.memref_slice %arg20[%dma_start3A_151] : memref<262144xf32, #tpu.memory_space<vmem_shared>> -> memref<262144xf32, #tpu.memory_space<vmem_shared>>
        tpu.enqueue_indirect_dma source(%dma_start3A_147 : memref<128xf32, #tpu.memory_space<vmem>>) target(%dma_start3A_152 : memref<262144xf32, #tpu.memory_space<vmem_shared>>) offsets(%dma_start3A_150 : memref<128xi32, #tpu.memory_space<vmem>>) semaphore(%arg24 : memref<!tpu.dma_semaphore, #tpu.memory_space<semaphore_mem>>) {add = true}
        %dma_start3A_153 = arith.constant 2 : i32
        %dma_start3A_154 = arith.constant 2 : i32
        %dma_start3A_155 = arith.constant 0 : i32
        %dma_start3A_156 = tpu.memref_slice %arg17[%dma_start3A_153, %dma_start3A_155] : memref<9x128xf32, #tpu.memory_space<vmem>> -> memref<1x128xf32, #tpu.memory_space<vmem>>
        %dma_start3A_157 = tpu.memref_squeeze %dma_start3A_156 : memref<1x128xf32, #tpu.memory_space<vmem>> -> memref<128xf32, #tpu.memory_space<vmem>>
        %dma_start3A_158 = arith.constant 0 : i32
        %dma_start3A_159 = tpu.memref_slice %arg16[%dma_start3A_154, %dma_start3A_158] : memref<9x128xi32, #tpu.memory_space<vmem>> -> memref<1x128xi32, #tpu.memory_space<vmem>>
        %dma_start3A_160 = tpu.memref_squeeze %dma_start3A_159 : memref<1x128xi32, #tpu.memory_space<vmem>> -> memref<128xi32, #tpu.memory_space<vmem>>
        %dma_start3A_161 = arith.constant 0 : i32
        %dma_start3A_162 = tpu.memref_slice %arg20[%dma_start3A_161] : memref<262144xf32, #tpu.memory_space<vmem_shared>> -> memref<262144xf32, #tpu.memory_space<vmem_shared>>
        tpu.enqueue_indirect_dma source(%dma_start3A_157 : memref<128xf32, #tpu.memory_space<vmem>>) target(%dma_start3A_162 : memref<262144xf32, #tpu.memory_space<vmem_shared>>) offsets(%dma_start3A_160 : memref<128xi32, #tpu.memory_space<vmem>>) semaphore(%arg24 : memref<!tpu.dma_semaphore, #tpu.memory_space<semaphore_mem>>) {add = true}
        %dma_start3A_163 = arith.constant 3 : i32
        %dma_start3A_164 = arith.constant 3 : i32
        %dma_start3A_165 = arith.constant 0 : i32
        %dma_start3A_166 = tpu.memref_slice %arg17[%dma_start3A_163, %dma_start3A_165] : memref<9x128xf32, #tpu.memory_space<vmem>> -> memref<1x128xf32, #tpu.memory_space<vmem>>
        %dma_start3A_167 = tpu.memref_squeeze %dma_start3A_166 : memref<1x128xf32, #tpu.memory_space<vmem>> -> memref<128xf32, #tpu.memory_space<vmem>>
        %dma_start3A_168 = arith.constant 0 : i32
        %dma_start3A_169 = tpu.memref_slice %arg16[%dma_start3A_164, %dma_start3A_168] : memref<9x128xi32, #tpu.memory_space<vmem>> -> memref<1x128xi32, #tpu.memory_space<vmem>>
        %dma_start3A_170 = tpu.memref_squeeze %dma_start3A_169 : memref<1x128xi32, #tpu.memory_space<vmem>> -> memref<128xi32, #tpu.memory_space<vmem>>
        %dma_start3A_171 = arith.constant 0 : i32
        %dma_start3A_172 = tpu.memref_slice %arg20[%dma_start3A_171] : memref<262144xf32, #tpu.memory_space<vmem_shared>> -> memref<262144xf32, #tpu.memory_space<vmem_shared>>
        tpu.enqueue_indirect_dma source(%dma_start3A_167 : memref<128xf32, #tpu.memory_space<vmem>>) target(%dma_start3A_172 : memref<262144xf32, #tpu.memory_space<vmem_shared>>) offsets(%dma_start3A_170 : memref<128xi32, #tpu.memory_space<vmem>>) semaphore(%arg24 : memref<!tpu.dma_semaphore, #tpu.memory_space<semaphore_mem>>) {add = true}
        %dma_start3A_173 = arith.constant 4 : i32
        %dma_start3A_174 = arith.constant 4 : i32
        %dma_start3A_175 = arith.constant 0 : i32
        %dma_start3A_176 = tpu.memref_slice %arg17[%dma_start3A_173, %dma_start3A_175] : memref<9x128xf32, #tpu.memory_space<vmem>> -> memref<1x128xf32, #tpu.memory_space<vmem>>
        %dma_start3A_177 = tpu.memref_squeeze %dma_start3A_176 : memref<1x128xf32, #tpu.memory_space<vmem>> -> memref<128xf32, #tpu.memory_space<vmem>>
        %dma_start3A_178 = arith.constant 0 : i32
        %dma_start3A_179 = tpu.memref_slice %arg16[%dma_start3A_174, %dma_start3A_178] : memref<9x128xi32, #tpu.memory_space<vmem>> -> memref<1x128xi32, #tpu.memory_space<vmem>>
        %dma_start3A_180 = tpu.memref_squeeze %dma_start3A_179 : memref<1x128xi32, #tpu.memory_space<vmem>> -> memref<128xi32, #tpu.memory_space<vmem>>
        %dma_start3A_181 = arith.constant 0 : i32
        %dma_start3A_182 = tpu.memref_slice %arg20[%dma_start3A_181] : memref<262144xf32, #tpu.memory_space<vmem_shared>> -> memref<262144xf32, #tpu.memory_space<vmem_shared>>
        tpu.enqueue_indirect_dma source(%dma_start3A_177 : memref<128xf32, #tpu.memory_space<vmem>>) target(%dma_start3A_182 : memref<262144xf32, #tpu.memory_space<vmem_shared>>) offsets(%dma_start3A_180 : memref<128xi32, #tpu.memory_space<vmem>>) semaphore(%arg24 : memref<!tpu.dma_semaphore, #tpu.memory_space<semaphore_mem>>) {add = true}
        %dma_start3A_183 = arith.constant 5 : i32
        %dma_start3A_184 = arith.constant 5 : i32
        %dma_start3A_185 = arith.constant 0 : i32
        %dma_start3A_186 = tpu.memref_slice %arg17[%dma_start3A_183, %dma_start3A_185] : memref<9x128xf32, #tpu.memory_space<vmem>> -> memref<1x128xf32, #tpu.memory_space<vmem>>
        %dma_start3A_187 = tpu.memref_squeeze %dma_start3A_186 : memref<1x128xf32, #tpu.memory_space<vmem>> -> memref<128xf32, #tpu.memory_space<vmem>>
        %dma_start3A_188 = arith.constant 0 : i32
        %dma_start3A_189 = tpu.memref_slice %arg16[%dma_start3A_184, %dma_start3A_188] : memref<9x128xi32, #tpu.memory_space<vmem>> -> memref<1x128xi32, #tpu.memory_space<vmem>>
        %dma_start3A_190 = tpu.memref_squeeze %dma_start3A_189 : memref<1x128xi32, #tpu.memory_space<vmem>> -> memref<128xi32, #tpu.memory_space<vmem>>
        %dma_start3A_191 = arith.constant 0 : i32
        %dma_start3A_192 = tpu.memref_slice %arg20[%dma_start3A_191] : memref<262144xf32, #tpu.memory_space<vmem_shared>> -> memref<262144xf32, #tpu.memory_space<vmem_shared>>
        tpu.enqueue_indirect_dma source(%dma_start3A_187 : memref<128xf32, #tpu.memory_space<vmem>>) target(%dma_start3A_192 : memref<262144xf32, #tpu.memory_space<vmem_shared>>) offsets(%dma_start3A_190 : memref<128xi32, #tpu.memory_space<vmem>>) semaphore(%arg24 : memref<!tpu.dma_semaphore, #tpu.memory_space<semaphore_mem>>) {add = true}
        %dma_start3A_193 = arith.constant 6 : i32
        %dma_start3A_194 = arith.constant 6 : i32
        %dma_start3A_195 = arith.constant 0 : i32
        %dma_start3A_196 = tpu.memref_slice %arg17[%dma_start3A_193, %dma_start3A_195] : memref<9x128xf32, #tpu.memory_space<vmem>> -> memref<1x128xf32, #tpu.memory_space<vmem>>
        %dma_start3A_197 = tpu.memref_squeeze %dma_start3A_196 : memref<1x128xf32, #tpu.memory_space<vmem>> -> memref<128xf32, #tpu.memory_space<vmem>>
        %dma_start3A_198 = arith.constant 0 : i32
        %dma_start3A_199 = tpu.memref_slice %arg16[%dma_start3A_194, %dma_start3A_198] : memref<9x128xi32, #tpu.memory_space<vmem>> -> memref<1x128xi32, #tpu.memory_space<vmem>>
        %dma_start3A_200 = tpu.memref_squeeze %dma_start3A_199 : memref<1x128xi32, #tpu.memory_space<vmem>> -> memref<128xi32, #tpu.memory_space<vmem>>
        %dma_start3A_201 = arith.constant 0 : i32
        %dma_start3A_202 = tpu.memref_slice %arg20[%dma_start3A_201] : memref<262144xf32, #tpu.memory_space<vmem_shared>> -> memref<262144xf32, #tpu.memory_space<vmem_shared>>
        tpu.enqueue_indirect_dma source(%dma_start3A_197 : memref<128xf32, #tpu.memory_space<vmem>>) target(%dma_start3A_202 : memref<262144xf32, #tpu.memory_space<vmem_shared>>) offsets(%dma_start3A_200 : memref<128xi32, #tpu.memory_space<vmem>>) semaphore(%arg24 : memref<!tpu.dma_semaphore, #tpu.memory_space<semaphore_mem>>) {add = true}
        %dma_start3A_203 = arith.constant 7 : i32
        %dma_start3A_204 = arith.constant 7 : i32
        %dma_start3A_205 = arith.constant 0 : i32
        %dma_start3A_206 = tpu.memref_slice %arg17[%dma_start3A_203, %dma_start3A_205] : memref<9x128xf32, #tpu.memory_space<vmem>> -> memref<1x128xf32, #tpu.memory_space<vmem>>
        %dma_start3A_207 = tpu.memref_squeeze %dma_start3A_206 : memref<1x128xf32, #tpu.memory_space<vmem>> -> memref<128xf32, #tpu.memory_space<vmem>>
        %dma_start3A_208 = arith.constant 0 : i32
        %dma_start3A_209 = tpu.memref_slice %arg16[%dma_start3A_204, %dma_start3A_208] : memref<9x128xi32, #tpu.memory_space<vmem>> -> memref<1x128xi32, #tpu.memory_space<vmem>>
        %dma_start3A_210 = tpu.memref_squeeze %dma_start3A_209 : memref<1x128xi32, #tpu.memory_space<vmem>> -> memref<128xi32, #tpu.memory_space<vmem>>
        %dma_start3A_211 = arith.constant 0 : i32
        %dma_start3A_212 = tpu.memref_slice %arg20[%dma_start3A_211] : memref<262144xf32, #tpu.memory_space<vmem_shared>> -> memref<262144xf32, #tpu.memory_space<vmem_shared>>
        tpu.enqueue_indirect_dma source(%dma_start3A_207 : memref<128xf32, #tpu.memory_space<vmem>>) target(%dma_start3A_212 : memref<262144xf32, #tpu.memory_space<vmem_shared>>) offsets(%dma_start3A_210 : memref<128xi32, #tpu.memory_space<vmem>>) semaphore(%arg24 : memref<!tpu.dma_semaphore, #tpu.memory_space<semaphore_mem>>) {add = true}
        %dma_start3A_213 = arith.constant 8 : i32
        %dma_start3A_214 = arith.constant 8 : i32
        %dma_start3A_215 = arith.constant 0 : i32
        %dma_start3A_216 = tpu.memref_slice %arg17[%dma_start3A_213, %dma_start3A_215] : memref<9x128xf32, #tpu.memory_space<vmem>> -> memref<1x128xf32, #tpu.memory_space<vmem>>
        %dma_start3A_217 = tpu.memref_squeeze %dma_start3A_216 : memref<1x128xf32, #tpu.memory_space<vmem>> -> memref<128xf32, #tpu.memory_space<vmem>>
        %dma_start3A_218 = arith.constant 0 : i32
        %dma_start3A_219 = tpu.memref_slice %arg16[%dma_start3A_214, %dma_start3A_218] : memref<9x128xi32, #tpu.memory_space<vmem>> -> memref<1x128xi32, #tpu.memory_space<vmem>>
        %dma_start3A_220 = tpu.memref_squeeze %dma_start3A_219 : memref<1x128xi32, #tpu.memory_space<vmem>> -> memref<128xi32, #tpu.memory_space<vmem>>
        %dma_start3A_221 = arith.constant 0 : i32
        %dma_start3A_222 = tpu.memref_slice %arg20[%dma_start3A_221] : memref<262144xf32, #tpu.memory_space<vmem_shared>> -> memref<262144xf32, #tpu.memory_space<vmem_shared>>
        tpu.enqueue_indirect_dma source(%dma_start3A_217 : memref<128xf32, #tpu.memory_space<vmem>>) target(%dma_start3A_222 : memref<262144xf32, #tpu.memory_space<vmem_shared>>) offsets(%dma_start3A_220 : memref<128xi32, #tpu.memory_space<vmem>>) semaphore(%arg24 : memref<!tpu.dma_semaphore, #tpu.memory_space<semaphore_mem>>) {add = true}
      } else {
      }
    }
    %scan3A_24 = arith.constant 50 : i32
    %add3A_25 = arith.constant 0 : i32
    %add3A_26 = arith.addi %add3A, %add3A_25 : i32
    %lt3A_27 = arith.constant 711 : i32
    %lt3A_28 = arith.cmpi slt, %add3A_26, %lt3A_27 : i32
    %convert_element_type3A_29 = arith.extui %lt3A_28 : i1 to i32
    %cond3A_30 = arith.constant 0 : i32
    %cond3A_31 = arith.cmpi ne, %convert_element_type3A_29, %cond3A_30 : i32
    scf.if %cond3A_31 {
      %jit3A = arith.constant 9 : i32
      %div3A = arith.divsi %add3A_26, %jit3A : i32
      %sign3A = arith.constant 0 : i32
      %sign3A_70 = arith.cmpi sgt, %add3A_26, %sign3A : i32
      %sign3A_71 = arith.extui %sign3A_70 : i1 to i32
      %sign3A_72 = arith.constant 0 : i32
      %sign3A_73 = arith.cmpi slt, %add3A_26, %sign3A_72 : i32
      %sign3A_74 = arith.extui %sign3A_73 : i1 to i32
      %sign3A_75 = arith.subi %sign3A_71, %sign3A_74 : i32
      %sign3A_76 = arith.constant 0 : i32
      %sign3A_77 = arith.cmpi sgt, %jit3A, %sign3A_76 : i32
      %sign3A_78 = arith.extui %sign3A_77 : i1 to i32
      %sign3A_79 = arith.constant 0 : i32
      %sign3A_80 = arith.cmpi slt, %jit3A, %sign3A_79 : i32
      %sign3A_81 = arith.extui %sign3A_80 : i1 to i32
      %sign3A_82 = arith.subi %sign3A_78, %sign3A_81 : i32
      %ne3A = arith.cmpi ne, %sign3A_75, %sign3A_82 : i32
      %rem3A = arith.remsi %add3A_26, %jit3A : i32
      %ne3A_83 = arith.constant 0 : i32
      %ne3A_84 = arith.cmpi ne, %rem3A, %ne3A_83 : i32
      %and3A = arith.andi %ne3A, %ne3A_84 : i1
      %sub3A = arith.constant 1 : i32
      %sub3A_85 = arith.subi %div3A, %sub3A : i32
      %select_n3A = arith.select %and3A, %sub3A_85, %div3A : i32
      %mul3A_86 = arith.constant 128 : i32
      %mul3A_87 = arith.muli %select_n3A, %mul3A_86 : i32
      %add3A_88 = arith.constant 400000 : i32
      %add3A_89 = arith.addi %add3A_88, %mul3A_87 : i32
      %min3A = arith.constant 409872 : i32
      %min3A_90 = arith.minsi %add3A_89, %min3A : i32
      %dma_start3A = tpu.memref_slice %arg2[%min3A_90] : memref<1020000xf32, #tpu.memory_space<hbm>> -> memref<128xf32, #tpu.memory_space<hbm>>
      %dma_start3A_91 = tpu.memref_slice %arg2[%min3A_90] : memref<1020000xf32, #tpu.memory_space<hbm>> -> memref<128xf32, #tpu.memory_space<hbm>>
      tpu.enqueue_dma source(%dma_start3A_91 : memref<128xf32, #tpu.memory_space<hbm>>) target(%arg6 : memref<128xf32, #tpu.memory_space<vmem>>) target_semaphore(%arg21 : memref<!tpu.dma_semaphore, #tpu.memory_space<semaphore_mem>>)
      %add3A_92 = arith.constant 510000 : i32
      %add3A_93 = arith.addi %add3A_92, %min3A_90 : i32
      %dma_start3A_94 = tpu.memref_slice %arg2[%add3A_93] : memref<1020000xf32, #tpu.memory_space<hbm>> -> memref<128xf32, #tpu.memory_space<hbm>>
      %dma_start3A_95 = tpu.memref_slice %arg2[%add3A_93] : memref<1020000xf32, #tpu.memory_space<hbm>> -> memref<128xf32, #tpu.memory_space<hbm>>
      tpu.enqueue_dma source(%dma_start3A_95 : memref<128xf32, #tpu.memory_space<hbm>>) target(%arg7 : memref<128xf32, #tpu.memory_space<vmem>>) target_semaphore(%arg21 : memref<!tpu.dma_semaphore, #tpu.memory_space<semaphore_mem>>)
      %dma_start3A_96 = tpu.memref_slice %arg3[%min3A_90] : memref<510000xf32, #tpu.memory_space<hbm>> -> memref<128xf32, #tpu.memory_space<hbm>>
      %dma_start3A_97 = tpu.memref_slice %arg3[%min3A_90] : memref<510000xf32, #tpu.memory_space<hbm>> -> memref<128xf32, #tpu.memory_space<hbm>>
      tpu.enqueue_dma source(%dma_start3A_97 : memref<128xf32, #tpu.memory_space<hbm>>) target(%arg8 : memref<128xf32, #tpu.memory_space<vmem>>) target_semaphore(%arg21 : memref<!tpu.dma_semaphore, #tpu.memory_space<semaphore_mem>>)
      %dma_start3A_98 = tpu.memref_slice %arg4[%min3A_90] : memref<510000xf32, #tpu.memory_space<hbm>> -> memref<128xf32, #tpu.memory_space<hbm>>
      %dma_start3A_99 = tpu.memref_slice %arg4[%min3A_90] : memref<510000xf32, #tpu.memory_space<hbm>> -> memref<128xf32, #tpu.memory_space<hbm>>
      tpu.enqueue_dma source(%dma_start3A_99 : memref<128xf32, #tpu.memory_space<hbm>>) target(%arg9 : memref<128xf32, #tpu.memory_space<vmem>>) target_semaphore(%arg21 : memref<!tpu.dma_semaphore, #tpu.memory_space<semaphore_mem>>)
    } else {
    }
    %add3A_32 = arith.constant 32 : i32
    %add3A_33 = arith.addi %add3A, %add3A_32 : i32
    %lt3A_34 = arith.constant 711 : i32
    %lt3A_35 = arith.cmpi slt, %add3A_33, %lt3A_34 : i32
    %convert_element_type3A_36 = arith.extui %lt3A_35 : i1 to i32
    %cond3A_37 = arith.constant 0 : i32
    %cond3A_38 = arith.cmpi ne, %convert_element_type3A_36, %cond3A_37 : i32
    scf.if %cond3A_38 {
      %jit3A = arith.constant 9 : i32
      %div3A = arith.divsi %add3A_33, %jit3A : i32
      %sign3A = arith.constant 0 : i32
      %sign3A_70 = arith.cmpi sgt, %add3A_33, %sign3A : i32
      %sign3A_71 = arith.extui %sign3A_70 : i1 to i32
      %sign3A_72 = arith.constant 0 : i32
      %sign3A_73 = arith.cmpi slt, %add3A_33, %sign3A_72 : i32
      %sign3A_74 = arith.extui %sign3A_73 : i1 to i32
      %sign3A_75 = arith.subi %sign3A_71, %sign3A_74 : i32
      %sign3A_76 = arith.constant 0 : i32
      %sign3A_77 = arith.cmpi sgt, %jit3A, %sign3A_76 : i32
      %sign3A_78 = arith.extui %sign3A_77 : i1 to i32
      %sign3A_79 = arith.constant 0 : i32
      %sign3A_80 = arith.cmpi slt, %jit3A, %sign3A_79 : i32
      %sign3A_81 = arith.extui %sign3A_80 : i1 to i32
      %sign3A_82 = arith.subi %sign3A_78, %sign3A_81 : i32
      %ne3A = arith.cmpi ne, %sign3A_75, %sign3A_82 : i32
      %rem3A = arith.remsi %add3A_33, %jit3A : i32
      %ne3A_83 = arith.constant 0 : i32
      %ne3A_84 = arith.cmpi ne, %rem3A, %ne3A_83 : i32
      %and3A = arith.andi %ne3A, %ne3A_84 : i1
      %sub3A = arith.constant 1 : i32
      %sub3A_85 = arith.subi %div3A, %sub3A : i32
      %select_n3A = arith.select %and3A, %sub3A_85, %div3A : i32
      %mul3A_86 = arith.constant 128 : i32
      %mul3A_87 = arith.muli %select_n3A, %mul3A_86 : i32
      %add3A_88 = arith.constant 400000 : i32
      %add3A_89 = arith.addi %add3A_88, %mul3A_87 : i32
      %min3A = arith.constant 409872 : i32
      %min3A_90 = arith.minsi %add3A_89, %min3A : i32
      %dma_start3A = tpu.memref_slice %arg2[%min3A_90] : memref<1020000xf32, #tpu.memory_space<hbm>> -> memref<128xf32, #tpu.memory_space<hbm>>
      %dma_start3A_91 = tpu.memref_slice %arg2[%min3A_90] : memref<1020000xf32, #tpu.memory_space<hbm>> -> memref<128xf32, #tpu.memory_space<hbm>>
      tpu.enqueue_dma source(%dma_start3A_91 : memref<128xf32, #tpu.memory_space<hbm>>) target(%arg10 : memref<128xf32, #tpu.memory_space<vmem>>) target_semaphore(%arg22 : memref<!tpu.dma_semaphore, #tpu.memory_space<semaphore_mem>>)
      %add3A_92 = arith.constant 510000 : i32
      %add3A_93 = arith.addi %add3A_92, %min3A_90 : i32
      %dma_start3A_94 = tpu.memref_slice %arg2[%add3A_93] : memref<1020000xf32, #tpu.memory_space<hbm>> -> memref<128xf32, #tpu.memory_space<hbm>>
      %dma_start3A_95 = tpu.memref_slice %arg2[%add3A_93] : memref<1020000xf32, #tpu.memory_space<hbm>> -> memref<128xf32, #tpu.memory_space<hbm>>
      tpu.enqueue_dma source(%dma_start3A_95 : memref<128xf32, #tpu.memory_space<hbm>>) target(%arg11 : memref<128xf32, #tpu.memory_space<vmem>>) target_semaphore(%arg22 : memref<!tpu.dma_semaphore, #tpu.memory_space<semaphore_mem>>)
      %dma_start3A_96 = tpu.memref_slice %arg3[%min3A_90] : memref<510000xf32, #tpu.memory_space<hbm>> -> memref<128xf32, #tpu.memory_space<hbm>>
      %dma_start3A_97 = tpu.memref_slice %arg3[%min3A_90] : memref<510000xf32, #tpu.memory_space<hbm>> -> memref<128xf32, #tpu.memory_space<hbm>>
      tpu.enqueue_dma source(%dma_start3A_97 : memref<128xf32, #tpu.memory_space<hbm>>) target(%arg12 : memref<128xf32, #tpu.memory_space<vmem>>) target_semaphore(%arg22 : memref<!tpu.dma_semaphore, #tpu.memory_space<semaphore_mem>>)
      %dma_start3A_98 = tpu.memref_slice %arg4[%min3A_90] : memref<510000xf32, #tpu.memory_space<hbm>> -> memref<128xf32, #tpu.memory_space<hbm>>
      %dma_start3A_99 = tpu.memref_slice %arg4[%min3A_90] : memref<510000xf32, #tpu.memory_space<hbm>> -> memref<128xf32, #tpu.memory_space<hbm>>
      tpu.enqueue_dma source(%dma_start3A_99 : memref<128xf32, #tpu.memory_space<hbm>>) target(%arg13 : memref<128xf32, #tpu.memory_space<vmem>>) target_semaphore(%arg22 : memref<!tpu.dma_semaphore, #tpu.memory_space<semaphore_mem>>)
    } else {
    }
    %scan3A_39 = arith.constant 0 : i32
    %scan3A_40 = arith.constant 0 : i32
    %scan3A_41 = arith.constant 13 : i32
    %scan3A_42 = arith.addi %scan3A_40, %scan3A_41 : i32
    %scan3A_43 = arith.constant 1 : i32
    scf.for %scan3A_70 = %scan3A_40 to %scan3A_42 step %scan3A_43  : i32 {
      %mul3A_71 = arith.constant 2 : i32
      %mul3A_72 = arith.muli %mul3A_71, %scan3A_70 : i32
      %add3A_73 = arith.constant 0 : i32
      %add3A_74 = arith.addi %mul3A_72, %add3A_73 : i32
      %mul3A_75 = arith.constant 32 : i32
      %mul3A_76 = arith.muli %add3A_74, %mul3A_75 : i32
      %add3A_77 = arith.addi %add3A, %mul3A_76 : i32
      %ge3A = arith.constant 64 : i32
      %ge3A_78 = arith.cmpi sge, %add3A_77, %ge3A : i32
      %lt3A_79 = arith.constant 775 : i32
      %lt3A_80 = arith.cmpi slt, %add3A_77, %lt3A_79 : i32
      %and3A = arith.andi %ge3A_78, %lt3A_80 : i1
      %convert_element_type3A_81 = arith.extui %and3A : i1 to i32
      %cond3A_82 = arith.constant 0 : i32
      %cond3A_83 = arith.cmpi ne, %convert_element_type3A_81, %cond3A_82 : i32
      scf.if %cond3A_83 {
        %dma_wait3A = arith.constant 0 : i32
        %dma_wait3A_109 = arith.constant 0 : i32
        %dma_wait3A_110 = arith.constant 0 : i32
        %dma_wait3A_111 = tpu.memref_slice %arg15[%dma_wait3A, %dma_wait3A_110] : memref<9x128xf32, #tpu.memory_space<vmem>> -> memref<1x128xf32, #tpu.memory_space<vmem>>
        %dma_wait3A_112 = tpu.memref_squeeze %dma_wait3A_111 : memref<1x128xf32, #tpu.memory_space<vmem>> -> memref<128xf32, #tpu.memory_space<vmem>>
        %dma_wait3A_113 = arith.constant 0 : i32
        %dma_wait3A_114 = tpu.memref_slice %arg14[%dma_wait3A_109, %dma_wait3A_113] : memref<9x128xi32, #tpu.memory_space<vmem>> -> memref<1x128xi32, #tpu.memory_space<vmem>>
        %dma_wait3A_115 = tpu.memref_squeeze %dma_wait3A_114 : memref<1x128xi32, #tpu.memory_space<vmem>> -> memref<128xi32, #tpu.memory_space<vmem>>
        %dma_wait3A_116 = arith.constant 0 : i32
        %dma_wait3A_117 = tpu.memref_slice %arg20[%dma_wait3A_116] : memref<262144xf32, #tpu.memory_space<vmem_shared>> -> memref<262144xf32, #tpu.memory_space<vmem_shared>>
        tpu.wait_indirect_dma semaphore(%arg23 : memref<!tpu.dma_semaphore, #tpu.memory_space<semaphore_mem>>) src(%dma_wait3A_112 : memref<128xf32, #tpu.memory_space<vmem>>) dst(%dma_wait3A_117 : memref<262144xf32, #tpu.memory_space<vmem_shared>>)
        %dma_wait3A_118 = arith.constant 1 : i32
        %dma_wait3A_119 = arith.constant 1 : i32
        %dma_wait3A_120 = arith.constant 0 : i32
        %dma_wait3A_121 = tpu.memref_slice %arg15[%dma_wait3A_118, %dma_wait3A_120] : memref<9x128xf32, #tpu.memory_space<vmem>> -> memref<1x128xf32, #tpu.memory_space<vmem>>
        %dma_wait3A_122 = tpu.memref_squeeze %dma_wait3A_121 : memref<1x128xf32, #tpu.memory_space<vmem>> -> memref<128xf32, #tpu.memory_space<vmem>>
        %dma_wait3A_123 = arith.constant 0 : i32
        %dma_wait3A_124 = tpu.memref_slice %arg14[%dma_wait3A_119, %dma_wait3A_123] : memref<9x128xi32, #tpu.memory_space<vmem>> -> memref<1x128xi32, #tpu.memory_space<vmem>>
        %dma_wait3A_125 = tpu.memref_squeeze %dma_wait3A_124 : memref<1x128xi32, #tpu.memory_space<vmem>> -> memref<128xi32, #tpu.memory_space<vmem>>
        %dma_wait3A_126 = arith.constant 0 : i32
        %dma_wait3A_127 = tpu.memref_slice %arg20[%dma_wait3A_126] : memref<262144xf32, #tpu.memory_space<vmem_shared>> -> memref<262144xf32, #tpu.memory_space<vmem_shared>>
        tpu.wait_indirect_dma semaphore(%arg23 : memref<!tpu.dma_semaphore, #tpu.memory_space<semaphore_mem>>) src(%dma_wait3A_122 : memref<128xf32, #tpu.memory_space<vmem>>) dst(%dma_wait3A_127 : memref<262144xf32, #tpu.memory_space<vmem_shared>>)
        %dma_wait3A_128 = arith.constant 2 : i32
        %dma_wait3A_129 = arith.constant 2 : i32
        %dma_wait3A_130 = arith.constant 0 : i32
        %dma_wait3A_131 = tpu.memref_slice %arg15[%dma_wait3A_128, %dma_wait3A_130] : memref<9x128xf32, #tpu.memory_space<vmem>> -> memref<1x128xf32, #tpu.memory_space<vmem>>
        %dma_wait3A_132 = tpu.memref_squeeze %dma_wait3A_131 : memref<1x128xf32, #tpu.memory_space<vmem>> -> memref<128xf32, #tpu.memory_space<vmem>>
        %dma_wait3A_133 = arith.constant 0 : i32
        %dma_wait3A_134 = tpu.memref_slice %arg14[%dma_wait3A_129, %dma_wait3A_133] : memref<9x128xi32, #tpu.memory_space<vmem>> -> memref<1x128xi32, #tpu.memory_space<vmem>>
        %dma_wait3A_135 = tpu.memref_squeeze %dma_wait3A_134 : memref<1x128xi32, #tpu.memory_space<vmem>> -> memref<128xi32, #tpu.memory_space<vmem>>
        %dma_wait3A_136 = arith.constant 0 : i32
        %dma_wait3A_137 = tpu.memref_slice %arg20[%dma_wait3A_136] : memref<262144xf32, #tpu.memory_space<vmem_shared>> -> memref<262144xf32, #tpu.memory_space<vmem_shared>>
        tpu.wait_indirect_dma semaphore(%arg23 : memref<!tpu.dma_semaphore, #tpu.memory_space<semaphore_mem>>) src(%dma_wait3A_132 : memref<128xf32, #tpu.memory_space<vmem>>) dst(%dma_wait3A_137 : memref<262144xf32, #tpu.memory_space<vmem_shared>>)
        %dma_wait3A_138 = arith.constant 3 : i32
        %dma_wait3A_139 = arith.constant 3 : i32
        %dma_wait3A_140 = arith.constant 0 : i32
        %dma_wait3A_141 = tpu.memref_slice %arg15[%dma_wait3A_138, %dma_wait3A_140] : memref<9x128xf32, #tpu.memory_space<vmem>> -> memref<1x128xf32, #tpu.memory_space<vmem>>
        %dma_wait3A_142 = tpu.memref_squeeze %dma_wait3A_141 : memref<1x128xf32, #tpu.memory_space<vmem>> -> memref<128xf32, #tpu.memory_space<vmem>>
        %dma_wait3A_143 = arith.constant 0 : i32
        %dma_wait3A_144 = tpu.memref_slice %arg14[%dma_wait3A_139, %dma_wait3A_143] : memref<9x128xi32, #tpu.memory_space<vmem>> -> memref<1x128xi32, #tpu.memory_space<vmem>>
        %dma_wait3A_145 = tpu.memref_squeeze %dma_wait3A_144 : memref<1x128xi32, #tpu.memory_space<vmem>> -> memref<128xi32, #tpu.memory_space<vmem>>
        %dma_wait3A_146 = arith.constant 0 : i32
        %dma_wait3A_147 = tpu.memref_slice %arg20[%dma_wait3A_146] : memref<262144xf32, #tpu.memory_space<vmem_shared>> -> memref<262144xf32, #tpu.memory_space<vmem_shared>>
        tpu.wait_indirect_dma semaphore(%arg23 : memref<!tpu.dma_semaphore, #tpu.memory_space<semaphore_mem>>) src(%dma_wait3A_142 : memref<128xf32, #tpu.memory_space<vmem>>) dst(%dma_wait3A_147 : memref<262144xf32, #tpu.memory_space<vmem_shared>>)
        %dma_wait3A_148 = arith.constant 4 : i32
        %dma_wait3A_149 = arith.constant 4 : i32
        %dma_wait3A_150 = arith.constant 0 : i32
        %dma_wait3A_151 = tpu.memref_slice %arg15[%dma_wait3A_148, %dma_wait3A_150] : memref<9x128xf32, #tpu.memory_space<vmem>> -> memref<1x128xf32, #tpu.memory_space<vmem>>
        %dma_wait3A_152 = tpu.memref_squeeze %dma_wait3A_151 : memref<1x128xf32, #tpu.memory_space<vmem>> -> memref<128xf32, #tpu.memory_space<vmem>>
        %dma_wait3A_153 = arith.constant 0 : i32
        %dma_wait3A_154 = tpu.memref_slice %arg14[%dma_wait3A_149, %dma_wait3A_153] : memref<9x128xi32, #tpu.memory_space<vmem>> -> memref<1x128xi32, #tpu.memory_space<vmem>>
        %dma_wait3A_155 = tpu.memref_squeeze %dma_wait3A_154 : memref<1x128xi32, #tpu.memory_space<vmem>> -> memref<128xi32, #tpu.memory_space<vmem>>
        %dma_wait3A_156 = arith.constant 0 : i32
        %dma_wait3A_157 = tpu.memref_slice %arg20[%dma_wait3A_156] : memref<262144xf32, #tpu.memory_space<vmem_shared>> -> memref<262144xf32, #tpu.memory_space<vmem_shared>>
        tpu.wait_indirect_dma semaphore(%arg23 : memref<!tpu.dma_semaphore, #tpu.memory_space<semaphore_mem>>) src(%dma_wait3A_152 : memref<128xf32, #tpu.memory_space<vmem>>) dst(%dma_wait3A_157 : memref<262144xf32, #tpu.memory_space<vmem_shared>>)
        %dma_wait3A_158 = arith.constant 5 : i32
        %dma_wait3A_159 = arith.constant 5 : i32
        %dma_wait3A_160 = arith.constant 0 : i32
        %dma_wait3A_161 = tpu.memref_slice %arg15[%dma_wait3A_158, %dma_wait3A_160] : memref<9x128xf32, #tpu.memory_space<vmem>> -> memref<1x128xf32, #tpu.memory_space<vmem>>
        %dma_wait3A_162 = tpu.memref_squeeze %dma_wait3A_161 : memref<1x128xf32, #tpu.memory_space<vmem>> -> memref<128xf32, #tpu.memory_space<vmem>>
        %dma_wait3A_163 = arith.constant 0 : i32
        %dma_wait3A_164 = tpu.memref_slice %arg14[%dma_wait3A_159, %dma_wait3A_163] : memref<9x128xi32, #tpu.memory_space<vmem>> -> memref<1x128xi32, #tpu.memory_space<vmem>>
        %dma_wait3A_165 = tpu.memref_squeeze %dma_wait3A_164 : memref<1x128xi32, #tpu.memory_space<vmem>> -> memref<128xi32, #tpu.memory_space<vmem>>
        %dma_wait3A_166 = arith.constant 0 : i32
        %dma_wait3A_167 = tpu.memref_slice %arg20[%dma_wait3A_166] : memref<262144xf32, #tpu.memory_space<vmem_shared>> -> memref<262144xf32, #tpu.memory_space<vmem_shared>>
        tpu.wait_indirect_dma semaphore(%arg23 : memref<!tpu.dma_semaphore, #tpu.memory_space<semaphore_mem>>) src(%dma_wait3A_162 : memref<128xf32, #tpu.memory_space<vmem>>) dst(%dma_wait3A_167 : memref<262144xf32, #tpu.memory_space<vmem_shared>>)
        %dma_wait3A_168 = arith.constant 6 : i32
        %dma_wait3A_169 = arith.constant 6 : i32
        %dma_wait3A_170 = arith.constant 0 : i32
        %dma_wait3A_171 = tpu.memref_slice %arg15[%dma_wait3A_168, %dma_wait3A_170] : memref<9x128xf32, #tpu.memory_space<vmem>> -> memref<1x128xf32, #tpu.memory_space<vmem>>
        %dma_wait3A_172 = tpu.memref_squeeze %dma_wait3A_171 : memref<1x128xf32, #tpu.memory_space<vmem>> -> memref<128xf32, #tpu.memory_space<vmem>>
        %dma_wait3A_173 = arith.constant 0 : i32
        %dma_wait3A_174 = tpu.memref_slice %arg14[%dma_wait3A_169, %dma_wait3A_173] : memref<9x128xi32, #tpu.memory_space<vmem>> -> memref<1x128xi32, #tpu.memory_space<vmem>>
        %dma_wait3A_175 = tpu.memref_squeeze %dma_wait3A_174 : memref<1x128xi32, #tpu.memory_space<vmem>> -> memref<128xi32, #tpu.memory_space<vmem>>
        %dma_wait3A_176 = arith.constant 0 : i32
        %dma_wait3A_177 = tpu.memref_slice %arg20[%dma_wait3A_176] : memref<262144xf32, #tpu.memory_space<vmem_shared>> -> memref<262144xf32, #tpu.memory_space<vmem_shared>>
        tpu.wait_indirect_dma semaphore(%arg23 : memref<!tpu.dma_semaphore, #tpu.memory_space<semaphore_mem>>) src(%dma_wait3A_172 : memref<128xf32, #tpu.memory_space<vmem>>) dst(%dma_wait3A_177 : memref<262144xf32, #tpu.memory_space<vmem_shared>>)
        %dma_wait3A_178 = arith.constant 7 : i32
        %dma_wait3A_179 = arith.constant 7 : i32
        %dma_wait3A_180 = arith.constant 0 : i32
        %dma_wait3A_181 = tpu.memref_slice %arg15[%dma_wait3A_178, %dma_wait3A_180] : memref<9x128xf32, #tpu.memory_space<vmem>> -> memref<1x128xf32, #tpu.memory_space<vmem>>
        %dma_wait3A_182 = tpu.memref_squeeze %dma_wait3A_181 : memref<1x128xf32, #tpu.memory_space<vmem>> -> memref<128xf32, #tpu.memory_space<vmem>>
        %dma_wait3A_183 = arith.constant 0 : i32
        %dma_wait3A_184 = tpu.memref_slice %arg14[%dma_wait3A_179, %dma_wait3A_183] : memref<9x128xi32, #tpu.memory_space<vmem>> -> memref<1x128xi32, #tpu.memory_space<vmem>>
        %dma_wait3A_185 = tpu.memref_squeeze %dma_wait3A_184 : memref<1x128xi32, #tpu.memory_space<vmem>> -> memref<128xi32, #tpu.memory_space<vmem>>
        %dma_wait3A_186 = arith.constant 0 : i32
        %dma_wait3A_187 = tpu.memref_slice %arg20[%dma_wait3A_186] : memref<262144xf32, #tpu.memory_space<vmem_shared>> -> memref<262144xf32, #tpu.memory_space<vmem_shared>>
        tpu.wait_indirect_dma semaphore(%arg23 : memref<!tpu.dma_semaphore, #tpu.memory_space<semaphore_mem>>) src(%dma_wait3A_182 : memref<128xf32, #tpu.memory_space<vmem>>) dst(%dma_wait3A_187 : memref<262144xf32, #tpu.memory_space<vmem_shared>>)
        %dma_wait3A_188 = arith.constant 8 : i32
        %dma_wait3A_189 = arith.constant 8 : i32
        %dma_wait3A_190 = arith.constant 0 : i32
        %dma_wait3A_191 = tpu.memref_slice %arg15[%dma_wait3A_188, %dma_wait3A_190] : memref<9x128xf32, #tpu.memory_space<vmem>> -> memref<1x128xf32, #tpu.memory_space<vmem>>
        %dma_wait3A_192 = tpu.memref_squeeze %dma_wait3A_191 : memref<1x128xf32, #tpu.memory_space<vmem>> -> memref<128xf32, #tpu.memory_space<vmem>>
        %dma_wait3A_193 = arith.constant 0 : i32
        %dma_wait3A_194 = tpu.memref_slice %arg14[%dma_wait3A_189, %dma_wait3A_193] : memref<9x128xi32, #tpu.memory_space<vmem>> -> memref<1x128xi32, #tpu.memory_space<vmem>>
        %dma_wait3A_195 = tpu.memref_squeeze %dma_wait3A_194 : memref<1x128xi32, #tpu.memory_space<vmem>> -> memref<128xi32, #tpu.memory_space<vmem>>
        %dma_wait3A_196 = arith.constant 0 : i32
        %dma_wait3A_197 = tpu.memref_slice %arg20[%dma_wait3A_196] : memref<262144xf32, #tpu.memory_space<vmem_shared>> -> memref<262144xf32, #tpu.memory_space<vmem_shared>>
        tpu.wait_indirect_dma semaphore(%arg23 : memref<!tpu.dma_semaphore, #tpu.memory_space<semaphore_mem>>) src(%dma_wait3A_192 : memref<128xf32, #tpu.memory_space<vmem>>) dst(%dma_wait3A_197 : memref<262144xf32, #tpu.memory_space<vmem_shared>>)
      } else {
      }
      %lt3A_84 = arith.constant 711 : i32
      %lt3A_85 = arith.cmpi slt, %add3A_77, %lt3A_84 : i32
      %convert_element_type3A_86 = arith.extui %lt3A_85 : i1 to i32
      %cond3A_87 = arith.constant 0 : i32
      %cond3A_88 = arith.cmpi ne, %convert_element_type3A_86, %cond3A_87 : i32
      scf.if %cond3A_88 {
        %jit3A = arith.constant 9 : i32
        %div3A = arith.divsi %add3A_77, %jit3A : i32
        %sign3A = arith.constant 0 : i32
        %sign3A_109 = arith.cmpi sgt, %add3A_77, %sign3A : i32
        %sign3A_110 = arith.extui %sign3A_109 : i1 to i32
        %sign3A_111 = arith.constant 0 : i32
        %sign3A_112 = arith.cmpi slt, %add3A_77, %sign3A_111 : i32
        %sign3A_113 = arith.extui %sign3A_112 : i1 to i32
        %sign3A_114 = arith.subi %sign3A_110, %sign3A_113 : i32
        %sign3A_115 = arith.constant 0 : i32
        %sign3A_116 = arith.cmpi sgt, %jit3A, %sign3A_115 : i32
        %sign3A_117 = arith.extui %sign3A_116 : i1 to i32
        %sign3A_118 = arith.constant 0 : i32
        %sign3A_119 = arith.cmpi slt, %jit3A, %sign3A_118 : i32
        %sign3A_120 = arith.extui %sign3A_119 : i1 to i32
        %sign3A_121 = arith.subi %sign3A_117, %sign3A_120 : i32
        %ne3A = arith.cmpi ne, %sign3A_114, %sign3A_121 : i32
        %rem3A = arith.remsi %add3A_77, %jit3A : i32
        %ne3A_122 = arith.constant 0 : i32
        %ne3A_123 = arith.cmpi ne, %rem3A, %ne3A_122 : i32
        %and3A_124 = arith.andi %ne3A, %ne3A_123 : i1
        %sub3A = arith.constant 1 : i32
        %sub3A_125 = arith.subi %div3A, %sub3A : i32
        %select_n3A = arith.select %and3A_124, %sub3A_125, %div3A : i32
        %mul3A_126 = arith.constant 9 : i32
        %mul3A_127 = arith.muli %select_n3A, %mul3A_126 : i32
        %sub3A_128 = arith.subi %add3A_77, %mul3A_127 : i32
        %mul3A_129 = arith.constant 128 : i32
        %mul3A_130 = arith.muli %select_n3A, %mul3A_129 : i32
        %add3A_131 = arith.constant 400000 : i32
        %add3A_132 = arith.addi %add3A_131, %mul3A_130 : i32
        %min3A = arith.constant 409872 : i32
        %min3A_133 = arith.minsi %add3A_132, %min3A : i32
        %mul3A_134 = arith.constant 128 : i32
        %mul3A_135 = arith.muli %select_n3A, %mul3A_134 : i32
        %add3A_136 = arith.constant 400000 : i32
        %add3A_137 = arith.addi %add3A_136, %mul3A_135 : i32
        %dma_wait3A = arith.constant 0 : i32
        %dma_wait3A_138 = tpu.memref_slice %arg2[%dma_wait3A] : memref<1020000xf32, #tpu.memory_space<hbm>> -> memref<512xf32, #tpu.memory_space<hbm>>
        %dma_wait3A_139 = arith.constant 0 : i32
        %dma_wait3A_140 = tpu.memref_slice %arg2[%dma_wait3A_139] : memref<1020000xf32, #tpu.memory_space<hbm>> -> memref<512xf32, #tpu.memory_space<hbm>>
        tpu.wait_dma2 semaphore(%arg21 : memref<!tpu.dma_semaphore, #tpu.memory_space<semaphore_mem>>) src(%dma_wait3A_140 : memref<512xf32, #tpu.memory_space<hbm>>) dst(%arg19 : memref<512xf32, #tpu.memory_space<vmem>>)
        %scan3A_141 = arith.constant 0 : i32
        %scan3A_142 = arith.constant 0 : i32
        %scan3A_143 = arith.constant 8 : i32
        %scan3A_144 = arith.addi %scan3A_142, %scan3A_143 : i32
        %scan3A_145 = arith.constant 1 : i32
        scf.for %scan3A_243 = %scan3A_142 to %scan3A_144 step %scan3A_145  : i32 {
          %mul3A_244 = arith.constant 16 : i32
          %mul3A_245 = arith.muli %scan3A_243, %mul3A_244 : i32
          %get3A = arith.index_cast %mul3A_245 : i32 to index
          %get3A_246 = tpu.vector_load %arg6[%get3A] {strides = array<i32>} : memref<128xf32, #tpu.memory_space<vmem>>, vector<16xf32>,
          %get3A_247 = vector.shape_cast %get3A_246 : vector<16xf32> to vector<16xf32>
          %get3A_248 = arith.index_cast %mul3A_245 : i32 to index
          %get3A_249 = tpu.vector_load %arg7[%get3A_248] {strides = array<i32>} : memref<128xf32, #tpu.memory_space<vmem>>, vector<16xf32>,
          %get3A_250 = vector.shape_cast %get3A_249 : vector<16xf32> to vector<16xf32>
          %get3A_251 = arith.index_cast %mul3A_245 : i32 to index
          %get3A_252 = tpu.vector_load %arg8[%get3A_251] {strides = array<i32>} : memref<128xf32, #tpu.memory_space<vmem>>, vector<16xf32>,
          %get3A_253 = vector.shape_cast %get3A_252 : vector<16xf32> to vector<16xf32>
          %add3A_254 = arith.addf %get3A_247, %get3A_253 : vector<16xf32>
          %get3A_255 = arith.index_cast %mul3A_245 : i32 to index
          %get3A_256 = tpu.vector_load %arg9[%get3A_255] {strides = array<i32>} : memref<128xf32, #tpu.memory_space<vmem>>, vector<16xf32>,
          %get3A_257 = vector.shape_cast %get3A_256 : vector<16xf32> to vector<16xf32>
          %add3A_258 = arith.addf %get3A_250, %get3A_257 : vector<16xf32>
          %mul3A_259 = arith.constant 5.000000e-01 : f32
          %mul3A_260 = vector.broadcast %mul3A_259 : f32 to vector<16xf32>
          %mul3A_261 = arith.mulf %get3A_247, %mul3A_260 : vector<16xf32>
          %convert_element_type3A_262 = arith.fptosi %mul3A_261 : vector<16xf32> to vector<16xi32>
          %mul3A_263 = arith.constant 5.000000e-01 : f32
          %mul3A_264 = vector.broadcast %mul3A_263 : f32 to vector<16xf32>
          %mul3A_265 = arith.mulf %get3A_250, %mul3A_264 : vector<16xf32>
          %convert_element_type3A_266 = arith.fptosi %mul3A_265 : vector<16xf32> to vector<16xi32>
          %convert_element_type3A_267 = arith.sitofp %convert_element_type3A_262 : vector<16xi32> to vector<16xf32>
          %mul3A_268 = arith.constant 2.000000e+00 : f32
          %mul3A_269 = vector.broadcast %mul3A_268 : f32 to vector<16xf32>
          %mul3A_270 = arith.mulf %convert_element_type3A_267, %mul3A_269 : vector<16xf32>
          %convert_element_type3A_271 = arith.sitofp %convert_element_type3A_266 : vector<16xi32> to vector<16xf32>
          %mul3A_272 = arith.constant 2.000000e+00 : f32
          %mul3A_273 = vector.broadcast %mul3A_272 : f32 to vector<16xf32>
          %mul3A_274 = arith.mulf %convert_element_type3A_271, %mul3A_273 : vector<16xf32>
          %mul3A_275 = arith.constant 512 : i32
          %mul3A_276 = vector.broadcast %mul3A_275 : i32 to vector<16xi32>
          %mul3A_277 = arith.muli %convert_element_type3A_262, %mul3A_276 : vector<16xi32>
          %add3A_278 = arith.addi %mul3A_277, %convert_element_type3A_266 : vector<16xi32>
          %iota3A = tpu.iota {dimensions = array<i32: 0>} : vector<16xi32>
          %mul3A_279 = arith.constant 16 : i32
          %mul3A_280 = arith.muli %scan3A_243, %mul3A_279 : i32
          %add3A_281 = arith.addi %min3A_133, %mul3A_280 : i32
          %add3A_282 = vector.broadcast %add3A_281 : i32 to vector<16xi32>
          %add3A_283 = arith.addi %add3A_282, %iota3A : vector<16xi32>
          %ge3A_284 = vector.broadcast %add3A_137 : i32 to vector<16xi32>
          %ge3A_285 = arith.cmpi sge, %add3A_283, %ge3A_284 : vector<16xi32>
          %lt3A_286 = arith.constant 410000 : i32
          %lt3A_287 = vector.broadcast %lt3A_286 : i32 to vector<16xi32>
          %lt3A_288 = arith.cmpi slt, %add3A_283, %lt3A_287 : vector<16xi32>
          %and3A_289 = arith.andi %ge3A_285, %lt3A_288 : vector<16xi1>
          %mul3A_290 = arith.constant 16 : i32
          %mul3A_291 = arith.muli %scan3A_243, %mul3A_290 : i32
          %add3A_292 = vector.broadcast %mul3A_291 : i32 to vector<16xi32>
          %add3A_293 = arith.addi %add3A_292, %iota3A : vector<16xi32>
          %add3A_294 = arith.constant 0.000000e+00 : f32
          %add3A_295 = vector.broadcast %add3A_294 : f32 to vector<16xf32>
          %add3A_296 = arith.addf %mul3A_274, %add3A_295 : vector<16xf32>
          %add3A_297 = arith.constant 2.000000e+00 : f32
          %add3A_298 = vector.broadcast %add3A_297 : f32 to vector<16xf32>
          %add3A_299 = arith.addf %add3A_296, %add3A_298 : vector<16xf32>
          %min3A_300 = arith.minimumf %add3A_258, %add3A_299 : vector<16xf32>
          %max3A = arith.maximumf %get3A_250, %add3A_296 : vector<16xf32>
          %sub3A_301 = arith.subf %min3A_300, %max3A : vector<16xf32>
          %max3A_302 = arith.constant 0.000000e+00 : f32
          %max3A_303 = vector.broadcast %max3A_302 : f32 to vector<16xf32>
          %max3A_304 = arith.maximumf %sub3A_301, %max3A_303 : vector<16xf32>
          %add3A_305 = arith.constant 2.000000e+00 : f32
          %add3A_306 = vector.broadcast %add3A_305 : f32 to vector<16xf32>
          %add3A_307 = arith.addf %mul3A_274, %add3A_306 : vector<16xf32>
          %add3A_308 = arith.constant 2.000000e+00 : f32
          %add3A_309 = vector.broadcast %add3A_308 : f32 to vector<16xf32>
          %add3A_310 = arith.addf %add3A_307, %add3A_309 : vector<16xf32>
          %min3A_311 = arith.minimumf %add3A_258, %add3A_310 : vector<16xf32>
          %max3A_312 = arith.maximumf %get3A_250, %add3A_307 : vector<16xf32>
          %sub3A_313 = arith.subf %min3A_311, %max3A_312 : vector<16xf32>
          %max3A_314 = arith.constant 0.000000e+00 : f32
          %max3A_315 = vector.broadcast %max3A_314 : f32 to vector<16xf32>
          %max3A_316 = arith.maximumf %sub3A_313, %max3A_315 : vector<16xf32>
          %add3A_317 = arith.constant 4.000000e+00 : f32
          %add3A_318 = vector.broadcast %add3A_317 : f32 to vector<16xf32>
          %add3A_319 = arith.addf %mul3A_274, %add3A_318 : vector<16xf32>
          %add3A_320 = arith.constant 2.000000e+00 : f32
          %add3A_321 = vector.broadcast %add3A_320 : f32 to vector<16xf32>
          %add3A_322 = arith.addf %add3A_319, %add3A_321 : vector<16xf32>
          %min3A_323 = arith.minimumf %add3A_258, %add3A_322 : vector<16xf32>
          %max3A_324 = arith.maximumf %get3A_250, %add3A_319 : vector<16xf32>
          %sub3A_325 = arith.subf %min3A_323, %max3A_324 : vector<16xf32>
          %max3A_326 = arith.constant 0.000000e+00 : f32
          %max3A_327 = vector.broadcast %max3A_326 : f32 to vector<16xf32>
          %max3A_328 = arith.maximumf %sub3A_325, %max3A_327 : vector<16xf32>
          %add3A_329 = arith.constant 6.000000e+00 : f32
          %add3A_330 = vector.broadcast %add3A_329 : f32 to vector<16xf32>
          %add3A_331 = arith.addf %mul3A_274, %add3A_330 : vector<16xf32>
          %add3A_332 = arith.constant 2.000000e+00 : f32
          %add3A_333 = vector.broadcast %add3A_332 : f32 to vector<16xf32>
          %add3A_334 = arith.addf %add3A_331, %add3A_333 : vector<16xf32>
          %min3A_335 = arith.minimumf %add3A_258, %add3A_334 : vector<16xf32>
          %max3A_336 = arith.maximumf %get3A_250, %add3A_331 : vector<16xf32>
          %sub3A_337 = arith.subf %min3A_335, %max3A_336 : vector<16xf32>
          %max3A_338 = arith.constant 0.000000e+00 : f32
          %max3A_339 = vector.broadcast %max3A_338 : f32 to vector<16xf32>
          %max3A_340 = arith.maximumf %sub3A_337, %max3A_339 : vector<16xf32>
          %add3A_341 = arith.constant 8.000000e+00 : f32
          %add3A_342 = vector.broadcast %add3A_341 : f32 to vector<16xf32>
          %add3A_343 = arith.addf %mul3A_274, %add3A_342 : vector<16xf32>
          %add3A_344 = arith.constant 2.000000e+00 : f32
          %add3A_345 = vector.broadcast %add3A_344 : f32 to vector<16xf32>
          %add3A_346 = arith.addf %add3A_343, %add3A_345 : vector<16xf32>
          %min3A_347 = arith.minimumf %add3A_258, %add3A_346 : vector<16xf32>
          %max3A_348 = arith.maximumf %get3A_250, %add3A_343 : vector<16xf32>
          %sub3A_349 = arith.subf %min3A_347, %max3A_348 : vector<16xf32>
          %max3A_350 = arith.constant 0.000000e+00 : f32
          %max3A_351 = vector.broadcast %max3A_350 : f32 to vector<16xf32>
          %max3A_352 = arith.maximumf %sub3A_349, %max3A_351 : vector<16xf32>
          %add3A_353 = arith.constant 1.000000e+01 : f32
          %add3A_354 = vector.broadcast %add3A_353 : f32 to vector<16xf32>
          %add3A_355 = arith.addf %mul3A_274, %add3A_354 : vector<16xf32>
          %add3A_356 = arith.constant 2.000000e+00 : f32
          %add3A_357 = vector.broadcast %add3A_356 : f32 to vector<16xf32>
          %add3A_358 = arith.addf %add3A_355, %add3A_357 : vector<16xf32>
          %min3A_359 = arith.minimumf %add3A_258, %add3A_358 : vector<16xf32>
          %max3A_360 = arith.maximumf %get3A_250, %add3A_355 : vector<16xf32>
          %sub3A_361 = arith.subf %min3A_359, %max3A_360 : vector<16xf32>
          %max3A_362 = arith.constant 0.000000e+00 : f32
          %max3A_363 = vector.broadcast %max3A_362 : f32 to vector<16xf32>
          %max3A_364 = arith.maximumf %sub3A_361, %max3A_363 : vector<16xf32>
          %add3A_365 = arith.constant 1.200000e+01 : f32
          %add3A_366 = vector.broadcast %add3A_365 : f32 to vector<16xf32>
          %add3A_367 = arith.addf %mul3A_274, %add3A_366 : vector<16xf32>
          %add3A_368 = arith.constant 2.000000e+00 : f32
          %add3A_369 = vector.broadcast %add3A_368 : f32 to vector<16xf32>
          %add3A_370 = arith.addf %add3A_367, %add3A_369 : vector<16xf32>
          %min3A_371 = arith.minimumf %add3A_258, %add3A_370 : vector<16xf32>
          %max3A_372 = arith.maximumf %get3A_250, %add3A_367 : vector<16xf32>
          %sub3A_373 = arith.subf %min3A_371, %max3A_372 : vector<16xf32>
          %max3A_374 = arith.constant 0.000000e+00 : f32
          %max3A_375 = vector.broadcast %max3A_374 : f32 to vector<16xf32>
          %max3A_376 = arith.maximumf %sub3A_373, %max3A_375 : vector<16xf32>
          %add3A_377 = arith.constant 1.400000e+01 : f32
          %add3A_378 = vector.broadcast %add3A_377 : f32 to vector<16xf32>
          %add3A_379 = arith.addf %mul3A_274, %add3A_378 : vector<16xf32>
          %add3A_380 = arith.constant 2.000000e+00 : f32
          %add3A_381 = vector.broadcast %add3A_380 : f32 to vector<16xf32>
          %add3A_382 = arith.addf %add3A_379, %add3A_381 : vector<16xf32>
          %min3A_383 = arith.minimumf %add3A_258, %add3A_382 : vector<16xf32>
          %max3A_384 = arith.maximumf %get3A_250, %add3A_379 : vector<16xf32>
          %sub3A_385 = arith.subf %min3A_383, %max3A_384 : vector<16xf32>
          %max3A_386 = arith.constant 0.000000e+00 : f32
          %max3A_387 = vector.broadcast %max3A_386 : f32 to vector<16xf32>
          %max3A_388 = arith.maximumf %sub3A_385, %max3A_387 : vector<16xf32>
          %add3A_389 = arith.constant 1.600000e+01 : f32
          %add3A_390 = vector.broadcast %add3A_389 : f32 to vector<16xf32>
          %add3A_391 = arith.addf %mul3A_274, %add3A_390 : vector<16xf32>
          %add3A_392 = arith.constant 2.000000e+00 : f32
          %add3A_393 = vector.broadcast %add3A_392 : f32 to vector<16xf32>
          %add3A_394 = arith.addf %add3A_391, %add3A_393 : vector<16xf32>
          %min3A_395 = arith.minimumf %add3A_258, %add3A_394 : vector<16xf32>
          %max3A_396 = arith.maximumf %get3A_250, %add3A_391 : vector<16xf32>
          %sub3A_397 = arith.subf %min3A_395, %max3A_396 : vector<16xf32>
          %max3A_398 = arith.constant 0.000000e+00 : f32
          %max3A_399 = vector.broadcast %max3A_398 : f32 to vector<16xf32>
          %max3A_400 = arith.maximumf %sub3A_397, %max3A_399 : vector<16xf32>
          %convert_element_type3A_401 = arith.sitofp %sub3A_128 : i32 to f32
          %mul3A_402 = arith.constant 2.000000e+00 : f32
          %mul3A_403 = arith.mulf %mul3A_402, %convert_element_type3A_401 : f32
          %add3A_404 = vector.broadcast %mul3A_403 : f32 to vector<16xf32>
          %add3A_405 = arith.addf %mul3A_270, %add3A_404 : vector<16xf32>
          %add3A_406 = arith.constant 2.000000e+00 : f32
          %add3A_407 = vector.broadcast %add3A_406 : f32 to vector<16xf32>
          %add3A_408 = arith.addf %add3A_405, %add3A_407 : vector<16xf32>
          %min3A_409 = arith.minimumf %add3A_254, %add3A_408 : vector<16xf32>
          %max3A_410 = arith.maximumf %get3A_247, %add3A_405 : vector<16xf32>
          %sub3A_411 = arith.subf %min3A_409, %max3A_410 : vector<16xf32>
          %max3A_412 = arith.constant 0.000000e+00 : f32
          %max3A_413 = vector.broadcast %max3A_412 : f32 to vector<16xf32>
          %max3A_414 = arith.maximumf %sub3A_411, %max3A_413 : vector<16xf32>
          %jit3A_415 = arith.constant 0.000000e+00 : f32
          %broadcast_in_dim3A = vector.broadcast %jit3A_415 : f32 to vector<16xf32>
          %select_n3A_416 = arith.select %and3A_289, %max3A_414, %broadcast_in_dim3A : vector<16xi1>, vector<16xf32>
          %select_n3A_417 = arith.select %and3A_289, %add3A_278, %add3A_293 : vector<16xi1>, vector<16xi32>
          %mul3A_418 = arith.constant 512 : i32
          %mul3A_419 = arith.muli %sub3A_128, %mul3A_418 : i32
          %add3A_420 = vector.broadcast %mul3A_419 : i32 to vector<16xi32>
          %add3A_421 = arith.addi %select_n3A_417, %add3A_420 : vector<16xi32>
          %mul3A_422 = arith.constant 0.899999976 : f32
          %mul3A_423 = vector.broadcast %mul3A_422 : f32 to vector<16xf32>
          %mul3A_424 = arith.mulf %select_n3A_416, %mul3A_423 : vector<16xf32>
          %add3A_425 = arith.constant 0 : i32
          %add3A_426 = vector.broadcast %add3A_425 : i32 to vector<16xi32>
          %add3A_427 = arith.addi %add3A_421, %add3A_426 : vector<16xi32>
          %swap3A = arith.constant 0 : i32
          %swap3A_428 = arith.index_cast %swap3A : i32 to index
          %swap3A_429 = arith.index_cast %mul3A_245 : i32 to index
          %swap3A_430 = tpu.vector_load %arg14[%swap3A_428, %swap3A_429] {strides = array<i32>} : memref<9x128xi32, #tpu.memory_space<vmem>>, vector<1x16xi32>,
          %swap3A_431 = vector.shape_cast %swap3A_430 : vector<1x16xi32> to vector<16xi32>
          %swap3A_432 = vector.shape_cast %add3A_427 : vector<16xi32> to vector<1x16xi32>
          tpu.vector_store %arg14[%swap3A_428, %swap3A_429], %swap3A_432 {strides = array<i32>} : memref<9x128xi32, #tpu.memory_space<vmem>>, vector<1x16xi32>,
          %mul3A_433 = arith.mulf %mul3A_424, %max3A_304 : vector<16xf32>
          %swap3A_434 = arith.constant 0 : i32
          %swap3A_435 = arith.index_cast %swap3A_434 : i32 to index
          %swap3A_436 = arith.index_cast %mul3A_245 : i32 to index
          %swap3A_437 = tpu.vector_load %arg15[%swap3A_435, %swap3A_436] {strides = array<i32>} : memref<9x128xf32, #tpu.memory_space<vmem>>, vector<1x16xf32>,
          %swap3A_438 = vector.shape_cast %swap3A_437 : vector<1x16xf32> to vector<16xf32>
          %swap3A_439 = vector.shape_cast %mul3A_433 : vector<16xf32> to vector<1x16xf32>
          tpu.vector_store %arg15[%swap3A_435, %swap3A_436], %swap3A_439 {strides = array<i32>} : memref<9x128xf32, #tpu.memory_space<vmem>>, vector<1x16xf32>,
          %add3A_440 = arith.constant 1 : i32
          %add3A_441 = vector.broadcast %add3A_440 : i32 to vector<16xi32>
          %add3A_442 = arith.addi %add3A_421, %add3A_441 : vector<16xi32>
          %swap3A_443 = arith.constant 1 : i32
          %swap3A_444 = arith.index_cast %swap3A_443 : i32 to index
          %swap3A_445 = arith.index_cast %mul3A_245 : i32 to index
          %swap3A_446 = tpu.vector_load %arg14[%swap3A_444, %swap3A_445] {strides = array<i32>} : memref<9x128xi32, #tpu.memory_space<vmem>>, vector<1x16xi32>,
          %swap3A_447 = vector.shape_cast %swap3A_446 : vector<1x16xi32> to vector<16xi32>
          %swap3A_448 = vector.shape_cast %add3A_442 : vector<16xi32> to vector<1x16xi32>
          tpu.vector_store %arg14[%swap3A_444, %swap3A_445], %swap3A_448 {strides = array<i32>} : memref<9x128xi32, #tpu.memory_space<vmem>>, vector<1x16xi32>,
          %mul3A_449 = arith.mulf %mul3A_424, %max3A_316 : vector<16xf32>
          %swap3A_450 = arith.constant 1 : i32
          %swap3A_451 = arith.index_cast %swap3A_450 : i32 to index
          %swap3A_452 = arith.index_cast %mul3A_245 : i32 to index
          %swap3A_453 = tpu.vector_load %arg15[%swap3A_451, %swap3A_452] {strides = array<i32>} : memref<9x128xf32, #tpu.memory_space<vmem>>, vector<1x16xf32>,
          %swap3A_454 = vector.shape_cast %swap3A_453 : vector<1x16xf32> to vector<16xf32>
          %swap3A_455 = vector.shape_cast %mul3A_449 : vector<16xf32> to vector<1x16xf32>
          tpu.vector_store %arg15[%swap3A_451, %swap3A_452], %swap3A_455 {strides = array<i32>} : memref<9x128xf32, #tpu.memory_space<vmem>>, vector<1x16xf32>,
          %add3A_456 = arith.constant 2 : i32
          %add3A_457 = vector.broadcast %add3A_456 : i32 to vector<16xi32>
          %add3A_458 = arith.addi %add3A_421, %add3A_457 : vector<16xi32>
          %swap3A_459 = arith.constant 2 : i32
          %swap3A_460 = arith.index_cast %swap3A_459 : i32 to index
          %swap3A_461 = arith.index_cast %mul3A_245 : i32 to index
          %swap3A_462 = tpu.vector_load %arg14[%swap3A_460, %swap3A_461] {strides = array<i32>} : memref<9x128xi32, #tpu.memory_space<vmem>>, vector<1x16xi32>,
          %swap3A_463 = vector.shape_cast %swap3A_462 : vector<1x16xi32> to vector<16xi32>
          %swap3A_464 = vector.shape_cast %add3A_458 : vector<16xi32> to vector<1x16xi32>
          tpu.vector_store %arg14[%swap3A_460, %swap3A_461], %swap3A_464 {strides = array<i32>} : memref<9x128xi32, #tpu.memory_space<vmem>>, vector<1x16xi32>,
          %mul3A_465 = arith.mulf %mul3A_424, %max3A_328 : vector<16xf32>
          %swap3A_466 = arith.constant 2 : i32
          %swap3A_467 = arith.index_cast %swap3A_466 : i32 to index
          %swap3A_468 = arith.index_cast %mul3A_245 : i32 to index
          %swap3A_469 = tpu.vector_load %arg15[%swap3A_467, %swap3A_468] {strides = array<i32>} : memref<9x128xf32, #tpu.memory_space<vmem>>, vector<1x16xf32>,
          %swap3A_470 = vector.shape_cast %swap3A_469 : vector<1x16xf32> to vector<16xf32>
          %swap3A_471 = vector.shape_cast %mul3A_465 : vector<16xf32> to vector<1x16xf32>
          tpu.vector_store %arg15[%swap3A_467, %swap3A_468], %swap3A_471 {strides = array<i32>} : memref<9x128xf32, #tpu.memory_space<vmem>>, vector<1x16xf32>,
          %add3A_472 = arith.constant 3 : i32
          %add3A_473 = vector.broadcast %add3A_472 : i32 to vector<16xi32>
          %add3A_474 = arith.addi %add3A_421, %add3A_473 : vector<16xi32>
          %swap3A_475 = arith.constant 3 : i32
          %swap3A_476 = arith.index_cast %swap3A_475 : i32 to index
          %swap3A_477 = arith.index_cast %mul3A_245 : i32 to index
          %swap3A_478 = tpu.vector_load %arg14[%swap3A_476, %swap3A_477] {strides = array<i32>} : memref<9x128xi32, #tpu.memory_space<vmem>>, vector<1x16xi32>,
          %swap3A_479 = vector.shape_cast %swap3A_478 : vector<1x16xi32> to vector<16xi32>
          %swap3A_480 = vector.shape_cast %add3A_474 : vector<16xi32> to vector<1x16xi32>
          tpu.vector_store %arg14[%swap3A_476, %swap3A_477], %swap3A_480 {strides = array<i32>} : memref<9x128xi32, #tpu.memory_space<vmem>>, vector<1x16xi32>,
          %mul3A_481 = arith.mulf %mul3A_424, %max3A_340 : vector<16xf32>
          %swap3A_482 = arith.constant 3 : i32
          %swap3A_483 = arith.index_cast %swap3A_482 : i32 to index
          %swap3A_484 = arith.index_cast %mul3A_245 : i32 to index
          %swap3A_485 = tpu.vector_load %arg15[%swap3A_483, %swap3A_484] {strides = array<i32>} : memref<9x128xf32, #tpu.memory_space<vmem>>, vector<1x16xf32>,
          %swap3A_486 = vector.shape_cast %swap3A_485 : vector<1x16xf32> to vector<16xf32>
          %swap3A_487 = vector.shape_cast %mul3A_481 : vector<16xf32> to vector<1x16xf32>
          tpu.vector_store %arg15[%swap3A_483, %swap3A_484], %swap3A_487 {strides = array<i32>} : memref<9x128xf32, #tpu.memory_space<vmem>>, vector<1x16xf32>,
          %add3A_488 = arith.constant 4 : i32
          %add3A_489 = vector.broadcast %add3A_488 : i32 to vector<16xi32>
          %add3A_490 = arith.addi %add3A_421, %add3A_489 : vector<16xi32>
          %swap3A_491 = arith.constant 4 : i32
          %swap3A_492 = arith.index_cast %swap3A_491 : i32 to index
          %swap3A_493 = arith.index_cast %mul3A_245 : i32 to index
          %swap3A_494 = tpu.vector_load %arg14[%swap3A_492, %swap3A_493] {strides = array<i32>} : memref<9x128xi32, #tpu.memory_space<vmem>>, vector<1x16xi32>,
          %swap3A_495 = vector.shape_cast %swap3A_494 : vector<1x16xi32> to vector<16xi32>
          %swap3A_496 = vector.shape_cast %add3A_490 : vector<16xi32> to vector<1x16xi32>
          tpu.vector_store %arg14[%swap3A_492, %swap3A_493], %swap3A_496 {strides = array<i32>} : memref<9x128xi32, #tpu.memory_space<vmem>>, vector<1x16xi32>,
          %mul3A_497 = arith.mulf %mul3A_424, %max3A_352 : vector<16xf32>
          %swap3A_498 = arith.constant 4 : i32
          %swap3A_499 = arith.index_cast %swap3A_498 : i32 to index
          %swap3A_500 = arith.index_cast %mul3A_245 : i32 to index
          %swap3A_501 = tpu.vector_load %arg15[%swap3A_499, %swap3A_500] {strides = array<i32>} : memref<9x128xf32, #tpu.memory_space<vmem>>, vector<1x16xf32>,
          %swap3A_502 = vector.shape_cast %swap3A_501 : vector<1x16xf32> to vector<16xf32>
          %swap3A_503 = vector.shape_cast %mul3A_497 : vector<16xf32> to vector<1x16xf32>
          tpu.vector_store %arg15[%swap3A_499, %swap3A_500], %swap3A_503 {strides = array<i32>} : memref<9x128xf32, #tpu.memory_space<vmem>>, vector<1x16xf32>,
          %add3A_504 = arith.constant 5 : i32
          %add3A_505 = vector.broadcast %add3A_504 : i32 to vector<16xi32>
          %add3A_506 = arith.addi %add3A_421, %add3A_505 : vector<16xi32>
          %swap3A_507 = arith.constant 5 : i32
          %swap3A_508 = arith.index_cast %swap3A_507 : i32 to index
          %swap3A_509 = arith.index_cast %mul3A_245 : i32 to index
          %swap3A_510 = tpu.vector_load %arg14[%swap3A_508, %swap3A_509] {strides = array<i32>} : memref<9x128xi32, #tpu.memory_space<vmem>>, vector<1x16xi32>,
          %swap3A_511 = vector.shape_cast %swap3A_510 : vector<1x16xi32> to vector<16xi32>
          %swap3A_512 = vector.shape_cast %add3A_506 : vector<16xi32> to vector<1x16xi32>
          tpu.vector_store %arg14[%swap3A_508, %swap3A_509], %swap3A_512 {strides = array<i32>} : memref<9x128xi32, #tpu.memory_space<vmem>>, vector<1x16xi32>,
          %mul3A_513 = arith.mulf %mul3A_424, %max3A_364 : vector<16xf32>
          %swap3A_514 = arith.constant 5 : i32
          %swap3A_515 = arith.index_cast %swap3A_514 : i32 to index
          %swap3A_516 = arith.index_cast %mul3A_245 : i32 to index
          %swap3A_517 = tpu.vector_load %arg15[%swap3A_515, %swap3A_516] {strides = array<i32>} : memref<9x128xf32, #tpu.memory_space<vmem>>, vector<1x16xf32>,
          %swap3A_518 = vector.shape_cast %swap3A_517 : vector<1x16xf32> to vector<16xf32>
          %swap3A_519 = vector.shape_cast %mul3A_513 : vector<16xf32> to vector<1x16xf32>
          tpu.vector_store %arg15[%swap3A_515, %swap3A_516], %swap3A_519 {strides = array<i32>} : memref<9x128xf32, #tpu.memory_space<vmem>>, vector<1x16xf32>,
          %add3A_520 = arith.constant 6 : i32
          %add3A_521 = vector.broadcast %add3A_520 : i32 to vector<16xi32>
          %add3A_522 = arith.addi %add3A_421, %add3A_521 : vector<16xi32>
          %swap3A_523 = arith.constant 6 : i32
          %swap3A_524 = arith.index_cast %swap3A_523 : i32 to index
          %swap3A_525 = arith.index_cast %mul3A_245 : i32 to index
          %swap3A_526 = tpu.vector_load %arg14[%swap3A_524, %swap3A_525] {strides = array<i32>} : memref<9x128xi32, #tpu.memory_space<vmem>>, vector<1x16xi32>,
          %swap3A_527 = vector.shape_cast %swap3A_526 : vector<1x16xi32> to vector<16xi32>
          %swap3A_528 = vector.shape_cast %add3A_522 : vector<16xi32> to vector<1x16xi32>
          tpu.vector_store %arg14[%swap3A_524, %swap3A_525], %swap3A_528 {strides = array<i32>} : memref<9x128xi32, #tpu.memory_space<vmem>>, vector<1x16xi32>,
          %mul3A_529 = arith.mulf %mul3A_424, %max3A_376 : vector<16xf32>
          %swap3A_530 = arith.constant 6 : i32
          %swap3A_531 = arith.index_cast %swap3A_530 : i32 to index
          %swap3A_532 = arith.index_cast %mul3A_245 : i32 to index
          %swap3A_533 = tpu.vector_load %arg15[%swap3A_531, %swap3A_532] {strides = array<i32>} : memref<9x128xf32, #tpu.memory_space<vmem>>, vector<1x16xf32>,
          %swap3A_534 = vector.shape_cast %swap3A_533 : vector<1x16xf32> to vector<16xf32>
          %swap3A_535 = vector.shape_cast %mul3A_529 : vector<16xf32> to vector<1x16xf32>
          tpu.vector_store %arg15[%swap3A_531, %swap3A_532], %swap3A_535 {strides = array<i32>} : memref<9x128xf32, #tpu.memory_space<vmem>>, vector<1x16xf32>,
          %add3A_536 = arith.constant 7 : i32
          %add3A_537 = vector.broadcast %add3A_536 : i32 to vector<16xi32>
          %add3A_538 = arith.addi %add3A_421, %add3A_537 : vector<16xi32>
          %swap3A_539 = arith.constant 7 : i32
          %swap3A_540 = arith.index_cast %swap3A_539 : i32 to index
          %swap3A_541 = arith.index_cast %mul3A_245 : i32 to index
          %swap3A_542 = tpu.vector_load %arg14[%swap3A_540, %swap3A_541] {strides = array<i32>} : memref<9x128xi32, #tpu.memory_space<vmem>>, vector<1x16xi32>,
          %swap3A_543 = vector.shape_cast %swap3A_542 : vector<1x16xi32> to vector<16xi32>
          %swap3A_544 = vector.shape_cast %add3A_538 : vector<16xi32> to vector<1x16xi32>
          tpu.vector_store %arg14[%swap3A_540, %swap3A_541], %swap3A_544 {strides = array<i32>} : memref<9x128xi32, #tpu.memory_space<vmem>>, vector<1x16xi32>,
          %mul3A_545 = arith.mulf %mul3A_424, %max3A_388 : vector<16xf32>
          %swap3A_546 = arith.constant 7 : i32
          %swap3A_547 = arith.index_cast %swap3A_546 : i32 to index
          %swap3A_548 = arith.index_cast %mul3A_245 : i32 to index
          %swap3A_549 = tpu.vector_load %arg15[%swap3A_547, %swap3A_548] {strides = array<i32>} : memref<9x128xf32, #tpu.memory_space<vmem>>, vector<1x16xf32>,
          %swap3A_550 = vector.shape_cast %swap3A_549 : vector<1x16xf32> to vector<16xf32>
          %swap3A_551 = vector.shape_cast %mul3A_545 : vector<16xf32> to vector<1x16xf32>
          tpu.vector_store %arg15[%swap3A_547, %swap3A_548], %swap3A_551 {strides = array<i32>} : memref<9x128xf32, #tpu.memory_space<vmem>>, vector<1x16xf32>,
          %add3A_552 = arith.constant 8 : i32
          %add3A_553 = vector.broadcast %add3A_552 : i32 to vector<16xi32>
          %add3A_554 = arith.addi %add3A_421, %add3A_553 : vector<16xi32>
          %swap3A_555 = arith.constant 8 : i32
          %swap3A_556 = arith.index_cast %swap3A_555 : i32 to index
          %swap3A_557 = arith.index_cast %mul3A_245 : i32 to index
          %swap3A_558 = tpu.vector_load %arg14[%swap3A_556, %swap3A_557] {strides = array<i32>} : memref<9x128xi32, #tpu.memory_space<vmem>>, vector<1x16xi32>,
          %swap3A_559 = vector.shape_cast %swap3A_558 : vector<1x16xi32> to vector<16xi32>
          %swap3A_560 = vector.shape_cast %add3A_554 : vector<16xi32> to vector<1x16xi32>
          tpu.vector_store %arg14[%swap3A_556, %swap3A_557], %swap3A_560 {strides = array<i32>} : memref<9x128xi32, #tpu.memory_space<vmem>>, vector<1x16xi32>,
          %mul3A_561 = arith.mulf %mul3A_424, %max3A_400 : vector<16xf32>
          %swap3A_562 = arith.constant 8 : i32
          %swap3A_563 = arith.index_cast %swap3A_562 : i32 to index
          %swap3A_564 = arith.index_cast %mul3A_245 : i32 to index
          %swap3A_565 = tpu.vector_load %arg15[%swap3A_563, %swap3A_564] {strides = array<i32>} : memref<9x128xf32, #tpu.memory_space<vmem>>, vector<1x16xf32>,
          %swap3A_566 = vector.shape_cast %swap3A_565 : vector<1x16xf32> to vector<16xf32>
          %swap3A_567 = vector.shape_cast %mul3A_561 : vector<16xf32> to vector<1x16xf32>
          tpu.vector_store %arg15[%swap3A_563, %swap3A_564], %swap3A_567 {strides = array<i32>} : memref<9x128xf32, #tpu.memory_space<vmem>>, vector<1x16xf32>,
        }
        %scan3A_146 = arith.constant 8 : i32
        %add3A_147 = arith.constant 64 : i32
        %add3A_148 = arith.addi %add3A_77, %add3A_147 : i32
        %lt3A_149 = arith.constant 711 : i32
        %lt3A_150 = arith.cmpi slt, %add3A_148, %lt3A_149 : i32
        %convert_element_type3A_151 = arith.extui %lt3A_150 : i1 to i32
        %cond3A_152 = arith.constant 0 : i32
        %cond3A_153 = arith.cmpi ne, %convert_element_type3A_151, %cond3A_152 : i32
        scf.if %cond3A_153 {
          %add3A_243 = arith.constant 64 : i32
          %add3A_244 = arith.addi %add3A_77, %add3A_243 : i32
          %jit3A_245 = arith.constant 9 : i32
          %div3A_246 = arith.divsi %add3A_244, %jit3A_245 : i32
          %sign3A_247 = arith.constant 0 : i32
          %sign3A_248 = arith.cmpi sgt, %add3A_244, %sign3A_247 : i32
          %sign3A_249 = arith.extui %sign3A_248 : i1 to i32
          %sign3A_250 = arith.constant 0 : i32
          %sign3A_251 = arith.cmpi slt, %add3A_244, %sign3A_250 : i32
          %sign3A_252 = arith.extui %sign3A_251 : i1 to i32
          %sign3A_253 = arith.subi %sign3A_249, %sign3A_252 : i32
          %sign3A_254 = arith.constant 0 : i32
          %sign3A_255 = arith.cmpi sgt, %jit3A_245, %sign3A_254 : i32
          %sign3A_256 = arith.extui %sign3A_255 : i1 to i32
          %sign3A_257 = arith.constant 0 : i32
          %sign3A_258 = arith.cmpi slt, %jit3A_245, %sign3A_257 : i32
          %sign3A_259 = arith.extui %sign3A_258 : i1 to i32
          %sign3A_260 = arith.subi %sign3A_256, %sign3A_259 : i32
          %ne3A_261 = arith.cmpi ne, %sign3A_253, %sign3A_260 : i32
          %rem3A_262 = arith.remsi %add3A_244, %jit3A_245 : i32
          %ne3A_263 = arith.constant 0 : i32
          %ne3A_264 = arith.cmpi ne, %rem3A_262, %ne3A_263 : i32
          %and3A_265 = arith.andi %ne3A_261, %ne3A_264 : i1
          %sub3A_266 = arith.constant 1 : i32
          %sub3A_267 = arith.subi %div3A_246, %sub3A_266 : i32
          %select_n3A_268 = arith.select %and3A_265, %sub3A_267, %div3A_246 : i32
          %mul3A_269 = arith.constant 128 : i32
          %mul3A_270 = arith.muli %select_n3A_268, %mul3A_269 : i32
          %add3A_271 = arith.constant 400000 : i32
          %add3A_272 = arith.addi %add3A_271, %mul3A_270 : i32
          %min3A_273 = arith.constant 409872 : i32
          %min3A_274 = arith.minsi %add3A_272, %min3A_273 : i32
          %dma_start3A_275 = tpu.memref_slice %arg2[%min3A_274] : memref<1020000xf32, #tpu.memory_space<hbm>> -> memref<128xf32, #tpu.memory_space<hbm>>
          %dma_start3A_276 = tpu.memref_slice %arg2[%min3A_274] : memref<1020000xf32, #tpu.memory_space<hbm>> -> memref<128xf32, #tpu.memory_space<hbm>>
          tpu.enqueue_dma source(%dma_start3A_276 : memref<128xf32, #tpu.memory_space<hbm>>) target(%arg6 : memref<128xf32, #tpu.memory_space<vmem>>) target_semaphore(%arg21 : memref<!tpu.dma_semaphore, #tpu.memory_space<semaphore_mem>>)
          %add3A_277 = arith.constant 510000 : i32
          %add3A_278 = arith.addi %add3A_277, %min3A_274 : i32
          %dma_start3A_279 = tpu.memref_slice %arg2[%add3A_278] : memref<1020000xf32, #tpu.memory_space<hbm>> -> memref<128xf32, #tpu.memory_space<hbm>>
          %dma_start3A_280 = tpu.memref_slice %arg2[%add3A_278] : memref<1020000xf32, #tpu.memory_space<hbm>> -> memref<128xf32, #tpu.memory_space<hbm>>
          tpu.enqueue_dma source(%dma_start3A_280 : memref<128xf32, #tpu.memory_space<hbm>>) target(%arg7 : memref<128xf32, #tpu.memory_space<vmem>>) target_semaphore(%arg21 : memref<!tpu.dma_semaphore, #tpu.memory_space<semaphore_mem>>)
          %dma_start3A_281 = tpu.memref_slice %arg3[%min3A_274] : memref<510000xf32, #tpu.memory_space<hbm>> -> memref<128xf32, #tpu.memory_space<hbm>>
          %dma_start3A_282 = tpu.memref_slice %arg3[%min3A_274] : memref<510000xf32, #tpu.memory_space<hbm>> -> memref<128xf32, #tpu.memory_space<hbm>>
          tpu.enqueue_dma source(%dma_start3A_282 : memref<128xf32, #tpu.memory_space<hbm>>) target(%arg8 : memref<128xf32, #tpu.memory_space<vmem>>) target_semaphore(%arg21 : memref<!tpu.dma_semaphore, #tpu.memory_space<semaphore_mem>>)
          %dma_start3A_283 = tpu.memref_slice %arg4[%min3A_274] : memref<510000xf32, #tpu.memory_space<hbm>> -> memref<128xf32, #tpu.memory_space<hbm>>
          %dma_start3A_284 = tpu.memref_slice %arg4[%min3A_274] : memref<510000xf32, #tpu.memory_space<hbm>> -> memref<128xf32, #tpu.memory_space<hbm>>
          tpu.enqueue_dma source(%dma_start3A_284 : memref<128xf32, #tpu.memory_space<hbm>>) target(%arg9 : memref<128xf32, #tpu.memory_space<vmem>>) target_semaphore(%arg21 : memref<!tpu.dma_semaphore, #tpu.memory_space<semaphore_mem>>)
        } else {
        }
        %dma_start3A = arith.constant 0 : i32
        %dma_start3A_154 = arith.constant 0 : i32
        %dma_start3A_155 = arith.constant 0 : i32
        %dma_start3A_156 = tpu.memref_slice %arg15[%dma_start3A, %dma_start3A_155] : memref<9x128xf32, #tpu.memory_space<vmem>> -> memref<1x128xf32, #tpu.memory_space<vmem>>
        %dma_start3A_157 = tpu.memref_squeeze %dma_start3A_156 : memref<1x128xf32, #tpu.memory_space<vmem>> -> memref<128xf32, #tpu.memory_space<vmem>>
        %dma_start3A_158 = arith.constant 0 : i32
        %dma_start3A_159 = tpu.memref_slice %arg14[%dma_start3A_154, %dma_start3A_158] : memref<9x128xi32, #tpu.memory_space<vmem>> -> memref<1x128xi32, #tpu.memory_space<vmem>>
        %dma_start3A_160 = tpu.memref_squeeze %dma_start3A_159 : memref<1x128xi32, #tpu.memory_space<vmem>> -> memref<128xi32, #tpu.memory_space<vmem>>
        %dma_start3A_161 = arith.constant 0 : i32
        %dma_start3A_162 = tpu.memref_slice %arg20[%dma_start3A_161] : memref<262144xf32, #tpu.memory_space<vmem_shared>> -> memref<262144xf32, #tpu.memory_space<vmem_shared>>
        tpu.enqueue_indirect_dma source(%dma_start3A_157 : memref<128xf32, #tpu.memory_space<vmem>>) target(%dma_start3A_162 : memref<262144xf32, #tpu.memory_space<vmem_shared>>) offsets(%dma_start3A_160 : memref<128xi32, #tpu.memory_space<vmem>>) semaphore(%arg23 : memref<!tpu.dma_semaphore, #tpu.memory_space<semaphore_mem>>) {add = true}
        %dma_start3A_163 = arith.constant 1 : i32
        %dma_start3A_164 = arith.constant 1 : i32
        %dma_start3A_165 = arith.constant 0 : i32
        %dma_start3A_166 = tpu.memref_slice %arg15[%dma_start3A_163, %dma_start3A_165] : memref<9x128xf32, #tpu.memory_space<vmem>> -> memref<1x128xf32, #tpu.memory_space<vmem>>
        %dma_start3A_167 = tpu.memref_squeeze %dma_start3A_166 : memref<1x128xf32, #tpu.memory_space<vmem>> -> memref<128xf32, #tpu.memory_space<vmem>>
        %dma_start3A_168 = arith.constant 0 : i32
        %dma_start3A_169 = tpu.memref_slice %arg14[%dma_start3A_164, %dma_start3A_168] : memref<9x128xi32, #tpu.memory_space<vmem>> -> memref<1x128xi32, #tpu.memory_space<vmem>>
        %dma_start3A_170 = tpu.memref_squeeze %dma_start3A_169 : memref<1x128xi32, #tpu.memory_space<vmem>> -> memref<128xi32, #tpu.memory_space<vmem>>
        %dma_start3A_171 = arith.constant 0 : i32
        %dma_start3A_172 = tpu.memref_slice %arg20[%dma_start3A_171] : memref<262144xf32, #tpu.memory_space<vmem_shared>> -> memref<262144xf32, #tpu.memory_space<vmem_shared>>
        tpu.enqueue_indirect_dma source(%dma_start3A_167 : memref<128xf32, #tpu.memory_space<vmem>>) target(%dma_start3A_172 : memref<262144xf32, #tpu.memory_space<vmem_shared>>) offsets(%dma_start3A_170 : memref<128xi32, #tpu.memory_space<vmem>>) semaphore(%arg23 : memref<!tpu.dma_semaphore, #tpu.memory_space<semaphore_mem>>) {add = true}
        %dma_start3A_173 = arith.constant 2 : i32
        %dma_start3A_174 = arith.constant 2 : i32
        %dma_start3A_175 = arith.constant 0 : i32
        %dma_start3A_176 = tpu.memref_slice %arg15[%dma_start3A_173, %dma_start3A_175] : memref<9x128xf32, #tpu.memory_space<vmem>> -> memref<1x128xf32, #tpu.memory_space<vmem>>
        %dma_start3A_177 = tpu.memref_squeeze %dma_start3A_176 : memref<1x128xf32, #tpu.memory_space<vmem>> -> memref<128xf32, #tpu.memory_space<vmem>>
        %dma_start3A_178 = arith.constant 0 : i32
        %dma_start3A_179 = tpu.memref_slice %arg14[%dma_start3A_174, %dma_start3A_178] : memref<9x128xi32, #tpu.memory_space<vmem>> -> memref<1x128xi32, #tpu.memory_space<vmem>>
        %dma_start3A_180 = tpu.memref_squeeze %dma_start3A_179 : memref<1x128xi32, #tpu.memory_space<vmem>> -> memref<128xi32, #tpu.memory_space<vmem>>
        %dma_start3A_181 = arith.constant 0 : i32
        %dma_start3A_182 = tpu.memref_slice %arg20[%dma_start3A_181] : memref<262144xf32, #tpu.memory_space<vmem_shared>> -> memref<262144xf32, #tpu.memory_space<vmem_shared>>
        tpu.enqueue_indirect_dma source(%dma_start3A_177 : memref<128xf32, #tpu.memory_space<vmem>>) target(%dma_start3A_182 : memref<262144xf32, #tpu.memory_space<vmem_shared>>) offsets(%dma_start3A_180 : memref<128xi32, #tpu.memory_space<vmem>>) semaphore(%arg23 : memref<!tpu.dma_semaphore, #tpu.memory_space<semaphore_mem>>) {add = true}
        %dma_start3A_183 = arith.constant 3 : i32
        %dma_start3A_184 = arith.constant 3 : i32
        %dma_start3A_185 = arith.constant 0 : i32
        %dma_start3A_186 = tpu.memref_slice %arg15[%dma_start3A_183, %dma_start3A_185] : memref<9x128xf32, #tpu.memory_space<vmem>> -> memref<1x128xf32, #tpu.memory_space<vmem>>
        %dma_start3A_187 = tpu.memref_squeeze %dma_start3A_186 : memref<1x128xf32, #tpu.memory_space<vmem>> -> memref<128xf32, #tpu.memory_space<vmem>>
        %dma_start3A_188 = arith.constant 0 : i32
        %dma_start3A_189 = tpu.memref_slice %arg14[%dma_start3A_184, %dma_start3A_188] : memref<9x128xi32, #tpu.memory_space<vmem>> -> memref<1x128xi32, #tpu.memory_space<vmem>>
        %dma_start3A_190 = tpu.memref_squeeze %dma_start3A_189 : memref<1x128xi32, #tpu.memory_space<vmem>> -> memref<128xi32, #tpu.memory_space<vmem>>
        %dma_start3A_191 = arith.constant 0 : i32
        %dma_start3A_192 = tpu.memref_slice %arg20[%dma_start3A_191] : memref<262144xf32, #tpu.memory_space<vmem_shared>> -> memref<262144xf32, #tpu.memory_space<vmem_shared>>
        tpu.enqueue_indirect_dma source(%dma_start3A_187 : memref<128xf32, #tpu.memory_space<vmem>>) target(%dma_start3A_192 : memref<262144xf32, #tpu.memory_space<vmem_shared>>) offsets(%dma_start3A_190 : memref<128xi32, #tpu.memory_space<vmem>>) semaphore(%arg23 : memref<!tpu.dma_semaphore, #tpu.memory_space<semaphore_mem>>) {add = true}
        %dma_start3A_193 = arith.constant 4 : i32
        %dma_start3A_194 = arith.constant 4 : i32
        %dma_start3A_195 = arith.constant 0 : i32
        %dma_start3A_196 = tpu.memref_slice %arg15[%dma_start3A_193, %dma_start3A_195] : memref<9x128xf32, #tpu.memory_space<vmem>> -> memref<1x128xf32, #tpu.memory_space<vmem>>
        %dma_start3A_197 = tpu.memref_squeeze %dma_start3A_196 : memref<1x128xf32, #tpu.memory_space<vmem>> -> memref<128xf32, #tpu.memory_space<vmem>>
        %dma_start3A_198 = arith.constant 0 : i32
        %dma_start3A_199 = tpu.memref_slice %arg14[%dma_start3A_194, %dma_start3A_198] : memref<9x128xi32, #tpu.memory_space<vmem>> -> memref<1x128xi32, #tpu.memory_space<vmem>>
        %dma_start3A_200 = tpu.memref_squeeze %dma_start3A_199 : memref<1x128xi32, #tpu.memory_space<vmem>> -> memref<128xi32, #tpu.memory_space<vmem>>
        %dma_start3A_201 = arith.constant 0 : i32
        %dma_start3A_202 = tpu.memref_slice %arg20[%dma_start3A_201] : memref<262144xf32, #tpu.memory_space<vmem_shared>> -> memref<262144xf32, #tpu.memory_space<vmem_shared>>
        tpu.enqueue_indirect_dma source(%dma_start3A_197 : memref<128xf32, #tpu.memory_space<vmem>>) target(%dma_start3A_202 : memref<262144xf32, #tpu.memory_space<vmem_shared>>) offsets(%dma_start3A_200 : memref<128xi32, #tpu.memory_space<vmem>>) semaphore(%arg23 : memref<!tpu.dma_semaphore, #tpu.memory_space<semaphore_mem>>) {add = true}
        %dma_start3A_203 = arith.constant 5 : i32
        %dma_start3A_204 = arith.constant 5 : i32
        %dma_start3A_205 = arith.constant 0 : i32
        %dma_start3A_206 = tpu.memref_slice %arg15[%dma_start3A_203, %dma_start3A_205] : memref<9x128xf32, #tpu.memory_space<vmem>> -> memref<1x128xf32, #tpu.memory_space<vmem>>
        %dma_start3A_207 = tpu.memref_squeeze %dma_start3A_206 : memref<1x128xf32, #tpu.memory_space<vmem>> -> memref<128xf32, #tpu.memory_space<vmem>>
        %dma_start3A_208 = arith.constant 0 : i32
        %dma_start3A_209 = tpu.memref_slice %arg14[%dma_start3A_204, %dma_start3A_208] : memref<9x128xi32, #tpu.memory_space<vmem>> -> memref<1x128xi32, #tpu.memory_space<vmem>>
        %dma_start3A_210 = tpu.memref_squeeze %dma_start3A_209 : memref<1x128xi32, #tpu.memory_space<vmem>> -> memref<128xi32, #tpu.memory_space<vmem>>
        %dma_start3A_211 = arith.constant 0 : i32
        %dma_start3A_212 = tpu.memref_slice %arg20[%dma_start3A_211] : memref<262144xf32, #tpu.memory_space<vmem_shared>> -> memref<262144xf32, #tpu.memory_space<vmem_shared>>
        tpu.enqueue_indirect_dma source(%dma_start3A_207 : memref<128xf32, #tpu.memory_space<vmem>>) target(%dma_start3A_212 : memref<262144xf32, #tpu.memory_space<vmem_shared>>) offsets(%dma_start3A_210 : memref<128xi32, #tpu.memory_space<vmem>>) semaphore(%arg23 : memref<!tpu.dma_semaphore, #tpu.memory_space<semaphore_mem>>) {add = true}
        %dma_start3A_213 = arith.constant 6 : i32
        %dma_start3A_214 = arith.constant 6 : i32
        %dma_start3A_215 = arith.constant 0 : i32
        %dma_start3A_216 = tpu.memref_slice %arg15[%dma_start3A_213, %dma_start3A_215] : memref<9x128xf32, #tpu.memory_space<vmem>> -> memref<1x128xf32, #tpu.memory_space<vmem>>
        %dma_start3A_217 = tpu.memref_squeeze %dma_start3A_216 : memref<1x128xf32, #tpu.memory_space<vmem>> -> memref<128xf32, #tpu.memory_space<vmem>>
        %dma_start3A_218 = arith.constant 0 : i32
        %dma_start3A_219 = tpu.memref_slice %arg14[%dma_start3A_214, %dma_start3A_218] : memref<9x128xi32, #tpu.memory_space<vmem>> -> memref<1x128xi32, #tpu.memory_space<vmem>>
        %dma_start3A_220 = tpu.memref_squeeze %dma_start3A_219 : memref<1x128xi32, #tpu.memory_space<vmem>> -> memref<128xi32, #tpu.memory_space<vmem>>
        %dma_start3A_221 = arith.constant 0 : i32
        %dma_start3A_222 = tpu.memref_slice %arg20[%dma_start3A_221] : memref<262144xf32, #tpu.memory_space<vmem_shared>> -> memref<262144xf32, #tpu.memory_space<vmem_shared>>
        tpu.enqueue_indirect_dma source(%dma_start3A_217 : memref<128xf32, #tpu.memory_space<vmem>>) target(%dma_start3A_222 : memref<262144xf32, #tpu.memory_space<vmem_shared>>) offsets(%dma_start3A_220 : memref<128xi32, #tpu.memory_space<vmem>>) semaphore(%arg23 : memref<!tpu.dma_semaphore, #tpu.memory_space<semaphore_mem>>) {add = true}
        %dma_start3A_223 = arith.constant 7 : i32
        %dma_start3A_224 = arith.constant 7 : i32
        %dma_start3A_225 = arith.constant 0 : i32
        %dma_start3A_226 = tpu.memref_slice %arg15[%dma_start3A_223, %dma_start3A_225] : memref<9x128xf32, #tpu.memory_space<vmem>> -> memref<1x128xf32, #tpu.memory_space<vmem>>
        %dma_start3A_227 = tpu.memref_squeeze %dma_start3A_226 : memref<1x128xf32, #tpu.memory_space<vmem>> -> memref<128xf32, #tpu.memory_space<vmem>>
        %dma_start3A_228 = arith.constant 0 : i32
        %dma_start3A_229 = tpu.memref_slice %arg14[%dma_start3A_224, %dma_start3A_228] : memref<9x128xi32, #tpu.memory_space<vmem>> -> memref<1x128xi32, #tpu.memory_space<vmem>>
        %dma_start3A_230 = tpu.memref_squeeze %dma_start3A_229 : memref<1x128xi32, #tpu.memory_space<vmem>> -> memref<128xi32, #tpu.memory_space<vmem>>
        %dma_start3A_231 = arith.constant 0 : i32
        %dma_start3A_232 = tpu.memref_slice %arg20[%dma_start3A_231] : memref<262144xf32, #tpu.memory_space<vmem_shared>> -> memref<262144xf32, #tpu.memory_space<vmem_shared>>
        tpu.enqueue_indirect_dma source(%dma_start3A_227 : memref<128xf32, #tpu.memory_space<vmem>>) target(%dma_start3A_232 : memref<262144xf32, #tpu.memory_space<vmem_shared>>) offsets(%dma_start3A_230 : memref<128xi32, #tpu.memory_space<vmem>>) semaphore(%arg23 : memref<!tpu.dma_semaphore, #tpu.memory_space<semaphore_mem>>) {add = true}
        %dma_start3A_233 = arith.constant 8 : i32
        %dma_start3A_234 = arith.constant 8 : i32
        %dma_start3A_235 = arith.constant 0 : i32
        %dma_start3A_236 = tpu.memref_slice %arg15[%dma_start3A_233, %dma_start3A_235] : memref<9x128xf32, #tpu.memory_space<vmem>> -> memref<1x128xf32, #tpu.memory_space<vmem>>
        %dma_start3A_237 = tpu.memref_squeeze %dma_start3A_236 : memref<1x128xf32, #tpu.memory_space<vmem>> -> memref<128xf32, #tpu.memory_space<vmem>>
        %dma_start3A_238 = arith.constant 0 : i32
        %dma_start3A_239 = tpu.memref_slice %arg14[%dma_start3A_234, %dma_start3A_238] : memref<9x128xi32, #tpu.memory_space<vmem>> -> memref<1x128xi32, #tpu.memory_space<vmem>>
        %dma_start3A_240 = tpu.memref_squeeze %dma_start3A_239 : memref<1x128xi32, #tpu.memory_space<vmem>> -> memref<128xi32, #tpu.memory_space<vmem>>
        %dma_start3A_241 = arith.constant 0 : i32
        %dma_start3A_242 = tpu.memref_slice %arg20[%dma_start3A_241] : memref<262144xf32, #tpu.memory_space<vmem_shared>> -> memref<262144xf32, #tpu.memory_space<vmem_shared>>
        tpu.enqueue_indirect_dma source(%dma_start3A_237 : memref<128xf32, #tpu.memory_space<vmem>>) target(%dma_start3A_242 : memref<262144xf32, #tpu.memory_space<vmem_shared>>) offsets(%dma_start3A_240 : memref<128xi32, #tpu.memory_space<vmem>>) semaphore(%arg23 : memref<!tpu.dma_semaphore, #tpu.memory_space<semaphore_mem>>) {add = true}
      } else {
      }
      %mul3A_89 = arith.constant 2 : i32
      %mul3A_90 = arith.muli %mul3A_89, %scan3A_70 : i32
      %add3A_91 = arith.constant 1 : i32
      %add3A_92 = arith.addi %mul3A_90, %add3A_91 : i32
      %mul3A_93 = arith.constant 32 : i32
      %mul3A_94 = arith.muli %add3A_92, %mul3A_93 : i32
      %add3A_95 = arith.addi %add3A, %mul3A_94 : i32
      %ge3A_96 = arith.constant 64 : i32
      %ge3A_97 = arith.cmpi sge, %add3A_95, %ge3A_96 : i32
      %lt3A_98 = arith.constant 775 : i32
      %lt3A_99 = arith.cmpi slt, %add3A_95, %lt3A_98 : i32
      %and3A_100 = arith.andi %ge3A_97, %lt3A_99 : i1
      %convert_element_type3A_101 = arith.extui %and3A_100 : i1 to i32
      %cond3A_102 = arith.constant 0 : i32
      %cond3A_103 = arith.cmpi ne, %convert_element_type3A_101, %cond3A_102 : i32
      scf.if %cond3A_103 {
        %dma_wait3A = arith.constant 0 : i32
        %dma_wait3A_109 = arith.constant 0 : i32
        %dma_wait3A_110 = arith.constant 0 : i32
        %dma_wait3A_111 = tpu.memref_slice %arg17[%dma_wait3A, %dma_wait3A_110] : memref<9x128xf32, #tpu.memory_space<vmem>> -> memref<1x128xf32, #tpu.memory_space<vmem>>
        %dma_wait3A_112 = tpu.memref_squeeze %dma_wait3A_111 : memref<1x128xf32, #tpu.memory_space<vmem>> -> memref<128xf32, #tpu.memory_space<vmem>>
        %dma_wait3A_113 = arith.constant 0 : i32
        %dma_wait3A_114 = tpu.memref_slice %arg16[%dma_wait3A_109, %dma_wait3A_113] : memref<9x128xi32, #tpu.memory_space<vmem>> -> memref<1x128xi32, #tpu.memory_space<vmem>>
        %dma_wait3A_115 = tpu.memref_squeeze %dma_wait3A_114 : memref<1x128xi32, #tpu.memory_space<vmem>> -> memref<128xi32, #tpu.memory_space<vmem>>
        %dma_wait3A_116 = arith.constant 0 : i32
        %dma_wait3A_117 = tpu.memref_slice %arg20[%dma_wait3A_116] : memref<262144xf32, #tpu.memory_space<vmem_shared>> -> memref<262144xf32, #tpu.memory_space<vmem_shared>>
        tpu.wait_indirect_dma semaphore(%arg24 : memref<!tpu.dma_semaphore, #tpu.memory_space<semaphore_mem>>) src(%dma_wait3A_112 : memref<128xf32, #tpu.memory_space<vmem>>) dst(%dma_wait3A_117 : memref<262144xf32, #tpu.memory_space<vmem_shared>>)
        %dma_wait3A_118 = arith.constant 1 : i32
        %dma_wait3A_119 = arith.constant 1 : i32
        %dma_wait3A_120 = arith.constant 0 : i32
        %dma_wait3A_121 = tpu.memref_slice %arg17[%dma_wait3A_118, %dma_wait3A_120] : memref<9x128xf32, #tpu.memory_space<vmem>> -> memref<1x128xf32, #tpu.memory_space<vmem>>
        %dma_wait3A_122 = tpu.memref_squeeze %dma_wait3A_121 : memref<1x128xf32, #tpu.memory_space<vmem>> -> memref<128xf32, #tpu.memory_space<vmem>>
        %dma_wait3A_123 = arith.constant 0 : i32
        %dma_wait3A_124 = tpu.memref_slice %arg16[%dma_wait3A_119, %dma_wait3A_123] : memref<9x128xi32, #tpu.memory_space<vmem>> -> memref<1x128xi32, #tpu.memory_space<vmem>>
        %dma_wait3A_125 = tpu.memref_squeeze %dma_wait3A_124 : memref<1x128xi32, #tpu.memory_space<vmem>> -> memref<128xi32, #tpu.memory_space<vmem>>
        %dma_wait3A_126 = arith.constant 0 : i32
        %dma_wait3A_127 = tpu.memref_slice %arg20[%dma_wait3A_126] : memref<262144xf32, #tpu.memory_space<vmem_shared>> -> memref<262144xf32, #tpu.memory_space<vmem_shared>>
        tpu.wait_indirect_dma semaphore(%arg24 : memref<!tpu.dma_semaphore, #tpu.memory_space<semaphore_mem>>) src(%dma_wait3A_122 : memref<128xf32, #tpu.memory_space<vmem>>) dst(%dma_wait3A_127 : memref<262144xf32, #tpu.memory_space<vmem_shared>>)
        %dma_wait3A_128 = arith.constant 2 : i32
        %dma_wait3A_129 = arith.constant 2 : i32
        %dma_wait3A_130 = arith.constant 0 : i32
        %dma_wait3A_131 = tpu.memref_slice %arg17[%dma_wait3A_128, %dma_wait3A_130] : memref<9x128xf32, #tpu.memory_space<vmem>> -> memref<1x128xf32, #tpu.memory_space<vmem>>
        %dma_wait3A_132 = tpu.memref_squeeze %dma_wait3A_131 : memref<1x128xf32, #tpu.memory_space<vmem>> -> memref<128xf32, #tpu.memory_space<vmem>>
        %dma_wait3A_133 = arith.constant 0 : i32
        %dma_wait3A_134 = tpu.memref_slice %arg16[%dma_wait3A_129, %dma_wait3A_133] : memref<9x128xi32, #tpu.memory_space<vmem>> -> memref<1x128xi32, #tpu.memory_space<vmem>>
        %dma_wait3A_135 = tpu.memref_squeeze %dma_wait3A_134 : memref<1x128xi32, #tpu.memory_space<vmem>> -> memref<128xi32, #tpu.memory_space<vmem>>
        %dma_wait3A_136 = arith.constant 0 : i32
        %dma_wait3A_137 = tpu.memref_slice %arg20[%dma_wait3A_136] : memref<262144xf32, #tpu.memory_space<vmem_shared>> -> memref<262144xf32, #tpu.memory_space<vmem_shared>>
        tpu.wait_indirect_dma semaphore(%arg24 : memref<!tpu.dma_semaphore, #tpu.memory_space<semaphore_mem>>) src(%dma_wait3A_132 : memref<128xf32, #tpu.memory_space<vmem>>) dst(%dma_wait3A_137 : memref<262144xf32, #tpu.memory_space<vmem_shared>>)
        %dma_wait3A_138 = arith.constant 3 : i32
        %dma_wait3A_139 = arith.constant 3 : i32
        %dma_wait3A_140 = arith.constant 0 : i32
        %dma_wait3A_141 = tpu.memref_slice %arg17[%dma_wait3A_138, %dma_wait3A_140] : memref<9x128xf32, #tpu.memory_space<vmem>> -> memref<1x128xf32, #tpu.memory_space<vmem>>
        %dma_wait3A_142 = tpu.memref_squeeze %dma_wait3A_141 : memref<1x128xf32, #tpu.memory_space<vmem>> -> memref<128xf32, #tpu.memory_space<vmem>>
        %dma_wait3A_143 = arith.constant 0 : i32
        %dma_wait3A_144 = tpu.memref_slice %arg16[%dma_wait3A_139, %dma_wait3A_143] : memref<9x128xi32, #tpu.memory_space<vmem>> -> memref<1x128xi32, #tpu.memory_space<vmem>>
        %dma_wait3A_145 = tpu.memref_squeeze %dma_wait3A_144 : memref<1x128xi32, #tpu.memory_space<vmem>> -> memref<128xi32, #tpu.memory_space<vmem>>
        %dma_wait3A_146 = arith.constant 0 : i32
        %dma_wait3A_147 = tpu.memref_slice %arg20[%dma_wait3A_146] : memref<262144xf32, #tpu.memory_space<vmem_shared>> -> memref<262144xf32, #tpu.memory_space<vmem_shared>>
        tpu.wait_indirect_dma semaphore(%arg24 : memref<!tpu.dma_semaphore, #tpu.memory_space<semaphore_mem>>) src(%dma_wait3A_142 : memref<128xf32, #tpu.memory_space<vmem>>) dst(%dma_wait3A_147 : memref<262144xf32, #tpu.memory_space<vmem_shared>>)
        %dma_wait3A_148 = arith.constant 4 : i32
        %dma_wait3A_149 = arith.constant 4 : i32
        %dma_wait3A_150 = arith.constant 0 : i32
        %dma_wait3A_151 = tpu.memref_slice %arg17[%dma_wait3A_148, %dma_wait3A_150] : memref<9x128xf32, #tpu.memory_space<vmem>> -> memref<1x128xf32, #tpu.memory_space<vmem>>
        %dma_wait3A_152 = tpu.memref_squeeze %dma_wait3A_151 : memref<1x128xf32, #tpu.memory_space<vmem>> -> memref<128xf32, #tpu.memory_space<vmem>>
        %dma_wait3A_153 = arith.constant 0 : i32
        %dma_wait3A_154 = tpu.memref_slice %arg16[%dma_wait3A_149, %dma_wait3A_153] : memref<9x128xi32, #tpu.memory_space<vmem>> -> memref<1x128xi32, #tpu.memory_space<vmem>>
        %dma_wait3A_155 = tpu.memref_squeeze %dma_wait3A_154 : memref<1x128xi32, #tpu.memory_space<vmem>> -> memref<128xi32, #tpu.memory_space<vmem>>
        %dma_wait3A_156 = arith.constant 0 : i32
        %dma_wait3A_157 = tpu.memref_slice %arg20[%dma_wait3A_156] : memref<262144xf32, #tpu.memory_space<vmem_shared>> -> memref<262144xf32, #tpu.memory_space<vmem_shared>>
        tpu.wait_indirect_dma semaphore(%arg24 : memref<!tpu.dma_semaphore, #tpu.memory_space<semaphore_mem>>) src(%dma_wait3A_152 : memref<128xf32, #tpu.memory_space<vmem>>) dst(%dma_wait3A_157 : memref<262144xf32, #tpu.memory_space<vmem_shared>>)
        %dma_wait3A_158 = arith.constant 5 : i32
        %dma_wait3A_159 = arith.constant 5 : i32
        %dma_wait3A_160 = arith.constant 0 : i32
        %dma_wait3A_161 = tpu.memref_slice %arg17[%dma_wait3A_158, %dma_wait3A_160] : memref<9x128xf32, #tpu.memory_space<vmem>> -> memref<1x128xf32, #tpu.memory_space<vmem>>
        %dma_wait3A_162 = tpu.memref_squeeze %dma_wait3A_161 : memref<1x128xf32, #tpu.memory_space<vmem>> -> memref<128xf32, #tpu.memory_space<vmem>>
        %dma_wait3A_163 = arith.constant 0 : i32
        %dma_wait3A_164 = tpu.memref_slice %arg16[%dma_wait3A_159, %dma_wait3A_163] : memref<9x128xi32, #tpu.memory_space<vmem>> -> memref<1x128xi32, #tpu.memory_space<vmem>>
        %dma_wait3A_165 = tpu.memref_squeeze %dma_wait3A_164 : memref<1x128xi32, #tpu.memory_space<vmem>> -> memref<128xi32, #tpu.memory_space<vmem>>
        %dma_wait3A_166 = arith.constant 0 : i32
        %dma_wait3A_167 = tpu.memref_slice %arg20[%dma_wait3A_166] : memref<262144xf32, #tpu.memory_space<vmem_shared>> -> memref<262144xf32, #tpu.memory_space<vmem_shared>>
        tpu.wait_indirect_dma semaphore(%arg24 : memref<!tpu.dma_semaphore, #tpu.memory_space<semaphore_mem>>) src(%dma_wait3A_162 : memref<128xf32, #tpu.memory_space<vmem>>) dst(%dma_wait3A_167 : memref<262144xf32, #tpu.memory_space<vmem_shared>>)
        %dma_wait3A_168 = arith.constant 6 : i32
        %dma_wait3A_169 = arith.constant 6 : i32
        %dma_wait3A_170 = arith.constant 0 : i32
        %dma_wait3A_171 = tpu.memref_slice %arg17[%dma_wait3A_168, %dma_wait3A_170] : memref<9x128xf32, #tpu.memory_space<vmem>> -> memref<1x128xf32, #tpu.memory_space<vmem>>
        %dma_wait3A_172 = tpu.memref_squeeze %dma_wait3A_171 : memref<1x128xf32, #tpu.memory_space<vmem>> -> memref<128xf32, #tpu.memory_space<vmem>>
        %dma_wait3A_173 = arith.constant 0 : i32
        %dma_wait3A_174 = tpu.memref_slice %arg16[%dma_wait3A_169, %dma_wait3A_173] : memref<9x128xi32, #tpu.memory_space<vmem>> -> memref<1x128xi32, #tpu.memory_space<vmem>>
        %dma_wait3A_175 = tpu.memref_squeeze %dma_wait3A_174 : memref<1x128xi32, #tpu.memory_space<vmem>> -> memref<128xi32, #tpu.memory_space<vmem>>
        %dma_wait3A_176 = arith.constant 0 : i32
        %dma_wait3A_177 = tpu.memref_slice %arg20[%dma_wait3A_176] : memref<262144xf32, #tpu.memory_space<vmem_shared>> -> memref<262144xf32, #tpu.memory_space<vmem_shared>>
        tpu.wait_indirect_dma semaphore(%arg24 : memref<!tpu.dma_semaphore, #tpu.memory_space<semaphore_mem>>) src(%dma_wait3A_172 : memref<128xf32, #tpu.memory_space<vmem>>) dst(%dma_wait3A_177 : memref<262144xf32, #tpu.memory_space<vmem_shared>>)
        %dma_wait3A_178 = arith.constant 7 : i32
        %dma_wait3A_179 = arith.constant 7 : i32
        %dma_wait3A_180 = arith.constant 0 : i32
        %dma_wait3A_181 = tpu.memref_slice %arg17[%dma_wait3A_178, %dma_wait3A_180] : memref<9x128xf32, #tpu.memory_space<vmem>> -> memref<1x128xf32, #tpu.memory_space<vmem>>
        %dma_wait3A_182 = tpu.memref_squeeze %dma_wait3A_181 : memref<1x128xf32, #tpu.memory_space<vmem>> -> memref<128xf32, #tpu.memory_space<vmem>>
        %dma_wait3A_183 = arith.constant 0 : i32
        %dma_wait3A_184 = tpu.memref_slice %arg16[%dma_wait3A_179, %dma_wait3A_183] : memref<9x128xi32, #tpu.memory_space<vmem>> -> memref<1x128xi32, #tpu.memory_space<vmem>>
        %dma_wait3A_185 = tpu.memref_squeeze %dma_wait3A_184 : memref<1x128xi32, #tpu.memory_space<vmem>> -> memref<128xi32, #tpu.memory_space<vmem>>
        %dma_wait3A_186 = arith.constant 0 : i32
        %dma_wait3A_187 = tpu.memref_slice %arg20[%dma_wait3A_186] : memref<262144xf32, #tpu.memory_space<vmem_shared>> -> memref<262144xf32, #tpu.memory_space<vmem_shared>>
        tpu.wait_indirect_dma semaphore(%arg24 : memref<!tpu.dma_semaphore, #tpu.memory_space<semaphore_mem>>) src(%dma_wait3A_182 : memref<128xf32, #tpu.memory_space<vmem>>) dst(%dma_wait3A_187 : memref<262144xf32, #tpu.memory_space<vmem_shared>>)
        %dma_wait3A_188 = arith.constant 8 : i32
        %dma_wait3A_189 = arith.constant 8 : i32
        %dma_wait3A_190 = arith.constant 0 : i32
        %dma_wait3A_191 = tpu.memref_slice %arg17[%dma_wait3A_188, %dma_wait3A_190] : memref<9x128xf32, #tpu.memory_space<vmem>> -> memref<1x128xf32, #tpu.memory_space<vmem>>
        %dma_wait3A_192 = tpu.memref_squeeze %dma_wait3A_191 : memref<1x128xf32, #tpu.memory_space<vmem>> -> memref<128xf32, #tpu.memory_space<vmem>>
        %dma_wait3A_193 = arith.constant 0 : i32
        %dma_wait3A_194 = tpu.memref_slice %arg16[%dma_wait3A_189, %dma_wait3A_193] : memref<9x128xi32, #tpu.memory_space<vmem>> -> memref<1x128xi32, #tpu.memory_space<vmem>>
        %dma_wait3A_195 = tpu.memref_squeeze %dma_wait3A_194 : memref<1x128xi32, #tpu.memory_space<vmem>> -> memref<128xi32, #tpu.memory_space<vmem>>
        %dma_wait3A_196 = arith.constant 0 : i32
        %dma_wait3A_197 = tpu.memref_slice %arg20[%dma_wait3A_196] : memref<262144xf32, #tpu.memory_space<vmem_shared>> -> memref<262144xf32, #tpu.memory_space<vmem_shared>>
        tpu.wait_indirect_dma semaphore(%arg24 : memref<!tpu.dma_semaphore, #tpu.memory_space<semaphore_mem>>) src(%dma_wait3A_192 : memref<128xf32, #tpu.memory_space<vmem>>) dst(%dma_wait3A_197 : memref<262144xf32, #tpu.memory_space<vmem_shared>>)
      } else {
      }
      %lt3A_104 = arith.constant 711 : i32
      %lt3A_105 = arith.cmpi slt, %add3A_95, %lt3A_104 : i32
      %convert_element_type3A_106 = arith.extui %lt3A_105 : i1 to i32
      %cond3A_107 = arith.constant 0 : i32
      %cond3A_108 = arith.cmpi ne, %convert_element_type3A_106, %cond3A_107 : i32
      scf.if %cond3A_108 {
        %jit3A = arith.constant 9 : i32
        %div3A = arith.divsi %add3A_95, %jit3A : i32
        %sign3A = arith.constant 0 : i32
        %sign3A_109 = arith.cmpi sgt, %add3A_95, %sign3A : i32
        %sign3A_110 = arith.extui %sign3A_109 : i1 to i32
        %sign3A_111 = arith.constant 0 : i32
        %sign3A_112 = arith.cmpi slt, %add3A_95, %sign3A_111 : i32
        %sign3A_113 = arith.extui %sign3A_112 : i1 to i32
        %sign3A_114 = arith.subi %sign3A_110, %sign3A_113 : i32
        %sign3A_115 = arith.constant 0 : i32
        %sign3A_116 = arith.cmpi sgt, %jit3A, %sign3A_115 : i32
        %sign3A_117 = arith.extui %sign3A_116 : i1 to i32
        %sign3A_118 = arith.constant 0 : i32
        %sign3A_119 = arith.cmpi slt, %jit3A, %sign3A_118 : i32
        %sign3A_120 = arith.extui %sign3A_119 : i1 to i32
        %sign3A_121 = arith.subi %sign3A_117, %sign3A_120 : i32
        %ne3A = arith.cmpi ne, %sign3A_114, %sign3A_121 : i32
        %rem3A = arith.remsi %add3A_95, %jit3A : i32
        %ne3A_122 = arith.constant 0 : i32
        %ne3A_123 = arith.cmpi ne, %rem3A, %ne3A_122 : i32
        %and3A_124 = arith.andi %ne3A, %ne3A_123 : i1
        %sub3A = arith.constant 1 : i32
        %sub3A_125 = arith.subi %div3A, %sub3A : i32
        %select_n3A = arith.select %and3A_124, %sub3A_125, %div3A : i32
        %mul3A_126 = arith.constant 9 : i32
        %mul3A_127 = arith.muli %select_n3A, %mul3A_126 : i32
        %sub3A_128 = arith.subi %add3A_95, %mul3A_127 : i32
        %mul3A_129 = arith.constant 128 : i32
        %mul3A_130 = arith.muli %select_n3A, %mul3A_129 : i32
        %add3A_131 = arith.constant 400000 : i32
        %add3A_132 = arith.addi %add3A_131, %mul3A_130 : i32
        %min3A = arith.constant 409872 : i32
        %min3A_133 = arith.minsi %add3A_132, %min3A : i32
        %mul3A_134 = arith.constant 128 : i32
        %mul3A_135 = arith.muli %select_n3A, %mul3A_134 : i32
        %add3A_136 = arith.constant 400000 : i32
        %add3A_137 = arith.addi %add3A_136, %mul3A_135 : i32
        %dma_wait3A = arith.constant 0 : i32
        %dma_wait3A_138 = tpu.memref_slice %arg2[%dma_wait3A] : memref<1020000xf32, #tpu.memory_space<hbm>> -> memref<512xf32, #tpu.memory_space<hbm>>
        %dma_wait3A_139 = arith.constant 0 : i32
        %dma_wait3A_140 = tpu.memref_slice %arg2[%dma_wait3A_139] : memref<1020000xf32, #tpu.memory_space<hbm>> -> memref<512xf32, #tpu.memory_space<hbm>>
        tpu.wait_dma2 semaphore(%arg22 : memref<!tpu.dma_semaphore, #tpu.memory_space<semaphore_mem>>) src(%dma_wait3A_140 : memref<512xf32, #tpu.memory_space<hbm>>) dst(%arg19 : memref<512xf32, #tpu.memory_space<vmem>>)
        %scan3A_141 = arith.constant 0 : i32
        %scan3A_142 = arith.constant 0 : i32
        %scan3A_143 = arith.constant 8 : i32
        %scan3A_144 = arith.addi %scan3A_142, %scan3A_143 : i32
        %scan3A_145 = arith.constant 1 : i32
        scf.for %scan3A_243 = %scan3A_142 to %scan3A_144 step %scan3A_145  : i32 {
          %mul3A_244 = arith.constant 16 : i32
          %mul3A_245 = arith.muli %scan3A_243, %mul3A_244 : i32
          %get3A = arith.index_cast %mul3A_245 : i32 to index
          %get3A_246 = tpu.vector_load %arg10[%get3A] {strides = array<i32>} : memref<128xf32, #tpu.memory_space<vmem>>, vector<16xf32>,
          %get3A_247 = vector.shape_cast %get3A_246 : vector<16xf32> to vector<16xf32>
          %get3A_248 = arith.index_cast %mul3A_245 : i32 to index
          %get3A_249 = tpu.vector_load %arg11[%get3A_248] {strides = array<i32>} : memref<128xf32, #tpu.memory_space<vmem>>, vector<16xf32>,
          %get3A_250 = vector.shape_cast %get3A_249 : vector<16xf32> to vector<16xf32>
          %get3A_251 = arith.index_cast %mul3A_245 : i32 to index
          %get3A_252 = tpu.vector_load %arg12[%get3A_251] {strides = array<i32>} : memref<128xf32, #tpu.memory_space<vmem>>, vector<16xf32>,
          %get3A_253 = vector.shape_cast %get3A_252 : vector<16xf32> to vector<16xf32>
          %add3A_254 = arith.addf %get3A_247, %get3A_253 : vector<16xf32>
          %get3A_255 = arith.index_cast %mul3A_245 : i32 to index
          %get3A_256 = tpu.vector_load %arg13[%get3A_255] {strides = array<i32>} : memref<128xf32, #tpu.memory_space<vmem>>, vector<16xf32>,
          %get3A_257 = vector.shape_cast %get3A_256 : vector<16xf32> to vector<16xf32>
          %add3A_258 = arith.addf %get3A_250, %get3A_257 : vector<16xf32>
          %mul3A_259 = arith.constant 5.000000e-01 : f32
          %mul3A_260 = vector.broadcast %mul3A_259 : f32 to vector<16xf32>
          %mul3A_261 = arith.mulf %get3A_247, %mul3A_260 : vector<16xf32>
          %convert_element_type3A_262 = arith.fptosi %mul3A_261 : vector<16xf32> to vector<16xi32>
          %mul3A_263 = arith.constant 5.000000e-01 : f32
          %mul3A_264 = vector.broadcast %mul3A_263 : f32 to vector<16xf32>
          %mul3A_265 = arith.mulf %get3A_250, %mul3A_264 : vector<16xf32>
          %convert_element_type3A_266 = arith.fptosi %mul3A_265 : vector<16xf32> to vector<16xi32>
          %convert_element_type3A_267 = arith.sitofp %convert_element_type3A_262 : vector<16xi32> to vector<16xf32>
          %mul3A_268 = arith.constant 2.000000e+00 : f32
          %mul3A_269 = vector.broadcast %mul3A_268 : f32 to vector<16xf32>
          %mul3A_270 = arith.mulf %convert_element_type3A_267, %mul3A_269 : vector<16xf32>
          %convert_element_type3A_271 = arith.sitofp %convert_element_type3A_266 : vector<16xi32> to vector<16xf32>
          %mul3A_272 = arith.constant 2.000000e+00 : f32
          %mul3A_273 = vector.broadcast %mul3A_272 : f32 to vector<16xf32>
          %mul3A_274 = arith.mulf %convert_element_type3A_271, %mul3A_273 : vector<16xf32>
          %mul3A_275 = arith.constant 512 : i32
          %mul3A_276 = vector.broadcast %mul3A_275 : i32 to vector<16xi32>
          %mul3A_277 = arith.muli %convert_element_type3A_262, %mul3A_276 : vector<16xi32>
          %add3A_278 = arith.addi %mul3A_277, %convert_element_type3A_266 : vector<16xi32>
          %iota3A = tpu.iota {dimensions = array<i32: 0>} : vector<16xi32>
          %mul3A_279 = arith.constant 16 : i32
          %mul3A_280 = arith.muli %scan3A_243, %mul3A_279 : i32
          %add3A_281 = arith.addi %min3A_133, %mul3A_280 : i32
          %add3A_282 = vector.broadcast %add3A_281 : i32 to vector<16xi32>
          %add3A_283 = arith.addi %add3A_282, %iota3A : vector<16xi32>
          %ge3A_284 = vector.broadcast %add3A_137 : i32 to vector<16xi32>
          %ge3A_285 = arith.cmpi sge, %add3A_283, %ge3A_284 : vector<16xi32>
          %lt3A_286 = arith.constant 410000 : i32
          %lt3A_287 = vector.broadcast %lt3A_286 : i32 to vector<16xi32>
          %lt3A_288 = arith.cmpi slt, %add3A_283, %lt3A_287 : vector<16xi32>
          %and3A_289 = arith.andi %ge3A_285, %lt3A_288 : vector<16xi1>
          %mul3A_290 = arith.constant 16 : i32
          %mul3A_291 = arith.muli %scan3A_243, %mul3A_290 : i32
          %add3A_292 = vector.broadcast %mul3A_291 : i32 to vector<16xi32>
          %add3A_293 = arith.addi %add3A_292, %iota3A : vector<16xi32>
          %add3A_294 = arith.constant 0.000000e+00 : f32
          %add3A_295 = vector.broadcast %add3A_294 : f32 to vector<16xf32>
          %add3A_296 = arith.addf %mul3A_274, %add3A_295 : vector<16xf32>
          %add3A_297 = arith.constant 2.000000e+00 : f32
          %add3A_298 = vector.broadcast %add3A_297 : f32 to vector<16xf32>
          %add3A_299 = arith.addf %add3A_296, %add3A_298 : vector<16xf32>
          %min3A_300 = arith.minimumf %add3A_258, %add3A_299 : vector<16xf32>
          %max3A = arith.maximumf %get3A_250, %add3A_296 : vector<16xf32>
          %sub3A_301 = arith.subf %min3A_300, %max3A : vector<16xf32>
          %max3A_302 = arith.constant 0.000000e+00 : f32
          %max3A_303 = vector.broadcast %max3A_302 : f32 to vector<16xf32>
          %max3A_304 = arith.maximumf %sub3A_301, %max3A_303 : vector<16xf32>
          %add3A_305 = arith.constant 2.000000e+00 : f32
          %add3A_306 = vector.broadcast %add3A_305 : f32 to vector<16xf32>
          %add3A_307 = arith.addf %mul3A_274, %add3A_306 : vector<16xf32>
          %add3A_308 = arith.constant 2.000000e+00 : f32
          %add3A_309 = vector.broadcast %add3A_308 : f32 to vector<16xf32>
          %add3A_310 = arith.addf %add3A_307, %add3A_309 : vector<16xf32>
          %min3A_311 = arith.minimumf %add3A_258, %add3A_310 : vector<16xf32>
          %max3A_312 = arith.maximumf %get3A_250, %add3A_307 : vector<16xf32>
          %sub3A_313 = arith.subf %min3A_311, %max3A_312 : vector<16xf32>
          %max3A_314 = arith.constant 0.000000e+00 : f32
          %max3A_315 = vector.broadcast %max3A_314 : f32 to vector<16xf32>
          %max3A_316 = arith.maximumf %sub3A_313, %max3A_315 : vector<16xf32>
          %add3A_317 = arith.constant 4.000000e+00 : f32
          %add3A_318 = vector.broadcast %add3A_317 : f32 to vector<16xf32>
          %add3A_319 = arith.addf %mul3A_274, %add3A_318 : vector<16xf32>
          %add3A_320 = arith.constant 2.000000e+00 : f32
          %add3A_321 = vector.broadcast %add3A_320 : f32 to vector<16xf32>
          %add3A_322 = arith.addf %add3A_319, %add3A_321 : vector<16xf32>
          %min3A_323 = arith.minimumf %add3A_258, %add3A_322 : vector<16xf32>
          %max3A_324 = arith.maximumf %get3A_250, %add3A_319 : vector<16xf32>
          %sub3A_325 = arith.subf %min3A_323, %max3A_324 : vector<16xf32>
          %max3A_326 = arith.constant 0.000000e+00 : f32
          %max3A_327 = vector.broadcast %max3A_326 : f32 to vector<16xf32>
          %max3A_328 = arith.maximumf %sub3A_325, %max3A_327 : vector<16xf32>
          %add3A_329 = arith.constant 6.000000e+00 : f32
          %add3A_330 = vector.broadcast %add3A_329 : f32 to vector<16xf32>
          %add3A_331 = arith.addf %mul3A_274, %add3A_330 : vector<16xf32>
          %add3A_332 = arith.constant 2.000000e+00 : f32
          %add3A_333 = vector.broadcast %add3A_332 : f32 to vector<16xf32>
          %add3A_334 = arith.addf %add3A_331, %add3A_333 : vector<16xf32>
          %min3A_335 = arith.minimumf %add3A_258, %add3A_334 : vector<16xf32>
          %max3A_336 = arith.maximumf %get3A_250, %add3A_331 : vector<16xf32>
          %sub3A_337 = arith.subf %min3A_335, %max3A_336 : vector<16xf32>
          %max3A_338 = arith.constant 0.000000e+00 : f32
          %max3A_339 = vector.broadcast %max3A_338 : f32 to vector<16xf32>
          %max3A_340 = arith.maximumf %sub3A_337, %max3A_339 : vector<16xf32>
          %add3A_341 = arith.constant 8.000000e+00 : f32
          %add3A_342 = vector.broadcast %add3A_341 : f32 to vector<16xf32>
          %add3A_343 = arith.addf %mul3A_274, %add3A_342 : vector<16xf32>
          %add3A_344 = arith.constant 2.000000e+00 : f32
          %add3A_345 = vector.broadcast %add3A_344 : f32 to vector<16xf32>
          %add3A_346 = arith.addf %add3A_343, %add3A_345 : vector<16xf32>
          %min3A_347 = arith.minimumf %add3A_258, %add3A_346 : vector<16xf32>
          %max3A_348 = arith.maximumf %get3A_250, %add3A_343 : vector<16xf32>
          %sub3A_349 = arith.subf %min3A_347, %max3A_348 : vector<16xf32>
          %max3A_350 = arith.constant 0.000000e+00 : f32
          %max3A_351 = vector.broadcast %max3A_350 : f32 to vector<16xf32>
          %max3A_352 = arith.maximumf %sub3A_349, %max3A_351 : vector<16xf32>
          %add3A_353 = arith.constant 1.000000e+01 : f32
          %add3A_354 = vector.broadcast %add3A_353 : f32 to vector<16xf32>
          %add3A_355 = arith.addf %mul3A_274, %add3A_354 : vector<16xf32>
          %add3A_356 = arith.constant 2.000000e+00 : f32
          %add3A_357 = vector.broadcast %add3A_356 : f32 to vector<16xf32>
          %add3A_358 = arith.addf %add3A_355, %add3A_357 : vector<16xf32>
          %min3A_359 = arith.minimumf %add3A_258, %add3A_358 : vector<16xf32>
          %max3A_360 = arith.maximumf %get3A_250, %add3A_355 : vector<16xf32>
          %sub3A_361 = arith.subf %min3A_359, %max3A_360 : vector<16xf32>
          %max3A_362 = arith.constant 0.000000e+00 : f32
          %max3A_363 = vector.broadcast %max3A_362 : f32 to vector<16xf32>
          %max3A_364 = arith.maximumf %sub3A_361, %max3A_363 : vector<16xf32>
          %add3A_365 = arith.constant 1.200000e+01 : f32
          %add3A_366 = vector.broadcast %add3A_365 : f32 to vector<16xf32>
          %add3A_367 = arith.addf %mul3A_274, %add3A_366 : vector<16xf32>
          %add3A_368 = arith.constant 2.000000e+00 : f32
          %add3A_369 = vector.broadcast %add3A_368 : f32 to vector<16xf32>
          %add3A_370 = arith.addf %add3A_367, %add3A_369 : vector<16xf32>
          %min3A_371 = arith.minimumf %add3A_258, %add3A_370 : vector<16xf32>
          %max3A_372 = arith.maximumf %get3A_250, %add3A_367 : vector<16xf32>
          %sub3A_373 = arith.subf %min3A_371, %max3A_372 : vector<16xf32>
          %max3A_374 = arith.constant 0.000000e+00 : f32
          %max3A_375 = vector.broadcast %max3A_374 : f32 to vector<16xf32>
          %max3A_376 = arith.maximumf %sub3A_373, %max3A_375 : vector<16xf32>
          %add3A_377 = arith.constant 1.400000e+01 : f32
          %add3A_378 = vector.broadcast %add3A_377 : f32 to vector<16xf32>
          %add3A_379 = arith.addf %mul3A_274, %add3A_378 : vector<16xf32>
          %add3A_380 = arith.constant 2.000000e+00 : f32
          %add3A_381 = vector.broadcast %add3A_380 : f32 to vector<16xf32>
          %add3A_382 = arith.addf %add3A_379, %add3A_381 : vector<16xf32>
          %min3A_383 = arith.minimumf %add3A_258, %add3A_382 : vector<16xf32>
          %max3A_384 = arith.maximumf %get3A_250, %add3A_379 : vector<16xf32>
          %sub3A_385 = arith.subf %min3A_383, %max3A_384 : vector<16xf32>
          %max3A_386 = arith.constant 0.000000e+00 : f32
          %max3A_387 = vector.broadcast %max3A_386 : f32 to vector<16xf32>
          %max3A_388 = arith.maximumf %sub3A_385, %max3A_387 : vector<16xf32>
          %add3A_389 = arith.constant 1.600000e+01 : f32
          %add3A_390 = vector.broadcast %add3A_389 : f32 to vector<16xf32>
          %add3A_391 = arith.addf %mul3A_274, %add3A_390 : vector<16xf32>
          %add3A_392 = arith.constant 2.000000e+00 : f32
          %add3A_393 = vector.broadcast %add3A_392 : f32 to vector<16xf32>
          %add3A_394 = arith.addf %add3A_391, %add3A_393 : vector<16xf32>
          %min3A_395 = arith.minimumf %add3A_258, %add3A_394 : vector<16xf32>
          %max3A_396 = arith.maximumf %get3A_250, %add3A_391 : vector<16xf32>
          %sub3A_397 = arith.subf %min3A_395, %max3A_396 : vector<16xf32>
          %max3A_398 = arith.constant 0.000000e+00 : f32
          %max3A_399 = vector.broadcast %max3A_398 : f32 to vector<16xf32>
          %max3A_400 = arith.maximumf %sub3A_397, %max3A_399 : vector<16xf32>
          %convert_element_type3A_401 = arith.sitofp %sub3A_128 : i32 to f32
          %mul3A_402 = arith.constant 2.000000e+00 : f32
          %mul3A_403 = arith.mulf %mul3A_402, %convert_element_type3A_401 : f32
          %add3A_404 = vector.broadcast %mul3A_403 : f32 to vector<16xf32>
          %add3A_405 = arith.addf %mul3A_270, %add3A_404 : vector<16xf32>
          %add3A_406 = arith.constant 2.000000e+00 : f32
          %add3A_407 = vector.broadcast %add3A_406 : f32 to vector<16xf32>
          %add3A_408 = arith.addf %add3A_405, %add3A_407 : vector<16xf32>
          %min3A_409 = arith.minimumf %add3A_254, %add3A_408 : vector<16xf32>
          %max3A_410 = arith.maximumf %get3A_247, %add3A_405 : vector<16xf32>
          %sub3A_411 = arith.subf %min3A_409, %max3A_410 : vector<16xf32>
          %max3A_412 = arith.constant 0.000000e+00 : f32
          %max3A_413 = vector.broadcast %max3A_412 : f32 to vector<16xf32>
          %max3A_414 = arith.maximumf %sub3A_411, %max3A_413 : vector<16xf32>
          %jit3A_415 = arith.constant 0.000000e+00 : f32
          %broadcast_in_dim3A = vector.broadcast %jit3A_415 : f32 to vector<16xf32>
          %select_n3A_416 = arith.select %and3A_289, %max3A_414, %broadcast_in_dim3A : vector<16xi1>, vector<16xf32>
          %select_n3A_417 = arith.select %and3A_289, %add3A_278, %add3A_293 : vector<16xi1>, vector<16xi32>
          %mul3A_418 = arith.constant 512 : i32
          %mul3A_419 = arith.muli %sub3A_128, %mul3A_418 : i32
          %add3A_420 = vector.broadcast %mul3A_419 : i32 to vector<16xi32>
          %add3A_421 = arith.addi %select_n3A_417, %add3A_420 : vector<16xi32>
          %mul3A_422 = arith.constant 0.899999976 : f32
          %mul3A_423 = vector.broadcast %mul3A_422 : f32 to vector<16xf32>
          %mul3A_424 = arith.mulf %select_n3A_416, %mul3A_423 : vector<16xf32>
          %add3A_425 = arith.constant 0 : i32
          %add3A_426 = vector.broadcast %add3A_425 : i32 to vector<16xi32>
          %add3A_427 = arith.addi %add3A_421, %add3A_426 : vector<16xi32>
          %swap3A = arith.constant 0 : i32
          %swap3A_428 = arith.index_cast %swap3A : i32 to index
          %swap3A_429 = arith.index_cast %mul3A_245 : i32 to index
          %swap3A_430 = tpu.vector_load %arg16[%swap3A_428, %swap3A_429] {strides = array<i32>} : memref<9x128xi32, #tpu.memory_space<vmem>>, vector<1x16xi32>,
          %swap3A_431 = vector.shape_cast %swap3A_430 : vector<1x16xi32> to vector<16xi32>
          %swap3A_432 = vector.shape_cast %add3A_427 : vector<16xi32> to vector<1x16xi32>
          tpu.vector_store %arg16[%swap3A_428, %swap3A_429], %swap3A_432 {strides = array<i32>} : memref<9x128xi32, #tpu.memory_space<vmem>>, vector<1x16xi32>,
          %mul3A_433 = arith.mulf %mul3A_424, %max3A_304 : vector<16xf32>
          %swap3A_434 = arith.constant 0 : i32
          %swap3A_435 = arith.index_cast %swap3A_434 : i32 to index
          %swap3A_436 = arith.index_cast %mul3A_245 : i32 to index
          %swap3A_437 = tpu.vector_load %arg17[%swap3A_435, %swap3A_436] {strides = array<i32>} : memref<9x128xf32, #tpu.memory_space<vmem>>, vector<1x16xf32>,
          %swap3A_438 = vector.shape_cast %swap3A_437 : vector<1x16xf32> to vector<16xf32>
          %swap3A_439 = vector.shape_cast %mul3A_433 : vector<16xf32> to vector<1x16xf32>
          tpu.vector_store %arg17[%swap3A_435, %swap3A_436], %swap3A_439 {strides = array<i32>} : memref<9x128xf32, #tpu.memory_space<vmem>>, vector<1x16xf32>,
          %add3A_440 = arith.constant 1 : i32
          %add3A_441 = vector.broadcast %add3A_440 : i32 to vector<16xi32>
          %add3A_442 = arith.addi %add3A_421, %add3A_441 : vector<16xi32>
          %swap3A_443 = arith.constant 1 : i32
          %swap3A_444 = arith.index_cast %swap3A_443 : i32 to index
          %swap3A_445 = arith.index_cast %mul3A_245 : i32 to index
          %swap3A_446 = tpu.vector_load %arg16[%swap3A_444, %swap3A_445] {strides = array<i32>} : memref<9x128xi32, #tpu.memory_space<vmem>>, vector<1x16xi32>,
          %swap3A_447 = vector.shape_cast %swap3A_446 : vector<1x16xi32> to vector<16xi32>
          %swap3A_448 = vector.shape_cast %add3A_442 : vector<16xi32> to vector<1x16xi32>
          tpu.vector_store %arg16[%swap3A_444, %swap3A_445], %swap3A_448 {strides = array<i32>} : memref<9x128xi32, #tpu.memory_space<vmem>>, vector<1x16xi32>,
          %mul3A_449 = arith.mulf %mul3A_424, %max3A_316 : vector<16xf32>
          %swap3A_450 = arith.constant 1 : i32
          %swap3A_451 = arith.index_cast %swap3A_450 : i32 to index
          %swap3A_452 = arith.index_cast %mul3A_245 : i32 to index
          %swap3A_453 = tpu.vector_load %arg17[%swap3A_451, %swap3A_452] {strides = array<i32>} : memref<9x128xf32, #tpu.memory_space<vmem>>, vector<1x16xf32>,
          %swap3A_454 = vector.shape_cast %swap3A_453 : vector<1x16xf32> to vector<16xf32>
          %swap3A_455 = vector.shape_cast %mul3A_449 : vector<16xf32> to vector<1x16xf32>
          tpu.vector_store %arg17[%swap3A_451, %swap3A_452], %swap3A_455 {strides = array<i32>} : memref<9x128xf32, #tpu.memory_space<vmem>>, vector<1x16xf32>,
          %add3A_456 = arith.constant 2 : i32
          %add3A_457 = vector.broadcast %add3A_456 : i32 to vector<16xi32>
          %add3A_458 = arith.addi %add3A_421, %add3A_457 : vector<16xi32>
          %swap3A_459 = arith.constant 2 : i32
          %swap3A_460 = arith.index_cast %swap3A_459 : i32 to index
          %swap3A_461 = arith.index_cast %mul3A_245 : i32 to index
          %swap3A_462 = tpu.vector_load %arg16[%swap3A_460, %swap3A_461] {strides = array<i32>} : memref<9x128xi32, #tpu.memory_space<vmem>>, vector<1x16xi32>,
          %swap3A_463 = vector.shape_cast %swap3A_462 : vector<1x16xi32> to vector<16xi32>
          %swap3A_464 = vector.shape_cast %add3A_458 : vector<16xi32> to vector<1x16xi32>
          tpu.vector_store %arg16[%swap3A_460, %swap3A_461], %swap3A_464 {strides = array<i32>} : memref<9x128xi32, #tpu.memory_space<vmem>>, vector<1x16xi32>,
          %mul3A_465 = arith.mulf %mul3A_424, %max3A_328 : vector<16xf32>
          %swap3A_466 = arith.constant 2 : i32
          %swap3A_467 = arith.index_cast %swap3A_466 : i32 to index
          %swap3A_468 = arith.index_cast %mul3A_245 : i32 to index
          %swap3A_469 = tpu.vector_load %arg17[%swap3A_467, %swap3A_468] {strides = array<i32>} : memref<9x128xf32, #tpu.memory_space<vmem>>, vector<1x16xf32>,
          %swap3A_470 = vector.shape_cast %swap3A_469 : vector<1x16xf32> to vector<16xf32>
          %swap3A_471 = vector.shape_cast %mul3A_465 : vector<16xf32> to vector<1x16xf32>
          tpu.vector_store %arg17[%swap3A_467, %swap3A_468], %swap3A_471 {strides = array<i32>} : memref<9x128xf32, #tpu.memory_space<vmem>>, vector<1x16xf32>,
          %add3A_472 = arith.constant 3 : i32
          %add3A_473 = vector.broadcast %add3A_472 : i32 to vector<16xi32>
          %add3A_474 = arith.addi %add3A_421, %add3A_473 : vector<16xi32>
          %swap3A_475 = arith.constant 3 : i32
          %swap3A_476 = arith.index_cast %swap3A_475 : i32 to index
          %swap3A_477 = arith.index_cast %mul3A_245 : i32 to index
          %swap3A_478 = tpu.vector_load %arg16[%swap3A_476, %swap3A_477] {strides = array<i32>} : memref<9x128xi32, #tpu.memory_space<vmem>>, vector<1x16xi32>,
          %swap3A_479 = vector.shape_cast %swap3A_478 : vector<1x16xi32> to vector<16xi32>
          %swap3A_480 = vector.shape_cast %add3A_474 : vector<16xi32> to vector<1x16xi32>
          tpu.vector_store %arg16[%swap3A_476, %swap3A_477], %swap3A_480 {strides = array<i32>} : memref<9x128xi32, #tpu.memory_space<vmem>>, vector<1x16xi32>,
          %mul3A_481 = arith.mulf %mul3A_424, %max3A_340 : vector<16xf32>
          %swap3A_482 = arith.constant 3 : i32
          %swap3A_483 = arith.index_cast %swap3A_482 : i32 to index
          %swap3A_484 = arith.index_cast %mul3A_245 : i32 to index
          %swap3A_485 = tpu.vector_load %arg17[%swap3A_483, %swap3A_484] {strides = array<i32>} : memref<9x128xf32, #tpu.memory_space<vmem>>, vector<1x16xf32>,
          %swap3A_486 = vector.shape_cast %swap3A_485 : vector<1x16xf32> to vector<16xf32>
          %swap3A_487 = vector.shape_cast %mul3A_481 : vector<16xf32> to vector<1x16xf32>
          tpu.vector_store %arg17[%swap3A_483, %swap3A_484], %swap3A_487 {strides = array<i32>} : memref<9x128xf32, #tpu.memory_space<vmem>>, vector<1x16xf32>,
          %add3A_488 = arith.constant 4 : i32
          %add3A_489 = vector.broadcast %add3A_488 : i32 to vector<16xi32>
          %add3A_490 = arith.addi %add3A_421, %add3A_489 : vector<16xi32>
          %swap3A_491 = arith.constant 4 : i32
          %swap3A_492 = arith.index_cast %swap3A_491 : i32 to index
          %swap3A_493 = arith.index_cast %mul3A_245 : i32 to index
          %swap3A_494 = tpu.vector_load %arg16[%swap3A_492, %swap3A_493] {strides = array<i32>} : memref<9x128xi32, #tpu.memory_space<vmem>>, vector<1x16xi32>,
          %swap3A_495 = vector.shape_cast %swap3A_494 : vector<1x16xi32> to vector<16xi32>
          %swap3A_496 = vector.shape_cast %add3A_490 : vector<16xi32> to vector<1x16xi32>
          tpu.vector_store %arg16[%swap3A_492, %swap3A_493], %swap3A_496 {strides = array<i32>} : memref<9x128xi32, #tpu.memory_space<vmem>>, vector<1x16xi32>,
          %mul3A_497 = arith.mulf %mul3A_424, %max3A_352 : vector<16xf32>
          %swap3A_498 = arith.constant 4 : i32
          %swap3A_499 = arith.index_cast %swap3A_498 : i32 to index
          %swap3A_500 = arith.index_cast %mul3A_245 : i32 to index
          %swap3A_501 = tpu.vector_load %arg17[%swap3A_499, %swap3A_500] {strides = array<i32>} : memref<9x128xf32, #tpu.memory_space<vmem>>, vector<1x16xf32>,
          %swap3A_502 = vector.shape_cast %swap3A_501 : vector<1x16xf32> to vector<16xf32>
          %swap3A_503 = vector.shape_cast %mul3A_497 : vector<16xf32> to vector<1x16xf32>
          tpu.vector_store %arg17[%swap3A_499, %swap3A_500], %swap3A_503 {strides = array<i32>} : memref<9x128xf32, #tpu.memory_space<vmem>>, vector<1x16xf32>,
          %add3A_504 = arith.constant 5 : i32
          %add3A_505 = vector.broadcast %add3A_504 : i32 to vector<16xi32>
          %add3A_506 = arith.addi %add3A_421, %add3A_505 : vector<16xi32>
          %swap3A_507 = arith.constant 5 : i32
          %swap3A_508 = arith.index_cast %swap3A_507 : i32 to index
          %swap3A_509 = arith.index_cast %mul3A_245 : i32 to index
          %swap3A_510 = tpu.vector_load %arg16[%swap3A_508, %swap3A_509] {strides = array<i32>} : memref<9x128xi32, #tpu.memory_space<vmem>>, vector<1x16xi32>,
          %swap3A_511 = vector.shape_cast %swap3A_510 : vector<1x16xi32> to vector<16xi32>
          %swap3A_512 = vector.shape_cast %add3A_506 : vector<16xi32> to vector<1x16xi32>
          tpu.vector_store %arg16[%swap3A_508, %swap3A_509], %swap3A_512 {strides = array<i32>} : memref<9x128xi32, #tpu.memory_space<vmem>>, vector<1x16xi32>,
          %mul3A_513 = arith.mulf %mul3A_424, %max3A_364 : vector<16xf32>
          %swap3A_514 = arith.constant 5 : i32
          %swap3A_515 = arith.index_cast %swap3A_514 : i32 to index
          %swap3A_516 = arith.index_cast %mul3A_245 : i32 to index
          %swap3A_517 = tpu.vector_load %arg17[%swap3A_515, %swap3A_516] {strides = array<i32>} : memref<9x128xf32, #tpu.memory_space<vmem>>, vector<1x16xf32>,
          %swap3A_518 = vector.shape_cast %swap3A_517 : vector<1x16xf32> to vector<16xf32>
          %swap3A_519 = vector.shape_cast %mul3A_513 : vector<16xf32> to vector<1x16xf32>
          tpu.vector_store %arg17[%swap3A_515, %swap3A_516], %swap3A_519 {strides = array<i32>} : memref<9x128xf32, #tpu.memory_space<vmem>>, vector<1x16xf32>,
          %add3A_520 = arith.constant 6 : i32
          %add3A_521 = vector.broadcast %add3A_520 : i32 to vector<16xi32>
          %add3A_522 = arith.addi %add3A_421, %add3A_521 : vector<16xi32>
          %swap3A_523 = arith.constant 6 : i32
          %swap3A_524 = arith.index_cast %swap3A_523 : i32 to index
          %swap3A_525 = arith.index_cast %mul3A_245 : i32 to index
          %swap3A_526 = tpu.vector_load %arg16[%swap3A_524, %swap3A_525] {strides = array<i32>} : memref<9x128xi32, #tpu.memory_space<vmem>>, vector<1x16xi32>,
          %swap3A_527 = vector.shape_cast %swap3A_526 : vector<1x16xi32> to vector<16xi32>
          %swap3A_528 = vector.shape_cast %add3A_522 : vector<16xi32> to vector<1x16xi32>
          tpu.vector_store %arg16[%swap3A_524, %swap3A_525], %swap3A_528 {strides = array<i32>} : memref<9x128xi32, #tpu.memory_space<vmem>>, vector<1x16xi32>,
          %mul3A_529 = arith.mulf %mul3A_424, %max3A_376 : vector<16xf32>
          %swap3A_530 = arith.constant 6 : i32
          %swap3A_531 = arith.index_cast %swap3A_530 : i32 to index
          %swap3A_532 = arith.index_cast %mul3A_245 : i32 to index
          %swap3A_533 = tpu.vector_load %arg17[%swap3A_531, %swap3A_532] {strides = array<i32>} : memref<9x128xf32, #tpu.memory_space<vmem>>, vector<1x16xf32>,
          %swap3A_534 = vector.shape_cast %swap3A_533 : vector<1x16xf32> to vector<16xf32>
          %swap3A_535 = vector.shape_cast %mul3A_529 : vector<16xf32> to vector<1x16xf32>
          tpu.vector_store %arg17[%swap3A_531, %swap3A_532], %swap3A_535 {strides = array<i32>} : memref<9x128xf32, #tpu.memory_space<vmem>>, vector<1x16xf32>,
          %add3A_536 = arith.constant 7 : i32
          %add3A_537 = vector.broadcast %add3A_536 : i32 to vector<16xi32>
          %add3A_538 = arith.addi %add3A_421, %add3A_537 : vector<16xi32>
          %swap3A_539 = arith.constant 7 : i32
          %swap3A_540 = arith.index_cast %swap3A_539 : i32 to index
          %swap3A_541 = arith.index_cast %mul3A_245 : i32 to index
          %swap3A_542 = tpu.vector_load %arg16[%swap3A_540, %swap3A_541] {strides = array<i32>} : memref<9x128xi32, #tpu.memory_space<vmem>>, vector<1x16xi32>,
          %swap3A_543 = vector.shape_cast %swap3A_542 : vector<1x16xi32> to vector<16xi32>
          %swap3A_544 = vector.shape_cast %add3A_538 : vector<16xi32> to vector<1x16xi32>
          tpu.vector_store %arg16[%swap3A_540, %swap3A_541], %swap3A_544 {strides = array<i32>} : memref<9x128xi32, #tpu.memory_space<vmem>>, vector<1x16xi32>,
          %mul3A_545 = arith.mulf %mul3A_424, %max3A_388 : vector<16xf32>
          %swap3A_546 = arith.constant 7 : i32
          %swap3A_547 = arith.index_cast %swap3A_546 : i32 to index
          %swap3A_548 = arith.index_cast %mul3A_245 : i32 to index
          %swap3A_549 = tpu.vector_load %arg17[%swap3A_547, %swap3A_548] {strides = array<i32>} : memref<9x128xf32, #tpu.memory_space<vmem>>, vector<1x16xf32>,
          %swap3A_550 = vector.shape_cast %swap3A_549 : vector<1x16xf32> to vector<16xf32>
          %swap3A_551 = vector.shape_cast %mul3A_545 : vector<16xf32> to vector<1x16xf32>
          tpu.vector_store %arg17[%swap3A_547, %swap3A_548], %swap3A_551 {strides = array<i32>} : memref<9x128xf32, #tpu.memory_space<vmem>>, vector<1x16xf32>,
          %add3A_552 = arith.constant 8 : i32
          %add3A_553 = vector.broadcast %add3A_552 : i32 to vector<16xi32>
          %add3A_554 = arith.addi %add3A_421, %add3A_553 : vector<16xi32>
          %swap3A_555 = arith.constant 8 : i32
          %swap3A_556 = arith.index_cast %swap3A_555 : i32 to index
          %swap3A_557 = arith.index_cast %mul3A_245 : i32 to index
          %swap3A_558 = tpu.vector_load %arg16[%swap3A_556, %swap3A_557] {strides = array<i32>} : memref<9x128xi32, #tpu.memory_space<vmem>>, vector<1x16xi32>,
          %swap3A_559 = vector.shape_cast %swap3A_558 : vector<1x16xi32> to vector<16xi32>
          %swap3A_560 = vector.shape_cast %add3A_554 : vector<16xi32> to vector<1x16xi32>
          tpu.vector_store %arg16[%swap3A_556, %swap3A_557], %swap3A_560 {strides = array<i32>} : memref<9x128xi32, #tpu.memory_space<vmem>>, vector<1x16xi32>,
          %mul3A_561 = arith.mulf %mul3A_424, %max3A_400 : vector<16xf32>
          %swap3A_562 = arith.constant 8 : i32
          %swap3A_563 = arith.index_cast %swap3A_562 : i32 to index
          %swap3A_564 = arith.index_cast %mul3A_245 : i32 to index
          %swap3A_565 = tpu.vector_load %arg17[%swap3A_563, %swap3A_564] {strides = array<i32>} : memref<9x128xf32, #tpu.memory_space<vmem>>, vector<1x16xf32>,
          %swap3A_566 = vector.shape_cast %swap3A_565 : vector<1x16xf32> to vector<16xf32>
          %swap3A_567 = vector.shape_cast %mul3A_561 : vector<16xf32> to vector<1x16xf32>
          tpu.vector_store %arg17[%swap3A_563, %swap3A_564], %swap3A_567 {strides = array<i32>} : memref<9x128xf32, #tpu.memory_space<vmem>>, vector<1x16xf32>,
        }
        %scan3A_146 = arith.constant 8 : i32
        %add3A_147 = arith.constant 64 : i32
        %add3A_148 = arith.addi %add3A_95, %add3A_147 : i32
        %lt3A_149 = arith.constant 711 : i32
        %lt3A_150 = arith.cmpi slt, %add3A_148, %lt3A_149 : i32
        %convert_element_type3A_151 = arith.extui %lt3A_150 : i1 to i32
        %cond3A_152 = arith.constant 0 : i32
        %cond3A_153 = arith.cmpi ne, %convert_element_type3A_151, %cond3A_152 : i32
        scf.if %cond3A_153 {
          %add3A_243 = arith.constant 64 : i32
          %add3A_244 = arith.addi %add3A_95, %add3A_243 : i32
          %jit3A_245 = arith.constant 9 : i32
          %div3A_246 = arith.divsi %add3A_244, %jit3A_245 : i32
          %sign3A_247 = arith.constant 0 : i32
          %sign3A_248 = arith.cmpi sgt, %add3A_244, %sign3A_247 : i32
          %sign3A_249 = arith.extui %sign3A_248 : i1 to i32
          %sign3A_250 = arith.constant 0 : i32
          %sign3A_251 = arith.cmpi slt, %add3A_244, %sign3A_250 : i32
          %sign3A_252 = arith.extui %sign3A_251 : i1 to i32
          %sign3A_253 = arith.subi %sign3A_249, %sign3A_252 : i32
          %sign3A_254 = arith.constant 0 : i32
          %sign3A_255 = arith.cmpi sgt, %jit3A_245, %sign3A_254 : i32
          %sign3A_256 = arith.extui %sign3A_255 : i1 to i32
          %sign3A_257 = arith.constant 0 : i32
          %sign3A_258 = arith.cmpi slt, %jit3A_245, %sign3A_257 : i32
          %sign3A_259 = arith.extui %sign3A_258 : i1 to i32
          %sign3A_260 = arith.subi %sign3A_256, %sign3A_259 : i32
          %ne3A_261 = arith.cmpi ne, %sign3A_253, %sign3A_260 : i32
          %rem3A_262 = arith.remsi %add3A_244, %jit3A_245 : i32
          %ne3A_263 = arith.constant 0 : i32
          %ne3A_264 = arith.cmpi ne, %rem3A_262, %ne3A_263 : i32
          %and3A_265 = arith.andi %ne3A_261, %ne3A_264 : i1
          %sub3A_266 = arith.constant 1 : i32
          %sub3A_267 = arith.subi %div3A_246, %sub3A_266 : i32
          %select_n3A_268 = arith.select %and3A_265, %sub3A_267, %div3A_246 : i32
          %mul3A_269 = arith.constant 128 : i32
          %mul3A_270 = arith.muli %select_n3A_268, %mul3A_269 : i32
          %add3A_271 = arith.constant 400000 : i32
          %add3A_272 = arith.addi %add3A_271, %mul3A_270 : i32
          %min3A_273 = arith.constant 409872 : i32
          %min3A_274 = arith.minsi %add3A_272, %min3A_273 : i32
          %dma_start3A_275 = tpu.memref_slice %arg2[%min3A_274] : memref<1020000xf32, #tpu.memory_space<hbm>> -> memref<128xf32, #tpu.memory_space<hbm>>
          %dma_start3A_276 = tpu.memref_slice %arg2[%min3A_274] : memref<1020000xf32, #tpu.memory_space<hbm>> -> memref<128xf32, #tpu.memory_space<hbm>>
          tpu.enqueue_dma source(%dma_start3A_276 : memref<128xf32, #tpu.memory_space<hbm>>) target(%arg10 : memref<128xf32, #tpu.memory_space<vmem>>) target_semaphore(%arg22 : memref<!tpu.dma_semaphore, #tpu.memory_space<semaphore_mem>>)
          %add3A_277 = arith.constant 510000 : i32
          %add3A_278 = arith.addi %add3A_277, %min3A_274 : i32
          %dma_start3A_279 = tpu.memref_slice %arg2[%add3A_278] : memref<1020000xf32, #tpu.memory_space<hbm>> -> memref<128xf32, #tpu.memory_space<hbm>>
          %dma_start3A_280 = tpu.memref_slice %arg2[%add3A_278] : memref<1020000xf32, #tpu.memory_space<hbm>> -> memref<128xf32, #tpu.memory_space<hbm>>
          tpu.enqueue_dma source(%dma_start3A_280 : memref<128xf32, #tpu.memory_space<hbm>>) target(%arg11 : memref<128xf32, #tpu.memory_space<vmem>>) target_semaphore(%arg22 : memref<!tpu.dma_semaphore, #tpu.memory_space<semaphore_mem>>)
          %dma_start3A_281 = tpu.memref_slice %arg3[%min3A_274] : memref<510000xf32, #tpu.memory_space<hbm>> -> memref<128xf32, #tpu.memory_space<hbm>>
          %dma_start3A_282 = tpu.memref_slice %arg3[%min3A_274] : memref<510000xf32, #tpu.memory_space<hbm>> -> memref<128xf32, #tpu.memory_space<hbm>>
          tpu.enqueue_dma source(%dma_start3A_282 : memref<128xf32, #tpu.memory_space<hbm>>) target(%arg12 : memref<128xf32, #tpu.memory_space<vmem>>) target_semaphore(%arg22 : memref<!tpu.dma_semaphore, #tpu.memory_space<semaphore_mem>>)
          %dma_start3A_283 = tpu.memref_slice %arg4[%min3A_274] : memref<510000xf32, #tpu.memory_space<hbm>> -> memref<128xf32, #tpu.memory_space<hbm>>
          %dma_start3A_284 = tpu.memref_slice %arg4[%min3A_274] : memref<510000xf32, #tpu.memory_space<hbm>> -> memref<128xf32, #tpu.memory_space<hbm>>
          tpu.enqueue_dma source(%dma_start3A_284 : memref<128xf32, #tpu.memory_space<hbm>>) target(%arg13 : memref<128xf32, #tpu.memory_space<vmem>>) target_semaphore(%arg22 : memref<!tpu.dma_semaphore, #tpu.memory_space<semaphore_mem>>)
        } else {
        }
        %dma_start3A = arith.constant 0 : i32
        %dma_start3A_154 = arith.constant 0 : i32
        %dma_start3A_155 = arith.constant 0 : i32
        %dma_start3A_156 = tpu.memref_slice %arg17[%dma_start3A, %dma_start3A_155] : memref<9x128xf32, #tpu.memory_space<vmem>> -> memref<1x128xf32, #tpu.memory_space<vmem>>
        %dma_start3A_157 = tpu.memref_squeeze %dma_start3A_156 : memref<1x128xf32, #tpu.memory_space<vmem>> -> memref<128xf32, #tpu.memory_space<vmem>>
        %dma_start3A_158 = arith.constant 0 : i32
        %dma_start3A_159 = tpu.memref_slice %arg16[%dma_start3A_154, %dma_start3A_158] : memref<9x128xi32, #tpu.memory_space<vmem>> -> memref<1x128xi32, #tpu.memory_space<vmem>>
        %dma_start3A_160 = tpu.memref_squeeze %dma_start3A_159 : memref<1x128xi32, #tpu.memory_space<vmem>> -> memref<128xi32, #tpu.memory_space<vmem>>
        %dma_start3A_161 = arith.constant 0 : i32
        %dma_start3A_162 = tpu.memref_slice %arg20[%dma_start3A_161] : memref<262144xf32, #tpu.memory_space<vmem_shared>> -> memref<262144xf32, #tpu.memory_space<vmem_shared>>
        tpu.enqueue_indirect_dma source(%dma_start3A_157 : memref<128xf32, #tpu.memory_space<vmem>>) target(%dma_start3A_162 : memref<262144xf32, #tpu.memory_space<vmem_shared>>) offsets(%dma_start3A_160 : memref<128xi32, #tpu.memory_space<vmem>>) semaphore(%arg24 : memref<!tpu.dma_semaphore, #tpu.memory_space<semaphore_mem>>) {add = true}
        %dma_start3A_163 = arith.constant 1 : i32
        %dma_start3A_164 = arith.constant 1 : i32
        %dma_start3A_165 = arith.constant 0 : i32
        %dma_start3A_166 = tpu.memref_slice %arg17[%dma_start3A_163, %dma_start3A_165] : memref<9x128xf32, #tpu.memory_space<vmem>> -> memref<1x128xf32, #tpu.memory_space<vmem>>
        %dma_start3A_167 = tpu.memref_squeeze %dma_start3A_166 : memref<1x128xf32, #tpu.memory_space<vmem>> -> memref<128xf32, #tpu.memory_space<vmem>>
        %dma_start3A_168 = arith.constant 0 : i32
        %dma_start3A_169 = tpu.memref_slice %arg16[%dma_start3A_164, %dma_start3A_168] : memref<9x128xi32, #tpu.memory_space<vmem>> -> memref<1x128xi32, #tpu.memory_space<vmem>>
        %dma_start3A_170 = tpu.memref_squeeze %dma_start3A_169 : memref<1x128xi32, #tpu.memory_space<vmem>> -> memref<128xi32, #tpu.memory_space<vmem>>
        %dma_start3A_171 = arith.constant 0 : i32
        %dma_start3A_172 = tpu.memref_slice %arg20[%dma_start3A_171] : memref<262144xf32, #tpu.memory_space<vmem_shared>> -> memref<262144xf32, #tpu.memory_space<vmem_shared>>
        tpu.enqueue_indirect_dma source(%dma_start3A_167 : memref<128xf32, #tpu.memory_space<vmem>>) target(%dma_start3A_172 : memref<262144xf32, #tpu.memory_space<vmem_shared>>) offsets(%dma_start3A_170 : memref<128xi32, #tpu.memory_space<vmem>>) semaphore(%arg24 : memref<!tpu.dma_semaphore, #tpu.memory_space<semaphore_mem>>) {add = true}
        %dma_start3A_173 = arith.constant 2 : i32
        %dma_start3A_174 = arith.constant 2 : i32
        %dma_start3A_175 = arith.constant 0 : i32
        %dma_start3A_176 = tpu.memref_slice %arg17[%dma_start3A_173, %dma_start3A_175] : memref<9x128xf32, #tpu.memory_space<vmem>> -> memref<1x128xf32, #tpu.memory_space<vmem>>
        %dma_start3A_177 = tpu.memref_squeeze %dma_start3A_176 : memref<1x128xf32, #tpu.memory_space<vmem>> -> memref<128xf32, #tpu.memory_space<vmem>>
        %dma_start3A_178 = arith.constant 0 : i32
        %dma_start3A_179 = tpu.memref_slice %arg16[%dma_start3A_174, %dma_start3A_178] : memref<9x128xi32, #tpu.memory_space<vmem>> -> memref<1x128xi32, #tpu.memory_space<vmem>>
        %dma_start3A_180 = tpu.memref_squeeze %dma_start3A_179 : memref<1x128xi32, #tpu.memory_space<vmem>> -> memref<128xi32, #tpu.memory_space<vmem>>
        %dma_start3A_181 = arith.constant 0 : i32
        %dma_start3A_182 = tpu.memref_slice %arg20[%dma_start3A_181] : memref<262144xf32, #tpu.memory_space<vmem_shared>> -> memref<262144xf32, #tpu.memory_space<vmem_shared>>
        tpu.enqueue_indirect_dma source(%dma_start3A_177 : memref<128xf32, #tpu.memory_space<vmem>>) target(%dma_start3A_182 : memref<262144xf32, #tpu.memory_space<vmem_shared>>) offsets(%dma_start3A_180 : memref<128xi32, #tpu.memory_space<vmem>>) semaphore(%arg24 : memref<!tpu.dma_semaphore, #tpu.memory_space<semaphore_mem>>) {add = true}
        %dma_start3A_183 = arith.constant 3 : i32
        %dma_start3A_184 = arith.constant 3 : i32
        %dma_start3A_185 = arith.constant 0 : i32
        %dma_start3A_186 = tpu.memref_slice %arg17[%dma_start3A_183, %dma_start3A_185] : memref<9x128xf32, #tpu.memory_space<vmem>> -> memref<1x128xf32, #tpu.memory_space<vmem>>
        %dma_start3A_187 = tpu.memref_squeeze %dma_start3A_186 : memref<1x128xf32, #tpu.memory_space<vmem>> -> memref<128xf32, #tpu.memory_space<vmem>>
        %dma_start3A_188 = arith.constant 0 : i32
        %dma_start3A_189 = tpu.memref_slice %arg16[%dma_start3A_184, %dma_start3A_188] : memref<9x128xi32, #tpu.memory_space<vmem>> -> memref<1x128xi32, #tpu.memory_space<vmem>>
        %dma_start3A_190 = tpu.memref_squeeze %dma_start3A_189 : memref<1x128xi32, #tpu.memory_space<vmem>> -> memref<128xi32, #tpu.memory_space<vmem>>
        %dma_start3A_191 = arith.constant 0 : i32
        %dma_start3A_192 = tpu.memref_slice %arg20[%dma_start3A_191] : memref<262144xf32, #tpu.memory_space<vmem_shared>> -> memref<262144xf32, #tpu.memory_space<vmem_shared>>
        tpu.enqueue_indirect_dma source(%dma_start3A_187 : memref<128xf32, #tpu.memory_space<vmem>>) target(%dma_start3A_192 : memref<262144xf32, #tpu.memory_space<vmem_shared>>) offsets(%dma_start3A_190 : memref<128xi32, #tpu.memory_space<vmem>>) semaphore(%arg24 : memref<!tpu.dma_semaphore, #tpu.memory_space<semaphore_mem>>) {add = true}
        %dma_start3A_193 = arith.constant 4 : i32
        %dma_start3A_194 = arith.constant 4 : i32
        %dma_start3A_195 = arith.constant 0 : i32
        %dma_start3A_196 = tpu.memref_slice %arg17[%dma_start3A_193, %dma_start3A_195] : memref<9x128xf32, #tpu.memory_space<vmem>> -> memref<1x128xf32, #tpu.memory_space<vmem>>
        %dma_start3A_197 = tpu.memref_squeeze %dma_start3A_196 : memref<1x128xf32, #tpu.memory_space<vmem>> -> memref<128xf32, #tpu.memory_space<vmem>>
        %dma_start3A_198 = arith.constant 0 : i32
        %dma_start3A_199 = tpu.memref_slice %arg16[%dma_start3A_194, %dma_start3A_198] : memref<9x128xi32, #tpu.memory_space<vmem>> -> memref<1x128xi32, #tpu.memory_space<vmem>>
        %dma_start3A_200 = tpu.memref_squeeze %dma_start3A_199 : memref<1x128xi32, #tpu.memory_space<vmem>> -> memref<128xi32, #tpu.memory_space<vmem>>
        %dma_start3A_201 = arith.constant 0 : i32
        %dma_start3A_202 = tpu.memref_slice %arg20[%dma_start3A_201] : memref<262144xf32, #tpu.memory_space<vmem_shared>> -> memref<262144xf32, #tpu.memory_space<vmem_shared>>
        tpu.enqueue_indirect_dma source(%dma_start3A_197 : memref<128xf32, #tpu.memory_space<vmem>>) target(%dma_start3A_202 : memref<262144xf32, #tpu.memory_space<vmem_shared>>) offsets(%dma_start3A_200 : memref<128xi32, #tpu.memory_space<vmem>>) semaphore(%arg24 : memref<!tpu.dma_semaphore, #tpu.memory_space<semaphore_mem>>) {add = true}
        %dma_start3A_203 = arith.constant 5 : i32
        %dma_start3A_204 = arith.constant 5 : i32
        %dma_start3A_205 = arith.constant 0 : i32
        %dma_start3A_206 = tpu.memref_slice %arg17[%dma_start3A_203, %dma_start3A_205] : memref<9x128xf32, #tpu.memory_space<vmem>> -> memref<1x128xf32, #tpu.memory_space<vmem>>
        %dma_start3A_207 = tpu.memref_squeeze %dma_start3A_206 : memref<1x128xf32, #tpu.memory_space<vmem>> -> memref<128xf32, #tpu.memory_space<vmem>>
        %dma_start3A_208 = arith.constant 0 : i32
        %dma_start3A_209 = tpu.memref_slice %arg16[%dma_start3A_204, %dma_start3A_208] : memref<9x128xi32, #tpu.memory_space<vmem>> -> memref<1x128xi32, #tpu.memory_space<vmem>>
        %dma_start3A_210 = tpu.memref_squeeze %dma_start3A_209 : memref<1x128xi32, #tpu.memory_space<vmem>> -> memref<128xi32, #tpu.memory_space<vmem>>
        %dma_start3A_211 = arith.constant 0 : i32
        %dma_start3A_212 = tpu.memref_slice %arg20[%dma_start3A_211] : memref<262144xf32, #tpu.memory_space<vmem_shared>> -> memref<262144xf32, #tpu.memory_space<vmem_shared>>
        tpu.enqueue_indirect_dma source(%dma_start3A_207 : memref<128xf32, #tpu.memory_space<vmem>>) target(%dma_start3A_212 : memref<262144xf32, #tpu.memory_space<vmem_shared>>) offsets(%dma_start3A_210 : memref<128xi32, #tpu.memory_space<vmem>>) semaphore(%arg24 : memref<!tpu.dma_semaphore, #tpu.memory_space<semaphore_mem>>) {add = true}
        %dma_start3A_213 = arith.constant 6 : i32
        %dma_start3A_214 = arith.constant 6 : i32
        %dma_start3A_215 = arith.constant 0 : i32
        %dma_start3A_216 = tpu.memref_slice %arg17[%dma_start3A_213, %dma_start3A_215] : memref<9x128xf32, #tpu.memory_space<vmem>> -> memref<1x128xf32, #tpu.memory_space<vmem>>
        %dma_start3A_217 = tpu.memref_squeeze %dma_start3A_216 : memref<1x128xf32, #tpu.memory_space<vmem>> -> memref<128xf32, #tpu.memory_space<vmem>>
        %dma_start3A_218 = arith.constant 0 : i32
        %dma_start3A_219 = tpu.memref_slice %arg16[%dma_start3A_214, %dma_start3A_218] : memref<9x128xi32, #tpu.memory_space<vmem>> -> memref<1x128xi32, #tpu.memory_space<vmem>>
        %dma_start3A_220 = tpu.memref_squeeze %dma_start3A_219 : memref<1x128xi32, #tpu.memory_space<vmem>> -> memref<128xi32, #tpu.memory_space<vmem>>
        %dma_start3A_221 = arith.constant 0 : i32
        %dma_start3A_222 = tpu.memref_slice %arg20[%dma_start3A_221] : memref<262144xf32, #tpu.memory_space<vmem_shared>> -> memref<262144xf32, #tpu.memory_space<vmem_shared>>
        tpu.enqueue_indirect_dma source(%dma_start3A_217 : memref<128xf32, #tpu.memory_space<vmem>>) target(%dma_start3A_222 : memref<262144xf32, #tpu.memory_space<vmem_shared>>) offsets(%dma_start3A_220 : memref<128xi32, #tpu.memory_space<vmem>>) semaphore(%arg24 : memref<!tpu.dma_semaphore, #tpu.memory_space<semaphore_mem>>) {add = true}
        %dma_start3A_223 = arith.constant 7 : i32
        %dma_start3A_224 = arith.constant 7 : i32
        %dma_start3A_225 = arith.constant 0 : i32
        %dma_start3A_226 = tpu.memref_slice %arg17[%dma_start3A_223, %dma_start3A_225] : memref<9x128xf32, #tpu.memory_space<vmem>> -> memref<1x128xf32, #tpu.memory_space<vmem>>
        %dma_start3A_227 = tpu.memref_squeeze %dma_start3A_226 : memref<1x128xf32, #tpu.memory_space<vmem>> -> memref<128xf32, #tpu.memory_space<vmem>>
        %dma_start3A_228 = arith.constant 0 : i32
        %dma_start3A_229 = tpu.memref_slice %arg16[%dma_start3A_224, %dma_start3A_228] : memref<9x128xi32, #tpu.memory_space<vmem>> -> memref<1x128xi32, #tpu.memory_space<vmem>>
        %dma_start3A_230 = tpu.memref_squeeze %dma_start3A_229 : memref<1x128xi32, #tpu.memory_space<vmem>> -> memref<128xi32, #tpu.memory_space<vmem>>
        %dma_start3A_231 = arith.constant 0 : i32
        %dma_start3A_232 = tpu.memref_slice %arg20[%dma_start3A_231] : memref<262144xf32, #tpu.memory_space<vmem_shared>> -> memref<262144xf32, #tpu.memory_space<vmem_shared>>
        tpu.enqueue_indirect_dma source(%dma_start3A_227 : memref<128xf32, #tpu.memory_space<vmem>>) target(%dma_start3A_232 : memref<262144xf32, #tpu.memory_space<vmem_shared>>) offsets(%dma_start3A_230 : memref<128xi32, #tpu.memory_space<vmem>>) semaphore(%arg24 : memref<!tpu.dma_semaphore, #tpu.memory_space<semaphore_mem>>) {add = true}
        %dma_start3A_233 = arith.constant 8 : i32
        %dma_start3A_234 = arith.constant 8 : i32
        %dma_start3A_235 = arith.constant 0 : i32
        %dma_start3A_236 = tpu.memref_slice %arg17[%dma_start3A_233, %dma_start3A_235] : memref<9x128xf32, #tpu.memory_space<vmem>> -> memref<1x128xf32, #tpu.memory_space<vmem>>
        %dma_start3A_237 = tpu.memref_squeeze %dma_start3A_236 : memref<1x128xf32, #tpu.memory_space<vmem>> -> memref<128xf32, #tpu.memory_space<vmem>>
        %dma_start3A_238 = arith.constant 0 : i32
        %dma_start3A_239 = tpu.memref_slice %arg16[%dma_start3A_234, %dma_start3A_238] : memref<9x128xi32, #tpu.memory_space<vmem>> -> memref<1x128xi32, #tpu.memory_space<vmem>>
        %dma_start3A_240 = tpu.memref_squeeze %dma_start3A_239 : memref<1x128xi32, #tpu.memory_space<vmem>> -> memref<128xi32, #tpu.memory_space<vmem>>
        %dma_start3A_241 = arith.constant 0 : i32
        %dma_start3A_242 = tpu.memref_slice %arg20[%dma_start3A_241] : memref<262144xf32, #tpu.memory_space<vmem_shared>> -> memref<262144xf32, #tpu.memory_space<vmem_shared>>
        tpu.enqueue_indirect_dma source(%dma_start3A_237 : memref<128xf32, #tpu.memory_space<vmem>>) target(%dma_start3A_242 : memref<262144xf32, #tpu.memory_space<vmem_shared>>) offsets(%dma_start3A_240 : memref<128xi32, #tpu.memory_space<vmem>>) semaphore(%arg24 : memref<!tpu.dma_semaphore, #tpu.memory_space<semaphore_mem>>) {add = true}
      } else {
      }
    }
    %scan3A_44 = arith.constant 13 : i32
    %add3A_45 = arith.constant 0 : i32
    %add3A_46 = arith.addi %add3A, %add3A_45 : i32
    %lt3A_47 = arith.constant 782 : i32
    %lt3A_48 = arith.cmpi slt, %add3A_46, %lt3A_47 : i32
    %convert_element_type3A_49 = arith.extui %lt3A_48 : i1 to i32
    %cond3A_50 = arith.constant 0 : i32
    %cond3A_51 = arith.cmpi ne, %convert_element_type3A_49, %cond3A_50 : i32
    scf.if %cond3A_51 {
      %mul3A_70 = arith.constant 128 : i32
      %mul3A_71 = arith.muli %add3A_46, %mul3A_70 : i32
      %add3A_72 = arith.constant 410000 : i32
      %add3A_73 = arith.addi %add3A_72, %mul3A_71 : i32
      %min3A = arith.constant 509872 : i32
      %min3A_74 = arith.minsi %add3A_73, %min3A : i32
      %dma_start3A = tpu.memref_slice %arg2[%min3A_74] : memref<1020000xf32, #tpu.memory_space<hbm>> -> memref<128xf32, #tpu.memory_space<hbm>>
      %dma_start3A_75 = tpu.memref_slice %arg2[%min3A_74] : memref<1020000xf32, #tpu.memory_space<hbm>> -> memref<128xf32, #tpu.memory_space<hbm>>
      tpu.enqueue_dma source(%dma_start3A_75 : memref<128xf32, #tpu.memory_space<hbm>>) target(%arg6 : memref<128xf32, #tpu.memory_space<vmem>>) target_semaphore(%arg21 : memref<!tpu.dma_semaphore, #tpu.memory_space<semaphore_mem>>)
      %add3A_76 = arith.constant 510000 : i32
      %add3A_77 = arith.addi %add3A_76, %min3A_74 : i32
      %dma_start3A_78 = tpu.memref_slice %arg2[%add3A_77] : memref<1020000xf32, #tpu.memory_space<hbm>> -> memref<128xf32, #tpu.memory_space<hbm>>
      %dma_start3A_79 = tpu.memref_slice %arg2[%add3A_77] : memref<1020000xf32, #tpu.memory_space<hbm>> -> memref<128xf32, #tpu.memory_space<hbm>>
      tpu.enqueue_dma source(%dma_start3A_79 : memref<128xf32, #tpu.memory_space<hbm>>) target(%arg7 : memref<128xf32, #tpu.memory_space<vmem>>) target_semaphore(%arg21 : memref<!tpu.dma_semaphore, #tpu.memory_space<semaphore_mem>>)
      %dma_start3A_80 = tpu.memref_slice %arg3[%min3A_74] : memref<510000xf32, #tpu.memory_space<hbm>> -> memref<128xf32, #tpu.memory_space<hbm>>
      %dma_start3A_81 = tpu.memref_slice %arg3[%min3A_74] : memref<510000xf32, #tpu.memory_space<hbm>> -> memref<128xf32, #tpu.memory_space<hbm>>
      tpu.enqueue_dma source(%dma_start3A_81 : memref<128xf32, #tpu.memory_space<hbm>>) target(%arg8 : memref<128xf32, #tpu.memory_space<vmem>>) target_semaphore(%arg21 : memref<!tpu.dma_semaphore, #tpu.memory_space<semaphore_mem>>)
      %dma_start3A_82 = tpu.memref_slice %arg4[%min3A_74] : memref<510000xf32, #tpu.memory_space<hbm>> -> memref<128xf32, #tpu.memory_space<hbm>>
      %dma_start3A_83 = tpu.memref_slice %arg4[%min3A_74] : memref<510000xf32, #tpu.memory_space<hbm>> -> memref<128xf32, #tpu.memory_space<hbm>>
      tpu.enqueue_dma source(%dma_start3A_83 : memref<128xf32, #tpu.memory_space<hbm>>) target(%arg9 : memref<128xf32, #tpu.memory_space<vmem>>) target_semaphore(%arg21 : memref<!tpu.dma_semaphore, #tpu.memory_space<semaphore_mem>>)
    } else {
    }
    %add3A_52 = arith.constant 32 : i32
    %add3A_53 = arith.addi %add3A, %add3A_52 : i32
    %lt3A_54 = arith.constant 782 : i32
    %lt3A_55 = arith.cmpi slt, %add3A_53, %lt3A_54 : i32
    %convert_element_type3A_56 = arith.extui %lt3A_55 : i1 to i32
    %cond3A_57 = arith.constant 0 : i32
    %cond3A_58 = arith.cmpi ne, %convert_element_type3A_56, %cond3A_57 : i32
    scf.if %cond3A_58 {
      %mul3A_70 = arith.constant 128 : i32
      %mul3A_71 = arith.muli %add3A_53, %mul3A_70 : i32
      %add3A_72 = arith.constant 410000 : i32
      %add3A_73 = arith.addi %add3A_72, %mul3A_71 : i32
      %min3A = arith.constant 509872 : i32
      %min3A_74 = arith.minsi %add3A_73, %min3A : i32
      %dma_start3A = tpu.memref_slice %arg2[%min3A_74] : memref<1020000xf32, #tpu.memory_space<hbm>> -> memref<128xf32, #tpu.memory_space<hbm>>
      %dma_start3A_75 = tpu.memref_slice %arg2[%min3A_74] : memref<1020000xf32, #tpu.memory_space<hbm>> -> memref<128xf32, #tpu.memory_space<hbm>>
      tpu.enqueue_dma source(%dma_start3A_75 : memref<128xf32, #tpu.memory_space<hbm>>) target(%arg10 : memref<128xf32, #tpu.memory_space<vmem>>) target_semaphore(%arg22 : memref<!tpu.dma_semaphore, #tpu.memory_space<semaphore_mem>>)
      %add3A_76 = arith.constant 510000 : i32
      %add3A_77 = arith.addi %add3A_76, %min3A_74 : i32
      %dma_start3A_78 = tpu.memref_slice %arg2[%add3A_77] : memref<1020000xf32, #tpu.memory_space<hbm>> -> memref<128xf32, #tpu.memory_space<hbm>>
      %dma_start3A_79 = tpu.memref_slice %arg2[%add3A_77] : memref<1020000xf32, #tpu.memory_space<hbm>> -> memref<128xf32, #tpu.memory_space<hbm>>
      tpu.enqueue_dma source(%dma_start3A_79 : memref<128xf32, #tpu.memory_space<hbm>>) target(%arg11 : memref<128xf32, #tpu.memory_space<vmem>>) target_semaphore(%arg22 : memref<!tpu.dma_semaphore, #tpu.memory_space<semaphore_mem>>)
      %dma_start3A_80 = tpu.memref_slice %arg3[%min3A_74] : memref<510000xf32, #tpu.memory_space<hbm>> -> memref<128xf32, #tpu.memory_space<hbm>>
      %dma_start3A_81 = tpu.memref_slice %arg3[%min3A_74] : memref<510000xf32, #tpu.memory_space<hbm>> -> memref<128xf32, #tpu.memory_space<hbm>>
      tpu.enqueue_dma source(%dma_start3A_81 : memref<128xf32, #tpu.memory_space<hbm>>) target(%arg12 : memref<128xf32, #tpu.memory_space<vmem>>) target_semaphore(%arg22 : memref<!tpu.dma_semaphore, #tpu.memory_space<semaphore_mem>>)
      %dma_start3A_82 = tpu.memref_slice %arg4[%min3A_74] : memref<510000xf32, #tpu.memory_space<hbm>> -> memref<128xf32, #tpu.memory_space<hbm>>
      %dma_start3A_83 = tpu.memref_slice %arg4[%min3A_74] : memref<510000xf32, #tpu.memory_space<hbm>> -> memref<128xf32, #tpu.memory_space<hbm>>
      tpu.enqueue_dma source(%dma_start3A_83 : memref<128xf32, #tpu.memory_space<hbm>>) target(%arg13 : memref<128xf32, #tpu.memory_space<vmem>>) target_semaphore(%arg22 : memref<!tpu.dma_semaphore, #tpu.memory_space<semaphore_mem>>)
    } else {
    }
    %scan3A_59 = arith.constant 0 : i32
    %scan3A_60 = arith.constant 0 : i32
    %scan3A_61 = arith.constant 14 : i32
    %scan3A_62 = arith.addi %scan3A_60, %scan3A_61 : i32
    %scan3A_63 = arith.constant 1 : i32
    scf.for %scan3A_70 = %scan3A_60 to %scan3A_62 step %scan3A_63  : i32 {
      %mul3A_71 = arith.constant 2 : i32
      %mul3A_72 = arith.muli %mul3A_71, %scan3A_70 : i32
      %add3A_73 = arith.constant 0 : i32
      %add3A_74 = arith.addi %mul3A_72, %add3A_73 : i32
      %mul3A_75 = arith.constant 32 : i32
      %mul3A_76 = arith.muli %add3A_74, %mul3A_75 : i32
      %add3A_77 = arith.addi %add3A, %mul3A_76 : i32
      %ge3A = arith.constant 64 : i32
      %ge3A_78 = arith.cmpi sge, %add3A_77, %ge3A : i32
      %lt3A_79 = arith.constant 846 : i32
      %lt3A_80 = arith.cmpi slt, %add3A_77, %lt3A_79 : i32
      %and3A = arith.andi %ge3A_78, %lt3A_80 : i1
      %convert_element_type3A_81 = arith.extui %and3A : i1 to i32
      %cond3A_82 = arith.constant 0 : i32
      %cond3A_83 = arith.cmpi ne, %convert_element_type3A_81, %cond3A_82 : i32
      scf.if %cond3A_83 {
        %dma_wait3A = arith.constant 0 : i32
        %dma_wait3A_109 = arith.constant 0 : i32
        %dma_wait3A_110 = arith.constant 0 : i32
        %dma_wait3A_111 = tpu.memref_slice %arg15[%dma_wait3A, %dma_wait3A_110] : memref<9x128xf32, #tpu.memory_space<vmem>> -> memref<1x128xf32, #tpu.memory_space<vmem>>
        %dma_wait3A_112 = tpu.memref_squeeze %dma_wait3A_111 : memref<1x128xf32, #tpu.memory_space<vmem>> -> memref<128xf32, #tpu.memory_space<vmem>>
        %dma_wait3A_113 = arith.constant 0 : i32
        %dma_wait3A_114 = tpu.memref_slice %arg14[%dma_wait3A_109, %dma_wait3A_113] : memref<9x128xi32, #tpu.memory_space<vmem>> -> memref<1x128xi32, #tpu.memory_space<vmem>>
        %dma_wait3A_115 = tpu.memref_squeeze %dma_wait3A_114 : memref<1x128xi32, #tpu.memory_space<vmem>> -> memref<128xi32, #tpu.memory_space<vmem>>
        %dma_wait3A_116 = arith.constant 0 : i32
        %dma_wait3A_117 = tpu.memref_slice %arg20[%dma_wait3A_116] : memref<262144xf32, #tpu.memory_space<vmem_shared>> -> memref<262144xf32, #tpu.memory_space<vmem_shared>>
        tpu.wait_indirect_dma semaphore(%arg23 : memref<!tpu.dma_semaphore, #tpu.memory_space<semaphore_mem>>) src(%dma_wait3A_112 : memref<128xf32, #tpu.memory_space<vmem>>) dst(%dma_wait3A_117 : memref<262144xf32, #tpu.memory_space<vmem_shared>>)
        %dma_wait3A_118 = arith.constant 1 : i32
        %dma_wait3A_119 = arith.constant 1 : i32
        %dma_wait3A_120 = arith.constant 0 : i32
        %dma_wait3A_121 = tpu.memref_slice %arg15[%dma_wait3A_118, %dma_wait3A_120] : memref<9x128xf32, #tpu.memory_space<vmem>> -> memref<1x128xf32, #tpu.memory_space<vmem>>
        %dma_wait3A_122 = tpu.memref_squeeze %dma_wait3A_121 : memref<1x128xf32, #tpu.memory_space<vmem>> -> memref<128xf32, #tpu.memory_space<vmem>>
        %dma_wait3A_123 = arith.constant 0 : i32
        %dma_wait3A_124 = tpu.memref_slice %arg14[%dma_wait3A_119, %dma_wait3A_123] : memref<9x128xi32, #tpu.memory_space<vmem>> -> memref<1x128xi32, #tpu.memory_space<vmem>>
        %dma_wait3A_125 = tpu.memref_squeeze %dma_wait3A_124 : memref<1x128xi32, #tpu.memory_space<vmem>> -> memref<128xi32, #tpu.memory_space<vmem>>
        %dma_wait3A_126 = arith.constant 0 : i32
        %dma_wait3A_127 = tpu.memref_slice %arg20[%dma_wait3A_126] : memref<262144xf32, #tpu.memory_space<vmem_shared>> -> memref<262144xf32, #tpu.memory_space<vmem_shared>>
        tpu.wait_indirect_dma semaphore(%arg23 : memref<!tpu.dma_semaphore, #tpu.memory_space<semaphore_mem>>) src(%dma_wait3A_122 : memref<128xf32, #tpu.memory_space<vmem>>) dst(%dma_wait3A_127 : memref<262144xf32, #tpu.memory_space<vmem_shared>>)
        %dma_wait3A_128 = arith.constant 2 : i32
        %dma_wait3A_129 = arith.constant 2 : i32
        %dma_wait3A_130 = arith.constant 0 : i32
        %dma_wait3A_131 = tpu.memref_slice %arg15[%dma_wait3A_128, %dma_wait3A_130] : memref<9x128xf32, #tpu.memory_space<vmem>> -> memref<1x128xf32, #tpu.memory_space<vmem>>
        %dma_wait3A_132 = tpu.memref_squeeze %dma_wait3A_131 : memref<1x128xf32, #tpu.memory_space<vmem>> -> memref<128xf32, #tpu.memory_space<vmem>>
        %dma_wait3A_133 = arith.constant 0 : i32
        %dma_wait3A_134 = tpu.memref_slice %arg14[%dma_wait3A_129, %dma_wait3A_133] : memref<9x128xi32, #tpu.memory_space<vmem>> -> memref<1x128xi32, #tpu.memory_space<vmem>>
        %dma_wait3A_135 = tpu.memref_squeeze %dma_wait3A_134 : memref<1x128xi32, #tpu.memory_space<vmem>> -> memref<128xi32, #tpu.memory_space<vmem>>
        %dma_wait3A_136 = arith.constant 0 : i32
        %dma_wait3A_137 = tpu.memref_slice %arg20[%dma_wait3A_136] : memref<262144xf32, #tpu.memory_space<vmem_shared>> -> memref<262144xf32, #tpu.memory_space<vmem_shared>>
        tpu.wait_indirect_dma semaphore(%arg23 : memref<!tpu.dma_semaphore, #tpu.memory_space<semaphore_mem>>) src(%dma_wait3A_132 : memref<128xf32, #tpu.memory_space<vmem>>) dst(%dma_wait3A_137 : memref<262144xf32, #tpu.memory_space<vmem_shared>>)
        %dma_wait3A_138 = arith.constant 3 : i32
        %dma_wait3A_139 = arith.constant 3 : i32
        %dma_wait3A_140 = arith.constant 0 : i32
        %dma_wait3A_141 = tpu.memref_slice %arg15[%dma_wait3A_138, %dma_wait3A_140] : memref<9x128xf32, #tpu.memory_space<vmem>> -> memref<1x128xf32, #tpu.memory_space<vmem>>
        %dma_wait3A_142 = tpu.memref_squeeze %dma_wait3A_141 : memref<1x128xf32, #tpu.memory_space<vmem>> -> memref<128xf32, #tpu.memory_space<vmem>>
        %dma_wait3A_143 = arith.constant 0 : i32
        %dma_wait3A_144 = tpu.memref_slice %arg14[%dma_wait3A_139, %dma_wait3A_143] : memref<9x128xi32, #tpu.memory_space<vmem>> -> memref<1x128xi32, #tpu.memory_space<vmem>>
        %dma_wait3A_145 = tpu.memref_squeeze %dma_wait3A_144 : memref<1x128xi32, #tpu.memory_space<vmem>> -> memref<128xi32, #tpu.memory_space<vmem>>
        %dma_wait3A_146 = arith.constant 0 : i32
        %dma_wait3A_147 = tpu.memref_slice %arg20[%dma_wait3A_146] : memref<262144xf32, #tpu.memory_space<vmem_shared>> -> memref<262144xf32, #tpu.memory_space<vmem_shared>>
        tpu.wait_indirect_dma semaphore(%arg23 : memref<!tpu.dma_semaphore, #tpu.memory_space<semaphore_mem>>) src(%dma_wait3A_142 : memref<128xf32, #tpu.memory_space<vmem>>) dst(%dma_wait3A_147 : memref<262144xf32, #tpu.memory_space<vmem_shared>>)
      } else {
      }
      %lt3A_84 = arith.constant 782 : i32
      %lt3A_85 = arith.cmpi slt, %add3A_77, %lt3A_84 : i32
      %convert_element_type3A_86 = arith.extui %lt3A_85 : i1 to i32
      %cond3A_87 = arith.constant 0 : i32
      %cond3A_88 = arith.cmpi ne, %convert_element_type3A_86, %cond3A_87 : i32
      scf.if %cond3A_88 {
        %mul3A_109 = arith.constant 128 : i32
        %mul3A_110 = arith.muli %add3A_77, %mul3A_109 : i32
        %add3A_111 = arith.constant 410000 : i32
        %add3A_112 = arith.addi %add3A_111, %mul3A_110 : i32
        %min3A = arith.constant 509872 : i32
        %min3A_113 = arith.minsi %add3A_112, %min3A : i32
        %mul3A_114 = arith.constant 128 : i32
        %mul3A_115 = arith.muli %add3A_77, %mul3A_114 : i32
        %add3A_116 = arith.constant 410000 : i32
        %add3A_117 = arith.addi %add3A_116, %mul3A_115 : i32
        %dma_wait3A = arith.constant 0 : i32
        %dma_wait3A_118 = tpu.memref_slice %arg2[%dma_wait3A] : memref<1020000xf32, #tpu.memory_space<hbm>> -> memref<512xf32, #tpu.memory_space<hbm>>
        %dma_wait3A_119 = arith.constant 0 : i32
        %dma_wait3A_120 = tpu.memref_slice %arg2[%dma_wait3A_119] : memref<1020000xf32, #tpu.memory_space<hbm>> -> memref<512xf32, #tpu.memory_space<hbm>>
        tpu.wait_dma2 semaphore(%arg21 : memref<!tpu.dma_semaphore, #tpu.memory_space<semaphore_mem>>) src(%dma_wait3A_120 : memref<512xf32, #tpu.memory_space<hbm>>) dst(%arg19 : memref<512xf32, #tpu.memory_space<vmem>>)
        %scan3A_121 = arith.constant 0 : i32
        %scan3A_122 = arith.constant 0 : i32
        %scan3A_123 = arith.constant 8 : i32
        %scan3A_124 = arith.addi %scan3A_122, %scan3A_123 : i32
        %scan3A_125 = arith.constant 1 : i32
        scf.for %scan3A_173 = %scan3A_122 to %scan3A_124 step %scan3A_125  : i32 {
          %mul3A_174 = arith.constant 16 : i32
          %mul3A_175 = arith.muli %scan3A_173, %mul3A_174 : i32
          %get3A = arith.index_cast %mul3A_175 : i32 to index
          %get3A_176 = tpu.vector_load %arg6[%get3A] {strides = array<i32>} : memref<128xf32, #tpu.memory_space<vmem>>, vector<16xf32>,
          %get3A_177 = vector.shape_cast %get3A_176 : vector<16xf32> to vector<16xf32>
          %get3A_178 = arith.index_cast %mul3A_175 : i32 to index
          %get3A_179 = tpu.vector_load %arg7[%get3A_178] {strides = array<i32>} : memref<128xf32, #tpu.memory_space<vmem>>, vector<16xf32>,
          %get3A_180 = vector.shape_cast %get3A_179 : vector<16xf32> to vector<16xf32>
          %get3A_181 = arith.index_cast %mul3A_175 : i32 to index
          %get3A_182 = tpu.vector_load %arg8[%get3A_181] {strides = array<i32>} : memref<128xf32, #tpu.memory_space<vmem>>, vector<16xf32>,
          %get3A_183 = vector.shape_cast %get3A_182 : vector<16xf32> to vector<16xf32>
          %add3A_184 = arith.addf %get3A_177, %get3A_183 : vector<16xf32>
          %get3A_185 = arith.index_cast %mul3A_175 : i32 to index
          %get3A_186 = tpu.vector_load %arg9[%get3A_185] {strides = array<i32>} : memref<128xf32, #tpu.memory_space<vmem>>, vector<16xf32>,
          %get3A_187 = vector.shape_cast %get3A_186 : vector<16xf32> to vector<16xf32>
          %add3A_188 = arith.addf %get3A_180, %get3A_187 : vector<16xf32>
          %mul3A_189 = arith.constant 5.000000e-01 : f32
          %mul3A_190 = vector.broadcast %mul3A_189 : f32 to vector<16xf32>
          %mul3A_191 = arith.mulf %get3A_177, %mul3A_190 : vector<16xf32>
          %convert_element_type3A_192 = arith.fptosi %mul3A_191 : vector<16xf32> to vector<16xi32>
          %mul3A_193 = arith.constant 5.000000e-01 : f32
          %mul3A_194 = vector.broadcast %mul3A_193 : f32 to vector<16xf32>
          %mul3A_195 = arith.mulf %get3A_180, %mul3A_194 : vector<16xf32>
          %convert_element_type3A_196 = arith.fptosi %mul3A_195 : vector<16xf32> to vector<16xi32>
          %convert_element_type3A_197 = arith.sitofp %convert_element_type3A_192 : vector<16xi32> to vector<16xf32>
          %mul3A_198 = arith.constant 2.000000e+00 : f32
          %mul3A_199 = vector.broadcast %mul3A_198 : f32 to vector<16xf32>
          %mul3A_200 = arith.mulf %convert_element_type3A_197, %mul3A_199 : vector<16xf32>
          %convert_element_type3A_201 = arith.sitofp %convert_element_type3A_196 : vector<16xi32> to vector<16xf32>
          %mul3A_202 = arith.constant 2.000000e+00 : f32
          %mul3A_203 = vector.broadcast %mul3A_202 : f32 to vector<16xf32>
          %mul3A_204 = arith.mulf %convert_element_type3A_201, %mul3A_203 : vector<16xf32>
          %mul3A_205 = arith.constant 512 : i32
          %mul3A_206 = vector.broadcast %mul3A_205 : i32 to vector<16xi32>
          %mul3A_207 = arith.muli %convert_element_type3A_192, %mul3A_206 : vector<16xi32>
          %add3A_208 = arith.addi %mul3A_207, %convert_element_type3A_196 : vector<16xi32>
          %iota3A = tpu.iota {dimensions = array<i32: 0>} : vector<16xi32>
          %mul3A_209 = arith.constant 16 : i32
          %mul3A_210 = arith.muli %scan3A_173, %mul3A_209 : i32
          %add3A_211 = arith.addi %min3A_113, %mul3A_210 : i32
          %add3A_212 = vector.broadcast %add3A_211 : i32 to vector<16xi32>
          %add3A_213 = arith.addi %add3A_212, %iota3A : vector<16xi32>
          %ge3A_214 = vector.broadcast %add3A_117 : i32 to vector<16xi32>
          %ge3A_215 = arith.cmpi sge, %add3A_213, %ge3A_214 : vector<16xi32>
          %lt3A_216 = arith.constant 510000 : i32
          %lt3A_217 = vector.broadcast %lt3A_216 : i32 to vector<16xi32>
          %lt3A_218 = arith.cmpi slt, %add3A_213, %lt3A_217 : vector<16xi32>
          %and3A_219 = arith.andi %ge3A_215, %lt3A_218 : vector<16xi1>
          %mul3A_220 = arith.constant 16 : i32
          %mul3A_221 = arith.muli %scan3A_173, %mul3A_220 : i32
          %add3A_222 = vector.broadcast %mul3A_221 : i32 to vector<16xi32>
          %add3A_223 = arith.addi %add3A_222, %iota3A : vector<16xi32>
          %add3A_224 = arith.constant 0.000000e+00 : f32
          %add3A_225 = vector.broadcast %add3A_224 : f32 to vector<16xf32>
          %add3A_226 = arith.addf %mul3A_204, %add3A_225 : vector<16xf32>
          %add3A_227 = arith.constant 2.000000e+00 : f32
          %add3A_228 = vector.broadcast %add3A_227 : f32 to vector<16xf32>
          %add3A_229 = arith.addf %add3A_226, %add3A_228 : vector<16xf32>
          %min3A_230 = arith.minimumf %add3A_188, %add3A_229 : vector<16xf32>
          %max3A = arith.maximumf %get3A_180, %add3A_226 : vector<16xf32>
          %sub3A = arith.subf %min3A_230, %max3A : vector<16xf32>
          %max3A_231 = arith.constant 0.000000e+00 : f32
          %max3A_232 = vector.broadcast %max3A_231 : f32 to vector<16xf32>
          %max3A_233 = arith.maximumf %sub3A, %max3A_232 : vector<16xf32>
          %add3A_234 = arith.constant 2.000000e+00 : f32
          %add3A_235 = vector.broadcast %add3A_234 : f32 to vector<16xf32>
          %add3A_236 = arith.addf %mul3A_204, %add3A_235 : vector<16xf32>
          %add3A_237 = arith.constant 2.000000e+00 : f32
          %add3A_238 = vector.broadcast %add3A_237 : f32 to vector<16xf32>
          %add3A_239 = arith.addf %add3A_236, %add3A_238 : vector<16xf32>
          %min3A_240 = arith.minimumf %add3A_188, %add3A_239 : vector<16xf32>
          %max3A_241 = arith.maximumf %get3A_180, %add3A_236 : vector<16xf32>
          %sub3A_242 = arith.subf %min3A_240, %max3A_241 : vector<16xf32>
          %max3A_243 = arith.constant 0.000000e+00 : f32
          %max3A_244 = vector.broadcast %max3A_243 : f32 to vector<16xf32>
          %max3A_245 = arith.maximumf %sub3A_242, %max3A_244 : vector<16xf32>
          %add3A_246 = arith.constant 0.000000e+00 : f32
          %add3A_247 = vector.broadcast %add3A_246 : f32 to vector<16xf32>
          %add3A_248 = arith.addf %mul3A_200, %add3A_247 : vector<16xf32>
          %add3A_249 = arith.constant 2.000000e+00 : f32
          %add3A_250 = vector.broadcast %add3A_249 : f32 to vector<16xf32>
          %add3A_251 = arith.addf %add3A_248, %add3A_250 : vector<16xf32>
          %min3A_252 = arith.minimumf %add3A_184, %add3A_251 : vector<16xf32>
          %max3A_253 = arith.maximumf %get3A_177, %add3A_248 : vector<16xf32>
          %sub3A_254 = arith.subf %min3A_252, %max3A_253 : vector<16xf32>
          %max3A_255 = arith.constant 0.000000e+00 : f32
          %max3A_256 = vector.broadcast %max3A_255 : f32 to vector<16xf32>
          %max3A_257 = arith.maximumf %sub3A_254, %max3A_256 : vector<16xf32>
          %jit3A = arith.constant 0.000000e+00 : f32
          %broadcast_in_dim3A = vector.broadcast %jit3A : f32 to vector<16xf32>
          %select_n3A = arith.select %and3A_219, %max3A_257, %broadcast_in_dim3A : vector<16xi1>, vector<16xf32>
          %add3A_258 = arith.constant 2.000000e+00 : f32
          %add3A_259 = vector.broadcast %add3A_258 : f32 to vector<16xf32>
          %add3A_260 = arith.addf %mul3A_200, %add3A_259 : vector<16xf32>
          %add3A_261 = arith.constant 2.000000e+00 : f32
          %add3A_262 = vector.broadcast %add3A_261 : f32 to vector<16xf32>
          %add3A_263 = arith.addf %add3A_260, %add3A_262 : vector<16xf32>
          %min3A_264 = arith.minimumf %add3A_184, %add3A_263 : vector<16xf32>
          %max3A_265 = arith.maximumf %get3A_177, %add3A_260 : vector<16xf32>
          %sub3A_266 = arith.subf %min3A_264, %max3A_265 : vector<16xf32>
          %max3A_267 = arith.constant 0.000000e+00 : f32
          %max3A_268 = vector.broadcast %max3A_267 : f32 to vector<16xf32>
          %max3A_269 = arith.maximumf %sub3A_266, %max3A_268 : vector<16xf32>
          %jit3A_270 = arith.constant 0.000000e+00 : f32
          %broadcast_in_dim3A_271 = vector.broadcast %jit3A_270 : f32 to vector<16xf32>
          %select_n3A_272 = arith.select %and3A_219, %max3A_269, %broadcast_in_dim3A_271 : vector<16xi1>, vector<16xf32>
          %select_n3A_273 = arith.select %and3A_219, %add3A_208, %add3A_223 : vector<16xi1>, vector<16xi32>
          %add3A_274 = arith.constant 0 : i32
          %add3A_275 = vector.broadcast %add3A_274 : i32 to vector<16xi32>
          %add3A_276 = arith.addi %select_n3A_273, %add3A_275 : vector<16xi32>
          %swap3A = arith.constant 0 : i32
          %swap3A_277 = arith.index_cast %swap3A : i32 to index
          %swap3A_278 = arith.index_cast %mul3A_175 : i32 to index
          %swap3A_279 = tpu.vector_load %arg14[%swap3A_277, %swap3A_278] {strides = array<i32>} : memref<9x128xi32, #tpu.memory_space<vmem>>, vector<1x16xi32>,
          %swap3A_280 = vector.shape_cast %swap3A_279 : vector<1x16xi32> to vector<16xi32>
          %swap3A_281 = vector.shape_cast %add3A_276 : vector<16xi32> to vector<1x16xi32>
          tpu.vector_store %arg14[%swap3A_277, %swap3A_278], %swap3A_281 {strides = array<i32>} : memref<9x128xi32, #tpu.memory_space<vmem>>, vector<1x16xi32>,
          %mul3A_282 = arith.mulf %select_n3A, %max3A_233 : vector<16xf32>
          %swap3A_283 = arith.constant 0 : i32
          %swap3A_284 = arith.index_cast %swap3A_283 : i32 to index
          %swap3A_285 = arith.index_cast %mul3A_175 : i32 to index
          %swap3A_286 = tpu.vector_load %arg15[%swap3A_284, %swap3A_285] {strides = array<i32>} : memref<9x128xf32, #tpu.memory_space<vmem>>, vector<1x16xf32>,
          %swap3A_287 = vector.shape_cast %swap3A_286 : vector<1x16xf32> to vector<16xf32>
          %swap3A_288 = vector.shape_cast %mul3A_282 : vector<16xf32> to vector<1x16xf32>
          tpu.vector_store %arg15[%swap3A_284, %swap3A_285], %swap3A_288 {strides = array<i32>} : memref<9x128xf32, #tpu.memory_space<vmem>>, vector<1x16xf32>,
          %add3A_289 = arith.constant 1 : i32
          %add3A_290 = vector.broadcast %add3A_289 : i32 to vector<16xi32>
          %add3A_291 = arith.addi %select_n3A_273, %add3A_290 : vector<16xi32>
          %swap3A_292 = arith.constant 1 : i32
          %swap3A_293 = arith.index_cast %swap3A_292 : i32 to index
          %swap3A_294 = arith.index_cast %mul3A_175 : i32 to index
          %swap3A_295 = tpu.vector_load %arg14[%swap3A_293, %swap3A_294] {strides = array<i32>} : memref<9x128xi32, #tpu.memory_space<vmem>>, vector<1x16xi32>,
          %swap3A_296 = vector.shape_cast %swap3A_295 : vector<1x16xi32> to vector<16xi32>
          %swap3A_297 = vector.shape_cast %add3A_291 : vector<16xi32> to vector<1x16xi32>
          tpu.vector_store %arg14[%swap3A_293, %swap3A_294], %swap3A_297 {strides = array<i32>} : memref<9x128xi32, #tpu.memory_space<vmem>>, vector<1x16xi32>,
          %mul3A_298 = arith.mulf %select_n3A, %max3A_245 : vector<16xf32>
          %swap3A_299 = arith.constant 1 : i32
          %swap3A_300 = arith.index_cast %swap3A_299 : i32 to index
          %swap3A_301 = arith.index_cast %mul3A_175 : i32 to index
          %swap3A_302 = tpu.vector_load %arg15[%swap3A_300, %swap3A_301] {strides = array<i32>} : memref<9x128xf32, #tpu.memory_space<vmem>>, vector<1x16xf32>,
          %swap3A_303 = vector.shape_cast %swap3A_302 : vector<1x16xf32> to vector<16xf32>
          %swap3A_304 = vector.shape_cast %mul3A_298 : vector<16xf32> to vector<1x16xf32>
          tpu.vector_store %arg15[%swap3A_300, %swap3A_301], %swap3A_304 {strides = array<i32>} : memref<9x128xf32, #tpu.memory_space<vmem>>, vector<1x16xf32>,
          %add3A_305 = arith.constant 512 : i32
          %add3A_306 = vector.broadcast %add3A_305 : i32 to vector<16xi32>
          %add3A_307 = arith.addi %select_n3A_273, %add3A_306 : vector<16xi32>
          %swap3A_308 = arith.constant 2 : i32
          %swap3A_309 = arith.index_cast %swap3A_308 : i32 to index
          %swap3A_310 = arith.index_cast %mul3A_175 : i32 to index
          %swap3A_311 = tpu.vector_load %arg14[%swap3A_309, %swap3A_310] {strides = array<i32>} : memref<9x128xi32, #tpu.memory_space<vmem>>, vector<1x16xi32>,
          %swap3A_312 = vector.shape_cast %swap3A_311 : vector<1x16xi32> to vector<16xi32>
          %swap3A_313 = vector.shape_cast %add3A_307 : vector<16xi32> to vector<1x16xi32>
          tpu.vector_store %arg14[%swap3A_309, %swap3A_310], %swap3A_313 {strides = array<i32>} : memref<9x128xi32, #tpu.memory_space<vmem>>, vector<1x16xi32>,
          %mul3A_314 = arith.mulf %select_n3A_272, %max3A_233 : vector<16xf32>
          %swap3A_315 = arith.constant 2 : i32
          %swap3A_316 = arith.index_cast %swap3A_315 : i32 to index
          %swap3A_317 = arith.index_cast %mul3A_175 : i32 to index
          %swap3A_318 = tpu.vector_load %arg15[%swap3A_316, %swap3A_317] {strides = array<i32>} : memref<9x128xf32, #tpu.memory_space<vmem>>, vector<1x16xf32>,
          %swap3A_319 = vector.shape_cast %swap3A_318 : vector<1x16xf32> to vector<16xf32>
          %swap3A_320 = vector.shape_cast %mul3A_314 : vector<16xf32> to vector<1x16xf32>
          tpu.vector_store %arg15[%swap3A_316, %swap3A_317], %swap3A_320 {strides = array<i32>} : memref<9x128xf32, #tpu.memory_space<vmem>>, vector<1x16xf32>,
          %add3A_321 = arith.constant 513 : i32
          %add3A_322 = vector.broadcast %add3A_321 : i32 to vector<16xi32>
          %add3A_323 = arith.addi %select_n3A_273, %add3A_322 : vector<16xi32>
          %swap3A_324 = arith.constant 3 : i32
          %swap3A_325 = arith.index_cast %swap3A_324 : i32 to index
          %swap3A_326 = arith.index_cast %mul3A_175 : i32 to index
          %swap3A_327 = tpu.vector_load %arg14[%swap3A_325, %swap3A_326] {strides = array<i32>} : memref<9x128xi32, #tpu.memory_space<vmem>>, vector<1x16xi32>,
          %swap3A_328 = vector.shape_cast %swap3A_327 : vector<1x16xi32> to vector<16xi32>
          %swap3A_329 = vector.shape_cast %add3A_323 : vector<16xi32> to vector<1x16xi32>
          tpu.vector_store %arg14[%swap3A_325, %swap3A_326], %swap3A_329 {strides = array<i32>} : memref<9x128xi32, #tpu.memory_space<vmem>>, vector<1x16xi32>,
          %mul3A_330 = arith.mulf %select_n3A_272, %max3A_245 : vector<16xf32>
          %swap3A_331 = arith.constant 3 : i32
          %swap3A_332 = arith.index_cast %swap3A_331 : i32 to index
          %swap3A_333 = arith.index_cast %mul3A_175 : i32 to index
          %swap3A_334 = tpu.vector_load %arg15[%swap3A_332, %swap3A_333] {strides = array<i32>} : memref<9x128xf32, #tpu.memory_space<vmem>>, vector<1x16xf32>,
          %swap3A_335 = vector.shape_cast %swap3A_334 : vector<1x16xf32> to vector<16xf32>
          %swap3A_336 = vector.shape_cast %mul3A_330 : vector<16xf32> to vector<1x16xf32>
          tpu.vector_store %arg15[%swap3A_332, %swap3A_333], %swap3A_336 {strides = array<i32>} : memref<9x128xf32, #tpu.memory_space<vmem>>, vector<1x16xf32>,
        }
        %scan3A_126 = arith.constant 8 : i32
        %add3A_127 = arith.constant 64 : i32
        %add3A_128 = arith.addi %add3A_77, %add3A_127 : i32
        %lt3A_129 = arith.constant 782 : i32
        %lt3A_130 = arith.cmpi slt, %add3A_128, %lt3A_129 : i32
        %convert_element_type3A_131 = arith.extui %lt3A_130 : i1 to i32
        %cond3A_132 = arith.constant 0 : i32
        %cond3A_133 = arith.cmpi ne, %convert_element_type3A_131, %cond3A_132 : i32
        scf.if %cond3A_133 {
          %add3A_173 = arith.constant 64 : i32
          %add3A_174 = arith.addi %add3A_77, %add3A_173 : i32
          %mul3A_175 = arith.constant 128 : i32
          %mul3A_176 = arith.muli %add3A_174, %mul3A_175 : i32
          %add3A_177 = arith.constant 410000 : i32
          %add3A_178 = arith.addi %add3A_177, %mul3A_176 : i32
          %min3A_179 = arith.constant 509872 : i32
          %min3A_180 = arith.minsi %add3A_178, %min3A_179 : i32
          %dma_start3A_181 = tpu.memref_slice %arg2[%min3A_180] : memref<1020000xf32, #tpu.memory_space<hbm>> -> memref<128xf32, #tpu.memory_space<hbm>>
          %dma_start3A_182 = tpu.memref_slice %arg2[%min3A_180] : memref<1020000xf32, #tpu.memory_space<hbm>> -> memref<128xf32, #tpu.memory_space<hbm>>
          tpu.enqueue_dma source(%dma_start3A_182 : memref<128xf32, #tpu.memory_space<hbm>>) target(%arg6 : memref<128xf32, #tpu.memory_space<vmem>>) target_semaphore(%arg21 : memref<!tpu.dma_semaphore, #tpu.memory_space<semaphore_mem>>)
          %add3A_183 = arith.constant 510000 : i32
          %add3A_184 = arith.addi %add3A_183, %min3A_180 : i32
          %dma_start3A_185 = tpu.memref_slice %arg2[%add3A_184] : memref<1020000xf32, #tpu.memory_space<hbm>> -> memref<128xf32, #tpu.memory_space<hbm>>
          %dma_start3A_186 = tpu.memref_slice %arg2[%add3A_184] : memref<1020000xf32, #tpu.memory_space<hbm>> -> memref<128xf32, #tpu.memory_space<hbm>>
          tpu.enqueue_dma source(%dma_start3A_186 : memref<128xf32, #tpu.memory_space<hbm>>) target(%arg7 : memref<128xf32, #tpu.memory_space<vmem>>) target_semaphore(%arg21 : memref<!tpu.dma_semaphore, #tpu.memory_space<semaphore_mem>>)
          %dma_start3A_187 = tpu.memref_slice %arg3[%min3A_180] : memref<510000xf32, #tpu.memory_space<hbm>> -> memref<128xf32, #tpu.memory_space<hbm>>
          %dma_start3A_188 = tpu.memref_slice %arg3[%min3A_180] : memref<510000xf32, #tpu.memory_space<hbm>> -> memref<128xf32, #tpu.memory_space<hbm>>
          tpu.enqueue_dma source(%dma_start3A_188 : memref<128xf32, #tpu.memory_space<hbm>>) target(%arg8 : memref<128xf32, #tpu.memory_space<vmem>>) target_semaphore(%arg21 : memref<!tpu.dma_semaphore, #tpu.memory_space<semaphore_mem>>)
          %dma_start3A_189 = tpu.memref_slice %arg4[%min3A_180] : memref<510000xf32, #tpu.memory_space<hbm>> -> memref<128xf32, #tpu.memory_space<hbm>>
          %dma_start3A_190 = tpu.memref_slice %arg4[%min3A_180] : memref<510000xf32, #tpu.memory_space<hbm>> -> memref<128xf32, #tpu.memory_space<hbm>>
          tpu.enqueue_dma source(%dma_start3A_190 : memref<128xf32, #tpu.memory_space<hbm>>) target(%arg9 : memref<128xf32, #tpu.memory_space<vmem>>) target_semaphore(%arg21 : memref<!tpu.dma_semaphore, #tpu.memory_space<semaphore_mem>>)
        } else {
        }
        %dma_start3A = arith.constant 0 : i32
        %dma_start3A_134 = arith.constant 0 : i32
        %dma_start3A_135 = arith.constant 0 : i32
        %dma_start3A_136 = tpu.memref_slice %arg15[%dma_start3A, %dma_start3A_135] : memref<9x128xf32, #tpu.memory_space<vmem>> -> memref<1x128xf32, #tpu.memory_space<vmem>>
        %dma_start3A_137 = tpu.memref_squeeze %dma_start3A_136 : memref<1x128xf32, #tpu.memory_space<vmem>> -> memref<128xf32, #tpu.memory_space<vmem>>
        %dma_start3A_138 = arith.constant 0 : i32
        %dma_start3A_139 = tpu.memref_slice %arg14[%dma_start3A_134, %dma_start3A_138] : memref<9x128xi32, #tpu.memory_space<vmem>> -> memref<1x128xi32, #tpu.memory_space<vmem>>
        %dma_start3A_140 = tpu.memref_squeeze %dma_start3A_139 : memref<1x128xi32, #tpu.memory_space<vmem>> -> memref<128xi32, #tpu.memory_space<vmem>>
        %dma_start3A_141 = arith.constant 0 : i32
        %dma_start3A_142 = tpu.memref_slice %arg20[%dma_start3A_141] : memref<262144xf32, #tpu.memory_space<vmem_shared>> -> memref<262144xf32, #tpu.memory_space<vmem_shared>>
        tpu.enqueue_indirect_dma source(%dma_start3A_137 : memref<128xf32, #tpu.memory_space<vmem>>) target(%dma_start3A_142 : memref<262144xf32, #tpu.memory_space<vmem_shared>>) offsets(%dma_start3A_140 : memref<128xi32, #tpu.memory_space<vmem>>) semaphore(%arg23 : memref<!tpu.dma_semaphore, #tpu.memory_space<semaphore_mem>>) {add = true}
        %dma_start3A_143 = arith.constant 1 : i32
        %dma_start3A_144 = arith.constant 1 : i32
        %dma_start3A_145 = arith.constant 0 : i32
        %dma_start3A_146 = tpu.memref_slice %arg15[%dma_start3A_143, %dma_start3A_145] : memref<9x128xf32, #tpu.memory_space<vmem>> -> memref<1x128xf32, #tpu.memory_space<vmem>>
        %dma_start3A_147 = tpu.memref_squeeze %dma_start3A_146 : memref<1x128xf32, #tpu.memory_space<vmem>> -> memref<128xf32, #tpu.memory_space<vmem>>
        %dma_start3A_148 = arith.constant 0 : i32
        %dma_start3A_149 = tpu.memref_slice %arg14[%dma_start3A_144, %dma_start3A_148] : memref<9x128xi32, #tpu.memory_space<vmem>> -> memref<1x128xi32, #tpu.memory_space<vmem>>
        %dma_start3A_150 = tpu.memref_squeeze %dma_start3A_149 : memref<1x128xi32, #tpu.memory_space<vmem>> -> memref<128xi32, #tpu.memory_space<vmem>>
        %dma_start3A_151 = arith.constant 0 : i32
        %dma_start3A_152 = tpu.memref_slice %arg20[%dma_start3A_151] : memref<262144xf32, #tpu.memory_space<vmem_shared>> -> memref<262144xf32, #tpu.memory_space<vmem_shared>>
        tpu.enqueue_indirect_dma source(%dma_start3A_147 : memref<128xf32, #tpu.memory_space<vmem>>) target(%dma_start3A_152 : memref<262144xf32, #tpu.memory_space<vmem_shared>>) offsets(%dma_start3A_150 : memref<128xi32, #tpu.memory_space<vmem>>) semaphore(%arg23 : memref<!tpu.dma_semaphore, #tpu.memory_space<semaphore_mem>>) {add = true}
        %dma_start3A_153 = arith.constant 2 : i32
        %dma_start3A_154 = arith.constant 2 : i32
        %dma_start3A_155 = arith.constant 0 : i32
        %dma_start3A_156 = tpu.memref_slice %arg15[%dma_start3A_153, %dma_start3A_155] : memref<9x128xf32, #tpu.memory_space<vmem>> -> memref<1x128xf32, #tpu.memory_space<vmem>>
        %dma_start3A_157 = tpu.memref_squeeze %dma_start3A_156 : memref<1x128xf32, #tpu.memory_space<vmem>> -> memref<128xf32, #tpu.memory_space<vmem>>
        %dma_start3A_158 = arith.constant 0 : i32
        %dma_start3A_159 = tpu.memref_slice %arg14[%dma_start3A_154, %dma_start3A_158] : memref<9x128xi32, #tpu.memory_space<vmem>> -> memref<1x128xi32, #tpu.memory_space<vmem>>
        %dma_start3A_160 = tpu.memref_squeeze %dma_start3A_159 : memref<1x128xi32, #tpu.memory_space<vmem>> -> memref<128xi32, #tpu.memory_space<vmem>>
        %dma_start3A_161 = arith.constant 0 : i32
        %dma_start3A_162 = tpu.memref_slice %arg20[%dma_start3A_161] : memref<262144xf32, #tpu.memory_space<vmem_shared>> -> memref<262144xf32, #tpu.memory_space<vmem_shared>>
        tpu.enqueue_indirect_dma source(%dma_start3A_157 : memref<128xf32, #tpu.memory_space<vmem>>) target(%dma_start3A_162 : memref<262144xf32, #tpu.memory_space<vmem_shared>>) offsets(%dma_start3A_160 : memref<128xi32, #tpu.memory_space<vmem>>) semaphore(%arg23 : memref<!tpu.dma_semaphore, #tpu.memory_space<semaphore_mem>>) {add = true}
        %dma_start3A_163 = arith.constant 3 : i32
        %dma_start3A_164 = arith.constant 3 : i32
        %dma_start3A_165 = arith.constant 0 : i32
        %dma_start3A_166 = tpu.memref_slice %arg15[%dma_start3A_163, %dma_start3A_165] : memref<9x128xf32, #tpu.memory_space<vmem>> -> memref<1x128xf32, #tpu.memory_space<vmem>>
        %dma_start3A_167 = tpu.memref_squeeze %dma_start3A_166 : memref<1x128xf32, #tpu.memory_space<vmem>> -> memref<128xf32, #tpu.memory_space<vmem>>
        %dma_start3A_168 = arith.constant 0 : i32
        %dma_start3A_169 = tpu.memref_slice %arg14[%dma_start3A_164, %dma_start3A_168] : memref<9x128xi32, #tpu.memory_space<vmem>> -> memref<1x128xi32, #tpu.memory_space<vmem>>
        %dma_start3A_170 = tpu.memref_squeeze %dma_start3A_169 : memref<1x128xi32, #tpu.memory_space<vmem>> -> memref<128xi32, #tpu.memory_space<vmem>>
        %dma_start3A_171 = arith.constant 0 : i32
        %dma_start3A_172 = tpu.memref_slice %arg20[%dma_start3A_171] : memref<262144xf32, #tpu.memory_space<vmem_shared>> -> memref<262144xf32, #tpu.memory_space<vmem_shared>>
        tpu.enqueue_indirect_dma source(%dma_start3A_167 : memref<128xf32, #tpu.memory_space<vmem>>) target(%dma_start3A_172 : memref<262144xf32, #tpu.memory_space<vmem_shared>>) offsets(%dma_start3A_170 : memref<128xi32, #tpu.memory_space<vmem>>) semaphore(%arg23 : memref<!tpu.dma_semaphore, #tpu.memory_space<semaphore_mem>>) {add = true}
      } else {
      }
      %mul3A_89 = arith.constant 2 : i32
      %mul3A_90 = arith.muli %mul3A_89, %scan3A_70 : i32
      %add3A_91 = arith.constant 1 : i32
      %add3A_92 = arith.addi %mul3A_90, %add3A_91 : i32
      %mul3A_93 = arith.constant 32 : i32
      %mul3A_94 = arith.muli %add3A_92, %mul3A_93 : i32
      %add3A_95 = arith.addi %add3A, %mul3A_94 : i32
      %ge3A_96 = arith.constant 64 : i32
      %ge3A_97 = arith.cmpi sge, %add3A_95, %ge3A_96 : i32
      %lt3A_98 = arith.constant 846 : i32
      %lt3A_99 = arith.cmpi slt, %add3A_95, %lt3A_98 : i32
      %and3A_100 = arith.andi %ge3A_97, %lt3A_99 : i1
      %convert_element_type3A_101 = arith.extui %and3A_100 : i1 to i32
      %cond3A_102 = arith.constant 0 : i32
      %cond3A_103 = arith.cmpi ne, %convert_element_type3A_101, %cond3A_102 : i32
      scf.if %cond3A_103 {
        %dma_wait3A = arith.constant 0 : i32
        %dma_wait3A_109 = arith.constant 0 : i32
        %dma_wait3A_110 = arith.constant 0 : i32
        %dma_wait3A_111 = tpu.memref_slice %arg17[%dma_wait3A, %dma_wait3A_110] : memref<9x128xf32, #tpu.memory_space<vmem>> -> memref<1x128xf32, #tpu.memory_space<vmem>>
        %dma_wait3A_112 = tpu.memref_squeeze %dma_wait3A_111 : memref<1x128xf32, #tpu.memory_space<vmem>> -> memref<128xf32, #tpu.memory_space<vmem>>
        %dma_wait3A_113 = arith.constant 0 : i32
        %dma_wait3A_114 = tpu.memref_slice %arg16[%dma_wait3A_109, %dma_wait3A_113] : memref<9x128xi32, #tpu.memory_space<vmem>> -> memref<1x128xi32, #tpu.memory_space<vmem>>
        %dma_wait3A_115 = tpu.memref_squeeze %dma_wait3A_114 : memref<1x128xi32, #tpu.memory_space<vmem>> -> memref<128xi32, #tpu.memory_space<vmem>>
        %dma_wait3A_116 = arith.constant 0 : i32
        %dma_wait3A_117 = tpu.memref_slice %arg20[%dma_wait3A_116] : memref<262144xf32, #tpu.memory_space<vmem_shared>> -> memref<262144xf32, #tpu.memory_space<vmem_shared>>
        tpu.wait_indirect_dma semaphore(%arg24 : memref<!tpu.dma_semaphore, #tpu.memory_space<semaphore_mem>>) src(%dma_wait3A_112 : memref<128xf32, #tpu.memory_space<vmem>>) dst(%dma_wait3A_117 : memref<262144xf32, #tpu.memory_space<vmem_shared>>)
        %dma_wait3A_118 = arith.constant 1 : i32
        %dma_wait3A_119 = arith.constant 1 : i32
        %dma_wait3A_120 = arith.constant 0 : i32
        %dma_wait3A_121 = tpu.memref_slice %arg17[%dma_wait3A_118, %dma_wait3A_120] : memref<9x128xf32, #tpu.memory_space<vmem>> -> memref<1x128xf32, #tpu.memory_space<vmem>>
        %dma_wait3A_122 = tpu.memref_squeeze %dma_wait3A_121 : memref<1x128xf32, #tpu.memory_space<vmem>> -> memref<128xf32, #tpu.memory_space<vmem>>
        %dma_wait3A_123 = arith.constant 0 : i32
        %dma_wait3A_124 = tpu.memref_slice %arg16[%dma_wait3A_119, %dma_wait3A_123] : memref<9x128xi32, #tpu.memory_space<vmem>> -> memref<1x128xi32, #tpu.memory_space<vmem>>
        %dma_wait3A_125 = tpu.memref_squeeze %dma_wait3A_124 : memref<1x128xi32, #tpu.memory_space<vmem>> -> memref<128xi32, #tpu.memory_space<vmem>>
        %dma_wait3A_126 = arith.constant 0 : i32
        %dma_wait3A_127 = tpu.memref_slice %arg20[%dma_wait3A_126] : memref<262144xf32, #tpu.memory_space<vmem_shared>> -> memref<262144xf32, #tpu.memory_space<vmem_shared>>
        tpu.wait_indirect_dma semaphore(%arg24 : memref<!tpu.dma_semaphore, #tpu.memory_space<semaphore_mem>>) src(%dma_wait3A_122 : memref<128xf32, #tpu.memory_space<vmem>>) dst(%dma_wait3A_127 : memref<262144xf32, #tpu.memory_space<vmem_shared>>)
        %dma_wait3A_128 = arith.constant 2 : i32
        %dma_wait3A_129 = arith.constant 2 : i32
        %dma_wait3A_130 = arith.constant 0 : i32
        %dma_wait3A_131 = tpu.memref_slice %arg17[%dma_wait3A_128, %dma_wait3A_130] : memref<9x128xf32, #tpu.memory_space<vmem>> -> memref<1x128xf32, #tpu.memory_space<vmem>>
        %dma_wait3A_132 = tpu.memref_squeeze %dma_wait3A_131 : memref<1x128xf32, #tpu.memory_space<vmem>> -> memref<128xf32, #tpu.memory_space<vmem>>
        %dma_wait3A_133 = arith.constant 0 : i32
        %dma_wait3A_134 = tpu.memref_slice %arg16[%dma_wait3A_129, %dma_wait3A_133] : memref<9x128xi32, #tpu.memory_space<vmem>> -> memref<1x128xi32, #tpu.memory_space<vmem>>
        %dma_wait3A_135 = tpu.memref_squeeze %dma_wait3A_134 : memref<1x128xi32, #tpu.memory_space<vmem>> -> memref<128xi32, #tpu.memory_space<vmem>>
        %dma_wait3A_136 = arith.constant 0 : i32
        %dma_wait3A_137 = tpu.memref_slice %arg20[%dma_wait3A_136] : memref<262144xf32, #tpu.memory_space<vmem_shared>> -> memref<262144xf32, #tpu.memory_space<vmem_shared>>
        tpu.wait_indirect_dma semaphore(%arg24 : memref<!tpu.dma_semaphore, #tpu.memory_space<semaphore_mem>>) src(%dma_wait3A_132 : memref<128xf32, #tpu.memory_space<vmem>>) dst(%dma_wait3A_137 : memref<262144xf32, #tpu.memory_space<vmem_shared>>)
        %dma_wait3A_138 = arith.constant 3 : i32
        %dma_wait3A_139 = arith.constant 3 : i32
        %dma_wait3A_140 = arith.constant 0 : i32
        %dma_wait3A_141 = tpu.memref_slice %arg17[%dma_wait3A_138, %dma_wait3A_140] : memref<9x128xf32, #tpu.memory_space<vmem>> -> memref<1x128xf32, #tpu.memory_space<vmem>>
        %dma_wait3A_142 = tpu.memref_squeeze %dma_wait3A_141 : memref<1x128xf32, #tpu.memory_space<vmem>> -> memref<128xf32, #tpu.memory_space<vmem>>
        %dma_wait3A_143 = arith.constant 0 : i32
        %dma_wait3A_144 = tpu.memref_slice %arg16[%dma_wait3A_139, %dma_wait3A_143] : memref<9x128xi32, #tpu.memory_space<vmem>> -> memref<1x128xi32, #tpu.memory_space<vmem>>
        %dma_wait3A_145 = tpu.memref_squeeze %dma_wait3A_144 : memref<1x128xi32, #tpu.memory_space<vmem>> -> memref<128xi32, #tpu.memory_space<vmem>>
        %dma_wait3A_146 = arith.constant 0 : i32
        %dma_wait3A_147 = tpu.memref_slice %arg20[%dma_wait3A_146] : memref<262144xf32, #tpu.memory_space<vmem_shared>> -> memref<262144xf32, #tpu.memory_space<vmem_shared>>
        tpu.wait_indirect_dma semaphore(%arg24 : memref<!tpu.dma_semaphore, #tpu.memory_space<semaphore_mem>>) src(%dma_wait3A_142 : memref<128xf32, #tpu.memory_space<vmem>>) dst(%dma_wait3A_147 : memref<262144xf32, #tpu.memory_space<vmem_shared>>)
      } else {
      }
      %lt3A_104 = arith.constant 782 : i32
      %lt3A_105 = arith.cmpi slt, %add3A_95, %lt3A_104 : i32
      %convert_element_type3A_106 = arith.extui %lt3A_105 : i1 to i32
      %cond3A_107 = arith.constant 0 : i32
      %cond3A_108 = arith.cmpi ne, %convert_element_type3A_106, %cond3A_107 : i32
      scf.if %cond3A_108 {
        %mul3A_109 = arith.constant 128 : i32
        %mul3A_110 = arith.muli %add3A_95, %mul3A_109 : i32
        %add3A_111 = arith.constant 410000 : i32
        %add3A_112 = arith.addi %add3A_111, %mul3A_110 : i32
        %min3A = arith.constant 509872 : i32
        %min3A_113 = arith.minsi %add3A_112, %min3A : i32
        %mul3A_114 = arith.constant 128 : i32
        %mul3A_115 = arith.muli %add3A_95, %mul3A_114 : i32
        %add3A_116 = arith.constant 410000 : i32
        %add3A_117 = arith.addi %add3A_116, %mul3A_115 : i32
        %dma_wait3A = arith.constant 0 : i32
        %dma_wait3A_118 = tpu.memref_slice %arg2[%dma_wait3A] : memref<1020000xf32, #tpu.memory_space<hbm>> -> memref<512xf32, #tpu.memory_space<hbm>>
        %dma_wait3A_119 = arith.constant 0 : i32
        %dma_wait3A_120 = tpu.memref_slice %arg2[%dma_wait3A_119] : memref<1020000xf32, #tpu.memory_space<hbm>> -> memref<512xf32, #tpu.memory_space<hbm>>
        tpu.wait_dma2 semaphore(%arg22 : memref<!tpu.dma_semaphore, #tpu.memory_space<semaphore_mem>>) src(%dma_wait3A_120 : memref<512xf32, #tpu.memory_space<hbm>>) dst(%arg19 : memref<512xf32, #tpu.memory_space<vmem>>)
        %scan3A_121 = arith.constant 0 : i32
        %scan3A_122 = arith.constant 0 : i32
        %scan3A_123 = arith.constant 8 : i32
        %scan3A_124 = arith.addi %scan3A_122, %scan3A_123 : i32
        %scan3A_125 = arith.constant 1 : i32
        scf.for %scan3A_173 = %scan3A_122 to %scan3A_124 step %scan3A_125  : i32 {
          %mul3A_174 = arith.constant 16 : i32
          %mul3A_175 = arith.muli %scan3A_173, %mul3A_174 : i32
          %get3A = arith.index_cast %mul3A_175 : i32 to index
          %get3A_176 = tpu.vector_load %arg10[%get3A] {strides = array<i32>} : memref<128xf32, #tpu.memory_space<vmem>>, vector<16xf32>,
          %get3A_177 = vector.shape_cast %get3A_176 : vector<16xf32> to vector<16xf32>
          %get3A_178 = arith.index_cast %mul3A_175 : i32 to index
          %get3A_179 = tpu.vector_load %arg11[%get3A_178] {strides = array<i32>} : memref<128xf32, #tpu.memory_space<vmem>>, vector<16xf32>,
          %get3A_180 = vector.shape_cast %get3A_179 : vector<16xf32> to vector<16xf32>
          %get3A_181 = arith.index_cast %mul3A_175 : i32 to index
          %get3A_182 = tpu.vector_load %arg12[%get3A_181] {strides = array<i32>} : memref<128xf32, #tpu.memory_space<vmem>>, vector<16xf32>,
          %get3A_183 = vector.shape_cast %get3A_182 : vector<16xf32> to vector<16xf32>
          %add3A_184 = arith.addf %get3A_177, %get3A_183 : vector<16xf32>
          %get3A_185 = arith.index_cast %mul3A_175 : i32 to index
          %get3A_186 = tpu.vector_load %arg13[%get3A_185] {strides = array<i32>} : memref<128xf32, #tpu.memory_space<vmem>>, vector<16xf32>,
          %get3A_187 = vector.shape_cast %get3A_186 : vector<16xf32> to vector<16xf32>
          %add3A_188 = arith.addf %get3A_180, %get3A_187 : vector<16xf32>
          %mul3A_189 = arith.constant 5.000000e-01 : f32
          %mul3A_190 = vector.broadcast %mul3A_189 : f32 to vector<16xf32>
          %mul3A_191 = arith.mulf %get3A_177, %mul3A_190 : vector<16xf32>
          %convert_element_type3A_192 = arith.fptosi %mul3A_191 : vector<16xf32> to vector<16xi32>
          %mul3A_193 = arith.constant 5.000000e-01 : f32
          %mul3A_194 = vector.broadcast %mul3A_193 : f32 to vector<16xf32>
          %mul3A_195 = arith.mulf %get3A_180, %mul3A_194 : vector<16xf32>
          %convert_element_type3A_196 = arith.fptosi %mul3A_195 : vector<16xf32> to vector<16xi32>
          %convert_element_type3A_197 = arith.sitofp %convert_element_type3A_192 : vector<16xi32> to vector<16xf32>
          %mul3A_198 = arith.constant 2.000000e+00 : f32
          %mul3A_199 = vector.broadcast %mul3A_198 : f32 to vector<16xf32>
          %mul3A_200 = arith.mulf %convert_element_type3A_197, %mul3A_199 : vector<16xf32>
          %convert_element_type3A_201 = arith.sitofp %convert_element_type3A_196 : vector<16xi32> to vector<16xf32>
          %mul3A_202 = arith.constant 2.000000e+00 : f32
          %mul3A_203 = vector.broadcast %mul3A_202 : f32 to vector<16xf32>
          %mul3A_204 = arith.mulf %convert_element_type3A_201, %mul3A_203 : vector<16xf32>
          %mul3A_205 = arith.constant 512 : i32
          %mul3A_206 = vector.broadcast %mul3A_205 : i32 to vector<16xi32>
          %mul3A_207 = arith.muli %convert_element_type3A_192, %mul3A_206 : vector<16xi32>
          %add3A_208 = arith.addi %mul3A_207, %convert_element_type3A_196 : vector<16xi32>
          %iota3A = tpu.iota {dimensions = array<i32: 0>} : vector<16xi32>
          %mul3A_209 = arith.constant 16 : i32
          %mul3A_210 = arith.muli %scan3A_173, %mul3A_209 : i32
          %add3A_211 = arith.addi %min3A_113, %mul3A_210 : i32
          %add3A_212 = vector.broadcast %add3A_211 : i32 to vector<16xi32>
          %add3A_213 = arith.addi %add3A_212, %iota3A : vector<16xi32>
          %ge3A_214 = vector.broadcast %add3A_117 : i32 to vector<16xi32>
          %ge3A_215 = arith.cmpi sge, %add3A_213, %ge3A_214 : vector<16xi32>
          %lt3A_216 = arith.constant 510000 : i32
          %lt3A_217 = vector.broadcast %lt3A_216 : i32 to vector<16xi32>
          %lt3A_218 = arith.cmpi slt, %add3A_213, %lt3A_217 : vector<16xi32>
          %and3A_219 = arith.andi %ge3A_215, %lt3A_218 : vector<16xi1>
          %mul3A_220 = arith.constant 16 : i32
          %mul3A_221 = arith.muli %scan3A_173, %mul3A_220 : i32
          %add3A_222 = vector.broadcast %mul3A_221 : i32 to vector<16xi32>
          %add3A_223 = arith.addi %add3A_222, %iota3A : vector<16xi32>
          %add3A_224 = arith.constant 0.000000e+00 : f32
          %add3A_225 = vector.broadcast %add3A_224 : f32 to vector<16xf32>
          %add3A_226 = arith.addf %mul3A_204, %add3A_225 : vector<16xf32>
          %add3A_227 = arith.constant 2.000000e+00 : f32
          %add3A_228 = vector.broadcast %add3A_227 : f32 to vector<16xf32>
          %add3A_229 = arith.addf %add3A_226, %add3A_228 : vector<16xf32>
          %min3A_230 = arith.minimumf %add3A_188, %add3A_229 : vector<16xf32>
          %max3A = arith.maximumf %get3A_180, %add3A_226 : vector<16xf32>
          %sub3A = arith.subf %min3A_230, %max3A : vector<16xf32>
          %max3A_231 = arith.constant 0.000000e+00 : f32
          %max3A_232 = vector.broadcast %max3A_231 : f32 to vector<16xf32>
          %max3A_233 = arith.maximumf %sub3A, %max3A_232 : vector<16xf32>
          %add3A_234 = arith.constant 2.000000e+00 : f32
          %add3A_235 = vector.broadcast %add3A_234 : f32 to vector<16xf32>
          %add3A_236 = arith.addf %mul3A_204, %add3A_235 : vector<16xf32>
          %add3A_237 = arith.constant 2.000000e+00 : f32
          %add3A_238 = vector.broadcast %add3A_237 : f32 to vector<16xf32>
          %add3A_239 = arith.addf %add3A_236, %add3A_238 : vector<16xf32>
          %min3A_240 = arith.minimumf %add3A_188, %add3A_239 : vector<16xf32>
          %max3A_241 = arith.maximumf %get3A_180, %add3A_236 : vector<16xf32>
          %sub3A_242 = arith.subf %min3A_240, %max3A_241 : vector<16xf32>
          %max3A_243 = arith.constant 0.000000e+00 : f32
          %max3A_244 = vector.broadcast %max3A_243 : f32 to vector<16xf32>
          %max3A_245 = arith.maximumf %sub3A_242, %max3A_244 : vector<16xf32>
          %add3A_246 = arith.constant 0.000000e+00 : f32
          %add3A_247 = vector.broadcast %add3A_246 : f32 to vector<16xf32>
          %add3A_248 = arith.addf %mul3A_200, %add3A_247 : vector<16xf32>
          %add3A_249 = arith.constant 2.000000e+00 : f32
          %add3A_250 = vector.broadcast %add3A_249 : f32 to vector<16xf32>
          %add3A_251 = arith.addf %add3A_248, %add3A_250 : vector<16xf32>
          %min3A_252 = arith.minimumf %add3A_184, %add3A_251 : vector<16xf32>
          %max3A_253 = arith.maximumf %get3A_177, %add3A_248 : vector<16xf32>
          %sub3A_254 = arith.subf %min3A_252, %max3A_253 : vector<16xf32>
          %max3A_255 = arith.constant 0.000000e+00 : f32
          %max3A_256 = vector.broadcast %max3A_255 : f32 to vector<16xf32>
          %max3A_257 = arith.maximumf %sub3A_254, %max3A_256 : vector<16xf32>
          %jit3A = arith.constant 0.000000e+00 : f32
          %broadcast_in_dim3A = vector.broadcast %jit3A : f32 to vector<16xf32>
          %select_n3A = arith.select %and3A_219, %max3A_257, %broadcast_in_dim3A : vector<16xi1>, vector<16xf32>
          %add3A_258 = arith.constant 2.000000e+00 : f32
          %add3A_259 = vector.broadcast %add3A_258 : f32 to vector<16xf32>
          %add3A_260 = arith.addf %mul3A_200, %add3A_259 : vector<16xf32>
          %add3A_261 = arith.constant 2.000000e+00 : f32
          %add3A_262 = vector.broadcast %add3A_261 : f32 to vector<16xf32>
          %add3A_263 = arith.addf %add3A_260, %add3A_262 : vector<16xf32>
          %min3A_264 = arith.minimumf %add3A_184, %add3A_263 : vector<16xf32>
          %max3A_265 = arith.maximumf %get3A_177, %add3A_260 : vector<16xf32>
          %sub3A_266 = arith.subf %min3A_264, %max3A_265 : vector<16xf32>
          %max3A_267 = arith.constant 0.000000e+00 : f32
          %max3A_268 = vector.broadcast %max3A_267 : f32 to vector<16xf32>
          %max3A_269 = arith.maximumf %sub3A_266, %max3A_268 : vector<16xf32>
          %jit3A_270 = arith.constant 0.000000e+00 : f32
          %broadcast_in_dim3A_271 = vector.broadcast %jit3A_270 : f32 to vector<16xf32>
          %select_n3A_272 = arith.select %and3A_219, %max3A_269, %broadcast_in_dim3A_271 : vector<16xi1>, vector<16xf32>
          %select_n3A_273 = arith.select %and3A_219, %add3A_208, %add3A_223 : vector<16xi1>, vector<16xi32>
          %add3A_274 = arith.constant 0 : i32
          %add3A_275 = vector.broadcast %add3A_274 : i32 to vector<16xi32>
          %add3A_276 = arith.addi %select_n3A_273, %add3A_275 : vector<16xi32>
          %swap3A = arith.constant 0 : i32
          %swap3A_277 = arith.index_cast %swap3A : i32 to index
          %swap3A_278 = arith.index_cast %mul3A_175 : i32 to index
          %swap3A_279 = tpu.vector_load %arg16[%swap3A_277, %swap3A_278] {strides = array<i32>} : memref<9x128xi32, #tpu.memory_space<vmem>>, vector<1x16xi32>,
          %swap3A_280 = vector.shape_cast %swap3A_279 : vector<1x16xi32> to vector<16xi32>
          %swap3A_281 = vector.shape_cast %add3A_276 : vector<16xi32> to vector<1x16xi32>
          tpu.vector_store %arg16[%swap3A_277, %swap3A_278], %swap3A_281 {strides = array<i32>} : memref<9x128xi32, #tpu.memory_space<vmem>>, vector<1x16xi32>,
          %mul3A_282 = arith.mulf %select_n3A, %max3A_233 : vector<16xf32>
          %swap3A_283 = arith.constant 0 : i32
          %swap3A_284 = arith.index_cast %swap3A_283 : i32 to index
          %swap3A_285 = arith.index_cast %mul3A_175 : i32 to index
          %swap3A_286 = tpu.vector_load %arg17[%swap3A_284, %swap3A_285] {strides = array<i32>} : memref<9x128xf32, #tpu.memory_space<vmem>>, vector<1x16xf32>,
          %swap3A_287 = vector.shape_cast %swap3A_286 : vector<1x16xf32> to vector<16xf32>
          %swap3A_288 = vector.shape_cast %mul3A_282 : vector<16xf32> to vector<1x16xf32>
          tpu.vector_store %arg17[%swap3A_284, %swap3A_285], %swap3A_288 {strides = array<i32>} : memref<9x128xf32, #tpu.memory_space<vmem>>, vector<1x16xf32>,
          %add3A_289 = arith.constant 1 : i32
          %add3A_290 = vector.broadcast %add3A_289 : i32 to vector<16xi32>
          %add3A_291 = arith.addi %select_n3A_273, %add3A_290 : vector<16xi32>
          %swap3A_292 = arith.constant 1 : i32
          %swap3A_293 = arith.index_cast %swap3A_292 : i32 to index
          %swap3A_294 = arith.index_cast %mul3A_175 : i32 to index
          %swap3A_295 = tpu.vector_load %arg16[%swap3A_293, %swap3A_294] {strides = array<i32>} : memref<9x128xi32, #tpu.memory_space<vmem>>, vector<1x16xi32>,
          %swap3A_296 = vector.shape_cast %swap3A_295 : vector<1x16xi32> to vector<16xi32>
          %swap3A_297 = vector.shape_cast %add3A_291 : vector<16xi32> to vector<1x16xi32>
          tpu.vector_store %arg16[%swap3A_293, %swap3A_294], %swap3A_297 {strides = array<i32>} : memref<9x128xi32, #tpu.memory_space<vmem>>, vector<1x16xi32>,
          %mul3A_298 = arith.mulf %select_n3A, %max3A_245 : vector<16xf32>
          %swap3A_299 = arith.constant 1 : i32
          %swap3A_300 = arith.index_cast %swap3A_299 : i32 to index
          %swap3A_301 = arith.index_cast %mul3A_175 : i32 to index
          %swap3A_302 = tpu.vector_load %arg17[%swap3A_300, %swap3A_301] {strides = array<i32>} : memref<9x128xf32, #tpu.memory_space<vmem>>, vector<1x16xf32>,
          %swap3A_303 = vector.shape_cast %swap3A_302 : vector<1x16xf32> to vector<16xf32>
          %swap3A_304 = vector.shape_cast %mul3A_298 : vector<16xf32> to vector<1x16xf32>
          tpu.vector_store %arg17[%swap3A_300, %swap3A_301], %swap3A_304 {strides = array<i32>} : memref<9x128xf32, #tpu.memory_space<vmem>>, vector<1x16xf32>,
          %add3A_305 = arith.constant 512 : i32
          %add3A_306 = vector.broadcast %add3A_305 : i32 to vector<16xi32>
          %add3A_307 = arith.addi %select_n3A_273, %add3A_306 : vector<16xi32>
          %swap3A_308 = arith.constant 2 : i32
          %swap3A_309 = arith.index_cast %swap3A_308 : i32 to index
          %swap3A_310 = arith.index_cast %mul3A_175 : i32 to index
          %swap3A_311 = tpu.vector_load %arg16[%swap3A_309, %swap3A_310] {strides = array<i32>} : memref<9x128xi32, #tpu.memory_space<vmem>>, vector<1x16xi32>,
          %swap3A_312 = vector.shape_cast %swap3A_311 : vector<1x16xi32> to vector<16xi32>
          %swap3A_313 = vector.shape_cast %add3A_307 : vector<16xi32> to vector<1x16xi32>
          tpu.vector_store %arg16[%swap3A_309, %swap3A_310], %swap3A_313 {strides = array<i32>} : memref<9x128xi32, #tpu.memory_space<vmem>>, vector<1x16xi32>,
          %mul3A_314 = arith.mulf %select_n3A_272, %max3A_233 : vector<16xf32>
          %swap3A_315 = arith.constant 2 : i32
          %swap3A_316 = arith.index_cast %swap3A_315 : i32 to index
          %swap3A_317 = arith.index_cast %mul3A_175 : i32 to index
          %swap3A_318 = tpu.vector_load %arg17[%swap3A_316, %swap3A_317] {strides = array<i32>} : memref<9x128xf32, #tpu.memory_space<vmem>>, vector<1x16xf32>,
          %swap3A_319 = vector.shape_cast %swap3A_318 : vector<1x16xf32> to vector<16xf32>
          %swap3A_320 = vector.shape_cast %mul3A_314 : vector<16xf32> to vector<1x16xf32>
          tpu.vector_store %arg17[%swap3A_316, %swap3A_317], %swap3A_320 {strides = array<i32>} : memref<9x128xf32, #tpu.memory_space<vmem>>, vector<1x16xf32>,
          %add3A_321 = arith.constant 513 : i32
          %add3A_322 = vector.broadcast %add3A_321 : i32 to vector<16xi32>
          %add3A_323 = arith.addi %select_n3A_273, %add3A_322 : vector<16xi32>
          %swap3A_324 = arith.constant 3 : i32
          %swap3A_325 = arith.index_cast %swap3A_324 : i32 to index
          %swap3A_326 = arith.index_cast %mul3A_175 : i32 to index
          %swap3A_327 = tpu.vector_load %arg16[%swap3A_325, %swap3A_326] {strides = array<i32>} : memref<9x128xi32, #tpu.memory_space<vmem>>, vector<1x16xi32>,
          %swap3A_328 = vector.shape_cast %swap3A_327 : vector<1x16xi32> to vector<16xi32>
          %swap3A_329 = vector.shape_cast %add3A_323 : vector<16xi32> to vector<1x16xi32>
          tpu.vector_store %arg16[%swap3A_325, %swap3A_326], %swap3A_329 {strides = array<i32>} : memref<9x128xi32, #tpu.memory_space<vmem>>, vector<1x16xi32>,
          %mul3A_330 = arith.mulf %select_n3A_272, %max3A_245 : vector<16xf32>
          %swap3A_331 = arith.constant 3 : i32
          %swap3A_332 = arith.index_cast %swap3A_331 : i32 to index
          %swap3A_333 = arith.index_cast %mul3A_175 : i32 to index
          %swap3A_334 = tpu.vector_load %arg17[%swap3A_332, %swap3A_333] {strides = array<i32>} : memref<9x128xf32, #tpu.memory_space<vmem>>, vector<1x16xf32>,
          %swap3A_335 = vector.shape_cast %swap3A_334 : vector<1x16xf32> to vector<16xf32>
          %swap3A_336 = vector.shape_cast %mul3A_330 : vector<16xf32> to vector<1x16xf32>
          tpu.vector_store %arg17[%swap3A_332, %swap3A_333], %swap3A_336 {strides = array<i32>} : memref<9x128xf32, #tpu.memory_space<vmem>>, vector<1x16xf32>,
        }
        %scan3A_126 = arith.constant 8 : i32
        %add3A_127 = arith.constant 64 : i32
        %add3A_128 = arith.addi %add3A_95, %add3A_127 : i32
        %lt3A_129 = arith.constant 782 : i32
        %lt3A_130 = arith.cmpi slt, %add3A_128, %lt3A_129 : i32
        %convert_element_type3A_131 = arith.extui %lt3A_130 : i1 to i32
        %cond3A_132 = arith.constant 0 : i32
        %cond3A_133 = arith.cmpi ne, %convert_element_type3A_131, %cond3A_132 : i32
        scf.if %cond3A_133 {
          %add3A_173 = arith.constant 64 : i32
          %add3A_174 = arith.addi %add3A_95, %add3A_173 : i32
          %mul3A_175 = arith.constant 128 : i32
          %mul3A_176 = arith.muli %add3A_174, %mul3A_175 : i32
          %add3A_177 = arith.constant 410000 : i32
          %add3A_178 = arith.addi %add3A_177, %mul3A_176 : i32
          %min3A_179 = arith.constant 509872 : i32
          %min3A_180 = arith.minsi %add3A_178, %min3A_179 : i32
          %dma_start3A_181 = tpu.memref_slice %arg2[%min3A_180] : memref<1020000xf32, #tpu.memory_space<hbm>> -> memref<128xf32, #tpu.memory_space<hbm>>
          %dma_start3A_182 = tpu.memref_slice %arg2[%min3A_180] : memref<1020000xf32, #tpu.memory_space<hbm>> -> memref<128xf32, #tpu.memory_space<hbm>>
          tpu.enqueue_dma source(%dma_start3A_182 : memref<128xf32, #tpu.memory_space<hbm>>) target(%arg10 : memref<128xf32, #tpu.memory_space<vmem>>) target_semaphore(%arg22 : memref<!tpu.dma_semaphore, #tpu.memory_space<semaphore_mem>>)
          %add3A_183 = arith.constant 510000 : i32
          %add3A_184 = arith.addi %add3A_183, %min3A_180 : i32
          %dma_start3A_185 = tpu.memref_slice %arg2[%add3A_184] : memref<1020000xf32, #tpu.memory_space<hbm>> -> memref<128xf32, #tpu.memory_space<hbm>>
          %dma_start3A_186 = tpu.memref_slice %arg2[%add3A_184] : memref<1020000xf32, #tpu.memory_space<hbm>> -> memref<128xf32, #tpu.memory_space<hbm>>
          tpu.enqueue_dma source(%dma_start3A_186 : memref<128xf32, #tpu.memory_space<hbm>>) target(%arg11 : memref<128xf32, #tpu.memory_space<vmem>>) target_semaphore(%arg22 : memref<!tpu.dma_semaphore, #tpu.memory_space<semaphore_mem>>)
          %dma_start3A_187 = tpu.memref_slice %arg3[%min3A_180] : memref<510000xf32, #tpu.memory_space<hbm>> -> memref<128xf32, #tpu.memory_space<hbm>>
          %dma_start3A_188 = tpu.memref_slice %arg3[%min3A_180] : memref<510000xf32, #tpu.memory_space<hbm>> -> memref<128xf32, #tpu.memory_space<hbm>>
          tpu.enqueue_dma source(%dma_start3A_188 : memref<128xf32, #tpu.memory_space<hbm>>) target(%arg12 : memref<128xf32, #tpu.memory_space<vmem>>) target_semaphore(%arg22 : memref<!tpu.dma_semaphore, #tpu.memory_space<semaphore_mem>>)
          %dma_start3A_189 = tpu.memref_slice %arg4[%min3A_180] : memref<510000xf32, #tpu.memory_space<hbm>> -> memref<128xf32, #tpu.memory_space<hbm>>
          %dma_start3A_190 = tpu.memref_slice %arg4[%min3A_180] : memref<510000xf32, #tpu.memory_space<hbm>> -> memref<128xf32, #tpu.memory_space<hbm>>
          tpu.enqueue_dma source(%dma_start3A_190 : memref<128xf32, #tpu.memory_space<hbm>>) target(%arg13 : memref<128xf32, #tpu.memory_space<vmem>>) target_semaphore(%arg22 : memref<!tpu.dma_semaphore, #tpu.memory_space<semaphore_mem>>)
        } else {
        }
        %dma_start3A = arith.constant 0 : i32
        %dma_start3A_134 = arith.constant 0 : i32
        %dma_start3A_135 = arith.constant 0 : i32
        %dma_start3A_136 = tpu.memref_slice %arg17[%dma_start3A, %dma_start3A_135] : memref<9x128xf32, #tpu.memory_space<vmem>> -> memref<1x128xf32, #tpu.memory_space<vmem>>
        %dma_start3A_137 = tpu.memref_squeeze %dma_start3A_136 : memref<1x128xf32, #tpu.memory_space<vmem>> -> memref<128xf32, #tpu.memory_space<vmem>>
        %dma_start3A_138 = arith.constant 0 : i32
        %dma_start3A_139 = tpu.memref_slice %arg16[%dma_start3A_134, %dma_start3A_138] : memref<9x128xi32, #tpu.memory_space<vmem>> -> memref<1x128xi32, #tpu.memory_space<vmem>>
        %dma_start3A_140 = tpu.memref_squeeze %dma_start3A_139 : memref<1x128xi32, #tpu.memory_space<vmem>> -> memref<128xi32, #tpu.memory_space<vmem>>
        %dma_start3A_141 = arith.constant 0 : i32
        %dma_start3A_142 = tpu.memref_slice %arg20[%dma_start3A_141] : memref<262144xf32, #tpu.memory_space<vmem_shared>> -> memref<262144xf32, #tpu.memory_space<vmem_shared>>
        tpu.enqueue_indirect_dma source(%dma_start3A_137 : memref<128xf32, #tpu.memory_space<vmem>>) target(%dma_start3A_142 : memref<262144xf32, #tpu.memory_space<vmem_shared>>) offsets(%dma_start3A_140 : memref<128xi32, #tpu.memory_space<vmem>>) semaphore(%arg24 : memref<!tpu.dma_semaphore, #tpu.memory_space<semaphore_mem>>) {add = true}
        %dma_start3A_143 = arith.constant 1 : i32
        %dma_start3A_144 = arith.constant 1 : i32
        %dma_start3A_145 = arith.constant 0 : i32
        %dma_start3A_146 = tpu.memref_slice %arg17[%dma_start3A_143, %dma_start3A_145] : memref<9x128xf32, #tpu.memory_space<vmem>> -> memref<1x128xf32, #tpu.memory_space<vmem>>
        %dma_start3A_147 = tpu.memref_squeeze %dma_start3A_146 : memref<1x128xf32, #tpu.memory_space<vmem>> -> memref<128xf32, #tpu.memory_space<vmem>>
        %dma_start3A_148 = arith.constant 0 : i32
        %dma_start3A_149 = tpu.memref_slice %arg16[%dma_start3A_144, %dma_start3A_148] : memref<9x128xi32, #tpu.memory_space<vmem>> -> memref<1x128xi32, #tpu.memory_space<vmem>>
        %dma_start3A_150 = tpu.memref_squeeze %dma_start3A_149 : memref<1x128xi32, #tpu.memory_space<vmem>> -> memref<128xi32, #tpu.memory_space<vmem>>
        %dma_start3A_151 = arith.constant 0 : i32
        %dma_start3A_152 = tpu.memref_slice %arg20[%dma_start3A_151] : memref<262144xf32, #tpu.memory_space<vmem_shared>> -> memref<262144xf32, #tpu.memory_space<vmem_shared>>
        tpu.enqueue_indirect_dma source(%dma_start3A_147 : memref<128xf32, #tpu.memory_space<vmem>>) target(%dma_start3A_152 : memref<262144xf32, #tpu.memory_space<vmem_shared>>) offsets(%dma_start3A_150 : memref<128xi32, #tpu.memory_space<vmem>>) semaphore(%arg24 : memref<!tpu.dma_semaphore, #tpu.memory_space<semaphore_mem>>) {add = true}
        %dma_start3A_153 = arith.constant 2 : i32
        %dma_start3A_154 = arith.constant 2 : i32
        %dma_start3A_155 = arith.constant 0 : i32
        %dma_start3A_156 = tpu.memref_slice %arg17[%dma_start3A_153, %dma_start3A_155] : memref<9x128xf32, #tpu.memory_space<vmem>> -> memref<1x128xf32, #tpu.memory_space<vmem>>
        %dma_start3A_157 = tpu.memref_squeeze %dma_start3A_156 : memref<1x128xf32, #tpu.memory_space<vmem>> -> memref<128xf32, #tpu.memory_space<vmem>>
        %dma_start3A_158 = arith.constant 0 : i32
        %dma_start3A_159 = tpu.memref_slice %arg16[%dma_start3A_154, %dma_start3A_158] : memref<9x128xi32, #tpu.memory_space<vmem>> -> memref<1x128xi32, #tpu.memory_space<vmem>>
        %dma_start3A_160 = tpu.memref_squeeze %dma_start3A_159 : memref<1x128xi32, #tpu.memory_space<vmem>> -> memref<128xi32, #tpu.memory_space<vmem>>
        %dma_start3A_161 = arith.constant 0 : i32
        %dma_start3A_162 = tpu.memref_slice %arg20[%dma_start3A_161] : memref<262144xf32, #tpu.memory_space<vmem_shared>> -> memref<262144xf32, #tpu.memory_space<vmem_shared>>
        tpu.enqueue_indirect_dma source(%dma_start3A_157 : memref<128xf32, #tpu.memory_space<vmem>>) target(%dma_start3A_162 : memref<262144xf32, #tpu.memory_space<vmem_shared>>) offsets(%dma_start3A_160 : memref<128xi32, #tpu.memory_space<vmem>>) semaphore(%arg24 : memref<!tpu.dma_semaphore, #tpu.memory_space<semaphore_mem>>) {add = true}
        %dma_start3A_163 = arith.constant 3 : i32
        %dma_start3A_164 = arith.constant 3 : i32
        %dma_start3A_165 = arith.constant 0 : i32
        %dma_start3A_166 = tpu.memref_slice %arg17[%dma_start3A_163, %dma_start3A_165] : memref<9x128xf32, #tpu.memory_space<vmem>> -> memref<1x128xf32, #tpu.memory_space<vmem>>
        %dma_start3A_167 = tpu.memref_squeeze %dma_start3A_166 : memref<1x128xf32, #tpu.memory_space<vmem>> -> memref<128xf32, #tpu.memory_space<vmem>>
        %dma_start3A_168 = arith.constant 0 : i32
        %dma_start3A_169 = tpu.memref_slice %arg16[%dma_start3A_164, %dma_start3A_168] : memref<9x128xi32, #tpu.memory_space<vmem>> -> memref<1x128xi32, #tpu.memory_space<vmem>>
        %dma_start3A_170 = tpu.memref_squeeze %dma_start3A_169 : memref<1x128xi32, #tpu.memory_space<vmem>> -> memref<128xi32, #tpu.memory_space<vmem>>
        %dma_start3A_171 = arith.constant 0 : i32
        %dma_start3A_172 = tpu.memref_slice %arg20[%dma_start3A_171] : memref<262144xf32, #tpu.memory_space<vmem_shared>> -> memref<262144xf32, #tpu.memory_space<vmem_shared>>
        tpu.enqueue_indirect_dma source(%dma_start3A_167 : memref<128xf32, #tpu.memory_space<vmem>>) target(%dma_start3A_172 : memref<262144xf32, #tpu.memory_space<vmem_shared>>) offsets(%dma_start3A_170 : memref<128xi32, #tpu.memory_space<vmem>>) semaphore(%arg24 : memref<!tpu.dma_semaphore, #tpu.memory_space<semaphore_mem>>) {add = true}
      } else {
      }
    }
    %scan3A_64 = arith.constant 14 : i32
    %barrier3A_65 = arith.constant 0 : index
    tpu.barrier barrier_id(%barrier3A_65)
    %mul3A_66 = arith.constant 16384 : i32
    %mul3A_67 = arith.muli %arg1, %mul3A_66 : i32
    "tpu.region"() ({
      %run_scoped3A = tpu.sem_alloc : memref<!tpu.dma_semaphore, #tpu.memory_space<semaphore_mem>>
      %dma_start3A = tpu.memref_slice %arg20[%mul3A_67] : memref<262144xf32, #tpu.memory_space<vmem_shared>> -> memref<16384xf32, #tpu.memory_space<vmem_shared>>
      %dma_start3A_70 = tpu.memref_slice %arg20[%mul3A_67] : memref<262144xf32, #tpu.memory_space<vmem_shared>> -> memref<16384xf32, #tpu.memory_space<vmem_shared>>
      tpu.enqueue_dma source(%dma_start3A_70 : memref<16384xf32, #tpu.memory_space<vmem_shared>>) target(%arg18 : memref<16384xf32, #tpu.memory_space<vmem>>) target_semaphore(%run_scoped3A : memref<!tpu.dma_semaphore, #tpu.memory_space<semaphore_mem>>)
      %dma_wait3A = tpu.memref_slice %arg20[%mul3A_67] : memref<262144xf32, #tpu.memory_space<vmem_shared>> -> memref<16384xf32, #tpu.memory_space<vmem_shared>>
      %dma_wait3A_71 = tpu.memref_slice %arg20[%mul3A_67] : memref<262144xf32, #tpu.memory_space<vmem_shared>> -> memref<16384xf32, #tpu.memory_space<vmem_shared>>
      tpu.wait_dma2 semaphore(%run_scoped3A : memref<!tpu.dma_semaphore, #tpu.memory_space<semaphore_mem>>) src(%dma_wait3A_71 : memref<16384xf32, #tpu.memory_space<vmem_shared>>) dst(%arg18 : memref<16384xf32, #tpu.memory_space<vmem>>)
      tpu.yield
    }) : () -> ()
    %mul3A_68 = arith.constant 16384 : i32
    %mul3A_69 = arith.muli %arg1, %mul3A_68 : i32
    "tpu.region"() ({
      %run_scoped3A = tpu.sem_alloc : memref<!tpu.dma_semaphore, #tpu.memory_space<semaphore_mem>>
      %dma_start3A = tpu.memref_slice %arg5[%arg0, %mul3A_69] : memref<2x262144xf32, #tpu.memory_space<hbm>> -> memref<1x16384xf32, #tpu.memory_space<hbm>>
      %dma_start3A_70 = tpu.memref_squeeze %dma_start3A : memref<1x16384xf32, #tpu.memory_space<hbm>> -> memref<16384xf32, #tpu.memory_space<hbm>>
      %dma_start3A_71 = tpu.memref_slice %arg5[%arg0, %mul3A_69] : memref<2x262144xf32, #tpu.memory_space<hbm>> -> memref<1x16384xf32, #tpu.memory_space<hbm>>
      %dma_start3A_72 = tpu.memref_squeeze %dma_start3A_71 : memref<1x16384xf32, #tpu.memory_space<hbm>> -> memref<16384xf32, #tpu.memory_space<hbm>>
      tpu.enqueue_dma source(%arg18 : memref<16384xf32, #tpu.memory_space<vmem>>) target(%dma_start3A_72 : memref<16384xf32, #tpu.memory_space<hbm>>) target_semaphore(%run_scoped3A : memref<!tpu.dma_semaphore, #tpu.memory_space<semaphore_mem>>)
      %dma_wait3A = tpu.memref_slice %arg5[%arg0, %mul3A_69] : memref<2x262144xf32, #tpu.memory_space<hbm>> -> memref<1x16384xf32, #tpu.memory_space<hbm>>
      %dma_wait3A_73 = tpu.memref_squeeze %dma_wait3A : memref<1x16384xf32, #tpu.memory_space<hbm>> -> memref<16384xf32, #tpu.memory_space<hbm>>
      %dma_wait3A_74 = tpu.memref_slice %arg5[%arg0, %mul3A_69] : memref<2x262144xf32, #tpu.memory_space<hbm>> -> memref<1x16384xf32, #tpu.memory_space<hbm>>
      %dma_wait3A_75 = tpu.memref_squeeze %dma_wait3A_74 : memref<1x16384xf32, #tpu.memory_space<hbm>> -> memref<16384xf32, #tpu.memory_space<hbm>>
      tpu.wait_dma2 semaphore(%run_scoped3A : memref<!tpu.dma_semaphore, #tpu.memory_space<semaphore_mem>>) src(%arg18 : memref<16384xf32, #tpu.memory_space<vmem>>) dst(%dma_wait3A_75 : memref<16384xf32, #tpu.memory_space<hbm>>)
      tpu.yield
    }) : () -> ()
    return
  }
}

module attributes {stable_mosaic.version = 14 : i64} {
  func.func @_reduce_body(%arg0: memref<2x512x512xf32, #tpu.memory_space<vmem>>, %arg1: memref<1x1xf32, #tpu.memory_space<smem>>, %arg2: memref<1x1xf32, #tpu.memory_space<smem>>) attributes {dimension_semantics = [], scalar_prefetch = 0 : i64, scratch_operands = 0 : i64, tpu.core_type = #tpu.core_type<tc>} {
    %get3A = arith.constant 0 : index
    %get3A_0 = arith.constant 0 : index
    %get3A_1 = arith.constant 0 : index
    %get3A_2 = vector.load %arg0[%get3A, %get3A_0, %get3A_1] : memref<2x512x512xf32, #tpu.memory_space<vmem>>, vector<1x512x512xf32>
    %get3A_3 = vector.shape_cast %get3A_2 : vector<1x512x512xf32> to vector<512x512xf32>
    %get3A_4 = arith.constant 1 : index
    %get3A_5 = arith.constant 0 : index
    %get3A_6 = arith.constant 0 : index
    %get3A_7 = vector.load %arg0[%get3A_4, %get3A_5, %get3A_6] : memref<2x512x512xf32, #tpu.memory_space<vmem>>, vector<1x512x512xf32>
    %get3A_8 = vector.shape_cast %get3A_7 : vector<1x512x512xf32> to vector<512x512xf32>
    %add3A = arith.addf %get3A_3, %get3A_8 : vector<512x512xf32>
    %sub3A = arith.constant 3.600000e+00 : f32
    %sub3A_9 = vector.broadcast %sub3A : f32 to vector<512x512xf32>
    %sub3A_10 = arith.subf %add3A, %sub3A_9 : vector<512x512xf32>
    %max3A = arith.constant 0.000000e+00 : f32
    %max3A_11 = vector.broadcast %max3A : f32 to vector<512x512xf32>
    %max3A_12 = arith.maximumf %sub3A_10, %max3A_11 : vector<512x512xf32>
    %reduce_sum3A = vector.shape_cast %max3A_12 : vector<512x512xf32> to vector<1x512x512xf32>
    %reduce_sum3A_13 = arith.constant dense<0.000000e+00> : vector<1xf32>
    %reduce_sum3A_14 = vector.multi_reduction <add>, %reduce_sum3A, %reduce_sum3A_13 [1, 2] : vector<1x512x512xf32> to vector<1xf32>
    %reduce_sum3A_15 = vector.shape_cast %reduce_sum3A_14 : vector<1xf32> to vector<1x1x1xf32>
    %reduce_sum3A_16 = vector.extract %reduce_sum3A_15[0, 0, 0] : f32 from vector<1x1x1xf32>
    %swap3A = arith.constant 0 : index
    %swap3A_17 = arith.constant 0 : index
    %swap3A_18 = memref.load %arg1[%swap3A, %swap3A_17] : memref<1x1xf32, #tpu.memory_space<smem>>
    memref.store %reduce_sum3A_16, %arg1[%swap3A, %swap3A_17] : memref<1x1xf32, #tpu.memory_space<smem>>
    %reduce_max3A = vector.shape_cast %add3A : vector<512x512xf32> to vector<1x512x512xf32>
    %reduce_max3A_19 = arith.constant dense<0xFF800000> : vector<1xf32>
    %reduce_max3A_20 = vector.multi_reduction <maximumf>, %reduce_max3A, %reduce_max3A_19 [1, 2] : vector<1x512x512xf32> to vector<1xf32>
    %reduce_max3A_21 = vector.shape_cast %reduce_max3A_20 : vector<1xf32> to vector<1x1x1xf32>
    %reduce_max3A_22 = vector.extract %reduce_max3A_21[0, 0, 0] : f32 from vector<1x1x1xf32>
    %mul3A = arith.constant 2.500000e-01 : f32
    %mul3A_23 = arith.mulf %reduce_max3A_22, %mul3A : f32
    %swap3A_24 = arith.constant 0 : index
    %swap3A_25 = arith.constant 0 : index
    %swap3A_26 = memref.load %arg2[%swap3A_24, %swap3A_25] : memref<1x1xf32, #tpu.memory_space<smem>>
    memref.store %mul3A_23, %arg2[%swap3A_24, %swap3A_25] : memref<1x1xf32, #tpu.memory_space<smem>>
    return
  }
}

</mosaic_0001>

<sc_bundles>
// kernel: kernel.4.cloned.1.call-start
scs
__scs_entry_jumppad:
0x0: {  	(pc) =	sbr.rel $0x88, $3  }
0x1: {  	(tag) =	ssettag $0x0;
	lr =	simm.s32 $0x1  }
0x2: {  	[smem:$0x3F9E] =	sst lr;
	_ =	strace $0xD0000000  }
0x3: {  	_ = 	snop  }
0x4: {  	_ = 	snop  }
0x5: {  	_ = 	snop  }
0x6: {  	_ = 	snop  }
0x7: {  	_ = 	snop  }
__scs_overlays_trampoline_lowered:
0x8: {  	[smem:$0x3FAD] =	sst s0  }
0x9: {  	[smem:$0x3FAE] =	sst s1  }
0xa: {  	[smem:$0x3FAF] =	sst s2  }
0xb: {  	[smem:$0x3FB0] =	sst s3  }
0xc: {  	[smem:$0x3FB1] =	sst s4  }
0xd: {  	[smem:$0x3FB2] =	sst s5  }
0xe: {  	[smem:$0x3FB3] =	sst s6  }
0xf: {  	[smem:$0x3FB4] =	sst s7  }
0x10: {  	[smem:$0x3FB5] =	sst s8  }
0x11: {  	[smem:$0x3FB6] =	sst s9;
	s0 =	simm.s32 @!p0 $0x0  }
0x12: {  	s1 =	sld [smem:$0x3F9C];
	s0 =	simm.s32 @p0 $0x1  }
0x13: {  	[smem:$0x3FB7] =	sst s0;
	s0 =	simm.s32 @!p1 $0x0  }
0x14: {  	s2 =	sld [smem:$0x3F9B];
	s0 =	simm.s32 @p1 $0x1  }
0x15: {  	[smem:$0x3FB8] =	sst s0;
	s0 =	simm.s32 @!p2 $0x0  }
0x16: {  	s3 =	sld [smem:$0x3FDB];
	s0 =	simm.s32 @p2 $0x1  }
0x17: {  	s4 =	simm.s32 $0x1BF5;
	[smem:$0x3FBA] =	sst s0  }
0x18: {  	s0 =	sld [smem:$0x3F9D];
	_ =	swait.ge [sflag:s4], $0x0  }
0x19: {  	s7 =	sld [smem:$0x3F9E]  }
0x1a: {  	s8 =	sadd.s32 $0xFFFFE003, lr  }
0x1b: {  	s9 =	sadd.s32 $0xFFFFFEF7, lr;
	s5 =	simm.s32 $0xFFFFFFFF;
	p2 =	slt.u32 s8, $0xFFFFF086  }
0x1c: {  	p1 =	slt.u32 s9, $0xF7A;
	s5 =	simm.s32 @!p2 $0x0  }
0x1d: {  	s5 =	simm.s32 @p1 $0x1;
	p0 =	seq.s32 s7, s2  }
0x1e: {  	s7 =	smul.u32 @!p0 $0xF7A, s2;
	p2 =	seq.s32 @!p0 s5, $0x0  }
0x1f: {  	s9 =	smul.u32 $0xF7A, s1;
	s8 =	simm.s32 @!p0 $0x1BF5;
	p2 =	por !p2, p0  }
0x20: {  	[sflag:s8] =	ssyncset.s32 @!p0 $0xFFFFF086;
	s6 =	sadd.s32 @!p0 s3, s7;
	s7 =	simm.s32 @!p0 $0x108  }
0x21: {  	s3 =	sadd.s32 s3, s9;
	s6 =	sadd.s32 @!p0 $0x88, s6;
	s7 =	simm.s32 @p2 $0x1082  }
0x22: {  	[simem:s7], [sflag:s8] =	dma.local @!p0 [hbm:s6], $0xF7A  }
0x23: {  	s9 =	sor.u32 $0xD0000000, s2;
	s6 =	simm.s32 $0x108;
	_ =	swait.ge @!p0 [sflag:s8], $0x0  }
0x24: {  	s3 =	sadd.s32 $0x88, s3;
	s6 =	simm.s32 @!p1 $0x1082;
	[sflag:s4] =	ssyncset.s32 $0xFFFFF086  }
0x25: {  	[simem:s6], [sflag:s4] =	dma.local [hbm:s3], $0xF7A  }
0x26: {  	[smem:$0x3F9E] =	sst s1;
	(tag) =	ssettag s2;
	_ =	strace s9  }
0x27: {  	s1 =	sld [smem:$0x3FAE]  }
0x28: {  	s2 =	sld [smem:$0x3FAF]  }
0x29: {  	s4 =	sld [smem:$0x3FB1]  }
0x2a: {  	p0 =	seq.s32 s5, $0x0;
	s5 =	sld [smem:$0x3FB2]  }
0x2b: {  	s6 =	sld [smem:$0x3FB3]  }
0x2c: {  	s7 =	sld [smem:$0x3FB4]  }
0x2d: {  	s3 =	simm.s32 $0x108;
	s8 =	sld [smem:$0x3FB5]  }
0x2e: {  	s3 =	simm.s32 @!p0 $0x1082;
	s9 =	sld [smem:$0x3FB6]  }
0x2f: {  	lr =	sadd.s32 s0, s3;
	s0 =	sld [smem:$0x3FAD]  }
0x30: {  	s3 =	sld [smem:$0x3FB0]  }
0x31: {  	[smem:$0x3FB9] =	sst s10  }
0x32: {  	s10 =	sld [smem:$0x3FB7];
	_ =	sdelay $0x3  }
0x33: {  	p0 =	seq.s32 s10, $0x1;
	s10 =	sld [smem:$0x3FB9];
	_ =	sdelay $0x3  }
0x34: {  	[smem:$0x3FB9] =	sst s10  }
0x35: {  	s10 =	sld [smem:$0x3FB8];
	_ =	sdelay $0x3  }
0x36: {  	p1 =	seq.s32 s10, $0x1;
	s10 =	sld [smem:$0x3FB9];
	_ =	sdelay $0x3  }
0x37: {  	[smem:$0x3FB9] =	sst s10  }
0x38: {  	s10 =	sld [smem:$0x3FBA]  }
0x39: {  	_ = 	snop;
	(pc) =	sbr.ind lr, $3  }
0x3a: {  	_ = 	snop  }
0x3b: {  	_ = 	snop  }
0x3c: {  	p2 =	seq.s32 s10, $0x1;
	s10 =	sld [smem:$0x3FB9]  }
0x3d: {  	_ =	shalt  }
0x3e: {  	_ =	shalt  }
0x3f: {  	_ =	shalt  }
0x40: {  	_ =	shalt  }
0x41: {  	_ =	shalt  }
0x42: {  	_ =	shalt  }
0x43: {  	_ =	shalt  }
0x44: {  	_ =	shalt  }
0x45: {  	_ =	shalt  }
0x46: {  	_ =	shalt  }
0x47: {  	_ =	shalt  }
0x48: {  	_ =	shalt  }
0x49: {  	_ =	shalt  }
0x4a: {  	_ =	shalt  }
0x4b: {  	_ =	shalt  }
0x4c: {  	_ =	shalt  }
0x4d: {  	_ =	shalt  }
0x4e: {  	_ =	shalt  }
0x4f: {  	_ =	shalt  }
0x50: {  	_ =	shalt  }
0x51: {  	_ =	shalt  }
0x52: {  	_ =	shalt  }
0x53: {  	_ =	shalt  }
0x54: {  	_ =	shalt  }
0x55: {  	_ =	shalt  }
0x56: {  	_ =	shalt  }
0x57: {  	_ =	shalt  }
0x58: {  	_ =	shalt  }
0x59: {  	_ =	shalt  }
0x5a: {  	_ =	shalt  }
0x5b: {  	_ =	shalt  }
0x5c: {  	_ =	shalt  }
0x5d: {  	_ =	shalt  }
0x5e: {  	_ =	shalt  }
0x5f: {  	_ =	shalt  }
0x60: {  	_ =	shalt  }
0x61: {  	_ =	shalt  }
0x62: {  	_ =	shalt  }
0x63: {  	_ =	shalt  }
0x64: {  	_ =	shalt  }
0x65: {  	_ =	shalt  }
0x66: {  	_ =	shalt  }
0x67: {  	_ =	shalt  }
0x68: {  	_ =	shalt  }
0x69: {  	_ =	shalt  }
0x6a: {  	_ =	shalt  }
0x6b: {  	_ =	shalt  }
0x6c: {  	_ =	shalt  }
0x6d: {  	_ =	shalt  }
0x6e: {  	_ =	shalt  }
0x6f: {  	_ =	shalt  }
0x70: {  	_ =	shalt  }
0x71: {  	_ =	shalt  }
0x72: {  	_ =	shalt  }
0x73: {  	_ =	shalt  }
0x74: {  	_ =	shalt  }
0x75: {  	_ =	shalt  }
0x76: {  	_ =	shalt  }
0x77: {  	_ =	shalt  }
0x78: {  	_ =	shalt  }
0x79: {  	_ =	shalt  }
0x7a: {  	_ =	shalt  }
0x7b: {  	_ =	shalt  }
0x7c: {  	_ =	shalt  }
0x7d: {  	_ =	shalt  }
0x7e: {  	_ =	shalt  }
0x7f: {  	_ =	shalt  }
0x80: {  	_ =	shalt  }
0x81: {  	_ =	shalt  }
0x82: {  	_ =	shalt  }
0x83: {  	_ =	shalt  }
0x84: {  	_ =	shalt  }
0x85: {  	_ =	shalt  }
0x86: {  	_ =	shalt  }
0x87: {  	_ =	shalt  }
.Lfunc_end0:
.L_simem_size_0:
called_computation_lowered:
.L_overlay_start_0:
0x88: {  	s2 =	sld [smem:$0x3FD9]  }
0x89: {  	s3 =	sld [smem:$0x3FFE];
	_ =	sdelay $0x1  }
0x8a: {  	s1 =	srdreg.scid  }
0x8b: {  	s0 =	sand.u32 $0x1, s1  }
0x8c: {  	s17 =	sshll.u32 s0, $0xA;
	s2 =	sadd.s32 s3, s2  }
0x8d: {  	s2 =	sadd.s32 s2, s17  }
0x8e: {  	[smem:$0x3FC5] =	sst s2  }
0x8f: {  	_ = 	snop  }
0x90: {  	s2 =	sld [smem:$0x3FC9]  }
0x91: {  	s18 =	sld [smem:$0x3FC8]  }
0x92: {  	s4 =	sld [smem:$0x3FC7];
	(tm) =	ssettm $0x1  }
0x93: {  	s5 =	sld [smem:$0x3FFB];
	_ =	sdelay $0x3  }
0x94: {  	_ =	strace s5  }
0x95: {  	s5 =	sld [smem:$0x3FFC];
	_ =	sdelay $0x3  }
0x96: {  	_ =	strace s5  }
0x97: {  	s5 =	sld [smem:$0x3FFD];
	_ =	sdelay $0x3  }
0x98: {  	_ =	strace s5  }
0x99: {  	_ =	strace $0x8FFFFFFF  }
0x9a: {  	s19 =	sld [smem:$0x3FDB];
	_ =	sdelay $0x1  }
0x9b: {  	s6 =	simm.s32 $_scs_section_size  }
0x9c: {  	s7 =	simm.s32 $_size__tile_overlayer_lowered;
	s8 =	simm.s32 $_tile_overlayer_lowered  }
0x9d: {  	s22 =	simm.s32 $0x1BFF;
	s21 =	sshll.u32 s8, $0x1;
	s5 =	sadd.s32 s6, s19  }
0x9e: {  	s9 =	simm.s32 $0x0;
	s20 =	sshll.u32 s7, $0x1;
	s7 =	sadd.s32 s21, s5  }
0x9f: {  	[timem:s9], [sflag:s22] =	dma.local [hbm:s7], s20  }
0xa0: {  	_ =	swait.ge [sflag:s22], s20  }
0xa1: {  	s6 =	ssub.s32 $0x0, s20;
	[sflag:s22] =	ssyncset.done $0x0  }
0xa2: {  	[sflag:s22] =	ssyncadd.s32 s6;
	_ =	sdelay $0x1  }
0xa3: {  	s23 =	simm.s32 $0x1B8B  }
0xa4: {  	_ =	swait.ge [sflag:s23], $0x1  }
0xa5: {  	[sflag:s23] =	ssyncset.done $0x0  }
0xa6: {  	s25 =	simm.s32 $0x1B8E;
	s24 =	sld [smem:$0x3FFE];
	[sflag:s23] =	ssyncadd.s32 $0xFFFFFFFF  }
0xa7: {  	s26 =	simm.s32 $execute0_lowered;
	[smem:$0x3FD2] =	sst s25  }
0xa8: {  	s7 =	sshll.u32 s26, $0x1;
	_ =	strace $0x80000046;
	[dreg:$0x1] =	wrdreg $0xFFFFFFFF  }
0xa9: {  	s28 =	simm.s32 $_size_execute0_lowered;
	s5 =	sadd.s32 s5, s7;
	[dreg:$0x0] =	wrdreg $0x0  }
0xaa: {  	s7 =	sshll.u32 s28, $0x1;
	[dreg:$0x2] =	wrdreg s5  }
0xab: {  	[dreg:$0x3] =	wrdreg s7  }
0xac: {  	[dreg:$0x4] =	wrdreg $0xC0  }
0xad: {  	_ =	task [dreg:s9], $0x5FFFF  }
0xae: {  	[dreg:$0x1] =	wrdreg $0xFFFFFFFF  }
0xaf: {  	[dreg:$0x0] =	wrdreg $0x60  }
0xb0: {  	[dreg:$0x2] =	wrdreg s2  }
0xb1: {  	[dreg:$0x3] =	wrdreg s18  }
0xb2: {  	[dreg:$0x4] =	wrdreg s4  }
0xb3: {  	[dreg:$0x5] =	wrdreg s24  }
0xb4: {  	[dreg:$0x6] =	wrdreg $0x64000  }
0xb5: {  	[dreg:$0x7] =	wrdreg $0x9  }
0xb6: {  	_ =	task.clear_ibuf [dreg:s9], $0x8FFFF;
	_ =	strace $0x90000046  }
0xb7: {  	s29 =	simm.s32 $0x9;
	_ =	strace $0x80000048  }
0xb8: {  	_ =	swait.ge [sflag:s29], $0x1  }
0xb9: {  	[sflag:s29] =	ssyncadd.s32 $0xFFFFFFFF  }
0xba: {  	_ =	strace $0x90000048  }
0xbb: {  	_ =	sfence  }
0xbc: {  	s30 =	sld [smem:$0x0];
	_ =	sdelay $0x2  }
0xbd: {  	s31 =	sshll.u32 s1, $0xD;
	s1 =	sshrl.u32 s1, $0x2  }
0xbe: {  	s3 =	sand.u32 $0x4000, s31;
	s1 =	sadd.s32 s1, s30  }
0xbf: {  	s0 =	sor.u32 s3, s0;
	s1 =	sshll.u32 s1, $0x11  }
0xc0: {  	s0 =	sor.u32 s1, s0  }
0xc1: {  	s0 =	sadd.s32 $0x8F2B, s0  }
0xc2: {  	[sflag:s0] =	ssyncadd.remote.s32 $0x1  }
0xc3: {  	_ =	sfence.sel $0xFFFF  }
0xc4: {  	[dreg:$0x0] =	wrdreg $0xFFFFFFFF;
	(pc) =	sbr.abs _section_cstart, $3  }
0xc5: {  	[dreg:$0x1] =	wrdreg $0xFFFFFFFF  }
0xc6: {  	_ =	task.clear_ibuf [dreg:s9], $0x2FFFF;
	_ =	strace $0x9FFFFFFF  }
0xc7: {  	(tm) =	ssettm $0x7FFFFFFF  }
tec
execute0_lowered:
.L_overlay_start_1:
0x0: {  	(tag) =	ssettag $0x1  }
0x1: {  	s1 =	rddreg [dreg:$0x0]  }
0x2: {  	s2 =	rddreg [dreg:$0x1]  }
0x3: {  	s3 =	rddreg [dreg:$0x2]  }
0x4: {  	s0 =	rddreg [dreg:$0x3]  }
0x5: {  	s4 =	rddreg [dreg:$0x4];
	s16 =	simm.s32 $0x0;
	s5 =	srdreg.scid  }
0x6: {  	s13 =	stileid.u32;
	[smem:$0x7FF] =	sst s16  }
0x7: {  	s5 =	sand.u32 $0x1, s5;
	s8 =	sshll.u32 s13, $0x1;
	s18 =	sshll.u32 s13, $0xC  }
0x8: {  	s19 =	sshll.u32 s13, $0xE;
	s30 =	sshll.u32 s13, $0x8;
	_ =	strace $0x80000047  }
0x9: {  	s6 =	sshll.u32 s5, $0x4;
	s7 =	ssub.s32 $0x2, s5;
	s22 =	sor.u32 s5, s8  }
0xa: {  	s8 =	sadd.s32 s19, s4;
	s5 =	sshll.u32 s5, $0x7;
	s0 =	sadd.s32 s6, s0  }
0xb: {  	s17 =	sshrl.u32 s7, $0x1;
	s9 =	sshll.u32 s22, $0x4;
	s10 =	smul.u32 $0x1D, s22  }
0xc: {  	[dreg:$0x7] =	wrdreg s8;
	s11 =	sor.u32 $0x20, s22;
	s5 =	sor.u32 s5, s30  }
0xd: {  	s6 =	ssub.s32 s7, s17;
	s20 =	sadd.s32 s2, s9;
	[dreg:$0x9] =	wrdreg s11  }
0xe: {  	s14 =	sadd.s32 s1, s9;
	s12 =	sadd.s32 s3, s9;
	[dreg:$0xa] =	wrdreg s20  }
0xf: {  	s23 =	smul.u32 $0x39, s11;
	s11 =	sshll.u32 s11, $0x4;
	[dreg:$0xb] =	wrdreg s12  }
0x10: {  	s9 =	sadd.s32 $0xC832, s9;
	s13 =	sadd.s32 s2, s11;
	[dreg:$0x8] =	wrdreg s14  }
0x11: {  	s0 =	sadd.s32 s18, s0;
	s18 =	sadd.s32 s1, s9;
	[dreg:$0x15] =	wrdreg s13  }
0x12: {  	s21 =	sshrl.u32 s10, $0x4;
	s19 =	sadd.s32 s2, s9;
	[dreg:$0x17] =	wrdreg s18  }
0x13: {  	s17 =	sadd.s32 $0xC832, s11;
	s7 =	sadd.s32 s3, s9;
	[dreg:$0x18] =	wrdreg s19  }
0x14: {  	s0 =	sadd.s32 $0x600, s0;
	s30 =	sadd.s32 $0x1C138, s14;
	[dreg:$0x19] =	wrdreg s7  }
0x15: {  	s9 =	simm.s32 $0x2400;
	s8 =	sand.u32 $0x30, s21;
	[dreg:$0x1d] =	wrdreg s0  }
0x16: {  	s10 =	sshrl.u32 s23, $0x5;
	s20 =	sadd.s32 s1, s17;
	[smem:$0x7FC] =	sst s30  }
0x17: {  	s21 =	sadd.s32 s2, s17;
	s23 =	sadd.s32 s3, s17;
	[dreg:$0x1a] =	wrdreg s20  }
0x18: {  	s18 =	simm.s32 $0x80;
	s24 =	sadd.s32 $0xC350, s8;
	[dreg:$0x1b] =	wrdreg s21  }
0x19: {  	s8 =	sadd.s32 s1, s8;
	[dreg:$0x1c] =	wrdreg s23;
	s15 =	sadd.s32 s1, s24  }
0x1a: {  	s13 =	simm.s32 $0x580;
	s8 =	sadd.s32 $0x1BC56, s8;
	[dreg:$0xc] =	wrdreg s15  }
0x1b: {  	s19 =	simm.s32 $0x1480;
	s26 =	sadd.s32 s2, s24;
	[dreg:$0xd] =	wrdreg s8  }
0x1c: {  	s25 =	sand.u32 $0x70, s10;
	s12 =	sadd.s32 s3, s24;
	[dreg:$0xe] =	wrdreg s26  }
0x1d: {  	s28 =	sadd.s32 $0xC350, s25;
	s24 =	smax.u32 s6, $0x1;
	[dreg:$0xf] =	wrdreg s12  }
0x1e: {  	s17 =	simm.s32 $0x1C80;
	s29 =	sadd.s32 s1, s28;
	[dreg:$0x1e] =	wrdreg s24  }
0x1f: {  	s6 =	simm.s32 $0x1580;
	s31 =	sadd.s32 s2, s28;
	[dreg:$0x10] =	wrdreg s29  }
0x20: {  	s8 =	sadd.s32 s1, s25;
	s15 =	sadd.s32 s3, s11;
	[dreg:$0x12] =	wrdreg s31  }
0x21: {  	s12 =	sadd.s32 s1, s11;
	s25 =	sadd.s32 $0x64190, s5;
	[dreg:$0x16] =	wrdreg s15  }
0x22: {  	s26 =	sadd.s32 $0x65190, s5;
	s24 =	simm.s32 $0x2;
	[dreg:$0x1f] =	wrdreg s25  }
0x23: {  	s5 =	simm.s32 $0x1500;
	s11 =	simm.s32 $0x1D80;
	[smem:$0x7F9] =	sst s26  }
0x24: {  	s8 =	sadd.s32 $0x1BC56, s8;
	s29 =	sadd.s32 $0xF906, s12;
	[dreg:$0x14] =	wrdreg s12  }
.Ltmp0:
0x25: {  	s31 =	sadd.s32 $0x1C138, s12;
	[dreg:$0x11] =	wrdreg s8;
	(pc) =	sbr.rel .LBB2_1-.Ltmp0, $4  }
0x26: {  	s26 =	simm.s32 $0x1;
	s12 =	simm.s32 $0xD00;
	[smem:$0x7FB] =	sst s29  }
0x27: {  	s25 =	simm.s32 $0x1400;
	s8 =	sadd.s32 s3, s28;
	[smem:$0x7FD] =	sst s31  }
0x28: {  	s15 =	simm.s32 $0x1D00;
	s28 =	sadd.s32 $0xF906, s14;
	[dreg:$0x13] =	wrdreg s8  }
0x29: {  	v0 =	vimm.f32 $0.0e+00;
	v1 =	vlaneseq.u32;
	s14 =	simm.s32 $0xD80;
	[smem:$0x7FA] =	sst s28;
	s8 =	simm.s32 $0x1C00  }
.LBB2_33:
0x2a: {  	[bflag:$0x0] =	sbarrier.arrive $0xFFFF  }
0x2b: {  	s7 =	simm.s32 $0x2400;
	s10 =	simm.s32 $0x5;
	s0 =	rddreg [dreg:$0x7]  }
0x2c: {  	[tilespmem:s7], [sflag:$0x5] =	stream.linear.gather [spmem:s0], $0x4000, $0x38;
	[tilespmem:$0xA400] =	vst v63  }
0x2d: {  	_ =	swait.ge [sflag:s10], $0x4000  }
0x2e: {  	[sflag:s10] =	ssyncset.done $0x0  }
0x2f: {  	s16 =	simm.s32 $0x100;
	s29 =	rddreg [dreg:$0x1d];
	[sflag:s10] =	ssyncadd.s32 $0xFFFFC000  }
0x30: {  	[hbm4b:s29+s18] =	stream.strided.scatter [tilespmem:s7], [sflag:$0x5], $0x4000, s16, s18, $0x38;
	[tilespmem:$0xA400] =	vst v63  }
0x31: {  	_ =	swait.ge [sflag:s10], $0x4000  }
0x32: {  	s30 =	rddreg [dreg:$0x6]  }
0x33: {  	s31 =	rddreg [dreg:$0x1e];
	s16 =	sadd.s32 $0x1, s30  }
0x34: {  	p0 =	sne.s32 s16, s31  }
.Ltmp1:
0x35: {  	_ = 	snop;
	(pc) =	sbr.rel @!p0 .LBB2_34-.Ltmp1, $3  }
0x36: {  	_ =	sdelay $0x1  }
0x37: {  	[sflag:s10] =	ssyncset.done $0x0  }
0x38: {  	s9 =	simm.s32 $0x2400;
	[sflag:s10] =	ssyncadd.s32 $0xFFFFC000  }
.LBB2_1:
0x39: {  	s7 =	simm.s32 $0x40;
	s0 =	simm.s32 $0x0  }
.LBB2_2:
0x3a: {  	p0 =	sne.s32 s7, $0xFFC0;
	[tilespmem:s0+$0x2400] =	vst v0;
	s0 =	smov.u32 s7;
	s7 =	sadd.s32 $0x40, s7  }
.Ltmp2:
0x3b: {  	(pc) =	sbr.rel @p0 .LBB2_2-.Ltmp2, $2  }
0x3c: {  	_ =	sdelay $0x2  }
0x3d: {  	s0 =	sshra.s32 s0, $0x2  }
0x3e: {  	[dreg:$0x6] =	wrdreg s16  }
0x3f: {  	[tilespmem:s0+$0x2400] =	vst v0;
	s21 =	rddreg [dreg:$0x7];
	s23 =	simm.s32 $0x5  }
0x40: {  	[spmem:s21] =	stream.linear.scatter [tilespmem:s9], [sflag:$0x5], $0x4000, $0x38;
	[tilespmem:$0xA400] =	vst v63  }
0x41: {  	_ =	swait.ge [sflag:s23], $0x4000  }
0x42: {  	[sflag:s23] =	ssyncset.done $0x0  }
0x43: {  	[sflag:s23] =	ssyncadd.s32 $0xFFFFC000  }
0x44: {  	[bflag:$0x0] =	sbarrier.arrive $0xFFFF  }
0x45: {  	s28 =	rddreg [dreg:$0x8]  }
0x46: {  	s7 =	simm.s32 $0x0;
	s29 =	sld [smem:$0x7FA]  }
0x47: {  	[tilespmem:s7], [sflag:$0x1] =	stream.linear.gather [hbm4b:s28+s7], $0x80, $0x38;
	[tilespmem:$0xA400] =	vst v63  }
0x48: {  	s30 =	rddreg [dreg:$0xa]  }
0x49: {  	[tilespmem:s18], [sflag:$0x1] =	stream.linear.gather [hbm4b:s29+s7], $0x80, $0x38;
	[tilespmem:$0xA400] =	vst v63  }
0x4a: {  	s31 =	simm.s32 $0x100;
	s9 =	rddreg [dreg:$0xb]  }
0x4b: {  	[tilespmem:s31], [sflag:$0x1] =	stream.linear.gather [hbm4b:s30+s7], $0x80, $0x38;
	[tilespmem:$0xA400] =	vst v63  }
0x4c: {  	s10 =	simm.s32 $0x180;
	s16 =	rddreg [dreg:$0x14]  }
0x4d: {  	[tilespmem:s10], [sflag:$0x1] =	stream.linear.gather [hbm4b:s9+s7], $0x80, $0x38;
	[tilespmem:$0xA400] =	vst v63  }
0x4e: {  	s20 =	simm.s32 $0x200;
	s21 =	sld [smem:$0x7FB]  }
0x4f: {  	[tilespmem:s20], [sflag:$0x2] =	stream.linear.gather [hbm4b:s16+s7], $0x80, $0x38;
	[tilespmem:$0xA400] =	vst v63  }
0x50: {  	s23 =	simm.s32 $0x280  }
0x51: {  	[tilespmem:s23], [sflag:$0x2] =	stream.linear.gather [hbm4b:s21+s7], $0x80, $0x38;
	[tilespmem:$0xA400] =	vst v63  }
.Ltmp3:
0x52: {  	_ = 	snop;
	(pc) =	sbr.rel .LBB2_4-.Ltmp3, $4  }
0x53: {  	s28 =	rddreg [dreg:$0x15];
	s29 =	simm.s32 $0x300  }
0x54: {  	[tilespmem:s29], [sflag:$0x2] =	stream.linear.gather [hbm4b:s28+s7], $0x80, $0x38;
	[tilespmem:$0xA400] =	vst v63  }
0x55: {  	s30 =	rddreg [dreg:$0x16];
	s31 =	simm.s32 $0x380  }
0x56: {  	[tilespmem:s31], [sflag:$0x2] =	stream.linear.gather [hbm4b:s30+s7], $0x80, $0x38;
	[tilespmem:$0xA400] =	vst v63  }
.LBB2_12:
0x57: {  	s7 =	sadd.s32 $0x1, s7  }
0x58: {  	p0 =	sne.s32 s7, $0x32  }
.Ltmp4:
0x59: {  	_ = 	snop;
	(pc) =	sbr.rel @!p0 .LBB2_13-.Ltmp4, $1  }
0x5a: {  	_ =	sdelay $0x3  }
.LBB2_4:
0x5b: {  	s0 =	sshll.u32 s7, $0x6  }
0x5c: {  	s16 =	sor.u32 s22, s0  }
0x5d: {  	s0 =	sadd.s32 $0xFFFFFFC0, s16  }
0x5e: {  	p0 =	sgt.u32 s0, $0xC34  }
0x5f: {  	s0 =	simm.s32 @!p0 $0x3  }
0x60: {  	_ =	swait.ge @!p0 [sflag:s0], $0x80  }
0x61: {  	[sflag:s0] =	ssyncset.done @!p0 $0x0  }
0x62: {  	[sflag:s0] =	ssyncadd.s32 @!p0 $0xFFFFFF80  }
0x63: {  	_ =	swait.ge @!p0 [sflag:s0], $0x80  }
0x64: {  	[sflag:s0] =	ssyncset.done @!p0 $0x0  }
0x65: {  	[sflag:s0] =	ssyncadd.s32 @!p0 $0xFFFFFF80  }
0x66: {  	_ =	swait.ge @!p0 [sflag:s0], $0x80  }
0x67: {  	[sflag:s0] =	ssyncset.done @!p0 $0x0  }
0x68: {  	[sflag:s0] =	ssyncadd.s32 @!p0 $0xFFFFFF80  }
0x69: {  	_ =	swait.ge @!p0 [sflag:s0], $0x80  }
0x6a: {  	[sflag:s0] =	ssyncset.done @!p0 $0x0  }
0x6b: {  	[sflag:s0] =	ssyncadd.s32 @!p0 $0xFFFFFF80  }
0x6c: {  	_ =	swait.ge @!p0 [sflag:s0], $0x80  }
0x6d: {  	[sflag:s0] =	ssyncset.done @!p0 $0x0  }
0x6e: {  	[sflag:s0] =	ssyncadd.s32 @!p0 $0xFFFFFF80  }
0x6f: {  	_ =	swait.ge @!p0 [sflag:s0], $0x80  }
0x70: {  	[sflag:s0] =	ssyncset.done @!p0 $0x0  }
0x71: {  	[sflag:s0] =	ssyncadd.s32 @!p0 $0xFFFFFF80  }
0x72: {  	_ =	swait.ge @!p0 [sflag:s0], $0x80  }
0x73: {  	[sflag:s0] =	ssyncset.done @!p0 $0x0  }
0x74: {  	[sflag:s0] =	ssyncadd.s32 @!p0 $0xFFFFFF80  }
0x75: {  	p1 =	sgt.u32 s16, $0xC34;
	_ =	swait.ge @!p0 [sflag:s0], $0x80  }
.Ltmp5:
0x76: {  	[sflag:s0] =	ssyncset.done @!p0 $0x0;
	(pc) =	sbr.rel @p1 .LBB2_8-.Ltmp5, $4  }
0x77: {  	[sflag:s0] =	ssyncadd.s32 @!p0 $0xFFFFFF80  }
0x78: {  	_ =	swait.ge @!p0 [sflag:s0], $0x80  }
0x79: {  	[sflag:s0] =	ssyncset.done @!p0 $0x0  }
0x7a: {  	[sflag:s0] =	ssyncadd.s32 @!p0 $0xFFFFFF80  }
0x7b: {  	_ =	swait.ge [sflag:s26], $0x200  }
0x7c: {  	[sflag:s26] =	ssyncset.done $0x0  }
0x7d: {  	s9 =	simm.s32 $0x0;
	[sflag:s26] =	ssyncadd.s32 $0xFFFFFE00  }
0x7e: {  	v3 =	vld [tilespmem:s9+$0x0]  }
0x7f: {  	v4 =	vld [tilespmem:s9+$0x80];
	_ =	sdelay $0x4  }
0x80: {  	v2 =	vmul.f32 $5.000000000e-01, v3;
	v5 =	vmul.f32 $5.000000000e-01, v4;
	_ =	sdelay $0x1  }
0x81: {  	v2 =	vtrunc.f32 v2;
	v5 =	vtrunc.f32 v5  }
0x82: {  	v8 =	vld [tilespmem:s9+$0x180];
	v2 =	vcvt.f32.s32 v2;
	v5 =	vcvt.f32.s32 v5;
	_ =	sdelay $0x1  }
0x83: {  	v6 =	vld [tilespmem:s9+$0x100];
	v7 =	vcvt.s32.f32 v2;
	v9 =	vcvt.s32.f32 v5  }
0x84: {  	v2 =	vshll.u32 v2, $0x9  }
0x85: {  	v2 =	vadd.s32 v5, v2;
	v5 =	vadd.f32 v7, v7;
	v9 =	vadd.f32 v9, v9  }
0x86: {  	v8 =	vadd.f32 v8, v4;
	v10 =	vadd.s32 $0x1, v2  }
0x87: {  	v11 =	vadd.s32 $0x2, v2;
	v12 =	vadd.f32 $4.000000000e+00, v9;
	v13 =	vadd.f32 $4.000000000e+00, v5  }
0x88: {  	v14 =	vadd.s32 $0x200, v2;
	v7 =	vadd.f32 v6, v3;
	v6 =	vadd.s32 $0x201, v2  }
0x89: {  	v17 =	vadd.s32 $0x202, v2;
	v15 =	vadd.f32 $2.000000000e+00, v12;
	v16 =	vadd.f32 $2.000000000e+00, v13  }
0x8a: {  	[tilespmem:s9+$0x480] =	vst v10;
	v18 =	vadd.f32 $0.0e+00, v9;
	v19 =	vadd.f32 $2.000000000e+00, v9;
	v10 =	vmax.f32 v4, v12  }
0x8b: {  	[tilespmem:s9+$0x500] =	vst v11;
	v13 =	vmax.f32 v3, v13;
	v11 =	vmin.f32 v8, v15;
	v12 =	vmin.f32 v7, v16  }
0x8c: {  	[tilespmem:s9+$0x580] =	vst v14;
	v9 =	vmax.f32 v4, v18;
	v14 =	vsub.f32 v11, v10;
	v15 =	vsub.f32 v12, v13  }
0x8d: {  	[tilespmem:s9+$0x600] =	vst v6;
	v10 =	vmax.f32 v4, v19;
	v12 =	vadd.f32 $0.0e+00, v5;
	v11 =	vadd.f32 $2.000000000e+00, v5  }
0x8e: {  	s10 =	simm.s32 $0x10;
	[tilespmem:s9+$0x680] =	vst v17;
	v13 =	vadd.f32 $2.000000000e+00, v18;
	v6 =	vmax.f32 v14, $0.0e+00;
	v4 =	vmax.f32 v15, $0.0e+00  }
0x8f: {  	s20 =	simm.s32 $0x80;
	v5 =	vld [tilespmem:s10+$0x0];
	[tilespmem:s9+$0x400] =	vst v2;
	v15 =	vadd.f32 $2.000000000e+00, v19;
	v16 =	vadd.f32 $2.000000000e+00, v12;
	v14 =	vmul.f32 v6, v4  }
.LBB2_6:
0x90: {  	p0 =	sne.s32 s20, $0x1C0;
	v17 =	vld [tilespmem:s10+$0x80];
	v13 =	vmin.f32 v8, v13;
	v12 =	vmax.f32 v3, v12;
	v18 =	vadd.f32 $2.000000000e+00, v11  }
0x91: {  	v3 =	vmax.f32 v3, v11;
	v8 =	vmin.f32 v8, v15;
	v15 =	vmin.f32 v7, v16;
	[tilespmem:s9+$0x1000] =	vst v14  }
0x92: {  	v9 =	vsub.f32 v13, v9;
	v8 =	vsub.f32 v8, v10;
	v7 =	vmin.f32 v7, v18  }
0x93: {  	v10 =	vsub.f32 v15, v12;
	v12 =	vadd.s32 $0x400, v2;
	v7 =	vsub.f32 v7, v3  }
0x94: {  	v11 =	vadd.s32 $0x401, v2;
	v9 =	vmax.f32 v9, $0.0e+00;
	v8 =	vmax.f32 v8, $0.0e+00;
	[tilespmem:s9+$0x700] =	vst v12;
	v3 =	vmovc v5  }
0x95: {  	v10 =	vmax.f32 v10, $0.0e+00;
	v5 =	vmul.f32 $5.000000000e-01, v3;
	v12 =	vmul.f32 $5.000000000e-01, v17;
	[tilespmem:s9+$0x780] =	vst v11  }
0x96: {  	v7 =	vmax.f32 v7, $0.0e+00;
	v11 =	vmul.f32 v9, v10;
	v13 =	vmul.f32 v8, v10  }
0x97: {  	v2 =	vadd.s32 $0x402, v2;
	v5 =	vtrunc.f32 v5;
	v12 =	vtrunc.f32 v12  }
0x98: {  	v5 =	vcvt.f32.s32 v5;
	v12 =	vcvt.f32.s32 v12;
	[tilespmem:s9+$0xC00] =	vst v11  }
0x99: {  	v10 =	vmul.f32 v6, v10;
	v11 =	vld [tilespmem:s10+$0x100];
	[tilespmem:s9+$0xC80] =	vst v13;
	v13 =	vmul.f32 v9, v7  }
0x9a: {  	v14 =	vld [tilespmem:s10+$0x180];
	v15 =	vcvt.s32.f32 v5;
	v16 =	vcvt.s32.f32 v12;
	v5 =	vshll.u32 v5, $0x9;
	[tilespmem:s9+$0x800] =	vst v2  }
0x9b: {  	v6 =	vmul.f32 v6, v7;
	v2 =	vadd.s32 v12, v5;
	[tilespmem:s9+$0xD00] =	vst v10;
	v5 =	vmul.f32 v8, v7  }
0x9c: {  	v9 =	vmul.f32 v9, v4;
	v15 =	vadd.f32 v15, v15;
	v10 =	vadd.f32 v16, v16;
	[tilespmem:s9+$0xD80] =	vst v13  }
0x9d: {  	v4 =	vmul.f32 v8, v4;
	v12 =	vadd.s32 $0x1, v2;
	v13 =	vadd.s32 $0x2, v2;
	[tilespmem:s9+$0xE00] =	vst v5  }
0x9e: {  	v18 =	vadd.s32 $0x200, v2;
	v5 =	vadd.f32 $4.000000000e+00, v10;
	v16 =	vadd.f32 $4.000000000e+00, v15;
	[tilespmem:s9+$0xE80] =	vst v6  }
0x9f: {  	v7 =	vadd.f32 v11, v3;
	v6 =	vadd.s32 $0x201, v2;
	v8 =	vadd.f32 v14, v17;
	[tilespmem:s9+$0xF00] =	vst v9  }
0xa0: {  	v14 =	vadd.s32 $0x202, v2;
	v9 =	vadd.f32 $2.000000000e+00, v5;
	v11 =	vadd.f32 $2.000000000e+00, v16;
	[tilespmem:s9+$0xF80] =	vst v4;
	s9 =	smov.u32 s10  }
0xa1: {  	v19 =	vadd.f32 $2.000000000e+00, v10;
	v4 =	vadd.f32 $0.0e+00, v10;
	v5 =	vmax.f32 v17, v5;
	[tilespmem:s9+$0x480] =	vst v12  }
.Ltmp6:
0xa2: {  	v12 =	vmax.f32 v3, v16;
	v10 =	vmin.f32 v8, v9;
	v11 =	vmin.f32 v7, v11;
	[tilespmem:s9+$0x500] =	vst v13;
	(pc) =	sbr.rel @p0 .LBB2_6-.Ltmp6, $4  }
0xa3: {  	v9 =	vmax.f32 v17, v4;
	v5 =	vsub.f32 v10, v5;
	v16 =	vsub.f32 v11, v12;
	[tilespmem:s9+$0x580] =	vst v18  }
0xa4: {  	v10 =	vmax.f32 v17, v19;
	v12 =	vadd.f32 $0.0e+00, v15;
	v11 =	vadd.f32 $2.000000000e+00, v15;
	[tilespmem:s9+$0x600] =	vst v6  }
0xa5: {  	s10 =	sshra.s32 s20, $0x2;
	v13 =	vadd.f32 $2.000000000e+00, v4;
	v6 =	vmax.f32 v5, $0.0e+00;
	v4 =	vmax.f32 v16, $0.0e+00;
	[tilespmem:s9+$0x680] =	vst v14  }
0xa6: {  	s20 =	sadd.s32 $0x40, s20;
	v15 =	vadd.f32 $2.000000000e+00, v19;
	v16 =	vadd.f32 $2.000000000e+00, v12;
	v5 =	vld [tilespmem:s10+$0x0];
	[tilespmem:s9+$0x400] =	vst v2;
	v14 =	vmul.f32 v6, v4  }
0xa7: {  	v13 =	vmin.f32 v8, v13  }
0xa8: {  	v17 =	vld [tilespmem:s10+$0x80];
	v12 =	vmax.f32 v3, v12;
	v18 =	vadd.f32 $2.000000000e+00, v11;
	v3 =	vmax.f32 v3, v11  }
0xa9: {  	v24 =	vadd.s32 $0x400, v2;
	v22 =	vmin.f32 v7, v16;
	v9 =	vsub.f32 v13, v9  }
0xaa: {  	v26 =	vadd.s32 $0x401, v2;
	v21 =	vmin.f32 v8, v15;
	v23 =	vsub.f32 v22, v12  }
0xab: {  	v8 =	vsub.f32 v21, v10;
	v29 =	vmin.f32 v7, v18;
	v9 =	vmax.f32 v9, $0.0e+00  }
0xac: {  	v10 =	vmax.f32 v23, $0.0e+00;
	v27 =	vmul.f32 $5.000000000e-01, v5;
	v37 =	vmul.f32 v9, v4  }
0xad: {  	[tilespmem:s9+$0x1000] =	vst v14;
	v8 =	vmax.f32 v8, $0.0e+00;
	v25 =	vmul.f32 $5.000000000e-01, v17;
	v28 =	vmul.f32 v9, v10  }
0xae: {  	[tilespmem:s9+$0x700] =	vst v24;
	v3 =	vsub.f32 v29, v3;
	v30 =	vmul.f32 v8, v10;
	v10 =	vmul.f32 v6, v10  }
0xaf: {  	[tilespmem:s9+$0x780] =	vst v26;
	v40 =	vmul.f32 v8, v4;
	v31 =	vtrunc.f32 v27  }
0xb0: {  	v3 =	vmax.f32 v3, $0.0e+00;
	v12 =	vtrunc.f32 v25;
	[tilespmem:s9+$0xC00] =	vst v28;
	v7 =	vcvt.f32.s32 v31  }
0xb1: {  	v2 =	vadd.s32 $0x402, v2;
	v35 =	vmul.f32 v9, v3;
	v12 =	vcvt.f32.s32 v12;
	v32 =	vld [tilespmem:s10+$0x100];
	[tilespmem:s9+$0xC80] =	vst v30  }
0xb2: {  	v36 =	vmul.f32 v8, v3;
	v14 =	vld [tilespmem:s10+$0x180];
	v34 =	vcvt.s32.f32 v7;
	v7 =	vshll.u32 v7, $0x9;
	[tilespmem:s9+$0x800] =	vst v2  }
0xb3: {  	v3 =	vmul.f32 v6, v3;
	[tilespmem:s9+$0xD00] =	vst v10;
	v33 =	vcvt.s32.f32 v12;
	v7 =	vadd.s32 v12, v7  }
0xb4: {  	[tilespmem:s9+$0xD80] =	vst v35;
	v15 =	vadd.f32 v34, v34;
	v2 =	vadd.s32 $0x1, v7;
	v39 =	vadd.s32 $0x2, v7  }
0xb5: {  	[tilespmem:s9+$0xE00] =	vst v36;
	v43 =	vadd.s32 $0x200, v7;
	v44 =	vadd.s32 $0x201, v7;
	v11 =	vadd.f32 v33, v33  }
0xb6: {  	[tilespmem:s9+$0xE80] =	vst v3;
	v3 =	vadd.s32 $0x202, v7;
	v19 =	vadd.f32 $4.000000000e+00, v15;
	v13 =	vadd.f32 v32, v5  }
0xb7: {  	[tilespmem:s9+$0xF00] =	vst v37;
	v57 =	vadd.s32 $0x400, v7;
	v51 =	vadd.f32 $0.0e+00, v15;
	v15 =	vadd.f32 $2.000000000e+00, v15  }
0xb8: {  	[tilespmem:s9+$0xF80] =	vst v40;
	v58 =	vadd.s32 $0x401, v7;
	v38 =	vadd.f32 $4.000000000e+00, v11;
	v41 =	vadd.f32 v14, v17  }
0xb9: {  	[tilespmem:s10+$0x400] =	vst v7;
	v7 =	vadd.s32 $0x402, v7;
	v46 =	vadd.f32 $0.0e+00, v11;
	v47 =	vadd.f32 $2.000000000e+00, v11  }
0xba: {  	v45 =	vadd.f32 $2.000000000e+00, v19;
	v49 =	vmax.f32 v5, v19;
	v52 =	vadd.f32 $2.000000000e+00, v51  }
0xbb: {  	v12 =	vmax.f32 v5, v51;
	v54 =	vadd.f32 $2.000000000e+00, v15;
	v56 =	vmax.f32 v5, v15  }
0xbc: {  	[tilespmem:s10+$0x480] =	vst v2;
	v42 =	vadd.f32 $2.000000000e+00, v38;
	v9 =	vmax.f32 v17, v38;
	v50 =	vmax.f32 v17, v46  }
0xbd: {  	[tilespmem:s10+$0x500] =	vst v39;
	v2 =	vmax.f32 v17, v47;
	v6 =	vadd.f32 $2.000000000e+00, v47;
	v48 =	vmin.f32 v13, v45  }
0xbe: {  	[tilespmem:s10+$0x580] =	vst v43;
	v17 =	vmin.f32 v13, v52;
	v10 =	vmin.f32 v41, v42;
	v11 =	vsub.f32 v48, v49  }
0xbf: {  	[tilespmem:s10+$0x680] =	vst v3;
	v3 =	vmin.f32 v41, v6;
	v55 =	vsub.f32 v17, v12;
	v9 =	vsub.f32 v10, v9  }
0xc0: {  	[tilespmem:s10+$0x600] =	vst v44;
	v10 =	vadd.f32 $2.000000000e+00, v46;
	v2 =	vsub.f32 v3, v2;
	v3 =	vmin.f32 v13, v54  }
0xc1: {  	[tilespmem:s10+$0x700] =	vst v57;
	v11 =	vmax.f32 v11, $0.0e+00;
	v6 =	vmax.f32 v55, $0.0e+00;
	v9 =	vmax.f32 v9, $0.0e+00  }
0xc2: {  	[tilespmem:s10+$0x780] =	vst v58;
	v3 =	vsub.f32 v3, v56;
	v2 =	vmax.f32 v2, $0.0e+00;
	v53 =	vmul.f32 v9, v11  }
0xc3: {  	[tilespmem:s10+$0x800] =	vst v7;
	v10 =	vmin.f32 v41, v10;
	v60 =	vmul.f32 v2, v6  }
0xc4: {  	v4 =	vsub.f32 v10, v50;
	v3 =	vmax.f32 v3, $0.0e+00;
	v61 =	vmul.f32 v9, v6;
	[tilespmem:s10+$0x1000] =	vst v53  }
0xc5: {  	v63 =	vmul.f32 v2, v3;
	[tilespmem:s10+$0xC80] =	vst v60  }
0xc6: {  	v2 =	vmul.f32 v2, v11;
	v4 =	vmax.f32 v4, $0.0e+00;
	[tilespmem:s10+$0xD00] =	vst v61  }
0xc7: {  	v59 =	vmul.f32 v4, v6;
	[tilespmem:s10+$0xE00] =	vst v63  }
0xc8: {  	p0 =	sgt.u32 s16, $0xBF4;
	v62 =	vmul.f32 v4, v3;
	[tilespmem:s10+$0xF80] =	vst v2  }
0xc9: {  	s0 =	sshll.u32 @!p0 s16, $0x4;
	v3 =	vmul.f32 v9, v3;
	[tilespmem:s10+$0xC00] =	vst v59  }
0xca: {  	s0 =	sand.u32 @!p0 $0x1FFFFFF0, s0;
	v4 =	vmul.f32 v4, v11;
	[tilespmem:s10+$0xD80] =	vst v62  }
0xcb: {  	s9 =	sadd.s32 @!p0 $0x400, s0;
	[tilespmem:s10+$0xE80] =	vst v3  }
0xcc: {  	s20 =	simm.s32 @!p0 $0x0;
	s0 =	sadd.s32 @!p0 s1, s0;
	[tilespmem:s10+$0xF00] =	vst v4;
	s10 =	sadd.s32 @!p0 s1, s9  }
0xcd: {  	[tilespmem:s20], [sflag:$0x1] =	stream.linear.gather @!p0 [hbm4b:s10+s20], $0x80, $0x38;
	[tilespmem:$0xA400] =	vst v63  }
0xce: {  	s0 =	sadd.s32 @!p0 $0xFD06, s0;
	s10 =	simm.s32 @!p0 $0x80  }
0xcf: {  	[tilespmem:s10], [sflag:$0x1] =	stream.linear.gather @!p0 [hbm4b:s0+s20], $0x80, $0x38;
	[tilespmem:$0xA400] =	vst v63  }
0xd0: {  	s0 =	sadd.s32 @!p0 s2, s9;
	s10 =	simm.s32 @!p0 $0x100  }
0xd1: {  	[tilespmem:s10], [sflag:$0x1] =	stream.linear.gather @!p0 [hbm4b:s0+s20], $0x80, $0x38;
	[tilespmem:$0xA400] =	vst v63  }
0xd2: {  	s0 =	sadd.s32 @!p0 s3, s9;
	s9 =	simm.s32 @!p0 $0x180  }
0xd3: {  	[tilespmem:s9], [sflag:$0x1] =	stream.linear.gather @!p0 [hbm4b:s0+s20], $0x80, $0x38;
	[tilespmem:$0xA400] =	vst v63  }
0xd4: {  	s21 =	simm.s32 $0xC00;
	s20 =	simm.s32 $0x400  }
0xd5: {  	[spmem:s4] =	stream.indirect.scatter.add.f32 [tilespmem:s21], [sflag:$0x3], $0x1, s20, s18, $0xb8;
	[tilespmem:$0xA400] =	vst v63  }
0xd6: {  	s23 =	simm.s32 $0x480;
	s28 =	simm.s32 $0xC80  }
0xd7: {  	[spmem:s4] =	stream.indirect.scatter.add.f32 [tilespmem:s28], [sflag:$0x3], $0x1, s23, s18, $0xb8;
	[tilespmem:$0xA400] =	vst v63  }
0xd8: {  	s29 =	simm.s32 $0x500  }
0xd9: {  	[spmem:s4] =	stream.indirect.scatter.add.f32 [tilespmem:s12], [sflag:$0x3], $0x1, s29, s18, $0xb8;
	[tilespmem:$0xA400] =	vst v63  }
0xda: {  	_ = 	snop  }
0xdb: {  	[spmem:s4] =	stream.indirect.scatter.add.f32 [tilespmem:s14], [sflag:$0x3], $0x1, s13, s18, $0xb8;
	[tilespmem:$0xA400] =	vst v63  }
0xdc: {  	s30 =	simm.s32 $0x600;
	s31 =	simm.s32 $0xE00  }
0xdd: {  	[spmem:s4] =	stream.indirect.scatter.add.f32 [tilespmem:s31], [sflag:$0x3], $0x1, s30, s18, $0xb8;
	[tilespmem:$0xA400] =	vst v63  }
0xde: {  	s10 =	simm.s32 $0x680;
	s20 =	simm.s32 $0xE80  }
0xdf: {  	[spmem:s4] =	stream.indirect.scatter.add.f32 [tilespmem:s20], [sflag:$0x3], $0x1, s10, s18, $0xb8;
	[tilespmem:$0xA400] =	vst v63  }
0xe0: {  	s21 =	simm.s32 $0x700;
	s23 =	simm.s32 $0xF00  }
0xe1: {  	[spmem:s4] =	stream.indirect.scatter.add.f32 [tilespmem:s23], [sflag:$0x3], $0x1, s21, s18, $0xb8;
	[tilespmem:$0xA400] =	vst v63  }
0xe2: {  	s28 =	simm.s32 $0x780;
	s29 =	simm.s32 $0xF80  }
0xe3: {  	[spmem:s4] =	stream.indirect.scatter.add.f32 [tilespmem:s29], [sflag:$0x3], $0x1, s28, s18, $0xb8;
	[tilespmem:$0xA400] =	vst v63  }
0xe4: {  	s30 =	simm.s32 $0x800;
	s31 =	simm.s32 $0x1000  }
0xe5: {  	[spmem:s4] =	stream.indirect.scatter.add.f32 [tilespmem:s31], [sflag:$0x3], $0x1, s30, s18, $0xb8;
	[tilespmem:$0xA400] =	vst v63  }
.LBB2_8:
0xe6: {  	s0 =	sadd.s32 $0xFFFFFFE0, s16  }
0xe7: {  	p0 =	sgt.u32 s0, $0xC34  }
0xe8: {  	s0 =	simm.s32 @!p0 $0x4  }
0xe9: {  	_ =	swait.ge @!p0 [sflag:s0], $0x80  }
0xea: {  	[sflag:s0] =	ssyncset.done @!p0 $0x0  }
0xeb: {  	[sflag:s0] =	ssyncadd.s32 @!p0 $0xFFFFFF80  }
0xec: {  	_ =	swait.ge @!p0 [sflag:s0], $0x80  }
0xed: {  	[sflag:s0] =	ssyncset.done @!p0 $0x0  }
0xee: {  	[sflag:s0] =	ssyncadd.s32 @!p0 $0xFFFFFF80  }
0xef: {  	_ =	swait.ge @!p0 [sflag:s0], $0x80  }
0xf0: {  	[sflag:s0] =	ssyncset.done @!p0 $0x0  }
0xf1: {  	[sflag:s0] =	ssyncadd.s32 @!p0 $0xFFFFFF80  }
0xf2: {  	_ =	swait.ge @!p0 [sflag:s0], $0x80  }
0xf3: {  	[sflag:s0] =	ssyncset.done @!p0 $0x0  }
0xf4: {  	[sflag:s0] =	ssyncadd.s32 @!p0 $0xFFFFFF80  }
0xf5: {  	_ =	swait.ge @!p0 [sflag:s0], $0x80  }
0xf6: {  	[sflag:s0] =	ssyncset.done @!p0 $0x0  }
0xf7: {  	[sflag:s0] =	ssyncadd.s32 @!p0 $0xFFFFFF80  }
0xf8: {  	_ =	swait.ge @!p0 [sflag:s0], $0x80  }
0xf9: {  	[sflag:s0] =	ssyncset.done @!p0 $0x0  }
0xfa: {  	[sflag:s0] =	ssyncadd.s32 @!p0 $0xFFFFFF80  }
0xfb: {  	_ =	swait.ge @!p0 [sflag:s0], $0x80  }
0xfc: {  	[sflag:s0] =	ssyncset.done @!p0 $0x0  }
0xfd: {  	s9 =	sor.u32 $0x20, s16;
	[sflag:s0] =	ssyncadd.s32 @!p0 $0xFFFFFF80  }
0xfe: {  	p1 =	sgt.u32 s9, $0xC34;
	_ =	swait.ge @!p0 [sflag:s0], $0x80  }
.Ltmp7:
0xff: {  	[sflag:s0] =	ssyncset.done @!p0 $0x0;
	(pc) =	sbr.rel @p1 .LBB2_12-.Ltmp7, $4  }
0x100: {  	[sflag:s0] =	ssyncadd.s32 @!p0 $0xFFFFFF80  }
0x101: {  	_ =	swait.ge @!p0 [sflag:s0], $0x80  }
0x102: {  	[sflag:s0] =	ssyncset.done @!p0 $0x0  }
0x103: {  	[sflag:s0] =	ssyncadd.s32 @!p0 $0xFFFFFF80  }
0x104: {  	_ =	swait.ge [sflag:s24], $0x200  }
0x105: {  	[sflag:s24] =	ssyncset.done $0x0  }
0x106: {  	s10 =	simm.s32 $0x0;
	[sflag:s24] =	ssyncadd.s32 $0xFFFFFE00  }
0x107: {  	v3 =	vld [tilespmem:s10+$0x200]  }
0x108: {  	v4 =	vld [tilespmem:s10+$0x280];
	_ =	sdelay $0x4  }
0x109: {  	v2 =	vmul.f32 $5.000000000e-01, v3;
	v5 =	vmul.f32 $5.000000000e-01, v4;
	_ =	sdelay $0x1  }
0x10a: {  	v2 =	vtrunc.f32 v2;
	v5 =	vtrunc.f32 v5  }
0x10b: {  	v8 =	vld [tilespmem:s10+$0x380];
	v2 =	vcvt.f32.s32 v2;
	v5 =	vcvt.f32.s32 v5;
	_ =	sdelay $0x1  }
0x10c: {  	v6 =	vld [tilespmem:s10+$0x300];
	v7 =	vcvt.s32.f32 v2;
	v9 =	vcvt.s32.f32 v5  }
0x10d: {  	v2 =	vshll.u32 v2, $0x9  }
0x10e: {  	v2 =	vadd.s32 v5, v2;
	v5 =	vadd.f32 v7, v7;
	v9 =	vadd.f32 v9, v9  }
0x10f: {  	v8 =	vadd.f32 v8, v4;
	v10 =	vadd.s32 $0x1, v2  }
0x110: {  	v11 =	vadd.s32 $0x2, v2;
	v12 =	vadd.f32 $4.000000000e+00, v9;
	v13 =	vadd.f32 $4.000000000e+00, v5  }
0x111: {  	v14 =	vadd.s32 $0x200, v2;
	v7 =	vadd.f32 v6, v3;
	v6 =	vadd.s32 $0x201, v2  }
0x112: {  	v17 =	vadd.s32 $0x202, v2;
	v15 =	vadd.f32 $2.000000000e+00, v12;
	v16 =	vadd.f32 $2.000000000e+00, v13  }
0x113: {  	[tilespmem:s10+$0x1480] =	vst v10;
	v18 =	vadd.f32 $0.0e+00, v9;
	v19 =	vadd.f32 $2.000000000e+00, v9;
	v10 =	vmax.f32 v4, v12  }
0x114: {  	[tilespmem:s10+$0x1500] =	vst v11;
	v13 =	vmax.f32 v3, v13;
	v11 =	vmin.f32 v8, v15;
	v12 =	vmin.f32 v7, v16  }
0x115: {  	[tilespmem:s10+$0x1580] =	vst v14;
	v9 =	vmax.f32 v4, v18;
	v14 =	vsub.f32 v11, v10;
	v15 =	vsub.f32 v12, v13  }
0x116: {  	[tilespmem:s10+$0x1600] =	vst v6;
	v10 =	vmax.f32 v4, v19;
	v12 =	vadd.f32 $0.0e+00, v5;
	v11 =	vadd.f32 $2.000000000e+00, v5  }
0x117: {  	s16 =	simm.s32 $0x10;
	[tilespmem:s10+$0x1680] =	vst v17;
	v13 =	vadd.f32 $2.000000000e+00, v18;
	v6 =	vmax.f32 v14, $0.0e+00;
	v4 =	vmax.f32 v15, $0.0e+00  }
0x118: {  	s20 =	simm.s32 $0x80;
	v5 =	vld [tilespmem:s16+$0x200];
	[tilespmem:s10+$0x1400] =	vst v2;
	v15 =	vadd.f32 $2.000000000e+00, v19;
	v16 =	vadd.f32 $2.000000000e+00, v12;
	v14 =	vmul.f32 v6, v4  }
.LBB2_10:
0x119: {  	p0 =	sne.s32 s20, $0x1C0;
	v17 =	vld [tilespmem:s16+$0x280];
	v13 =	vmin.f32 v8, v13;
	v12 =	vmax.f32 v3, v12;
	v18 =	vadd.f32 $2.000000000e+00, v11  }
0x11a: {  	v3 =	vmax.f32 v3, v11;
	v8 =	vmin.f32 v8, v15;
	v15 =	vmin.f32 v7, v16;
	[tilespmem:s10+$0x2000] =	vst v14  }
0x11b: {  	v9 =	vsub.f32 v13, v9;
	v8 =	vsub.f32 v8, v10;
	v7 =	vmin.f32 v7, v18  }
0x11c: {  	v10 =	vsub.f32 v15, v12;
	v12 =	vadd.s32 $0x400, v2;
	v7 =	vsub.f32 v7, v3  }
0x11d: {  	v11 =	vadd.s32 $0x401, v2;
	v9 =	vmax.f32 v9, $0.0e+00;
	v8 =	vmax.f32 v8, $0.0e+00;
	[tilespmem:s10+$0x1700] =	vst v12;
	v3 =	vmovc v5  }
0x11e: {  	v10 =	vmax.f32 v10, $0.0e+00;
	v5 =	vmul.f32 $5.000000000e-01, v3;
	v12 =	vmul.f32 $5.000000000e-01, v17;
	[tilespmem:s10+$0x1780] =	vst v11  }
0x11f: {  	v7 =	vmax.f32 v7, $0.0e+00;
	v11 =	vmul.f32 v9, v10;
	v13 =	vmul.f32 v8, v10  }
0x120: {  	v2 =	vadd.s32 $0x402, v2;
	v5 =	vtrunc.f32 v5;
	v12 =	vtrunc.f32 v12  }
0x121: {  	v5 =	vcvt.f32.s32 v5;
	v12 =	vcvt.f32.s32 v12;
	[tilespmem:s10+$0x1C00] =	vst v11  }
0x122: {  	v10 =	vmul.f32 v6, v10;
	v11 =	vld [tilespmem:s16+$0x300];
	[tilespmem:s10+$0x1C80] =	vst v13;
	v13 =	vmul.f32 v9, v7  }
0x123: {  	v14 =	vld [tilespmem:s16+$0x380];
	v15 =	vcvt.s32.f32 v5;
	v16 =	vcvt.s32.f32 v12;
	v5 =	vshll.u32 v5, $0x9;
	[tilespmem:s10+$0x1800] =	vst v2  }
0x124: {  	v6 =	vmul.f32 v6, v7;
	v2 =	vadd.s32 v12, v5;
	[tilespmem:s10+$0x1D00] =	vst v10;
	v5 =	vmul.f32 v8, v7  }
0x125: {  	v9 =	vmul.f32 v9, v4;
	v15 =	vadd.f32 v15, v15;
	v10 =	vadd.f32 v16, v16;
	[tilespmem:s10+$0x1D80] =	vst v13  }
0x126: {  	v4 =	vmul.f32 v8, v4;
	v12 =	vadd.s32 $0x1, v2;
	v13 =	vadd.s32 $0x2, v2;
	[tilespmem:s10+$0x1E00] =	vst v5  }
0x127: {  	v18 =	vadd.s32 $0x200, v2;
	v5 =	vadd.f32 $4.000000000e+00, v10;
	v16 =	vadd.f32 $4.000000000e+00, v15;
	[tilespmem:s10+$0x1E80] =	vst v6  }
0x128: {  	v7 =	vadd.f32 v11, v3;
	v6 =	vadd.s32 $0x201, v2;
	v8 =	vadd.f32 v14, v17;
	[tilespmem:s10+$0x1F00] =	vst v9  }
0x129: {  	v14 =	vadd.s32 $0x202, v2;
	v9 =	vadd.f32 $2.000000000e+00, v5;
	v11 =	vadd.f32 $2.000000000e+00, v16;
	[tilespmem:s10+$0x1F80] =	vst v4;
	s10 =	smov.u32 s16  }
0x12a: {  	v19 =	vadd.f32 $2.000000000e+00, v10;
	v4 =	vadd.f32 $0.0e+00, v10;
	v5 =	vmax.f32 v17, v5;
	[tilespmem:s10+$0x1480] =	vst v12  }
.Ltmp8:
0x12b: {  	v12 =	vmax.f32 v3, v16;
	v10 =	vmin.f32 v8, v9;
	v11 =	vmin.f32 v7, v11;
	[tilespmem:s10+$0x1500] =	vst v13;
	(pc) =	sbr.rel @p0 .LBB2_10-.Ltmp8, $4  }
0x12c: {  	v9 =	vmax.f32 v17, v4;
	v5 =	vsub.f32 v10, v5;
	v16 =	vsub.f32 v11, v12;
	[tilespmem:s10+$0x1580] =	vst v18  }
0x12d: {  	v10 =	vmax.f32 v17, v19;
	v12 =	vadd.f32 $0.0e+00, v15;
	v11 =	vadd.f32 $2.000000000e+00, v15;
	[tilespmem:s10+$0x1600] =	vst v6  }
0x12e: {  	s16 =	sshra.s32 s20, $0x2;
	v13 =	vadd.f32 $2.000000000e+00, v4;
	v6 =	vmax.f32 v5, $0.0e+00;
	v4 =	vmax.f32 v16, $0.0e+00;
	[tilespmem:s10+$0x1680] =	vst v14  }
0x12f: {  	s20 =	sadd.s32 $0x40, s20;
	v15 =	vadd.f32 $2.000000000e+00, v19;
	v16 =	vadd.f32 $2.000000000e+00, v12;
	v5 =	vld [tilespmem:s16+$0x200];
	[tilespmem:s10+$0x1400] =	vst v2;
	v14 =	vmul.f32 v6, v4  }
0x130: {  	v13 =	vmin.f32 v8, v13  }
0x131: {  	v17 =	vld [tilespmem:s16+$0x280];
	v12 =	vmax.f32 v3, v12;
	v18 =	vadd.f32 $2.000000000e+00, v11;
	v3 =	vmax.f32 v3, v11  }
0x132: {  	v24 =	vadd.s32 $0x400, v2;
	v22 =	vmin.f32 v7, v16;
	v9 =	vsub.f32 v13, v9  }
0x133: {  	v26 =	vadd.s32 $0x401, v2;
	v21 =	vmin.f32 v8, v15;
	v23 =	vsub.f32 v22, v12  }
0x134: {  	v8 =	vsub.f32 v21, v10;
	v29 =	vmin.f32 v7, v18;
	v9 =	vmax.f32 v9, $0.0e+00  }
0x135: {  	v10 =	vmax.f32 v23, $0.0e+00;
	v27 =	vmul.f32 $5.000000000e-01, v5;
	v37 =	vmul.f32 v9, v4  }
0x136: {  	[tilespmem:s10+$0x2000] =	vst v14;
	v8 =	vmax.f32 v8, $0.0e+00;
	v25 =	vmul.f32 $5.000000000e-01, v17;
	v28 =	vmul.f32 v9, v10  }
0x137: {  	[tilespmem:s10+$0x1700] =	vst v24;
	v3 =	vsub.f32 v29, v3;
	v30 =	vmul.f32 v8, v10;
	v10 =	vmul.f32 v6, v10  }
0x138: {  	[tilespmem:s10+$0x1780] =	vst v26;
	v40 =	vmul.f32 v8, v4;
	v31 =	vtrunc.f32 v27  }
0x139: {  	v3 =	vmax.f32 v3, $0.0e+00;
	v12 =	vtrunc.f32 v25;
	[tilespmem:s10+$0x1C00] =	vst v28;
	v7 =	vcvt.f32.s32 v31  }
0x13a: {  	v2 =	vadd.s32 $0x402, v2;
	v35 =	vmul.f32 v9, v3;
	v12 =	vcvt.f32.s32 v12;
	v32 =	vld [tilespmem:s16+$0x300];
	[tilespmem:s10+$0x1C80] =	vst v30  }
0x13b: {  	v36 =	vmul.f32 v8, v3;
	v14 =	vld [tilespmem:s16+$0x380];
	v34 =	vcvt.s32.f32 v7;
	v7 =	vshll.u32 v7, $0x9;
	[tilespmem:s10+$0x1800] =	vst v2  }
0x13c: {  	v3 =	vmul.f32 v6, v3;
	[tilespmem:s10+$0x1D00] =	vst v10;
	v33 =	vcvt.s32.f32 v12;
	v7 =	vadd.s32 v12, v7  }
0x13d: {  	[tilespmem:s10+$0x1D80] =	vst v35;
	v15 =	vadd.f32 v34, v34;
	v2 =	vadd.s32 $0x1, v7;
	v39 =	vadd.s32 $0x2, v7  }
0x13e: {  	[tilespmem:s10+$0x1E00] =	vst v36;
	v43 =	vadd.s32 $0x200, v7;
	v44 =	vadd.s32 $0x201, v7;
	v11 =	vadd.f32 v33, v33  }
0x13f: {  	[tilespmem:s10+$0x1E80] =	vst v3;
	v3 =	vadd.s32 $0x202, v7;
	v19 =	vadd.f32 $4.000000000e+00, v15;
	v13 =	vadd.f32 v32, v5  }
0x140: {  	[tilespmem:s10+$0x1F00] =	vst v37;
	v57 =	vadd.s32 $0x400, v7;
	v51 =	vadd.f32 $0.0e+00, v15;
	v15 =	vadd.f32 $2.000000000e+00, v15  }
0x141: {  	[tilespmem:s10+$0x1F80] =	vst v40;
	v58 =	vadd.s32 $0x401, v7;
	v38 =	vadd.f32 $4.000000000e+00, v11;
	v41 =	vadd.f32 v14, v17  }
0x142: {  	[tilespmem:s16+$0x1400] =	vst v7;
	v7 =	vadd.s32 $0x402, v7;
	v46 =	vadd.f32 $0.0e+00, v11;
	v47 =	vadd.f32 $2.000000000e+00, v11  }
0x143: {  	v45 =	vadd.f32 $2.000000000e+00, v19;
	v49 =	vmax.f32 v5, v19;
	v52 =	vadd.f32 $2.000000000e+00, v51  }
0x144: {  	v12 =	vmax.f32 v5, v51;
	v54 =	vadd.f32 $2.000000000e+00, v15;
	v56 =	vmax.f32 v5, v15  }
0x145: {  	[tilespmem:s16+$0x1480] =	vst v2;
	v42 =	vadd.f32 $2.000000000e+00, v38;
	v9 =	vmax.f32 v17, v38;
	v50 =	vmax.f32 v17, v46  }
0x146: {  	[tilespmem:s16+$0x1500] =	vst v39;
	v2 =	vmax.f32 v17, v47;
	v6 =	vadd.f32 $2.000000000e+00, v47;
	v48 =	vmin.f32 v13, v45  }
0x147: {  	[tilespmem:s16+$0x1580] =	vst v43;
	v17 =	vmin.f32 v13, v52;
	v10 =	vmin.f32 v41, v42;
	v11 =	vsub.f32 v48, v49  }
0x148: {  	[tilespmem:s16+$0x1680] =	vst v3;
	v3 =	vmin.f32 v41, v6;
	v55 =	vsub.f32 v17, v12;
	v9 =	vsub.f32 v10, v9  }
0x149: {  	[tilespmem:s16+$0x1600] =	vst v44;
	v10 =	vadd.f32 $2.000000000e+00, v46;
	v2 =	vsub.f32 v3, v2;
	v3 =	vmin.f32 v13, v54  }
0x14a: {  	[tilespmem:s16+$0x1700] =	vst v57;
	v11 =	vmax.f32 v11, $0.0e+00;
	v6 =	vmax.f32 v55, $0.0e+00;
	v9 =	vmax.f32 v9, $0.0e+00  }
0x14b: {  	[tilespmem:s16+$0x1780] =	vst v58;
	v3 =	vsub.f32 v3, v56;
	v2 =	vmax.f32 v2, $0.0e+00;
	v53 =	vmul.f32 v9, v11  }
0x14c: {  	[tilespmem:s16+$0x1800] =	vst v7;
	v10 =	vmin.f32 v41, v10;
	v60 =	vmul.f32 v2, v6  }
0x14d: {  	v4 =	vsub.f32 v10, v50;
	v3 =	vmax.f32 v3, $0.0e+00;
	v61 =	vmul.f32 v9, v6;
	[tilespmem:s16+$0x2000] =	vst v53  }
0x14e: {  	v63 =	vmul.f32 v2, v3;
	[tilespmem:s16+$0x1C80] =	vst v60  }
0x14f: {  	v2 =	vmul.f32 v2, v11;
	v4 =	vmax.f32 v4, $0.0e+00;
	[tilespmem:s16+$0x1D00] =	vst v61  }
0x150: {  	v59 =	vmul.f32 v4, v6;
	[tilespmem:s16+$0x1E00] =	vst v63  }
0x151: {  	p0 =	sgt.u32 s9, $0xBF4;
	v62 =	vmul.f32 v4, v3;
	[tilespmem:s16+$0x1F80] =	vst v2  }
0x152: {  	s0 =	sshll.u32 @!p0 s9, $0x4;
	v3 =	vmul.f32 v9, v3;
	[tilespmem:s16+$0x1C00] =	vst v59  }
0x153: {  	s0 =	sand.u32 @!p0 $0x1FFFFFF0, s0;
	v4 =	vmul.f32 v4, v11;
	[tilespmem:s16+$0x1D80] =	vst v62  }
0x154: {  	s20 =	simm.s32 @!p0 $0x200;
	s9 =	sadd.s32 @!p0 $0x400, s0;
	[tilespmem:s16+$0x1E80] =	vst v3  }
0x155: {  	s0 =	sadd.s32 @!p0 s1, s0;
	s10 =	sadd.s32 @!p0 s1, s9;
	[tilespmem:s16+$0x1F00] =	vst v4;
	s16 =	simm.s32 @!p0 $0x0  }
0x156: {  	[tilespmem:s20], [sflag:$0x2] =	stream.linear.gather @!p0 [hbm4b:s10+s16], $0x80, $0x38;
	[tilespmem:$0xA400] =	vst v63  }
0x157: {  	s0 =	sadd.s32 @!p0 $0xFD06, s0;
	s10 =	simm.s32 @!p0 $0x280  }
0x158: {  	[tilespmem:s10], [sflag:$0x2] =	stream.linear.gather @!p0 [hbm4b:s0+s16], $0x80, $0x38;
	[tilespmem:$0xA400] =	vst v63  }
0x159: {  	s0 =	sadd.s32 @!p0 s2, s9;
	s10 =	simm.s32 @!p0 $0x300  }
0x15a: {  	[tilespmem:s10], [sflag:$0x2] =	stream.linear.gather @!p0 [hbm4b:s0+s16], $0x80, $0x38;
	[tilespmem:$0xA400] =	vst v63  }
0x15b: {  	s0 =	sadd.s32 @!p0 s3, s9;
	s9 =	simm.s32 @!p0 $0x380  }
0x15c: {  	[tilespmem:s9], [sflag:$0x2] =	stream.linear.gather @!p0 [hbm4b:s0+s16], $0x80, $0x38;
	[tilespmem:$0xA400] =	vst v63  }
0x15d: {  	_ = 	snop  }
0x15e: {  	[spmem:s4] =	stream.indirect.scatter.add.f32 [tilespmem:s8], [sflag:$0x4], $0x1, s25, s18, $0xb8;
	[tilespmem:$0xA400] =	vst v63  }
0x15f: {  	_ = 	snop  }
0x160: {  	[spmem:s4] =	stream.indirect.scatter.add.f32 [tilespmem:s17], [sflag:$0x4], $0x1, s19, s18, $0xb8;
	[tilespmem:$0xA400] =	vst v63  }
0x161: {  	_ = 	snop  }
0x162: {  	[spmem:s4] =	stream.indirect.scatter.add.f32 [tilespmem:s15], [sflag:$0x4], $0x1, s5, s18, $0xb8;
	[tilespmem:$0xA400] =	vst v63  }
0x163: {  	_ = 	snop  }
0x164: {  	[spmem:s4] =	stream.indirect.scatter.add.f32 [tilespmem:s11], [sflag:$0x4], $0x1, s6, s18, $0xb8;
	[tilespmem:$0xA400] =	vst v63  }
0x165: {  	s10 =	simm.s32 $0x1E00;
	s9 =	simm.s32 $0x1600  }
0x166: {  	[spmem:s4] =	stream.indirect.scatter.add.f32 [tilespmem:s10], [sflag:$0x4], $0x1, s9, s18, $0xb8;
	[tilespmem:$0xA400] =	vst v63  }
0x167: {  	s20 =	simm.s32 $0x1E80;
	s16 =	simm.s32 $0x1680  }
0x168: {  	[spmem:s4] =	stream.indirect.scatter.add.f32 [tilespmem:s20], [sflag:$0x4], $0x1, s16, s18, $0xb8;
	[tilespmem:$0xA400] =	vst v63  }
0x169: {  	s21 =	simm.s32 $0x1700;
	s23 =	simm.s32 $0x1F00  }
0x16a: {  	[spmem:s4] =	stream.indirect.scatter.add.f32 [tilespmem:s23], [sflag:$0x4], $0x1, s21, s18, $0xb8;
	[tilespmem:$0xA400] =	vst v63  }
.Ltmp9:
0x16b: {  	_ = 	snop;
	(pc) =	sbr.rel .LBB2_12-.Ltmp9, $4  }
0x16c: {  	s28 =	simm.s32 $0x1780;
	s29 =	simm.s32 $0x1F80  }
0x16d: {  	[spmem:s4] =	stream.indirect.scatter.add.f32 [tilespmem:s29], [sflag:$0x4], $0x1, s28, s18, $0xb8;
	[tilespmem:$0xA400] =	vst v63  }
0x16e: {  	s30 =	simm.s32 $0x1800;
	s31 =	simm.s32 $0x2000  }
0x16f: {  	[spmem:s4] =	stream.indirect.scatter.add.f32 [tilespmem:s31], [sflag:$0x4], $0x1, s30, s18, $0xb8;
	[tilespmem:$0xA400] =	vst v63  }
.LBB2_13:
0x170: {  	s16 =	simm.s32 $0x0;
	s0 =	rddreg [dreg:$0xc]  }
0x171: {  	[tilespmem:s16], [sflag:$0x1] =	stream.linear.gather [hbm4b:s0+s16], $0x80, $0x38;
	[tilespmem:$0xA400] =	vst v63  }
0x172: {  	s30 =	rddreg [dreg:$0xd]  }
0x173: {  	[tilespmem:s18], [sflag:$0x1] =	stream.linear.gather [hbm4b:s30+s16], $0x80, $0x38;
	[tilespmem:$0xA400] =	vst v63  }
0x174: {  	s31 =	rddreg [dreg:$0xe];
	s7 =	simm.s32 $0x100  }
0x175: {  	[tilespmem:s7], [sflag:$0x1] =	stream.linear.gather [hbm4b:s31+s16], $0x80, $0x38;
	[tilespmem:$0xA400] =	vst v63  }
0x176: {  	s9 =	simm.s32 $0x180;
	s7 =	rddreg [dreg:$0xf]  }
0x177: {  	[tilespmem:s9], [sflag:$0x1] =	stream.linear.gather [hbm4b:s7+s16], $0x80, $0x38;
	[tilespmem:$0xA400] =	vst v63  }
0x178: {  	s10 =	rddreg [dreg:$0x10];
	s20 =	simm.s32 $0x200  }
0x179: {  	[tilespmem:s20], [sflag:$0x2] =	stream.linear.gather [hbm4b:s10+s16], $0x80, $0x38;
	[tilespmem:$0xA400] =	vst v63  }
0x17a: {  	s21 =	rddreg [dreg:$0x11];
	s23 =	simm.s32 $0x280  }
0x17b: {  	[tilespmem:s23], [sflag:$0x2] =	stream.linear.gather [hbm4b:s21+s16], $0x80, $0x38;
	[tilespmem:$0xA400] =	vst v63  }
.Ltmp10:
0x17c: {  	s28 =	rddreg [dreg:$0x12];
	(pc) =	sbr.rel .LBB2_14-.Ltmp10, $4  }
0x17d: {  	s29 =	simm.s32 $0x300;
	s30 =	rddreg [dreg:$0x13]  }
0x17e: {  	[tilespmem:s29], [sflag:$0x2] =	stream.linear.gather [hbm4b:s28+s16], $0x80, $0x38;
	[tilespmem:$0xA400] =	vst v63  }
0x17f: {  	s31 =	simm.s32 $0x380;
	s7 =	smov.u32 s22;
	s20 =	rddreg [dreg:$0x9]  }
0x180: {  	[tilespmem:s31], [sflag:$0x2] =	stream.linear.gather [hbm4b:s30+s16], $0x80, $0x38;
	[tilespmem:$0xA400] =	vst v63  }
.LBB2_22:
0x181: {  	s16 =	sadd.s32 $0x1, s16  }
0x182: {  	p0 =	sne.s32 s16, $0xD  }
.Ltmp11:
0x183: {  	_ = 	snop;
	(pc) =	sbr.rel @!p0 .LBB2_23-.Ltmp11, $2  }
0x184: {  	_ =	sdelay $0x2  }
0x185: {  	s7 =	sadd.s32 $0x40, s7;
	s20 =	sadd.s32 $0x40, s20  }
.LBB2_14:
0x186: {  	s0 =	sshll.u32 s16, $0x6  }
0x187: {  	s23 =	sor.u32 s22, s0  }
0x188: {  	s0 =	sadd.s32 $0xFFFFFFC0, s23  }
0x189: {  	p0 =	sgt.u32 s0, $0x2C6  }
0x18a: {  	s0 =	simm.s32 @!p0 $0x3  }
0x18b: {  	_ =	swait.ge @!p0 [sflag:s0], $0x80  }
0x18c: {  	[sflag:s0] =	ssyncset.done @!p0 $0x0  }
0x18d: {  	[sflag:s0] =	ssyncadd.s32 @!p0 $0xFFFFFF80  }
0x18e: {  	_ =	swait.ge @!p0 [sflag:s0], $0x80  }
0x18f: {  	[sflag:s0] =	ssyncset.done @!p0 $0x0  }
0x190: {  	[sflag:s0] =	ssyncadd.s32 @!p0 $0xFFFFFF80  }
0x191: {  	_ =	swait.ge @!p0 [sflag:s0], $0x80  }
0x192: {  	[sflag:s0] =	ssyncset.done @!p0 $0x0  }
0x193: {  	[sflag:s0] =	ssyncadd.s32 @!p0 $0xFFFFFF80  }
0x194: {  	_ =	swait.ge @!p0 [sflag:s0], $0x80  }
0x195: {  	[sflag:s0] =	ssyncset.done @!p0 $0x0  }
0x196: {  	[sflag:s0] =	ssyncadd.s32 @!p0 $0xFFFFFF80  }
0x197: {  	_ =	swait.ge @!p0 [sflag:s0], $0x80  }
0x198: {  	[sflag:s0] =	ssyncset.done @!p0 $0x0  }
0x199: {  	[sflag:s0] =	ssyncadd.s32 @!p0 $0xFFFFFF80  }
0x19a: {  	_ =	swait.ge @!p0 [sflag:s0], $0x80  }
0x19b: {  	[sflag:s0] =	ssyncset.done @!p0 $0x0  }
0x19c: {  	[sflag:s0] =	ssyncadd.s32 @!p0 $0xFFFFFF80  }
0x19d: {  	_ =	swait.ge @!p0 [sflag:s0], $0x80  }
0x19e: {  	[sflag:s0] =	ssyncset.done @!p0 $0x0  }
0x19f: {  	[sflag:s0] =	ssyncadd.s32 @!p0 $0xFFFFFF80  }
0x1a0: {  	p1 =	sgt.u32 s23, $0x2C6;
	_ =	swait.ge @!p0 [sflag:s0], $0x80  }
.Ltmp12:
0x1a1: {  	[sflag:s0] =	ssyncset.done @!p0 $0x0;
	(pc) =	sbr.rel @p1 .LBB2_18-.Ltmp12, $4  }
0x1a2: {  	[sflag:s0] =	ssyncadd.s32 @!p0 $0xFFFFFF80  }
0x1a3: {  	_ =	swait.ge @!p0 [sflag:s0], $0x80  }
0x1a4: {  	[sflag:s0] =	ssyncset.done @!p0 $0x0  }
0x1a5: {  	[sflag:s0] =	ssyncadd.s32 @!p0 $0xFFFFFF80  }
0x1a6: {  	_ =	swait.ge [sflag:s26], $0x200  }
0x1a7: {  	[sflag:s26] =	ssyncset.done $0x0  }
0x1a8: {  	s9 =	simm.s32 $0x0;
	[sflag:s26] =	ssyncadd.s32 $0xFFFFFE00  }
0x1a9: {  	v2 =	vld [tilespmem:s9+$0x0]  }
0x1aa: {  	v5 =	vld [tilespmem:s9+$0x80];
	_ =	sdelay $0x2  }
0x1ab: {  	s0 =	smul.u32 $0xE38F, s23  }
0x1ac: {  	v3 =	vmul.f32 $5.000000000e-01, v2  }
0x1ad: {  	s0 =	sshrl.u32 s0, $0x13;
	v4 =	vmul.f32 $5.000000000e-01, v5  }
0x1ae: {  	s10 =	smul.u32 $0xFFFFFFF7, s0;
	v3 =	vtrunc.f32 v3  }
0x1af: {  	v7 =	vld [tilespmem:s9+$0x100];
	v6 =	vcvt.f32.s32 v3;
	v3 =	vtrunc.f32 v4  }
0x1b0: {  	v9 =	vld [tilespmem:s9+$0x180];
	s21 =	sadd.s32 s23, s10;
	v8 =	vcvt.f32.s32 v3  }
0x1b1: {  	s10 =	scvt.s32.f32 s21  }
0x1b2: {  	v4 =	vcvt.s32.f32 v6;
	v10 =	vcvt.s32.f32 v8  }
0x1b3: {  	s10 =	sadd.f32 s10, s10  }
0x1b4: {  	s28 =	smulhi.u32 $0x38E38E39, s7;
	v3 =	vadd.f32 v4, v4;
	v10 =	vadd.f32 v10, v10  }
0x1b5: {  	v7 =	vadd.f32 v7, v2;
	v9 =	vadd.f32 v9, v5;
	v4 =	vmov s10  }
0x1b6: {  	s31 =	sshll.u32 s28, $0x6;
	v11 =	vadd.f32 v3, v4;
	v13 =	vadd.f32 $1.600000000e+01, v10  }
0x1b7: {  	s10 =	sand.u32 $0xFFFFFF80, s31;
	v16 =	vadd.f32 $0.0e+00, v10;
	v19 =	vadd.f32 $2.000000000e+00, v10  }
0x1b8: {  	s0 =	sshll.u32 s0, $0x7;
	v6 =	vshll.u32 v6, $0x9;
	s30 =	sadd.s32 $0x61A80, s10;
	v21 =	vadd.f32 $4.000000000e+00, v10;
	v22 =	vadd.f32 $6.000000000e+00, v10  }
0x1b9: {  	s0 =	sadd.s32 $0x61A80, s0;
	v6 =	vadd.s32 v8, v6;
	s10 =	smin.u32 s30, $0x64110;
	v24 =	vadd.f32 $8.000000000e+00, v10;
	v25 =	vadd.f32 $1.000000000e+01, v10  }
0x1ba: {  	v3 =	vmov s0;
	s0 =	sadd.s32 $0x0, s10;
	v26 =	vadd.f32 $1.200000000e+01, v10;
	v10 =	vadd.f32 $1.400000000e+01, v10  }
0x1bb: {  	v12 =	vadd.f32 $2.000000000e+00, v11;
	v2 =	vmax.f32 v2, v11;
	v11 =	vor.u32 s0, v1  }
0x1bc: {  	v8 =	vadd.f32 $2.000000000e+00, v13;
	vm0 =	vge.u32 v11, v3;
	v11 =	vmax.f32 v5, v13  }
0x1bd: {  	v20 =	vadd.f32 $2.000000000e+00, v25;
	v23 =	vadd.f32 $2.000000000e+00, v10;
	v7 =	vmin.f32 v7, v12  }
0x1be: {  	v12 =	vadd.f32 $2.000000000e+00, v22;
	v2 =	vsub.f32 v7, v2;
	v8 =	vmin.f32 v9, v8  }
0x1bf: {  	v22 =	vmax.f32 v5, v22;
	v7 =	vmov s0;
	v8 =	vsub.f32 v8, v11  }
0x1c0: {  	vm1 =	vlt.u32 v7, $0x64190;
	v11 =	vadd.f32 $2.000000000e+00, v16;
	v2 =	vmax.f32 v2, $0.0e+00  }
0x1c1: {  	vm0 =	vmand vm1, vm0;
	v2 =	vmul.f32 $8.999999760e-01, v2;
	v18 =	vmax.f32 v8, $0.0e+00  }
0x1c2: {  	v8 =	vadd.f32 $2.000000000e+00, v19;
	v14 =	vmin.f32 v9, v11;
	v11 =	vadd.f32 $2.000000000e+00, v24  }
0x1c3: {  	v13 =	vmin.f32 v9, v12;
	v7 =	vnsel vm0, $0x0, v2;
	v2 =	vadd.f32 $2.000000000e+00, v21  }
0x1c4: {  	v17 =	vmin.f32 v9, v8;
	v8 =	vadd.f32 $2.000000000e+00, v26;
	v12 =	vmin.f32 v9, v11  }
0x1c5: {  	v11 =	vmin.f32 v9, v20;
	v20 =	vmax.f32 v5, v19;
	v19 =	vmax.f32 v5, v25  }
0x1c6: {  	v27 =	vmul.f32 v7, v18;
	v18 =	vmax.f32 v5, v16;
	v16 =	vmax.f32 v5, v26  }
0x1c7: {  	s31 =	sshll.u32 s21, $0x9;
	v15 =	vmin.f32 v9, v2;
	v8 =	vmin.f32 v9, v8;
	v9 =	vmin.f32 v9, v23  }
0x1c8: {  	s29 =	simm.s32 $0x80;
	s28 =	simm.s32 $0x0;
	s21 =	simm.s32 $0x10;
	v2 =	vmov s31;
	v23 =	vmax.f32 v5, v21;
	v21 =	vmax.f32 v5, v24;
	[tilespmem:s9+$0x1000] =	vst v27  }
.LBB2_16:
0x1c9: {  	p0 =	sne.s32 s29, $0x1C0;
	v24 =	vld [tilespmem:s21+$0x0];
	v14 =	vsub.f32 v14, v18;
	v17 =	vsub.f32 v17, v20;
	v10 =	vmax.f32 v5, v10  }
0x1ca: {  	v18 =	vor.u32 s28, v1;
	v15 =	vsub.f32 v15, v23;
	v13 =	vsub.f32 v13, v22  }
0x1cb: {  	v12 =	vsub.f32 v12, v21;
	v11 =	vsub.f32 v11, v19;
	v14 =	vmax.f32 v14, $0.0e+00  }
0x1cc: {  	v8 =	vsub.f32 v8, v16;
	v9 =	vsub.f32 v9, v10;
	v17 =	vmax.f32 v17, $0.0e+00;
	v5 =	vld [tilespmem:s21+$0x80]  }
0x1cd: {  	v10 =	vmax.f32 v15, $0.0e+00;
	v13 =	vmax.f32 v13, $0.0e+00;
	v12 =	vmax.f32 v12, $0.0e+00  }
0x1ce: {  	v11 =	vmax.f32 v11, $0.0e+00;
	v8 =	vmax.f32 v8, $0.0e+00;
	v15 =	vmul.f32 $5.000000000e-01, v24  }
0x1cf: {  	v6 =	vsel vm0, v6, v18;
	v9 =	vmax.f32 v9, $0.0e+00;
	v14 =	vmul.f32 v7, v14  }
0x1d0: {  	v16 =	vadd.s32 v2, v6;
	v6 =	vmul.f32 v7, v17;
	v15 =	vtrunc.f32 v15  }
0x1d1: {  	v15 =	vcvt.f32.s32 v15;
	v17 =	vmul.f32 $5.000000000e-01, v5;
	[tilespmem:s9+$0xC00] =	vst v14;
	v14 =	vadd.s32 $0x1, v16  }
0x1d2: {  	v18 =	vadd.s32 $0x2, v16;
	[tilespmem:s9+$0xC80] =	vst v6;
	v6 =	vmul.f32 v7, v10;
	v10 =	vmul.f32 v7, v13  }
0x1d3: {  	v13 =	vtrunc.f32 v17;
	v17 =	vcvt.s32.f32 v15;
	v15 =	vshll.u32 v15, $0x9;
	[tilespmem:s9+$0x480] =	vst v14  }
0x1d4: {  	v19 =	vadd.s32 $0x3, v16;
	v12 =	vmul.f32 v7, v12;
	v14 =	vld [tilespmem:s21+$0x100];
	v13 =	vcvt.f32.s32 v13;
	[tilespmem:s9+$0xD00] =	vst v6  }
0x1d5: {  	v8 =	vmul.f32 v7, v8;
	v17 =	vadd.f32 v17, v17;
	[tilespmem:s9+$0xD80] =	vst v10;
	v10 =	vmul.f32 v7, v11  }
0x1d6: {  	v7 =	vmul.f32 v7, v9;
	v11 =	vld [tilespmem:s21+$0x180];
	v20 =	vcvt.s32.f32 v13;
	v6 =	vadd.s32 v13, v15;
	[tilespmem:s9+$0xE00] =	vst v12  }
0x1d7: {  	v12 =	vadd.s32 $0x4, v16;
	v13 =	vadd.s32 $0x5, v16;
	v9 =	vadd.f32 v17, v4;
	[tilespmem:s9+$0xE80] =	vst v10  }
0x1d8: {  	v15 =	vadd.s32 $0x6, v16;
	v10 =	vadd.f32 v20, v20;
	[tilespmem:s9+$0xF00] =	vst v8;
	v8 =	vadd.s32 $0x7, v16  }
0x1d9: {  	v14 =	vadd.f32 v14, v24;
	v17 =	vadd.f32 $2.000000000e+00, v9;
	[tilespmem:s9+$0xF80] =	vst v7;
	v7 =	vadd.s32 $0x8, v16  }
0x1da: {  	s28 =	sadd.s32 $0x10, s28;
	v20 =	vadd.f32 $0.0e+00, v10;
	v21 =	vadd.f32 $1.600000000e+01, v10;
	[tilespmem:s9+$0x500] =	vst v18  }
0x1db: {  	s0 =	sadd.s32 s28, s10;
	v9 =	vmax.f32 v24, v9;
	v25 =	vadd.f32 v11, v5;
	v11 =	vmin.f32 v14, v17;
	[tilespmem:s9+$0x580] =	vst v19  }
0x1dc: {  	v14 =	vor.u32 s0, v1;
	v17 =	vadd.f32 $2.000000000e+00, v21;
	v9 =	vsub.f32 v11, v9;
	[tilespmem:s9+$0x600] =	vst v12  }
0x1dd: {  	v11 =	vmov s0;
	vm0 =	vge.u32 v14, v3;
	v12 =	vadd.f32 $2.000000000e+00, v10;
	[tilespmem:s9+$0x680] =	vst v13  }
0x1de: {  	v14 =	vmax.f32 v5, v21;
	v13 =	vmin.f32 v25, v17;
	v9 =	vmax.f32 v9, $0.0e+00;
	[tilespmem:s9+$0x700] =	vst v15  }
0x1df: {  	vm1 =	vlt.u32 v11, $0x64190;
	v11 =	vsub.f32 v13, v14;
	v9 =	vmul.f32 $8.999999760e-01, v9;
	[tilespmem:s9+$0x780] =	vst v8  }
0x1e0: {  	v19 =	vadd.f32 $4.000000000e+00, v10;
	v21 =	vadd.f32 $6.000000000e+00, v10;
	vm0 =	vmand vm1, vm0;
	[tilespmem:s9+$0x800] =	vst v7  }
0x1e1: {  	v24 =	vadd.f32 $8.000000000e+00, v10;
	v8 =	vmax.f32 v11, $0.0e+00;
	v7 =	vnsel vm0, $0x0, v9;
	[tilespmem:s9+$0x400] =	vst v16;
	s9 =	smov.u32 s21  }
0x1e2: {  	v26 =	vadd.f32 $1.200000000e+01, v10;
	v16 =	vadd.f32 $1.000000000e+01, v10;
	v8 =	vmul.f32 v7, v8  }
0x1e3: {  	v18 =	vmax.f32 v5, v20;
	v9 =	vadd.f32 $2.000000000e+00, v20;
	v10 =	vadd.f32 $1.400000000e+01, v10  }
0x1e4: {  	v11 =	vadd.f32 $2.000000000e+00, v12;
	v20 =	vmax.f32 v5, v12;
	v12 =	vadd.f32 $2.000000000e+00, v19;
	[tilespmem:s9+$0x1000] =	vst v8  }
0x1e5: {  	v14 =	vmin.f32 v25, v9;
	v9 =	vadd.f32 $2.000000000e+00, v24;
	v8 =	vadd.f32 $2.000000000e+00, v21  }
.Ltmp13:
0x1e6: {  	v22 =	vadd.f32 $2.000000000e+00, v26;
	v17 =	vmin.f32 v25, v11;
	v11 =	vadd.f32 $2.000000000e+00, v16;
	(pc) =	sbr.rel @p0 .LBB2_16-.Ltmp13, $4  }
0x1e7: {  	v15 =	vmin.f32 v25, v12;
	v27 =	vadd.f32 $2.000000000e+00, v10;
	v13 =	vmin.f32 v25, v8  }
0x1e8: {  	v12 =	vmin.f32 v25, v9;
	v11 =	vmin.f32 v25, v11;
	v8 =	vmin.f32 v25, v22  }
0x1e9: {  	v23 =	vmax.f32 v5, v19;
	v9 =	vmin.f32 v25, v27;
	v22 =	vmax.f32 v5, v21  }
0x1ea: {  	s21 =	sshra.s32 s29, $0x2;
	s29 =	sadd.s32 $0x40, s29;
	v19 =	vmax.f32 v5, v16;
	v16 =	vmax.f32 v5, v26;
	v21 =	vmax.f32 v5, v24  }
0x1eb: {  	v14 =	vsub.f32 v14, v18;
	v17 =	vsub.f32 v17, v20  }
0x1ec: {  	v24 =	vld [tilespmem:s21+$0x0];
	v5 =	vmax.f32 v5, v10;
	v33 =	vor.u32 s28, v1;
	v15 =	vsub.f32 v15, v23  }
0x1ed: {  	v18 =	vld [tilespmem:s21+$0x80];
	v13 =	vsub.f32 v13, v22;
	v12 =	vsub.f32 v12, v21;
	v6 =	vsel vm0, v6, v33  }
0x1ee: {  	v11 =	vsub.f32 v11, v19;
	v14 =	vmax.f32 v14, $0.0e+00;
	v6 =	vadd.s32 v2, v6  }
0x1ef: {  	v17 =	vmax.f32 v17, $0.0e+00;
	v14 =	vmul.f32 v7, v14;
	v38 =	vadd.s32 $0x1, v6  }
0x1f0: {  	v15 =	vmax.f32 v15, $0.0e+00;
	v39 =	vmax.f32 v13, $0.0e+00;
	v35 =	vmul.f32 v7, v17;
	[tilespmem:s9+$0x480] =	vst v38  }
0x1f1: {  	v8 =	vsub.f32 v8, v16;
	v41 =	vmul.f32 v7, v15;
	v10 =	vmul.f32 v7, v39;
	[tilespmem:s9+$0xC00] =	vst v14  }
0x1f2: {  	s29 =	sadd.s32 $0x10, s28;
	v5 =	vsub.f32 v9, v5;
	v34 =	vmul.f32 $5.000000000e-01, v24;
	v37 =	vmul.f32 $5.000000000e-01, v18;
	[tilespmem:s9+$0xC80] =	vst v35  }
0x1f3: {  	s0 =	sadd.s32 s29, s10;
	v45 =	vmax.f32 v12, $0.0e+00;
	v46 =	vmax.f32 v11, $0.0e+00;
	v8 =	vmax.f32 v8, $0.0e+00;
	v43 =	vld [tilespmem:s21+$0x100];
	[tilespmem:s9+$0xD00] =	vst v41  }
0x1f4: {  	v60 =	vor.u32 s0, v1;
	[tilespmem:s9+$0xD80] =	vst v10;
	v36 =	vtrunc.f32 v34;
	v42 =	vtrunc.f32 v37  }
0x1f5: {  	v62 =	vmov s0;
	v48 =	vld [tilespmem:s21+$0x180];
	v40 =	vcvt.f32.s32 v36;
	v15 =	vcvt.f32.s32 v42  }
0x1f6: {  	v5 =	vmax.f32 v5, $0.0e+00;
	v50 =	vadd.s32 $0x2, v6;
	v9 =	vmul.f32 v7, v45  }
0x1f7: {  	v52 =	vadd.s32 $0x3, v6;
	v44 =	vcvt.s32.f32 v40;
	v49 =	vcvt.s32.f32 v15  }
0x1f8: {  	v8 =	vmul.f32 v7, v8;
	vm15 =	vge.u32 v60, v3;
	vm1 =	vlt.u32 v62, $0x64190  }
0x1f9: {  	v45 =	vadd.s32 $0x5, v6;
	v47 =	vadd.f32 v44, v44;
	v51 =	vadd.f32 v49, v49  }
0x1fa: {  	v5 =	vmul.f32 v7, v5;
	v17 =	vadd.f32 v43, v24;
	v12 =	vadd.f32 v48, v18  }
0x1fb: {  	vm0 =	vmand vm1, vm15;
	v4 =	vadd.f32 v47, v4;
	v54 =	vadd.f32 $1.600000000e+01, v51  }
0x1fc: {  	v10 =	vmul.f32 v7, v46;
	v57 =	vadd.f32 $0.0e+00, v51;
	v58 =	vadd.f32 $2.000000000e+00, v51  }
0x1fd: {  	v46 =	vadd.s32 $0x6, v6;
	v61 =	vadd.f32 $4.000000000e+00, v51;
	v63 =	vadd.f32 $6.000000000e+00, v51  }
0x1fe: {  	v13 =	vshll.u32 v40, $0x9;
	v32 =	vadd.f32 $8.000000000e+00, v51;
	v3 =	vadd.f32 $1.000000000e+01, v51  }
0x1ff: {  	v13 =	vadd.s32 v15, v13;
	v33 =	vadd.f32 $1.200000000e+01, v51;
	v11 =	vadd.f32 $1.400000000e+01, v51  }
0x200: {  	v44 =	vadd.s32 $0x4, v6;
	v53 =	vadd.f32 $2.000000000e+00, v4;
	v56 =	vadd.f32 $2.000000000e+00, v54  }
0x201: {  	[tilespmem:s9+$0xE00] =	vst v9;
	v48 =	vadd.s32 $0x8, v6;
	v34 =	vadd.f32 $2.000000000e+00, v57;
	v35 =	vadd.f32 $2.000000000e+00, v58  }
0x202: {  	[tilespmem:s9+$0xF00] =	vst v8;
	v47 =	vadd.s32 $0x7, v6;
	v25 =	vadd.f32 $2.000000000e+00, v61;
	v26 =	vadd.f32 $2.000000000e+00, v63  }
0x203: {  	[tilespmem:s9+$0xF80] =	vst v5;
	v4 =	vmax.f32 v24, v4;
	v27 =	vadd.f32 $2.000000000e+00, v32;
	v37 =	vadd.f32 $2.000000000e+00, v3  }
0x204: {  	[tilespmem:s9+$0x500] =	vst v50;
	v59 =	vmax.f32 v18, v54;
	v28 =	vadd.f32 $2.000000000e+00, v33;
	v40 =	vadd.f32 $2.000000000e+00, v11  }
0x205: {  	[tilespmem:s9+$0x580] =	vst v52;
	v7 =	vmax.f32 v18, v57;
	v15 =	vmax.f32 v18, v58;
	v50 =	vmax.f32 v18, v61  }
0x206: {  	[tilespmem:s9+$0x680] =	vst v45;
	v51 =	vmax.f32 v18, v63;
	v52 =	vmax.f32 v18, v32;
	v3 =	vmax.f32 v18, v3  }
0x207: {  	[tilespmem:s9+$0x700] =	vst v46;
	v20 =	vmax.f32 v18, v33;
	v11 =	vmax.f32 v18, v11;
	v55 =	vmin.f32 v17, v53  }
0x208: {  	[tilespmem:s9+$0x400] =	vst v6;
	v17 =	vmin.f32 v12, v56;
	v21 =	vmin.f32 v12, v34;
	v36 =	vmin.f32 v12, v35  }
0x209: {  	[tilespmem:s9+$0xE80] =	vst v10;
	v38 =	vmin.f32 v12, v25;
	v39 =	vmin.f32 v12, v26;
	v41 =	vmin.f32 v12, v27  }
0x20a: {  	[tilespmem:s9+$0x600] =	vst v44;
	v24 =	vmin.f32 v12, v37;
	v53 =	vor.u32 s29, v1;
	v4 =	vsub.f32 v55, v4  }
0x20b: {  	[tilespmem:s9+$0x800] =	vst v48;
	v42 =	vmin.f32 v12, v28;
	v43 =	vmin.f32 v12, v40;
	v12 =	vsel vm0, v13, v53  }
0x20c: {  	[tilespmem:s9+$0x780] =	vst v47;
	v17 =	vsub.f32 v17, v59;
	v2 =	vadd.s32 v2, v12;
	v4 =	vmax.f32 v4, $0.0e+00  }
0x20d: {  	v7 =	vsub.f32 v21, v7;
	v55 =	vadd.s32 $0x1, v2;
	[tilespmem:s21+$0x400] =	vst v2;
	v4 =	vmul.f32 $8.999999760e-01, v4  }
0x20e: {  	v9 =	vsub.f32 v36, v15;
	v10 =	vsub.f32 v38, v50;
	v61 =	vadd.s32 $0x3, v2;
	[tilespmem:s21+$0x480] =	vst v55  }
0x20f: {  	v17 =	vmax.f32 v17, $0.0e+00;
	v62 =	vadd.s32 $0x5, v2;
	[tilespmem:s21+$0x580] =	vst v61;
	v4 =	vnsel vm0, $0x0, v4  }
0x210: {  	v7 =	vmax.f32 v7, $0.0e+00;
	v63 =	vadd.s32 $0x7, v2;
	[tilespmem:s21+$0x680] =	vst v62;
	v49 =	vmul.f32 v4, v17  }
0x211: {  	v54 =	vsub.f32 v39, v51;
	v9 =	vmax.f32 v9, $0.0e+00;
	[tilespmem:s21+$0x780] =	vst v63;
	v7 =	vmul.f32 v4, v7  }
0x212: {  	v8 =	vsub.f32 v41, v52;
	v10 =	vmax.f32 v10, $0.0e+00;
	v9 =	vmul.f32 v4, v9;
	[tilespmem:s21+$0x1000] =	vst v49  }
0x213: {  	v3 =	vsub.f32 v24, v3;
	v6 =	vmax.f32 v54, $0.0e+00;
	v56 =	vmul.f32 v4, v10;
	[tilespmem:s21+$0xC00] =	vst v7  }
0x214: {  	p0 =	sgt.u32 s23, $0x286;
	v57 =	vsub.f32 v42, v20;
	v8 =	vmax.f32 v8, $0.0e+00;
	v6 =	vmul.f32 v4, v6;
	[tilespmem:s21+$0xC80] =	vst v9  }
0x215: {  	s0 =	sadd.s32 @!p0 $0x40, s23;
	v5 =	vsub.f32 v43, v11;
	v3 =	vmax.f32 v3, $0.0e+00;
	v58 =	vmul.f32 v4, v8;
	[tilespmem:s21+$0xD00] =	vst v56  }
0x216: {  	s0 =	sand.u32 @!p0 $0xFFFF, s0;
	v59 =	vmax.f32 v57, $0.0e+00;
	v3 =	vmul.f32 v4, v3;
	[tilespmem:s21+$0xD80] =	vst v6  }
0x217: {  	s0 =	smul.u32 @!p0 $0xE38F, s0;
	v5 =	vmax.f32 v5, $0.0e+00;
	v60 =	vmul.f32 v4, v59;
	[tilespmem:s21+$0xE00] =	vst v58  }
0x218: {  	v4 =	vmul.f32 v4, v5;
	[tilespmem:s21+$0xE80] =	vst v3  }
0x219: {  	s0 =	sshrl.u32 @!p0 s0, $0xC;
	[tilespmem:s21+$0xF00] =	vst v60  }
0x21a: {  	s0 =	sand.u32 @!p0 $0xFF80, s0;
	v3 =	vadd.s32 $0x2, v2;
	[tilespmem:s21+$0xF80] =	vst v4  }
0x21b: {  	s0 =	smin.u32 @!p0 s0, $0x2690;
	[tilespmem:s21+$0x500] =	vst v3;
	v3 =	vadd.s32 $0x4, v2  }
0x21c: {  	s0 =	sshrl.u32 @!p0 s0, $0x3;
	[tilespmem:s21+$0x600] =	vst v3;
	v3 =	vadd.s32 $0x6, v2  }
0x21d: {  	s9 =	sadd.s32 @!p0 $0xC350, s0;
	[tilespmem:s21+$0x700] =	vst v3;
	v3 =	vadd.s32 $0x8, v2  }
0x21e: {  	s0 =	sadd.s32 @!p0 s1, s0;
	s10 =	sadd.s32 @!p0 s1, s9;
	[tilespmem:s21+$0x800] =	vst v3;
	s21 =	simm.s32 @!p0 $0x0  }
0x21f: {  	[tilespmem:s21], [sflag:$0x1] =	stream.linear.gather @!p0 [hbm4b:s10+s21], $0x80, $0x38;
	[tilespmem:$0xA400] =	vst v63  }
0x220: {  	s0 =	sadd.s32 @!p0 $0x1BC56, s0;
	s10 =	simm.s32 @!p0 $0x80  }
0x221: {  	[tilespmem:s10], [sflag:$0x1] =	stream.linear.gather @!p0 [hbm4b:s0+s21], $0x80, $0x38;
	[tilespmem:$0xA400] =	vst v63  }
0x222: {  	s0 =	sadd.s32 @!p0 s2, s9;
	s10 =	simm.s32 @!p0 $0x100  }
0x223: {  	[tilespmem:s10], [sflag:$0x1] =	stream.linear.gather @!p0 [hbm4b:s0+s21], $0x80, $0x38;
	[tilespmem:$0xA400] =	vst v63  }
0x224: {  	s0 =	sadd.s32 @!p0 s3, s9;
	s9 =	simm.s32 @!p0 $0x180  }
0x225: {  	[tilespmem:s9], [sflag:$0x1] =	stream.linear.gather @!p0 [hbm4b:s0+s21], $0x80, $0x38;
	[tilespmem:$0xA400] =	vst v63  }
0x226: {  	s30 =	simm.s32 $0x400;
	s31 =	simm.s32 $0xC00  }
0x227: {  	[spmem:s4] =	stream.indirect.scatter.add.f32 [tilespmem:s31], [sflag:$0x3], $0x1, s30, s18, $0xb8;
	[tilespmem:$0xA400] =	vst v63  }
0x228: {  	s10 =	simm.s32 $0xC80;
	s9 =	simm.s32 $0x480  }
0x229: {  	[spmem:s4] =	stream.indirect.scatter.add.f32 [tilespmem:s10], [sflag:$0x3], $0x1, s9, s18, $0xb8;
	[tilespmem:$0xA400] =	vst v63  }
0x22a: {  	s21 =	simm.s32 $0x500  }
0x22b: {  	[spmem:s4] =	stream.indirect.scatter.add.f32 [tilespmem:s12], [sflag:$0x3], $0x1, s21, s18, $0xb8;
	[tilespmem:$0xA400] =	vst v63  }
0x22c: {  	_ = 	snop  }
0x22d: {  	[spmem:s4] =	stream.indirect.scatter.add.f32 [tilespmem:s14], [sflag:$0x3], $0x1, s13, s18, $0xb8;
	[tilespmem:$0xA400] =	vst v63  }
0x22e: {  	s28 =	simm.s32 $0x600;
	s29 =	simm.s32 $0xE00  }
0x22f: {  	[spmem:s4] =	stream.indirect.scatter.add.f32 [tilespmem:s29], [sflag:$0x3], $0x1, s28, s18, $0xb8;
	[tilespmem:$0xA400] =	vst v63  }
0x230: {  	s30 =	simm.s32 $0x680;
	s31 =	simm.s32 $0xE80  }
0x231: {  	[spmem:s4] =	stream.indirect.scatter.add.f32 [tilespmem:s31], [sflag:$0x3], $0x1, s30, s18, $0xb8;
	[tilespmem:$0xA400] =	vst v63  }
0x232: {  	s10 =	simm.s32 $0x700;
	s21 =	simm.s32 $0xF00  }
0x233: {  	[spmem:s4] =	stream.indirect.scatter.add.f32 [tilespmem:s21], [sflag:$0x3], $0x1, s10, s18, $0xb8;
	[tilespmem:$0xA400] =	vst v63  }
0x234: {  	s28 =	simm.s32 $0x780;
	s29 =	simm.s32 $0xF80  }
0x235: {  	[spmem:s4] =	stream.indirect.scatter.add.f32 [tilespmem:s29], [sflag:$0x3], $0x1, s28, s18, $0xb8;
	[tilespmem:$0xA400] =	vst v63  }
0x236: {  	s30 =	simm.s32 $0x800;
	s31 =	simm.s32 $0x1000  }
0x237: {  	[spmem:s4] =	stream.indirect.scatter.add.f32 [tilespmem:s31], [sflag:$0x3], $0x1, s30, s18, $0xb8;
	[tilespmem:$0xA400] =	vst v63  }
.LBB2_18:
0x238: {  	s0 =	sadd.s32 $0xFFFFFFE0, s23  }
0x239: {  	p0 =	sgt.u32 s0, $0x2C6  }
0x23a: {  	s0 =	simm.s32 @!p0 $0x4  }
0x23b: {  	_ =	swait.ge @!p0 [sflag:s0], $0x80  }
0x23c: {  	[sflag:s0] =	ssyncset.done @!p0 $0x0  }
0x23d: {  	[sflag:s0] =	ssyncadd.s32 @!p0 $0xFFFFFF80  }
0x23e: {  	_ =	swait.ge @!p0 [sflag:s0], $0x80  }
0x23f: {  	[sflag:s0] =	ssyncset.done @!p0 $0x0  }
0x240: {  	[sflag:s0] =	ssyncadd.s32 @!p0 $0xFFFFFF80  }
0x241: {  	_ =	swait.ge @!p0 [sflag:s0], $0x80  }
0x242: {  	[sflag:s0] =	ssyncset.done @!p0 $0x0  }
0x243: {  	[sflag:s0] =	ssyncadd.s32 @!p0 $0xFFFFFF80  }
0x244: {  	_ =	swait.ge @!p0 [sflag:s0], $0x80  }
0x245: {  	[sflag:s0] =	ssyncset.done @!p0 $0x0  }
0x246: {  	[sflag:s0] =	ssyncadd.s32 @!p0 $0xFFFFFF80  }
0x247: {  	_ =	swait.ge @!p0 [sflag:s0], $0x80  }
0x248: {  	[sflag:s0] =	ssyncset.done @!p0 $0x0  }
0x249: {  	[sflag:s0] =	ssyncadd.s32 @!p0 $0xFFFFFF80  }
0x24a: {  	_ =	swait.ge @!p0 [sflag:s0], $0x80  }
0x24b: {  	[sflag:s0] =	ssyncset.done @!p0 $0x0  }
0x24c: {  	[sflag:s0] =	ssyncadd.s32 @!p0 $0xFFFFFF80  }
0x24d: {  	_ =	swait.ge @!p0 [sflag:s0], $0x80  }
0x24e: {  	[sflag:s0] =	ssyncset.done @!p0 $0x0  }
0x24f: {  	s23 =	sor.u32 $0x20, s23;
	[sflag:s0] =	ssyncadd.s32 @!p0 $0xFFFFFF80  }
0x250: {  	p1 =	sgt.u32 s23, $0x2C6;
	_ =	swait.ge @!p0 [sflag:s0], $0x80  }
.Ltmp14:
0x251: {  	[sflag:s0] =	ssyncset.done @!p0 $0x0;
	(pc) =	sbr.rel @p1 .LBB2_22-.Ltmp14, $4  }
0x252: {  	[sflag:s0] =	ssyncadd.s32 @!p0 $0xFFFFFF80  }
0x253: {  	_ =	swait.ge @!p0 [sflag:s0], $0x80  }
0x254: {  	[sflag:s0] =	ssyncset.done @!p0 $0x0  }
0x255: {  	[sflag:s0] =	ssyncadd.s32 @!p0 $0xFFFFFF80  }
0x256: {  	_ =	swait.ge [sflag:s24], $0x200  }
0x257: {  	[sflag:s24] =	ssyncset.done $0x0  }
0x258: {  	s9 =	simm.s32 $0x0;
	[sflag:s24] =	ssyncadd.s32 $0xFFFFFE00  }
0x259: {  	v2 =	vld [tilespmem:s9+$0x200]  }
0x25a: {  	v5 =	vld [tilespmem:s9+$0x280];
	_ =	sdelay $0x2  }
0x25b: {  	s0 =	smul.u32 $0xE38F, s23  }
0x25c: {  	v3 =	vmul.f32 $5.000000000e-01, v2  }
0x25d: {  	s0 =	sshrl.u32 s0, $0x13;
	v4 =	vmul.f32 $5.000000000e-01, v5  }
0x25e: {  	s10 =	smul.u32 $0xFFFFFFF7, s0;
	v3 =	vtrunc.f32 v3  }
0x25f: {  	v7 =	vld [tilespmem:s9+$0x300];
	v6 =	vcvt.f32.s32 v3;
	v3 =	vtrunc.f32 v4  }
0x260: {  	v9 =	vld [tilespmem:s9+$0x380];
	s21 =	sadd.s32 s23, s10;
	v8 =	vcvt.f32.s32 v3  }
0x261: {  	s10 =	scvt.s32.f32 s21  }
0x262: {  	v4 =	vcvt.s32.f32 v6;
	v10 =	vcvt.s32.f32 v8  }
0x263: {  	s10 =	sadd.f32 s10, s10  }
0x264: {  	s28 =	smulhi.u32 $0x38E38E39, s20;
	v3 =	vadd.f32 v4, v4;
	v10 =	vadd.f32 v10, v10  }
0x265: {  	v7 =	vadd.f32 v7, v2;
	v9 =	vadd.f32 v9, v5;
	v4 =	vmov s10  }
0x266: {  	s31 =	sshll.u32 s28, $0x6;
	v11 =	vadd.f32 v3, v4;
	v13 =	vadd.f32 $1.600000000e+01, v10  }
0x267: {  	s10 =	sand.u32 $0xFFFFFF80, s31;
	v16 =	vadd.f32 $0.0e+00, v10;
	v19 =	vadd.f32 $2.000000000e+00, v10  }
0x268: {  	s0 =	sshll.u32 s0, $0x7;
	v6 =	vshll.u32 v6, $0x9;
	s30 =	sadd.s32 $0x61A80, s10;
	v21 =	vadd.f32 $4.000000000e+00, v10;
	v22 =	vadd.f32 $6.000000000e+00, v10  }
0x269: {  	s0 =	sadd.s32 $0x61A80, s0;
	v6 =	vadd.s32 v8, v6;
	s10 =	smin.u32 s30, $0x64110;
	v24 =	vadd.f32 $8.000000000e+00, v10;
	v25 =	vadd.f32 $1.000000000e+01, v10  }
0x26a: {  	v3 =	vmov s0;
	s0 =	sadd.s32 $0x0, s10;
	v26 =	vadd.f32 $1.200000000e+01, v10;
	v10 =	vadd.f32 $1.400000000e+01, v10  }
0x26b: {  	v12 =	vadd.f32 $2.000000000e+00, v11;
	v2 =	vmax.f32 v2, v11;
	v11 =	vor.u32 s0, v1  }
0x26c: {  	v8 =	vadd.f32 $2.000000000e+00, v13;
	vm0 =	vge.u32 v11, v3;
	v11 =	vmax.f32 v5, v13  }
0x26d: {  	v20 =	vadd.f32 $2.000000000e+00, v25;
	v23 =	vadd.f32 $2.000000000e+00, v10;
	v7 =	vmin.f32 v7, v12  }
0x26e: {  	v12 =	vadd.f32 $2.000000000e+00, v22;
	v2 =	vsub.f32 v7, v2;
	v8 =	vmin.f32 v9, v8  }
0x26f: {  	v22 =	vmax.f32 v5, v22;
	v7 =	vmov s0;
	v8 =	vsub.f32 v8, v11  }
0x270: {  	vm1 =	vlt.u32 v7, $0x64190;
	v11 =	vadd.f32 $2.000000000e+00, v16;
	v2 =	vmax.f32 v2, $0.0e+00  }
0x271: {  	vm0 =	vmand vm1, vm0;
	v2 =	vmul.f32 $8.999999760e-01, v2;
	v18 =	vmax.f32 v8, $0.0e+00  }
0x272: {  	v8 =	vadd.f32 $2.000000000e+00, v19;
	v14 =	vmin.f32 v9, v11;
	v11 =	vadd.f32 $2.000000000e+00, v24  }
0x273: {  	v13 =	vmin.f32 v9, v12;
	v7 =	vnsel vm0, $0x0, v2;
	v2 =	vadd.f32 $2.000000000e+00, v21  }
0x274: {  	v17 =	vmin.f32 v9, v8;
	v8 =	vadd.f32 $2.000000000e+00, v26;
	v12 =	vmin.f32 v9, v11  }
0x275: {  	v11 =	vmin.f32 v9, v20;
	v20 =	vmax.f32 v5, v19;
	v19 =	vmax.f32 v5, v25  }
0x276: {  	v27 =	vmul.f32 v7, v18;
	v18 =	vmax.f32 v5, v16;
	v16 =	vmax.f32 v5, v26  }
0x277: {  	s31 =	sshll.u32 s21, $0x9;
	v15 =	vmin.f32 v9, v2;
	v8 =	vmin.f32 v9, v8;
	v9 =	vmin.f32 v9, v23  }
0x278: {  	s29 =	simm.s32 $0x80;
	s28 =	simm.s32 $0x0;
	s21 =	simm.s32 $0x10;
	v2 =	vmov s31;
	v23 =	vmax.f32 v5, v21;
	v21 =	vmax.f32 v5, v24;
	[tilespmem:s9+$0x2000] =	vst v27  }
.LBB2_20:
0x279: {  	p0 =	sne.s32 s29, $0x1C0;
	v24 =	vld [tilespmem:s21+$0x200];
	v14 =	vsub.f32 v14, v18;
	v17 =	vsub.f32 v17, v20;
	v10 =	vmax.f32 v5, v10  }
0x27a: {  	v18 =	vor.u32 s28, v1;
	v15 =	vsub.f32 v15, v23;
	v13 =	vsub.f32 v13, v22  }
0x27b: {  	v12 =	vsub.f32 v12, v21;
	v11 =	vsub.f32 v11, v19;
	v14 =	vmax.f32 v14, $0.0e+00  }
0x27c: {  	v8 =	vsub.f32 v8, v16;
	v9 =	vsub.f32 v9, v10;
	v17 =	vmax.f32 v17, $0.0e+00;
	v5 =	vld [tilespmem:s21+$0x280]  }
0x27d: {  	v10 =	vmax.f32 v15, $0.0e+00;
	v13 =	vmax.f32 v13, $0.0e+00;
	v12 =	vmax.f32 v12, $0.0e+00  }
0x27e: {  	v11 =	vmax.f32 v11, $0.0e+00;
	v8 =	vmax.f32 v8, $0.0e+00;
	v15 =	vmul.f32 $5.000000000e-01, v24  }
0x27f: {  	v6 =	vsel vm0, v6, v18;
	v9 =	vmax.f32 v9, $0.0e+00;
	v14 =	vmul.f32 v7, v14  }
0x280: {  	v16 =	vadd.s32 v2, v6;
	v6 =	vmul.f32 v7, v17;
	v15 =	vtrunc.f32 v15  }
0x281: {  	v15 =	vcvt.f32.s32 v15;
	v17 =	vmul.f32 $5.000000000e-01, v5;
	[tilespmem:s9+$0x1C00] =	vst v14;
	v14 =	vadd.s32 $0x1, v16  }
0x282: {  	v18 =	vadd.s32 $0x2, v16;
	[tilespmem:s9+$0x1C80] =	vst v6;
	v6 =	vmul.f32 v7, v10;
	v10 =	vmul.f32 v7, v13  }
0x283: {  	v13 =	vtrunc.f32 v17;
	v17 =	vcvt.s32.f32 v15;
	v15 =	vshll.u32 v15, $0x9;
	[tilespmem:s9+$0x1480] =	vst v14  }
0x284: {  	v19 =	vadd.s32 $0x3, v16;
	v12 =	vmul.f32 v7, v12;
	v14 =	vld [tilespmem:s21+$0x300];
	v13 =	vcvt.f32.s32 v13;
	[tilespmem:s9+$0x1D00] =	vst v6  }
0x285: {  	v8 =	vmul.f32 v7, v8;
	v17 =	vadd.f32 v17, v17;
	[tilespmem:s9+$0x1D80] =	vst v10;
	v10 =	vmul.f32 v7, v11  }
0x286: {  	v7 =	vmul.f32 v7, v9;
	v11 =	vld [tilespmem:s21+$0x380];
	v20 =	vcvt.s32.f32 v13;
	v6 =	vadd.s32 v13, v15;
	[tilespmem:s9+$0x1E00] =	vst v12  }
0x287: {  	v12 =	vadd.s32 $0x4, v16;
	v13 =	vadd.s32 $0x5, v16;
	v9 =	vadd.f32 v17, v4;
	[tilespmem:s9+$0x1E80] =	vst v10  }
0x288: {  	v15 =	vadd.s32 $0x6, v16;
	v10 =	vadd.f32 v20, v20;
	[tilespmem:s9+$0x1F00] =	vst v8;
	v8 =	vadd.s32 $0x7, v16  }
0x289: {  	v14 =	vadd.f32 v14, v24;
	v17 =	vadd.f32 $2.000000000e+00, v9;
	[tilespmem:s9+$0x1F80] =	vst v7;
	v7 =	vadd.s32 $0x8, v16  }
0x28a: {  	s28 =	sadd.s32 $0x10, s28;
	v20 =	vadd.f32 $0.0e+00, v10;
	v21 =	vadd.f32 $1.600000000e+01, v10;
	[tilespmem:s9+$0x1500] =	vst v18  }
0x28b: {  	s0 =	sadd.s32 s28, s10;
	v9 =	vmax.f32 v24, v9;
	v25 =	vadd.f32 v11, v5;
	v11 =	vmin.f32 v14, v17;
	[tilespmem:s9+$0x1580] =	vst v19  }
0x28c: {  	v14 =	vor.u32 s0, v1;
	v17 =	vadd.f32 $2.000000000e+00, v21;
	v9 =	vsub.f32 v11, v9;
	[tilespmem:s9+$0x1600] =	vst v12  }
0x28d: {  	v11 =	vmov s0;
	vm0 =	vge.u32 v14, v3;
	v12 =	vadd.f32 $2.000000000e+00, v10;
	[tilespmem:s9+$0x1680] =	vst v13  }
0x28e: {  	v14 =	vmax.f32 v5, v21;
	v13 =	vmin.f32 v25, v17;
	v9 =	vmax.f32 v9, $0.0e+00;
	[tilespmem:s9+$0x1700] =	vst v15  }
0x28f: {  	vm1 =	vlt.u32 v11, $0x64190;
	v11 =	vsub.f32 v13, v14;
	v9 =	vmul.f32 $8.999999760e-01, v9;
	[tilespmem:s9+$0x1780] =	vst v8  }
0x290: {  	v19 =	vadd.f32 $4.000000000e+00, v10;
	v21 =	vadd.f32 $6.000000000e+00, v10;
	vm0 =	vmand vm1, vm0;
	[tilespmem:s9+$0x1800] =	vst v7  }
0x291: {  	v24 =	vadd.f32 $8.000000000e+00, v10;
	v8 =	vmax.f32 v11, $0.0e+00;
	v7 =	vnsel vm0, $0x0, v9;
	[tilespmem:s9+$0x1400] =	vst v16;
	s9 =	smov.u32 s21  }
0x292: {  	v26 =	vadd.f32 $1.200000000e+01, v10;
	v16 =	vadd.f32 $1.000000000e+01, v10;
	v8 =	vmul.f32 v7, v8  }
0x293: {  	v18 =	vmax.f32 v5, v20;
	v9 =	vadd.f32 $2.000000000e+00, v20;
	v10 =	vadd.f32 $1.400000000e+01, v10  }
0x294: {  	v11 =	vadd.f32 $2.000000000e+00, v12;
	v20 =	vmax.f32 v5, v12;
	v12 =	vadd.f32 $2.000000000e+00, v19;
	[tilespmem:s9+$0x2000] =	vst v8  }
0x295: {  	v14 =	vmin.f32 v25, v9;
	v9 =	vadd.f32 $2.000000000e+00, v24;
	v8 =	vadd.f32 $2.000000000e+00, v21  }
.Ltmp15:
0x296: {  	v22 =	vadd.f32 $2.000000000e+00, v26;
	v17 =	vmin.f32 v25, v11;
	v11 =	vadd.f32 $2.000000000e+00, v16;
	(pc) =	sbr.rel @p0 .LBB2_20-.Ltmp15, $4  }
0x297: {  	v15 =	vmin.f32 v25, v12;
	v27 =	vadd.f32 $2.000000000e+00, v10;
	v13 =	vmin.f32 v25, v8  }
0x298: {  	v12 =	vmin.f32 v25, v9;
	v11 =	vmin.f32 v25, v11;
	v8 =	vmin.f32 v25, v22  }
0x299: {  	v23 =	vmax.f32 v5, v19;
	v9 =	vmin.f32 v25, v27;
	v22 =	vmax.f32 v5, v21  }
0x29a: {  	s21 =	sshra.s32 s29, $0x2;
	s29 =	sadd.s32 $0x40, s29;
	v19 =	vmax.f32 v5, v16;
	v16 =	vmax.f32 v5, v26;
	v21 =	vmax.f32 v5, v24  }
0x29b: {  	v14 =	vsub.f32 v14, v18;
	v17 =	vsub.f32 v17, v20  }
0x29c: {  	v24 =	vld [tilespmem:s21+$0x200];
	v5 =	vmax.f32 v5, v10;
	v33 =	vor.u32 s28, v1;
	v15 =	vsub.f32 v15, v23  }
0x29d: {  	v18 =	vld [tilespmem:s21+$0x280];
	v13 =	vsub.f32 v13, v22;
	v12 =	vsub.f32 v12, v21;
	v6 =	vsel vm0, v6, v33  }
0x29e: {  	v11 =	vsub.f32 v11, v19;
	v14 =	vmax.f32 v14, $0.0e+00;
	v6 =	vadd.s32 v2, v6  }
0x29f: {  	v17 =	vmax.f32 v17, $0.0e+00;
	v14 =	vmul.f32 v7, v14;
	v38 =	vadd.s32 $0x1, v6  }
0x2a0: {  	v15 =	vmax.f32 v15, $0.0e+00;
	v39 =	vmax.f32 v13, $0.0e+00;
	v35 =	vmul.f32 v7, v17;
	[tilespmem:s9+$0x1480] =	vst v38  }
0x2a1: {  	v8 =	vsub.f32 v8, v16;
	v41 =	vmul.f32 v7, v15;
	v10 =	vmul.f32 v7, v39;
	[tilespmem:s9+$0x1C00] =	vst v14  }
0x2a2: {  	s29 =	sadd.s32 $0x10, s28;
	v5 =	vsub.f32 v9, v5;
	v34 =	vmul.f32 $5.000000000e-01, v24;
	v37 =	vmul.f32 $5.000000000e-01, v18;
	[tilespmem:s9+$0x1C80] =	vst v35  }
0x2a3: {  	s0 =	sadd.s32 s29, s10;
	v45 =	vmax.f32 v12, $0.0e+00;
	v46 =	vmax.f32 v11, $0.0e+00;
	v8 =	vmax.f32 v8, $0.0e+00;
	v43 =	vld [tilespmem:s21+$0x300];
	[tilespmem:s9+$0x1D00] =	vst v41  }
0x2a4: {  	v60 =	vor.u32 s0, v1;
	[tilespmem:s9+$0x1D80] =	vst v10;
	v36 =	vtrunc.f32 v34;
	v42 =	vtrunc.f32 v37  }
0x2a5: {  	v62 =	vmov s0;
	v48 =	vld [tilespmem:s21+$0x380];
	v40 =	vcvt.f32.s32 v36;
	v15 =	vcvt.f32.s32 v42  }
0x2a6: {  	v5 =	vmax.f32 v5, $0.0e+00;
	v50 =	vadd.s32 $0x2, v6;
	v9 =	vmul.f32 v7, v45  }
0x2a7: {  	v52 =	vadd.s32 $0x3, v6;
	v44 =	vcvt.s32.f32 v40;
	v49 =	vcvt.s32.f32 v15  }
0x2a8: {  	v8 =	vmul.f32 v7, v8;
	vm15 =	vge.u32 v60, v3;
	vm1 =	vlt.u32 v62, $0x64190  }
0x2a9: {  	v45 =	vadd.s32 $0x5, v6;
	v47 =	vadd.f32 v44, v44;
	v51 =	vadd.f32 v49, v49  }
0x2aa: {  	v5 =	vmul.f32 v7, v5;
	v17 =	vadd.f32 v43, v24;
	v12 =	vadd.f32 v48, v18  }
0x2ab: {  	vm0 =	vmand vm1, vm15;
	v4 =	vadd.f32 v47, v4;
	v54 =	vadd.f32 $1.600000000e+01, v51  }
0x2ac: {  	v10 =	vmul.f32 v7, v46;
	v57 =	vadd.f32 $0.0e+00, v51;
	v58 =	vadd.f32 $2.000000000e+00, v51  }
0x2ad: {  	v46 =	vadd.s32 $0x6, v6;
	v61 =	vadd.f32 $4.000000000e+00, v51;
	v63 =	vadd.f32 $6.000000000e+00, v51  }
0x2ae: {  	v13 =	vshll.u32 v40, $0x9;
	v32 =	vadd.f32 $8.000000000e+00, v51;
	v3 =	vadd.f32 $1.000000000e+01, v51  }
0x2af: {  	v13 =	vadd.s32 v15, v13;
	v33 =	vadd.f32 $1.200000000e+01, v51;
	v11 =	vadd.f32 $1.400000000e+01, v51  }
0x2b0: {  	v44 =	vadd.s32 $0x4, v6;
	v53 =	vadd.f32 $2.000000000e+00, v4;
	v56 =	vadd.f32 $2.000000000e+00, v54  }
0x2b1: {  	[tilespmem:s9+$0x1E00] =	vst v9;
	v48 =	vadd.s32 $0x8, v6;
	v34 =	vadd.f32 $2.000000000e+00, v57;
	v35 =	vadd.f32 $2.000000000e+00, v58  }
0x2b2: {  	[tilespmem:s9+$0x1F00] =	vst v8;
	v47 =	vadd.s32 $0x7, v6;
	v25 =	vadd.f32 $2.000000000e+00, v61;
	v26 =	vadd.f32 $2.000000000e+00, v63  }
0x2b3: {  	[tilespmem:s9+$0x1F80] =	vst v5;
	v4 =	vmax.f32 v24, v4;
	v27 =	vadd.f32 $2.000000000e+00, v32;
	v37 =	vadd.f32 $2.000000000e+00, v3  }
0x2b4: {  	[tilespmem:s9+$0x1500] =	vst v50;
	v59 =	vmax.f32 v18, v54;
	v28 =	vadd.f32 $2.000000000e+00, v33;
	v40 =	vadd.f32 $2.000000000e+00, v11  }
0x2b5: {  	[tilespmem:s9+$0x1580] =	vst v52;
	v7 =	vmax.f32 v18, v57;
	v15 =	vmax.f32 v18, v58;
	v50 =	vmax.f32 v18, v61  }
0x2b6: {  	[tilespmem:s9+$0x1680] =	vst v45;
	v51 =	vmax.f32 v18, v63;
	v52 =	vmax.f32 v18, v32;
	v3 =	vmax.f32 v18, v3  }
0x2b7: {  	[tilespmem:s9+$0x1700] =	vst v46;
	v20 =	vmax.f32 v18, v33;
	v11 =	vmax.f32 v18, v11;
	v55 =	vmin.f32 v17, v53  }
0x2b8: {  	[tilespmem:s9+$0x1400] =	vst v6;
	v17 =	vmin.f32 v12, v56;
	v21 =	vmin.f32 v12, v34;
	v36 =	vmin.f32 v12, v35  }
0x2b9: {  	[tilespmem:s9+$0x1E80] =	vst v10;
	v38 =	vmin.f32 v12, v25;
	v39 =	vmin.f32 v12, v26;
	v41 =	vmin.f32 v12, v27  }
0x2ba: {  	[tilespmem:s9+$0x1600] =	vst v44;
	v24 =	vmin.f32 v12, v37;
	v53 =	vor.u32 s29, v1;
	v4 =	vsub.f32 v55, v4  }
0x2bb: {  	[tilespmem:s9+$0x1800] =	vst v48;
	v42 =	vmin.f32 v12, v28;
	v43 =	vmin.f32 v12, v40;
	v12 =	vsel vm0, v13, v53  }
0x2bc: {  	[tilespmem:s9+$0x1780] =	vst v47;
	v17 =	vsub.f32 v17, v59;
	v2 =	vadd.s32 v2, v12;
	v4 =	vmax.f32 v4, $0.0e+00  }
0x2bd: {  	v7 =	vsub.f32 v21, v7;
	v55 =	vadd.s32 $0x1, v2;
	[tilespmem:s21+$0x1400] =	vst v2;
	v4 =	vmul.f32 $8.999999760e-01, v4  }
0x2be: {  	v9 =	vsub.f32 v36, v15;
	v10 =	vsub.f32 v38, v50;
	v61 =	vadd.s32 $0x3, v2;
	[tilespmem:s21+$0x1480] =	vst v55  }
0x2bf: {  	v17 =	vmax.f32 v17, $0.0e+00;
	v62 =	vadd.s32 $0x5, v2;
	[tilespmem:s21+$0x1580] =	vst v61;
	v4 =	vnsel vm0, $0x0, v4  }
0x2c0: {  	v7 =	vmax.f32 v7, $0.0e+00;
	v63 =	vadd.s32 $0x7, v2;
	[tilespmem:s21+$0x1680] =	vst v62;
	v49 =	vmul.f32 v4, v17  }
0x2c1: {  	v54 =	vsub.f32 v39, v51;
	v9 =	vmax.f32 v9, $0.0e+00;
	[tilespmem:s21+$0x1780] =	vst v63;
	v7 =	vmul.f32 v4, v7  }
0x2c2: {  	v8 =	vsub.f32 v41, v52;
	v10 =	vmax.f32 v10, $0.0e+00;
	v9 =	vmul.f32 v4, v9;
	[tilespmem:s21+$0x2000] =	vst v49  }
0x2c3: {  	v3 =	vsub.f32 v24, v3;
	v6 =	vmax.f32 v54, $0.0e+00;
	v56 =	vmul.f32 v4, v10;
	[tilespmem:s21+$0x1C00] =	vst v7  }
0x2c4: {  	p0 =	sgt.u32 s23, $0x286;
	v57 =	vsub.f32 v42, v20;
	v8 =	vmax.f32 v8, $0.0e+00;
	v6 =	vmul.f32 v4, v6;
	[tilespmem:s21+$0x1C80] =	vst v9  }
0x2c5: {  	s0 =	sadd.s32 @!p0 $0x40, s23;
	v5 =	vsub.f32 v43, v11;
	v3 =	vmax.f32 v3, $0.0e+00;
	v58 =	vmul.f32 v4, v8;
	[tilespmem:s21+$0x1D00] =	vst v56  }
0x2c6: {  	s0 =	sand.u32 @!p0 $0xFFFF, s0;
	v59 =	vmax.f32 v57, $0.0e+00;
	v3 =	vmul.f32 v4, v3;
	[tilespmem:s21+$0x1D80] =	vst v6  }
0x2c7: {  	s0 =	smul.u32 @!p0 $0xE38F, s0;
	v5 =	vmax.f32 v5, $0.0e+00;
	v60 =	vmul.f32 v4, v59;
	[tilespmem:s21+$0x1E00] =	vst v58  }
0x2c8: {  	v4 =	vmul.f32 v4, v5;
	[tilespmem:s21+$0x1E80] =	vst v3  }
0x2c9: {  	s0 =	sshrl.u32 @!p0 s0, $0xC;
	[tilespmem:s21+$0x1F00] =	vst v60  }
0x2ca: {  	s0 =	sand.u32 @!p0 $0xFF80, s0;
	v3 =	vadd.s32 $0x2, v2;
	[tilespmem:s21+$0x1F80] =	vst v4  }
0x2cb: {  	s0 =	smin.u32 @!p0 s0, $0x2690;
	[tilespmem:s21+$0x1500] =	vst v3;
	v3 =	vadd.s32 $0x4, v2  }
0x2cc: {  	s0 =	sshrl.u32 @!p0 s0, $0x3;
	[tilespmem:s21+$0x1600] =	vst v3;
	v3 =	vadd.s32 $0x6, v2  }
0x2cd: {  	s23 =	simm.s32 @!p0 $0x200;
	s9 =	sadd.s32 @!p0 $0xC350, s0;
	[tilespmem:s21+$0x1700] =	vst v3;
	v3 =	vadd.s32 $0x8, v2  }
0x2ce: {  	s0 =	sadd.s32 @!p0 s1, s0;
	s10 =	sadd.s32 @!p0 s1, s9;
	[tilespmem:s21+$0x1800] =	vst v3;
	s21 =	simm.s32 @!p0 $0x0  }
0x2cf: {  	[tilespmem:s23], [sflag:$0x2] =	stream.linear.gather @!p0 [hbm4b:s10+s21], $0x80, $0x38;
	[tilespmem:$0xA400] =	vst v63  }
0x2d0: {  	s0 =	sadd.s32 @!p0 $0x1BC56, s0;
	s10 =	simm.s32 @!p0 $0x280  }
0x2d1: {  	[tilespmem:s10], [sflag:$0x2] =	stream.linear.gather @!p0 [hbm4b:s0+s21], $0x80, $0x38;
	[tilespmem:$0xA400] =	vst v63  }
0x2d2: {  	s0 =	sadd.s32 @!p0 s2, s9;
	s10 =	simm.s32 @!p0 $0x300  }
0x2d3: {  	[tilespmem:s10], [sflag:$0x2] =	stream.linear.gather @!p0 [hbm4b:s0+s21], $0x80, $0x38;
	[tilespmem:$0xA400] =	vst v63  }
0x2d4: {  	s0 =	sadd.s32 @!p0 s3, s9;
	s9 =	simm.s32 @!p0 $0x380  }
0x2d5: {  	[tilespmem:s9], [sflag:$0x2] =	stream.linear.gather @!p0 [hbm4b:s0+s21], $0x80, $0x38;
	[tilespmem:$0xA400] =	vst v63  }
0x2d6: {  	_ = 	snop  }
0x2d7: {  	[spmem:s4] =	stream.indirect.scatter.add.f32 [tilespmem:s8], [sflag:$0x4], $0x1, s25, s18, $0xb8;
	[tilespmem:$0xA400] =	vst v63  }
0x2d8: {  	_ = 	snop  }
0x2d9: {  	[spmem:s4] =	stream.indirect.scatter.add.f32 [tilespmem:s17], [sflag:$0x4], $0x1, s19, s18, $0xb8;
	[tilespmem:$0xA400] =	vst v63  }
0x2da: {  	_ = 	snop  }
0x2db: {  	[spmem:s4] =	stream.indirect.scatter.add.f32 [tilespmem:s15], [sflag:$0x4], $0x1, s5, s18, $0xb8;
	[tilespmem:$0xA400] =	vst v63  }
0x2dc: {  	_ = 	snop  }
0x2dd: {  	[spmem:s4] =	stream.indirect.scatter.add.f32 [tilespmem:s11], [sflag:$0x4], $0x1, s6, s18, $0xb8;
	[tilespmem:$0xA400] =	vst v63  }
0x2de: {  	s30 =	simm.s32 $0x1600;
	s31 =	simm.s32 $0x1E00  }
0x2df: {  	[spmem:s4] =	stream.indirect.scatter.add.f32 [tilespmem:s31], [sflag:$0x4], $0x1, s30, s18, $0xb8;
	[tilespmem:$0xA400] =	vst v63  }
0x2e0: {  	s10 =	simm.s32 $0x1E80;
	s9 =	simm.s32 $0x1680  }
0x2e1: {  	[spmem:s4] =	stream.indirect.scatter.add.f32 [tilespmem:s10], [sflag:$0x4], $0x1, s9, s18, $0xb8;
	[tilespmem:$0xA400] =	vst v63  }
0x2e2: {  	s23 =	simm.s32 $0x1F00;
	s21 =	simm.s32 $0x1700  }
0x2e3: {  	[spmem:s4] =	stream.indirect.scatter.add.f32 [tilespmem:s23], [sflag:$0x4], $0x1, s21, s18, $0xb8;
	[tilespmem:$0xA400] =	vst v63  }
.Ltmp16:
0x2e4: {  	_ = 	snop;
	(pc) =	sbr.rel .LBB2_22-.Ltmp16, $4  }
0x2e5: {  	s28 =	simm.s32 $0x1780;
	s29 =	simm.s32 $0x1F80  }
0x2e6: {  	[spmem:s4] =	stream.indirect.scatter.add.f32 [tilespmem:s29], [sflag:$0x4], $0x1, s28, s18, $0xb8;
	[tilespmem:$0xA400] =	vst v63  }
0x2e7: {  	s30 =	simm.s32 $0x1800;
	s31 =	simm.s32 $0x2000  }
0x2e8: {  	[spmem:s4] =	stream.indirect.scatter.add.f32 [tilespmem:s31], [sflag:$0x4], $0x1, s30, s18, $0xb8;
	[tilespmem:$0xA400] =	vst v63  }
.LBB2_23:
0x2e9: {  	s0 =	rddreg [dreg:$0x17]  }
0x2ea: {  	s7 =	simm.s32 $0x0;
	s30 =	sld [smem:$0x7FC]  }
0x2eb: {  	[tilespmem:s7], [sflag:$0x1] =	stream.linear.gather [hbm4b:s0+s7], $0x80, $0x38;
	[tilespmem:$0xA400] =	vst v63  }
0x2ec: {  	s31 =	rddreg [dreg:$0x18]  }
0x2ed: {  	[tilespmem:s18], [sflag:$0x1] =	stream.linear.gather [hbm4b:s30+s7], $0x80, $0x38;
	[tilespmem:$0xA400] =	vst v63  }
0x2ee: {  	s9 =	simm.s32 $0x100;
	s16 =	rddreg [dreg:$0x1a]  }
0x2ef: {  	[tilespmem:s9], [sflag:$0x1] =	stream.linear.gather [hbm4b:s31+s7], $0x80, $0x38;
	[tilespmem:$0xA400] =	vst v63  }
0x2f0: {  	s10 =	simm.s32 $0x180;
	s9 =	rddreg [dreg:$0x19]  }
0x2f1: {  	[tilespmem:s10], [sflag:$0x1] =	stream.linear.gather [hbm4b:s9+s7], $0x80, $0x38;
	[tilespmem:$0xA400] =	vst v63  }
0x2f2: {  	s20 =	simm.s32 $0x200;
	s21 =	sld [smem:$0x7FD]  }
0x2f3: {  	[tilespmem:s20], [sflag:$0x2] =	stream.linear.gather [hbm4b:s16+s7], $0x80, $0x38;
	[tilespmem:$0xA400] =	vst v63  }
0x2f4: {  	s23 =	simm.s32 $0x280;
	s28 =	rddreg [dreg:$0x1b]  }
0x2f5: {  	[tilespmem:s23], [sflag:$0x2] =	stream.linear.gather [hbm4b:s21+s7], $0x80, $0x38;
	[tilespmem:$0xA400] =	vst v63  }
.Ltmp17:
0x2f6: {  	s30 =	rddreg [dreg:$0x1c];
	(pc) =	sbr.rel .LBB2_24-.Ltmp17, $4  }
0x2f7: {  	s29 =	simm.s32 $0x300;
	s16 =	sld [smem:$0x7F9]  }
0x2f8: {  	[tilespmem:s29], [sflag:$0x2] =	stream.linear.gather [hbm4b:s28+s7], $0x80, $0x38;
	[tilespmem:$0xA400] =	vst v63  }
0x2f9: {  	s31 =	simm.s32 $0x380;
	s20 =	rddreg [dreg:$0x1f]  }
0x2fa: {  	[tilespmem:s31], [sflag:$0x2] =	stream.linear.gather [hbm4b:s30+s7], $0x80, $0x38;
	[tilespmem:$0xA400] =	vst v63  }
.LBB2_32:
0x2fb: {  	s7 =	sadd.s32 $0x1, s7  }
0x2fc: {  	p0 =	sne.s32 s7, $0xE  }
.Ltmp18:
0x2fd: {  	_ = 	snop;
	(pc) =	sbr.rel @!p0 .LBB2_33-.Ltmp18, $2  }
0x2fe: {  	_ =	sdelay $0x2  }
0x2ff: {  	s20 =	sadd.s32 $0x2000, s20;
	s16 =	sadd.s32 $0x2000, s16  }
.LBB2_24:
0x300: {  	s0 =	sshll.u32 s7, $0x6  }
0x301: {  	s9 =	sor.u32 s22, s0  }
0x302: {  	s0 =	sadd.s32 $0xFFFFFFC0, s9  }
0x303: {  	p0 =	sgt.u32 s0, $0x30D  }
0x304: {  	s0 =	simm.s32 @!p0 $0x3  }
0x305: {  	_ =	swait.ge @!p0 [sflag:s0], $0x80  }
0x306: {  	[sflag:s0] =	ssyncset.done @!p0 $0x0  }
0x307: {  	[sflag:s0] =	ssyncadd.s32 @!p0 $0xFFFFFF80  }
0x308: {  	_ =	swait.ge @!p0 [sflag:s0], $0x80  }
0x309: {  	[sflag:s0] =	ssyncset.done @!p0 $0x0  }
0x30a: {  	[sflag:s0] =	ssyncadd.s32 @!p0 $0xFFFFFF80  }
0x30b: {  	p1 =	sgt.u32 s9, $0x30D;
	_ =	swait.ge @!p0 [sflag:s0], $0x80  }
.Ltmp19:
0x30c: {  	[sflag:s0] =	ssyncset.done @!p0 $0x0;
	(pc) =	sbr.rel @p1 .LBB2_28-.Ltmp19, $4  }
0x30d: {  	[sflag:s0] =	ssyncadd.s32 @!p0 $0xFFFFFF80  }
0x30e: {  	_ =	swait.ge @!p0 [sflag:s0], $0x80  }
0x30f: {  	[sflag:s0] =	ssyncset.done @!p0 $0x0  }
0x310: {  	[sflag:s0] =	ssyncadd.s32 @!p0 $0xFFFFFF80  }
0x311: {  	_ =	swait.ge [sflag:s26], $0x200  }
0x312: {  	[sflag:s26] =	ssyncset.done $0x0  }
0x313: {  	s28 =	simm.s32 $0x80;
	[sflag:s26] =	ssyncadd.s32 $0xFFFFFE00  }
0x314: {  	v4 =	vld [tilespmem:s28+$0xFFFFFF80]  }
0x315: {  	v5 =	vld [tilespmem:s28+$0x0];
	_ =	sdelay $0x3  }
0x316: {  	v2 =	vmul.f32 $5.000000000e-01, v4  }
0x317: {  	v7 =	vld [tilespmem:s28+$0x80];
	v3 =	vmul.f32 $5.000000000e-01, v5  }
0x318: {  	v10 =	vld [tilespmem:s28+$0x100];
	v2 =	vtrunc.f32 v2  }
0x319: {  	v6 =	vcvt.f32.s32 v2;
	v2 =	vtrunc.f32 v3  }
0x31a: {  	v3 =	vcvt.f32.s32 v2  }
0x31b: {  	v2 =	vcvt.s32.f32 v6  }
0x31c: {  	s21 =	sshll.u32 s9, $0x7;
	v9 =	vmul.u32 $0xFFFFFFFF, v1;
	v7 =	vadd.f32 v7, v4;
	v8 =	vcvt.s32.f32 v3  }
0x31d: {  	s23 =	smin.u32 s20, $0x7C7B0;
	s0 =	sadd.s32 $0x64190, s21;
	v10 =	vadd.f32 v10, v5;
	v6 =	vshll.u32 v6, $0x9;
	v11 =	vadd.f32 v2, v2  }
0x31e: {  	v6 =	vadd.s32 v3, v6;
	v2 =	vadd.s32 s0, v9;
	s0 =	sadd.s32 $0x0, s23;
	v8 =	vadd.f32 v8, v8  }
0x31f: {  	s10 =	simm.s32 $0x90;
	v16 =	vmov s0;
	v9 =	vadd.f32 $0.0e+00, v11;
	v11 =	vadd.f32 $2.000000000e+00, v11  }
0x320: {  	v3 =	vld [tilespmem:s10+$0xFFFFFF80];
	vm0 =	vge.u32 v16, v2;
	vm1 =	vlt.u32 v16, $0x7C830;
	v12 =	vadd.f32 $0.0e+00, v8  }
0x321: {  	v8 =	vadd.f32 $2.000000000e+00, v8;
	vm0 =	vmand vm1, vm0;
	v13 =	vadd.f32 $2.000000000e+00, v11  }
0x322: {  	v14 =	vmax.f32 v4, v9;
	v11 =	vmax.f32 v4, v11;
	v4 =	vld [tilespmem:s10+$0x0];
	v9 =	vadd.f32 $2.000000000e+00, v9  }
0x323: {  	v15 =	vadd.f32 $2.000000000e+00, v8;
	v8 =	vmax.f32 v5, v8;
	v5 =	vmax.f32 v5, v12  }
0x324: {  	v12 =	vadd.f32 $2.000000000e+00, v12;
	v13 =	vmin.f32 v7, v13;
	v7 =	vmin.f32 v7, v9  }
0x325: {  	v15 =	vmin.f32 v10, v15;
	v11 =	vsub.f32 v13, v11;
	v13 =	vmul.f32 $5.000000000e-01, v3  }
0x326: {  	v10 =	vmin.f32 v10, v12;
	v7 =	vsub.f32 v7, v14;
	v8 =	vsub.f32 v15, v8  }
0x327: {  	v5 =	vsub.f32 v10, v5;
	v11 =	vmax.f32 v11, $0.0e+00;
	v9 =	vmul.f32 $5.000000000e-01, v4  }
0x328: {  	v13 =	vtrunc.f32 v13;
	v7 =	vmax.f32 v7, $0.0e+00;
	v8 =	vmax.f32 v8, $0.0e+00  }
0x329: {  	v11 =	vnsel vm0, $0x0, v11;
	v10 =	vcvt.f32.s32 v13;
	v5 =	vmax.f32 v5, $0.0e+00  }
0x32a: {  	v7 =	vnsel vm0, $0x0, v7;
	v12 =	vmul.f32 v8, v11;
	v9 =	vtrunc.f32 v9  }
0x32b: {  	v14 =	vmul.f32 v5, v7;
	v9 =	vcvt.f32.s32 v9  }
0x32c: {  	s0 =	simm.s32 $0x0;
	v7 =	vmul.f32 v8, v7;
	v13 =	vcvt.s32.f32 v10;
	[tilespmem:s28+$0xD00] =	vst v12  }
0x32d: {  	v16 =	vshll.u32 v10, $0x9;
	v12 =	vor.u32 s0, v1;
	v15 =	vld [tilespmem:s10+$0x80];
	v17 =	vcvt.s32.f32 v9  }
0x32e: {  	v18 =	vld [tilespmem:s10+$0x100];
	v8 =	vadd.f32 v13, v13;
	v10 =	vsel vm0, v6, v12;
	[tilespmem:s28+$0xB80] =	vst v14;
	v6 =	vmul.f32 v5, v11  }
0x32f: {  	v5 =	vadd.s32 v9, v16;
	[tilespmem:s28+$0xC00] =	vst v7;
	v12 =	vadd.s32 $0x1, v10;
	v11 =	vadd.f32 v17, v17  }
0x330: {  	v16 =	vadd.s32 $0x200, v10;
	v7 =	vadd.f32 $0.0e+00, v8;
	v14 =	vadd.f32 $2.000000000e+00, v8;
	[tilespmem:s28+$0xC80] =	vst v6  }
0x331: {  	v17 =	vadd.s32 $0x201, v10;
	[tilespmem:s28+$0x400] =	vst v12;
	v9 =	vadd.f32 $0.0e+00, v11;
	v13 =	vadd.f32 $2.000000000e+00, v11  }
0x332: {  	s29 =	simm.s32 $0x10;
	[tilespmem:s28+$0x480] =	vst v16;
	v6 =	vmax.f32 v3, v7;
	v8 =	vadd.f32 v15, v3;
	v15 =	vadd.f32 $2.000000000e+00, v14  }
0x333: {  	s30 =	simm.s32 $0xA0;
	s31 =	simm.s32 $0x2C0;
	s0 =	sadd.s32 $0x10, s23;
	[tilespmem:s28+$0x500] =	vst v17;
	v12 =	vadd.f32 v18, v4;
	v11 =	vmax.f32 v4, v9;
	v16 =	vadd.f32 $2.000000000e+00, v13  }
.LBB2_26:
0x334: {  	p0 =	sne.s32 s31, $0x3C0;
	v17 =	vmov s0;
	v15 =	vmin.f32 v8, v15;
	v14 =	vmax.f32 v3, v14;
	v3 =	vld [tilespmem:s30+$0xFFFFFF80];
	[tilespmem:s28+$0x380] =	vst v10;
	s28 =	smov.u32 s10;
	s10 =	smov.u32 s30  }
0x335: {  	v13 =	vmax.f32 v4, v13;
	v10 =	vmin.f32 v12, v16;
	v4 =	vld [tilespmem:s10+$0x0];
	v14 =	vsub.f32 v15, v14  }
0x336: {  	vm0 =	vge.u32 v17, v2;
	vm1 =	vlt.u32 v17, $0x7C830;
	v10 =	vsub.f32 v10, v13  }
0x337: {  	v7 =	vadd.f32 $2.000000000e+00, v7;
	vm0 =	vmand vm1, vm0;
	v13 =	vmax.f32 v14, $0.0e+00  }
0x338: {  	v9 =	vadd.f32 $2.000000000e+00, v9;
	v10 =	vmax.f32 v10, $0.0e+00;
	v13 =	vnsel vm0, $0x0, v13  }
0x339: {  	v7 =	vmin.f32 v8, v7;
	v14 =	vmul.f32 $5.000000000e-01, v3;
	v8 =	vmul.f32 v10, v13  }
0x33a: {  	v9 =	vmin.f32 v12, v9;
	v6 =	vsub.f32 v7, v6;
	v15 =	vmul.f32 $5.000000000e-01, v4  }
0x33b: {  	v12 =	vor.u32 s29, v1;
	v9 =	vsub.f32 v9, v11;
	v7 =	vtrunc.f32 v14;
	[tilespmem:s28+$0xD00] =	vst v8  }
0x33c: {  	v6 =	vmax.f32 v6, $0.0e+00;
	v7 =	vcvt.f32.s32 v7;
	v8 =	vtrunc.f32 v15  }
0x33d: {  	v9 =	vmax.f32 v9, $0.0e+00;
	v6 =	vnsel vm0, $0x0, v6;
	v8 =	vcvt.f32.s32 v8  }
0x33e: {  	v14 =	vmul.f32 v9, v6;
	v11 =	vcvt.s32.f32 v7;
	v7 =	vshll.u32 v7, $0x9  }
0x33f: {  	v6 =	vmul.f32 v10, v6;
	v15 =	vld [tilespmem:s10+$0x80];
	v16 =	vcvt.s32.f32 v8;
	v7 =	vadd.s32 v8, v7  }
0x340: {  	v10 =	vsel vm0, v5, v12;
	v9 =	vmul.f32 v9, v13;
	v17 =	vld [tilespmem:s10+$0x100];
	v8 =	vadd.f32 v11, v11;
	[tilespmem:s28+$0xB80] =	vst v14  }
.Ltmp20:
0x341: {  	v12 =	vadd.s32 $0x1, v10;
	v5 =	vmovc v7;
	v11 =	vadd.f32 v16, v16;
	[tilespmem:s28+$0xC00] =	vst v6;
	v16 =	vadd.s32 $0x200, v10;
	(pc) =	sbr.rel @p0 .LBB2_26-.Ltmp20, $4  }
0x342: {  	v18 =	vadd.s32 $0x201, v10;
	v7 =	vadd.f32 $0.0e+00, v8;
	v14 =	vadd.f32 $2.000000000e+00, v8;
	[tilespmem:s28+$0xC80] =	vst v9  }
0x343: {  	v9 =	vadd.f32 $0.0e+00, v11;
	v13 =	vadd.f32 $2.000000000e+00, v11;
	[tilespmem:s28+$0x400] =	vst v12  }
0x344: {  	s29 =	sadd.s32 $0x10, s29;
	v8 =	vadd.f32 v15, v3;
	v6 =	vmax.f32 v3, v7;
	v15 =	vadd.f32 $2.000000000e+00, v14;
	[tilespmem:s28+$0x480] =	vst v16  }
0x345: {  	s30 =	sshra.s32 s31, $0x2;
	s31 =	sadd.s32 $0x40, s31;
	s0 =	sadd.s32 s29, s23;
	v12 =	vadd.f32 v17, v4;
	v11 =	vmax.f32 v4, v9;
	v16 =	vadd.f32 $2.000000000e+00, v13;
	[tilespmem:s28+$0x500] =	vst v18  }
0x346: {  	v18 =	vmov s0;
	v15 =	vmin.f32 v8, v15  }
0x347: {  	v17 =	vld [tilespmem:s30+$0xFFFFFF80];
	v3 =	vmax.f32 v3, v14;
	[tilespmem:s28+$0x380] =	vst v10;
	v4 =	vmax.f32 v4, v13;
	v7 =	vadd.f32 $2.000000000e+00, v7  }
0x348: {  	v9 =	vadd.f32 $2.000000000e+00, v9;
	v10 =	vld [tilespmem:s30+$0x0];
	v38 =	vmin.f32 v12, v16;
	v3 =	vsub.f32 v15, v3  }
0x349: {  	vm0 =	vge.u32 v18, v2;
	vm1 =	vlt.u32 v18, $0x7C830;
	v4 =	vsub.f32 v38, v4  }
0x34a: {  	v46 =	vor.u32 s29, v1;
	s31 =	sadd.s32 $0x10, s29;
	vm0 =	vmand vm1, vm0;
	v3 =	vmax.f32 v3, $0.0e+00  }
0x34b: {  	v63 =	vor.u32 s31, v1;
	v4 =	vmax.f32 v4, $0.0e+00;
	v3 =	vnsel vm0, $0x0, v3  }
0x34c: {  	s23 =	sadd.s32 s31, s23;
	v7 =	vmin.f32 v8, v7;
	v39 =	vmul.f32 $5.000000000e-01, v17;
	v40 =	vmul.f32 v4, v3  }
0x34d: {  	v9 =	vmin.f32 v12, v9;
	v55 =	vmov s23;
	v41 =	vmul.f32 $5.000000000e-01, v10  }
0x34e: {  	v6 =	vsub.f32 v7, v6;
	v9 =	vsub.f32 v9, v11;
	v13 =	vtrunc.f32 v39;
	[tilespmem:s10+$0xD00] =	vst v40  }
0x34f: {  	v5 =	vsel vm0, v5, v46;
	v42 =	vcvt.f32.s32 v13;
	v8 =	vtrunc.f32 v41;
	v44 =	vld [tilespmem:s30+$0x80]  }
0x350: {  	vm14 =	vge.u32 v55, v2;
	vm15 =	vlt.u32 v55, $0x7C830;
	v48 =	vld [tilespmem:s30+$0x100];
	v8 =	vcvt.f32.s32 v8  }
0x351: {  	v51 =	vadd.s32 $0x1, v5;
	v52 =	vadd.s32 $0x200, v5;
	v43 =	vcvt.s32.f32 v42  }
0x352: {  	v19 =	vadd.s32 $0x201, v5;
	v6 =	vmax.f32 v6, $0.0e+00;
	v47 =	vcvt.s32.f32 v8  }
0x353: {  	v9 =	vmax.f32 v9, $0.0e+00;
	v6 =	vnsel vm0, $0x0, v6;
	v11 =	vadd.f32 v43, v43  }
0x354: {  	v45 =	vmul.f32 v9, v6;
	v50 =	vadd.f32 v47, v47;
	v12 =	vadd.f32 v44, v17  }
0x355: {  	v4 =	vmul.f32 v4, v6;
	v6 =	vadd.f32 v48, v10;
	v49 =	vadd.f32 $2.000000000e+00, v11  }
0x356: {  	v3 =	vmul.f32 v9, v3;
	v11 =	vadd.f32 $0.0e+00, v11;
	v20 =	vadd.f32 $0.0e+00, v50  }
0x357: {  	vm0 =	vmand vm15, vm14;
	v14 =	vadd.f32 $2.000000000e+00, v50;
	v53 =	vadd.f32 $2.000000000e+00, v49  }
0x358: {  	v9 =	vmax.f32 v17, v49;
	v17 =	vmax.f32 v17, v11;
	v11 =	vadd.f32 $2.000000000e+00, v11  }
0x359: {  	v54 =	vmax.f32 v10, v20;
	v10 =	vmax.f32 v10, v14;
	v14 =	vadd.f32 $2.000000000e+00, v14  }
0x35a: {  	[tilespmem:s10+$0xC80] =	vst v3;
	v7 =	vshll.u32 v42, $0x9;
	v56 =	vadd.f32 $2.000000000e+00, v20;
	v18 =	vmin.f32 v12, v53  }
0x35b: {  	[tilespmem:s10+$0x400] =	vst v51;
	v11 =	vmin.f32 v12, v11;
	v9 =	vsub.f32 v18, v9;
	v57 =	vmin.f32 v6, v14  }
0x35c: {  	[tilespmem:s10+$0x480] =	vst v52;
	v3 =	vmin.f32 v6, v56;
	v58 =	vsub.f32 v11, v17;
	v2 =	vsub.f32 v57, v10  }
0x35d: {  	[tilespmem:s10+$0x500] =	vst v19;
	v62 =	vadd.s32 v8, v7;
	v3 =	vsub.f32 v3, v54;
	v59 =	vmax.f32 v9, $0.0e+00  }
0x35e: {  	[tilespmem:s10+$0xC00] =	vst v4;
	v4 =	vmax.f32 v58, $0.0e+00;
	v2 =	vmax.f32 v2, $0.0e+00;
	v6 =	vnsel vm0, $0x0, v59  }
0x35f: {  	[tilespmem:s10+$0x380] =	vst v5;
	v3 =	vmax.f32 v3, $0.0e+00;
	v4 =	vnsel vm0, $0x0, v4;
	v60 =	vmul.f32 v2, v6  }
0x360: {  	[tilespmem:s10+$0xB80] =	vst v45;
	v61 =	vmul.f32 v3, v4;
	v2 =	vmul.f32 v2, v4;
	v4 =	vsel vm0, v62, v63  }
0x361: {  	[tilespmem:s30+$0x380] =	vst v4  }
0x362: {  	[tilespmem:s30+$0xD00] =	vst v60  }
0x363: {  	v3 =	vmul.f32 v3, v6;
	[tilespmem:s30+$0xB80] =	vst v61  }
0x364: {  	p0 =	sgt.u32 s9, $0x2CD;
	[tilespmem:s30+$0xC00] =	vst v2  }
0x365: {  	s0 =	smin.u32 @!p0 s21, $0x16620;
	v2 =	vadd.s32 $0x1, v4;
	[tilespmem:s30+$0xC80] =	vst v3  }
0x366: {  	s0 =	sshrl.u32 @!p0 s0, $0x3;
	v3 =	vadd.s32 $0x200, v4;
	[tilespmem:s30+$0x400] =	vst v2  }
0x367: {  	s10 =	sadd.s32 @!p0 $0xCC32, s0;
	v2 =	vadd.s32 $0x201, v4;
	[tilespmem:s30+$0x480] =	vst v3  }
0x368: {  	s23 =	simm.s32 @!p0 $0x0;
	s0 =	sadd.s32 @!p0 s1, s0;
	s21 =	sadd.s32 @!p0 s1, s10;
	[tilespmem:s30+$0x500] =	vst v2  }
0x369: {  	[tilespmem:s23], [sflag:$0x1] =	stream.linear.gather @!p0 [hbm4b:s21+s23], $0x80, $0x38;
	[tilespmem:$0xA400] =	vst v63  }
0x36a: {  	s0 =	sadd.s32 @!p0 $0x1C538, s0;
	s21 =	simm.s32 @!p0 $0x80  }
0x36b: {  	[tilespmem:s21], [sflag:$0x1] =	stream.linear.gather @!p0 [hbm4b:s0+s23], $0x80, $0x38;
	[tilespmem:$0xA400] =	vst v63  }
0x36c: {  	s0 =	sadd.s32 @!p0 s2, s10;
	s21 =	simm.s32 @!p0 $0x100  }
0x36d: {  	[tilespmem:s21], [sflag:$0x1] =	stream.linear.gather @!p0 [hbm4b:s0+s23], $0x80, $0x38;
	[tilespmem:$0xA400] =	vst v63  }
0x36e: {  	s0 =	sadd.s32 @!p0 s3, s10;
	s10 =	simm.s32 @!p0 $0x180  }
0x36f: {  	[tilespmem:s10], [sflag:$0x1] =	stream.linear.gather @!p0 [hbm4b:s0+s23], $0x80, $0x38;
	[tilespmem:$0xA400] =	vst v63  }
0x370: {  	s28 =	simm.s32 $0xC00;
	s23 =	simm.s32 $0x400  }
0x371: {  	[spmem:s4] =	stream.indirect.scatter.add.f32 [tilespmem:s28], [sflag:$0x3], $0x1, s23, s18, $0xb8;
	[tilespmem:$0xA400] =	vst v63  }
0x372: {  	s29 =	simm.s32 $0x480;
	s30 =	simm.s32 $0xC80  }
0x373: {  	[spmem:s4] =	stream.indirect.scatter.add.f32 [tilespmem:s30], [sflag:$0x3], $0x1, s29, s18, $0xb8;
	[tilespmem:$0xA400] =	vst v63  }
0x374: {  	s31 =	simm.s32 $0x500  }
0x375: {  	[spmem:s4] =	stream.indirect.scatter.add.f32 [tilespmem:s12], [sflag:$0x3], $0x1, s31, s18, $0xb8;
	[tilespmem:$0xA400] =	vst v63  }
0x376: {  	_ = 	snop  }
0x377: {  	[spmem:s4] =	stream.indirect.scatter.add.f32 [tilespmem:s14], [sflag:$0x3], $0x1, s13, s18, $0xb8;
	[tilespmem:$0xA400] =	vst v63  }
.LBB2_28:
0x378: {  	s0 =	sadd.s32 $0xFFFFFFE0, s9  }
0x379: {  	p0 =	sgt.u32 s0, $0x30D  }
0x37a: {  	s0 =	simm.s32 @!p0 $0x4  }
0x37b: {  	_ =	swait.ge @!p0 [sflag:s0], $0x80  }
0x37c: {  	[sflag:s0] =	ssyncset.done @!p0 $0x0  }
0x37d: {  	[sflag:s0] =	ssyncadd.s32 @!p0 $0xFFFFFF80  }
0x37e: {  	_ =	swait.ge @!p0 [sflag:s0], $0x80  }
0x37f: {  	[sflag:s0] =	ssyncset.done @!p0 $0x0  }
0x380: {  	s9 =	sor.u32 $0x20, s9;
	[sflag:s0] =	ssyncadd.s32 @!p0 $0xFFFFFF80  }
0x381: {  	p1 =	sgt.u32 s9, $0x30D;
	_ =	swait.ge @!p0 [sflag:s0], $0x80  }
.Ltmp21:
0x382: {  	[sflag:s0] =	ssyncset.done @!p0 $0x0;
	(pc) =	sbr.rel @p1 .LBB2_32-.Ltmp21, $4  }
0x383: {  	[sflag:s0] =	ssyncadd.s32 @!p0 $0xFFFFFF80  }
0x384: {  	_ =	swait.ge @!p0 [sflag:s0], $0x80  }
0x385: {  	[sflag:s0] =	ssyncset.done @!p0 $0x0  }
0x386: {  	[sflag:s0] =	ssyncadd.s32 @!p0 $0xFFFFFF80  }
0x387: {  	_ =	swait.ge [sflag:s24], $0x200  }
0x388: {  	[sflag:s24] =	ssyncset.done $0x0  }
0x389: {  	s28 =	simm.s32 $0x80;
	[sflag:s24] =	ssyncadd.s32 $0xFFFFFE00  }
0x38a: {  	v4 =	vld [tilespmem:s28+$0x180]  }
0x38b: {  	v5 =	vld [tilespmem:s28+$0x200];
	_ =	sdelay $0x3  }
0x38c: {  	v2 =	vmul.f32 $5.000000000e-01, v4  }
0x38d: {  	v7 =	vld [tilespmem:s28+$0x280];
	v3 =	vmul.f32 $5.000000000e-01, v5  }
0x38e: {  	v10 =	vld [tilespmem:s28+$0x300];
	v2 =	vtrunc.f32 v2  }
0x38f: {  	v6 =	vcvt.f32.s32 v2;
	v2 =	vtrunc.f32 v3  }
0x390: {  	v3 =	vcvt.f32.s32 v2  }
0x391: {  	v2 =	vcvt.s32.f32 v6  }
0x392: {  	s21 =	sshll.u32 s9, $0x7;
	v9 =	vmul.u32 $0xFFFFFFFF, v1;
	v7 =	vadd.f32 v7, v4;
	v8 =	vcvt.s32.f32 v3  }
0x393: {  	s23 =	smin.u32 s16, $0x7C7B0;
	s0 =	sadd.s32 $0x64190, s21;
	v10 =	vadd.f32 v10, v5;
	v6 =	vshll.u32 v6, $0x9;
	v11 =	vadd.f32 v2, v2  }
0x394: {  	v6 =	vadd.s32 v3, v6;
	v2 =	vadd.s32 s0, v9;
	s0 =	sadd.s32 $0x0, s23;
	v8 =	vadd.f32 v8, v8  }
0x395: {  	s10 =	simm.s32 $0x90;
	v16 =	vmov s0;
	v9 =	vadd.f32 $0.0e+00, v11;
	v11 =	vadd.f32 $2.000000000e+00, v11  }
0x396: {  	v3 =	vld [tilespmem:s10+$0x180];
	vm0 =	vge.u32 v16, v2;
	vm1 =	vlt.u32 v16, $0x7C830;
	v12 =	vadd.f32 $0.0e+00, v8  }
0x397: {  	v8 =	vadd.f32 $2.000000000e+00, v8;
	vm0 =	vmand vm1, vm0;
	v13 =	vadd.f32 $2.000000000e+00, v11  }
0x398: {  	v14 =	vmax.f32 v4, v9;
	v11 =	vmax.f32 v4, v11;
	v4 =	vld [tilespmem:s10+$0x200];
	v9 =	vadd.f32 $2.000000000e+00, v9  }
0x399: {  	v15 =	vadd.f32 $2.000000000e+00, v8;
	v8 =	vmax.f32 v5, v8;
	v5 =	vmax.f32 v5, v12  }
0x39a: {  	v12 =	vadd.f32 $2.000000000e+00, v12;
	v13 =	vmin.f32 v7, v13;
	v7 =	vmin.f32 v7, v9  }
0x39b: {  	v15 =	vmin.f32 v10, v15;
	v11 =	vsub.f32 v13, v11;
	v13 =	vmul.f32 $5.000000000e-01, v3  }
0x39c: {  	v10 =	vmin.f32 v10, v12;
	v7 =	vsub.f32 v7, v14;
	v8 =	vsub.f32 v15, v8  }
0x39d: {  	v5 =	vsub.f32 v10, v5;
	v11 =	vmax.f32 v11, $0.0e+00;
	v9 =	vmul.f32 $5.000000000e-01, v4  }
0x39e: {  	v13 =	vtrunc.f32 v13;
	v7 =	vmax.f32 v7, $0.0e+00;
	v8 =	vmax.f32 v8, $0.0e+00  }
0x39f: {  	v11 =	vnsel vm0, $0x0, v11;
	v10 =	vcvt.f32.s32 v13;
	v5 =	vmax.f32 v5, $0.0e+00  }
0x3a0: {  	v7 =	vnsel vm0, $0x0, v7;
	v12 =	vmul.f32 v8, v11;
	v9 =	vtrunc.f32 v9  }
0x3a1: {  	v14 =	vmul.f32 v5, v7;
	v9 =	vcvt.f32.s32 v9  }
0x3a2: {  	s0 =	simm.s32 $0x0;
	v7 =	vmul.f32 v8, v7;
	v13 =	vcvt.s32.f32 v10;
	[tilespmem:s28+$0x1D00] =	vst v12  }
0x3a3: {  	v16 =	vshll.u32 v10, $0x9;
	v12 =	vor.u32 s0, v1;
	v15 =	vld [tilespmem:s10+$0x280];
	v17 =	vcvt.s32.f32 v9  }
0x3a4: {  	v18 =	vld [tilespmem:s10+$0x300];
	v8 =	vadd.f32 v13, v13;
	v10 =	vsel vm0, v6, v12;
	[tilespmem:s28+$0x1B80] =	vst v14;
	v6 =	vmul.f32 v5, v11  }
0x3a5: {  	v5 =	vadd.s32 v9, v16;
	[tilespmem:s28+$0x1C00] =	vst v7;
	v12 =	vadd.s32 $0x1, v10;
	v11 =	vadd.f32 v17, v17  }
0x3a6: {  	v16 =	vadd.s32 $0x200, v10;
	v7 =	vadd.f32 $0.0e+00, v8;
	v14 =	vadd.f32 $2.000000000e+00, v8;
	[tilespmem:s28+$0x1C80] =	vst v6  }
0x3a7: {  	v17 =	vadd.s32 $0x201, v10;
	[tilespmem:s28+$0x1400] =	vst v12;
	v9 =	vadd.f32 $0.0e+00, v11;
	v13 =	vadd.f32 $2.000000000e+00, v11  }
0x3a8: {  	s29 =	simm.s32 $0x10;
	[tilespmem:s28+$0x1480] =	vst v16;
	v6 =	vmax.f32 v3, v7;
	v8 =	vadd.f32 v15, v3;
	v15 =	vadd.f32 $2.000000000e+00, v14  }
0x3a9: {  	s30 =	simm.s32 $0xA0;
	s31 =	simm.s32 $0x2C0;
	s0 =	sadd.s32 $0x10, s23;
	[tilespmem:s28+$0x1500] =	vst v17;
	v12 =	vadd.f32 v18, v4;
	v11 =	vmax.f32 v4, v9;
	v16 =	vadd.f32 $2.000000000e+00, v13  }
.LBB2_30:
0x3aa: {  	p0 =	sne.s32 s31, $0x3C0;
	v17 =	vmov s0;
	v15 =	vmin.f32 v8, v15;
	v14 =	vmax.f32 v3, v14;
	v3 =	vld [tilespmem:s30+$0x180];
	[tilespmem:s28+$0x1380] =	vst v10;
	s28 =	smov.u32 s10;
	s10 =	smov.u32 s30  }
0x3ab: {  	v13 =	vmax.f32 v4, v13;
	v10 =	vmin.f32 v12, v16;
	v4 =	vld [tilespmem:s10+$0x200];
	v14 =	vsub.f32 v15, v14  }
0x3ac: {  	vm0 =	vge.u32 v17, v2;
	vm1 =	vlt.u32 v17, $0x7C830;
	v10 =	vsub.f32 v10, v13  }
0x3ad: {  	v7 =	vadd.f32 $2.000000000e+00, v7;
	vm0 =	vmand vm1, vm0;
	v13 =	vmax.f32 v14, $0.0e+00  }
0x3ae: {  	v9 =	vadd.f32 $2.000000000e+00, v9;
	v10 =	vmax.f32 v10, $0.0e+00;
	v13 =	vnsel vm0, $0x0, v13  }
0x3af: {  	v7 =	vmin.f32 v8, v7;
	v14 =	vmul.f32 $5.000000000e-01, v3;
	v8 =	vmul.f32 v10, v13  }
0x3b0: {  	v9 =	vmin.f32 v12, v9;
	v6 =	vsub.f32 v7, v6;
	v15 =	vmul.f32 $5.000000000e-01, v4  }
0x3b1: {  	v12 =	vor.u32 s29, v1;
	v9 =	vsub.f32 v9, v11;
	v7 =	vtrunc.f32 v14;
	[tilespmem:s28+$0x1D00] =	vst v8  }
0x3b2: {  	v6 =	vmax.f32 v6, $0.0e+00;
	v7 =	vcvt.f32.s32 v7;
	v8 =	vtrunc.f32 v15  }
0x3b3: {  	v9 =	vmax.f32 v9, $0.0e+00;
	v6 =	vnsel vm0, $0x0, v6;
	v8 =	vcvt.f32.s32 v8  }
0x3b4: {  	v14 =	vmul.f32 v9, v6;
	v11 =	vcvt.s32.f32 v7;
	v7 =	vshll.u32 v7, $0x9  }
0x3b5: {  	v6 =	vmul.f32 v10, v6;
	v15 =	vld [tilespmem:s10+$0x280];
	v16 =	vcvt.s32.f32 v8;
	v7 =	vadd.s32 v8, v7  }
0x3b6: {  	v10 =	vsel vm0, v5, v12;
	v9 =	vmul.f32 v9, v13;
	v17 =	vld [tilespmem:s10+$0x300];
	v8 =	vadd.f32 v11, v11;
	[tilespmem:s28+$0x1B80] =	vst v14  }
.Ltmp22:
0x3b7: {  	v12 =	vadd.s32 $0x1, v10;
	v5 =	vmovc v7;
	v11 =	vadd.f32 v16, v16;
	[tilespmem:s28+$0x1C00] =	vst v6;
	v16 =	vadd.s32 $0x200, v10;
	(pc) =	sbr.rel @p0 .LBB2_30-.Ltmp22, $4  }
0x3b8: {  	v18 =	vadd.s32 $0x201, v10;
	v7 =	vadd.f32 $0.0e+00, v8;
	v14 =	vadd.f32 $2.000000000e+00, v8;
	[tilespmem:s28+$0x1C80] =	vst v9  }
0x3b9: {  	v9 =	vadd.f32 $0.0e+00, v11;
	v13 =	vadd.f32 $2.000000000e+00, v11;
	[tilespmem:s28+$0x1400] =	vst v12  }
0x3ba: {  	s29 =	sadd.s32 $0x10, s29;
	v8 =	vadd.f32 v15, v3;
	v6 =	vmax.f32 v3, v7;
	v15 =	vadd.f32 $2.000000000e+00, v14;
	[tilespmem:s28+$0x1480] =	vst v16  }
0x3bb: {  	s30 =	sshra.s32 s31, $0x2;
	s31 =	sadd.s32 $0x40, s31;
	s0 =	sadd.s32 s29, s23;
	v12 =	vadd.f32 v17, v4;
	v11 =	vmax.f32 v4, v9;
	v16 =	vadd.f32 $2.000000000e+00, v13;
	[tilespmem:s28+$0x1500] =	vst v18  }
0x3bc: {  	v18 =	vmov s0;
	v15 =	vmin.f32 v8, v15  }
0x3bd: {  	v17 =	vld [tilespmem:s30+$0x180];
	v3 =	vmax.f32 v3, v14;
	[tilespmem:s28+$0x1380] =	vst v10;
	v4 =	vmax.f32 v4, v13;
	v7 =	vadd.f32 $2.000000000e+00, v7  }
0x3be: {  	v9 =	vadd.f32 $2.000000000e+00, v9;
	v10 =	vld [tilespmem:s30+$0x200];
	v38 =	vmin.f32 v12, v16;
	v3 =	vsub.f32 v15, v3  }
0x3bf: {  	vm0 =	vge.u32 v18, v2;
	vm1 =	vlt.u32 v18, $0x7C830;
	v4 =	vsub.f32 v38, v4  }
0x3c0: {  	v46 =	vor.u32 s29, v1;
	s31 =	sadd.s32 $0x10, s29;
	vm0 =	vmand vm1, vm0;
	v3 =	vmax.f32 v3, $0.0e+00  }
0x3c1: {  	v63 =	vor.u32 s31, v1;
	v4 =	vmax.f32 v4, $0.0e+00;
	v3 =	vnsel vm0, $0x0, v3  }
0x3c2: {  	s23 =	sadd.s32 s31, s23;
	v7 =	vmin.f32 v8, v7;
	v39 =	vmul.f32 $5.000000000e-01, v17;
	v40 =	vmul.f32 v4, v3  }
0x3c3: {  	v9 =	vmin.f32 v12, v9;
	v55 =	vmov s23;
	v41 =	vmul.f32 $5.000000000e-01, v10  }
0x3c4: {  	v6 =	vsub.f32 v7, v6;
	v9 =	vsub.f32 v9, v11;
	v13 =	vtrunc.f32 v39;
	[tilespmem:s10+$0x1D00] =	vst v40  }
0x3c5: {  	v5 =	vsel vm0, v5, v46;
	v42 =	vcvt.f32.s32 v13;
	v8 =	vtrunc.f32 v41;
	v44 =	vld [tilespmem:s30+$0x280]  }
0x3c6: {  	vm14 =	vge.u32 v55, v2;
	vm15 =	vlt.u32 v55, $0x7C830;
	v48 =	vld [tilespmem:s30+$0x300];
	v8 =	vcvt.f32.s32 v8  }
0x3c7: {  	v51 =	vadd.s32 $0x1, v5;
	v52 =	vadd.s32 $0x200, v5;
	v43 =	vcvt.s32.f32 v42  }
0x3c8: {  	v19 =	vadd.s32 $0x201, v5;
	v6 =	vmax.f32 v6, $0.0e+00;
	v47 =	vcvt.s32.f32 v8  }
0x3c9: {  	v9 =	vmax.f32 v9, $0.0e+00;
	v6 =	vnsel vm0, $0x0, v6;
	v11 =	vadd.f32 v43, v43  }
0x3ca: {  	v45 =	vmul.f32 v9, v6;
	v50 =	vadd.f32 v47, v47;
	v12 =	vadd.f32 v44, v17  }
0x3cb: {  	v4 =	vmul.f32 v4, v6;
	v6 =	vadd.f32 v48, v10;
	v49 =	vadd.f32 $2.000000000e+00, v11  }
0x3cc: {  	v3 =	vmul.f32 v9, v3;
	v11 =	vadd.f32 $0.0e+00, v11;
	v20 =	vadd.f32 $0.0e+00, v50  }
0x3cd: {  	vm0 =	vmand vm15, vm14;
	v14 =	vadd.f32 $2.000000000e+00, v50;
	v53 =	vadd.f32 $2.000000000e+00, v49  }
0x3ce: {  	v9 =	vmax.f32 v17, v49;
	v17 =	vmax.f32 v17, v11;
	v11 =	vadd.f32 $2.000000000e+00, v11  }
0x3cf: {  	v54 =	vmax.f32 v10, v20;
	v10 =	vmax.f32 v10, v14;
	v14 =	vadd.f32 $2.000000000e+00, v14  }
0x3d0: {  	[tilespmem:s10+$0x1C80] =	vst v3;
	v7 =	vshll.u32 v42, $0x9;
	v56 =	vadd.f32 $2.000000000e+00, v20;
	v18 =	vmin.f32 v12, v53  }
0x3d1: {  	[tilespmem:s10+$0x1400] =	vst v51;
	v11 =	vmin.f32 v12, v11;
	v9 =	vsub.f32 v18, v9;
	v57 =	vmin.f32 v6, v14  }
0x3d2: {  	[tilespmem:s10+$0x1480] =	vst v52;
	v3 =	vmin.f32 v6, v56;
	v58 =	vsub.f32 v11, v17;
	v2 =	vsub.f32 v57, v10  }
0x3d3: {  	[tilespmem:s10+$0x1500] =	vst v19;
	v62 =	vadd.s32 v8, v7;
	v3 =	vsub.f32 v3, v54;
	v59 =	vmax.f32 v9, $0.0e+00  }
0x3d4: {  	[tilespmem:s10+$0x1C00] =	vst v4;
	v4 =	vmax.f32 v58, $0.0e+00;
	v2 =	vmax.f32 v2, $0.0e+00;
	v6 =	vnsel vm0, $0x0, v59  }
0x3d5: {  	[tilespmem:s10+$0x1380] =	vst v5;
	v3 =	vmax.f32 v3, $0.0e+00;
	v4 =	vnsel vm0, $0x0, v4;
	v60 =	vmul.f32 v2, v6  }
0x3d6: {  	[tilespmem:s10+$0x1B80] =	vst v45;
	v61 =	vmul.f32 v3, v4;
	v2 =	vmul.f32 v2, v4;
	v4 =	vsel vm0, v62, v63  }
0x3d7: {  	[tilespmem:s30+$0x1380] =	vst v4  }
0x3d8: {  	[tilespmem:s30+$0x1D00] =	vst v60  }
0x3d9: {  	v3 =	vmul.f32 v3, v6;
	[tilespmem:s30+$0x1B80] =	vst v61  }
0x3da: {  	p0 =	sgt.u32 s9, $0x2CD;
	[tilespmem:s30+$0x1C00] =	vst v2  }
0x3db: {  	s0 =	smin.u32 @!p0 s21, $0x16620;
	v2 =	vadd.s32 $0x1, v4;
	[tilespmem:s30+$0x1C80] =	vst v3  }
0x3dc: {  	s0 =	sshrl.u32 @!p0 s0, $0x3;
	v3 =	vadd.s32 $0x200, v4;
	[tilespmem:s30+$0x1400] =	vst v2  }
0x3dd: {  	s21 =	simm.s32 @!p0 $0x0;
	s9 =	sadd.s32 @!p0 $0xCC32, s0;
	v2 =	vadd.s32 $0x201, v4;
	[tilespmem:s30+$0x1480] =	vst v3  }
0x3de: {  	s23 =	simm.s32 @!p0 $0x200;
	s0 =	sadd.s32 @!p0 s1, s0;
	s10 =	sadd.s32 @!p0 s1, s9;
	[tilespmem:s30+$0x1500] =	vst v2  }
0x3df: {  	[tilespmem:s23], [sflag:$0x2] =	stream.linear.gather @!p0 [hbm4b:s10+s21], $0x80, $0x38;
	[tilespmem:$0xA400] =	vst v63  }
0x3e0: {  	s0 =	sadd.s32 @!p0 $0x1C538, s0;
	s10 =	simm.s32 @!p0 $0x280  }
0x3e1: {  	[tilespmem:s10], [sflag:$0x2] =	stream.linear.gather @!p0 [hbm4b:s0+s21], $0x80, $0x38;
	[tilespmem:$0xA400] =	vst v63  }
0x3e2: {  	s0 =	sadd.s32 @!p0 s2, s9;
	s10 =	simm.s32 @!p0 $0x300  }
0x3e3: {  	[tilespmem:s10], [sflag:$0x2] =	stream.linear.gather @!p0 [hbm4b:s0+s21], $0x80, $0x38;
	[tilespmem:$0xA400] =	vst v63  }
0x3e4: {  	s0 =	sadd.s32 @!p0 s3, s9;
	s9 =	simm.s32 @!p0 $0x380  }
0x3e5: {  	[tilespmem:s9], [sflag:$0x2] =	stream.linear.gather @!p0 [hbm4b:s0+s21], $0x80, $0x38;
	[tilespmem:$0xA400] =	vst v63  }
0x3e6: {  	_ = 	snop  }
0x3e7: {  	[spmem:s4] =	stream.indirect.scatter.add.f32 [tilespmem:s8], [sflag:$0x4], $0x1, s25, s18, $0xb8;
	[tilespmem:$0xA400] =	vst v63  }
0x3e8: {  	_ = 	snop  }
0x3e9: {  	[spmem:s4] =	stream.indirect.scatter.add.f32 [tilespmem:s17], [sflag:$0x4], $0x1, s19, s18, $0xb8;
	[tilespmem:$0xA400] =	vst v63  }
.Ltmp23:
0x3ea: {  	_ = 	snop;
	(pc) =	sbr.rel .LBB2_32-.Ltmp23, $4  }
0x3eb: {  	_ = 	snop  }
0x3ec: {  	[spmem:s4] =	stream.indirect.scatter.add.f32 [tilespmem:s15], [sflag:$0x4], $0x1, s5, s18, $0xb8;
	[tilespmem:$0xA400] =	vst v63  }
0x3ed: {  	_ = 	snop  }
0x3ee: {  	[spmem:s4] =	stream.indirect.scatter.add.f32 [tilespmem:s11], [sflag:$0x4], $0x1, s6, s18, $0xb8;
	[tilespmem:$0xA400] =	vst v63  }
.LBB2_34:
0x3ef: {  	_ =	sfence.sel $0x180000  }
0x3f0: {  	[bflag:$0x0] =	sbarrier.arrive $0xFFFF  }
0x3f1: {  	_ =	strace $0x90000047  }
0x3f2: {  	s0 =	stileid.u32;
	[bflag:$0x2] =	sbarrier.arrive $0xFFFF  }
0x3f3: {  	p0 =	sne.s32 s0, $0x0;
	s0 =	rddreg [dreg:$0x5]  }
0x3f4: {  	s0 =	sadd.s32 @!p0 $0x100000, s0  }
0x3f5: {  	[sflag:s0] =	ssyncadd.tile.s32 @!p0 $0x1;
	_ =	shalt  }
.Lfunc_end2:
_tile_overlayer_lowered:
.L_overlay_start_2:
0x3f6: {  	(tag) =	ssettag $0x2  }
0x3f7: {  	s0 =	rddreg [dreg:$0x0];
	s2 =	stileid.u32  }
0x3f8: {  	s1 =	rddreg [dreg:$0x1];
	p0 =	sne.s32 s2, $0x0  }
0x3f9: {  	s3 =	rddreg [dreg:$0x2];
	[bflag:$0x3] =	sbarrier.arrive $0xFFFF;
	s2 =	simm.s32 @!p0 $0x1C05  }
0x3fa: {  	[timem:s3], [sflag:s2] =	dma.local @!p0 [hbm:s0], s1  }
0x3fb: {  	s0 =	simm.s32 @!p0 $0x5  }
0x3fc: {  	_ =	swait.ge @!p0 [sflag:s0], s1  }
0x3fd: {  	s1 =	ssub.s32 @!p0 $0x0, s1;
	[sflag:s0] =	ssyncset.done @!p0 $0x0  }
0x3fe: {  	[sflag:s0] =	ssyncadd.s32 @!p0 s1  }
0x3ff: {  	[bflag:$0x3] =	sbarrier.arrive $0xFFFF  }
0x400: {  	_ =	shalt  }

</sc_bundles>
